<compile_context>
chip_gen: v7x
topology: tpu7x:2x2x1
jax: 0.10.2.dev20260603
libtpu: 0.0.44.dev20260713+nightly
codegen_flags: <defaults>
</compile_context>

<pallas_src>
import functools

import jax
import jax.numpy as jnp
from jax import lax
from jax.experimental import pallas as pl
from jax.experimental.pallas import tpu as pltpu
from jax.experimental.pallas import tpu_sc as plsc

N = 10000
E = 320000
F_IN = 128
HID = 32
G = 16
K = N // 2

NC = 2
NS = 16
NW = NC * NS
NP = 10240
RPT = NP // NS
BB = 80
EPW = E // NW
NBPW = EPW // BB
CW = 16
NBUF = 5

_f32 = jnp.float32
_i32 = jnp.int32


def _zero_stage(stage, rows, width):
    z = jnp.zeros((16,), _f32)

    def zrow(i, t):
        for w0 in range(0, width, 16):
            stage[i, pl.ds(w0, 16)] = z
        return t

    lax.fori_loop(0, rows, zrow, 0)



@functools.lru_cache(maxsize=None)
def _sc_kernels():
    mesh = plsc.VectorSubcoreMesh(
        core_axis_name="c", subcore_axis_name="s",
        num_cores=NC, num_subcores=NS,
    )
    cparams = pltpu.CompilerParams(use_tc_tiling_on_sc=False)
    cparams_nl = pltpu.CompilerParams(
        use_tc_tiling_on_sc=False, needs_layout_passes=False
    )

    @functools.partial(
        pl.kernel,
        out_type=jax.ShapeDtypeStruct((NC, NP, HID), _f32),
        mesh=mesh,
        scratch_types=[
            pltpu.VMEM_SHARED((NP, HID), _f32),
            pltpu.VMEM((NBPW, BB), _i32),
            pltpu.VMEM((NBPW, BB), _i32),
            pltpu.VMEM((NBUF, BB, HID), _f32),
            pltpu.VMEM((RPT, HID), _f32),
            pltpu.SemaphoreType.DMA((NBUF,)),
            pltpu.SemaphoreType.DMA((NBUF,)),
        ],
        compiler_params=cparams,
    )
    def sc_feat(src3d, dst3d, g, out, acc, sidx, didx, rows, stage, gsem,
                ssem):
        c = lax.axis_index("c")
        s = lax.axis_index("s")
        wid = c * NS + s
        _zero_stage(stage, RPT, HID)
        pltpu.sync_copy(stage, acc.at[pl.ds(s * RPT, RPT)])
        plsc.subcore_barrier()
        pltpu.sync_copy(src3d.at[wid], sidx)
        pltpu.sync_copy(dst3d.at[wid], didx)

        def gth(j, i):
            pltpu.async_copy(g.at[sidx.at[j]], rows.at[i], gsem.at[i])

        def gwait(j, i):
            pltpu.make_async_copy(
                g.at[sidx.at[j]], rows.at[i], gsem.at[i]
            ).wait()

        def sct(j, i):
            pltpu.async_copy(
                rows.at[i], acc.at[didx.at[j]], ssem.at[i], add=True
            )

        def swait(j, i):
            pltpu.make_async_copy(
                rows.at[i], acc.at[didx.at[j]], ssem.at[i]
            ).wait()

        for i in range(NBUF):
            gth(i, i)

        def blk(gb, t):
            j0 = gb * NBUF
            for i in range(NBUF):
                gwait(j0 + i, i)
                sct(j0 + i, i)
            for i in range(NBUF):
                swait(j0 + i, i)
                gth(j0 + NBUF + i, i)
            return t

        lax.fori_loop(0, NBPW // NBUF - 1, blk, 0)
        j0 = NBPW - NBUF
        for i in range(NBUF):
            gwait(j0 + i, i)
            sct(j0 + i, i)
        for i in range(NBUF):
            swait(j0 + i, i)
        plsc.subcore_barrier()
        pltpu.sync_copy(acc.at[pl.ds(s * RPT, RPT)], stage)
        pltpu.sync_copy(stage, out.at[c, pl.ds(s * RPT, RPT)])

    @functools.partial(
        pl.kernel,
        out_type=jax.ShapeDtypeStruct((NC, NP), _f32),
        mesh=mesh,
        scratch_types=[
            pltpu.VMEM_SHARED((NP,), _f32),
            pltpu.VMEM((NBPW, BB), _i32),
            pltpu.VMEM((BB,), _f32),
            pltpu.VMEM((RPT,), _f32),
            pltpu.SemaphoreType.DMA((NBUF,)),
        ],
        compiler_params=cparams,
    )
    def sc_cnt1(dst3d, out, acc, didx, vals, stage, ssem):
        c = lax.axis_index("c")
        s = lax.axis_index("s")
        wid = c * NS + s
        z = jnp.zeros((16,), _f32)
        one = jnp.ones((16,), _f32)

        def zrow(i, t):
            stage[pl.ds(i * 16, 16)] = z
            return t

        lax.fori_loop(0, RPT // 16, zrow, 0)
        pltpu.sync_copy(stage, acc.at[pl.ds(s * RPT, RPT)])
        for v in range(BB // 16):
            vals[pl.ds(v * 16, 16)] = one
        plsc.subcore_barrier()
        pltpu.sync_copy(dst3d.at[wid], didx)

        def sct(j, i):
            pltpu.async_copy(vals, acc.at[didx.at[j]], ssem.at[i], add=True)

        def swait(j, i):
            pltpu.make_async_copy(
                vals, acc.at[didx.at[j]], ssem.at[i]
            ).wait()

        def blk(gb, t):
            j0 = gb * NBUF
            for i in range(NBUF):
                sct(j0 + i, i)
            for i in range(NBUF):
                swait(j0 + i, i)
            return t

        lax.fori_loop(0, NBPW // NBUF, blk, 0)
        plsc.subcore_barrier()
        pltpu.sync_copy(acc.at[pl.ds(s * RPT, RPT)], stage)
        pltpu.sync_copy(stage, out.at[c, pl.ds(s * RPT, RPT)])

    @functools.partial(
        pl.kernel,
        out_type=jax.ShapeDtypeStruct((NC, NP), _f32),
        mesh=mesh,
        scratch_types=[
            pltpu.VMEM_SHARED((NP,), _f32),
            pltpu.VMEM((NP,), _f32),
            pltpu.VMEM((NBPW, BB), _i32),
            pltpu.VMEM((NBPW, BB), _i32),
            pltpu.VMEM((NBPW, BB), _f32),
            pltpu.VMEM((RPT,), _f32),
            pltpu.SemaphoreType.DMA((NBUF,)),
        ],
        compiler_params=cparams_nl,
    )
    def sc_cnt2(src3d, dst3d, sel, out, acc, selbuf, sidx, didx, vals,
                stage, ssem):
        c = lax.axis_index("c")
        s = lax.axis_index("s")
        wid = c * NS + s
        z = jnp.zeros((16,), _f32)

        def zrow(i, t):
            stage[pl.ds(i * 16, 16)] = z
            return t

        lax.fori_loop(0, RPT // 16, zrow, 0)
        pltpu.sync_copy(stage, acc.at[pl.ds(s * RPT, RPT)])
        pltpu.sync_copy(sel, selbuf)
        plsc.subcore_barrier()
        pltpu.sync_copy(src3d.at[wid], sidx)
        pltpu.sync_copy(dst3d.at[wid], didx)

        def build(j, t):
            for v in range(BB // 16):
                idx = sidx[j, pl.ds(v * 16, 16)]
                vals[j, pl.ds(v * 16, 16)] = plsc.load_gather(selbuf, [idx])
            return t

        lax.fori_loop(0, NBPW, build, 0)

        def sct(j, i):
            pltpu.async_copy(
                vals.at[j], acc.at[didx.at[j]], ssem.at[i], add=True
            )

        def swait(j, i):
            pltpu.make_async_copy(
                vals.at[j], acc.at[didx.at[j]], ssem.at[i]
            ).wait()

        def blk(gb, t):
            j0 = gb * NBUF
            for i in range(NBUF):
                sct(j0 + i, i)
            for i in range(NBUF):
                swait(j0 + i, i)
            return t

        lax.fori_loop(0, NBPW // NBUF, blk, 0)
        plsc.subcore_barrier()
        pltpu.sync_copy(acc.at[pl.ds(s * RPT, RPT)], stage)
        pltpu.sync_copy(stage, out.at[c, pl.ds(s * RPT, RPT)])

    return sc_feat, sc_cnt1, sc_cnt2



def _tc_pre_body(x_ref, w1_ref, b1_ref, cntp_ref, g1_ref, self_ref):
    h1 = jnp.dot(x_ref[...], w1_ref[...], preferred_element_type=_f32)
    d1 = cntp_ref[0:1, :] + cntp_ref[1:2, :] + 1.0
    dinv_col = lax.transpose(lax.rsqrt(d1), (1, 0))
    rd_col = lax.transpose(1.0 / d1, (1, 0))
    g1_ref[...] = h1 * dinv_col
    self_ref[...] = h1 * rd_col + b1_ref[...]


_tc_pre = pl.pallas_call(
    _tc_pre_body,
    out_shape=(
        jax.ShapeDtypeStruct((NP, HID), _f32),
        jax.ShapeDtypeStruct((NP, HID), _f32),
    ),
)

def _tc_mid_body(accp, cntp, selft, p2, w3, sel16_o, h2t_o, selrow_o):
    _MININT = jnp.int32(-2147483648)
    _MAXINT = jnp.int32(2147483647)
    raw = accp[0] + accp[1]
    d1 = cntp[0:1, :] + cntp[1:2, :] + 1.0
    dinv_col = lax.transpose(lax.rsqrt(d1), (1, 0))
    h = jnp.maximum(raw * dinv_col + selft[...], 0.0)
    pv = p2[...]
    pn = lax.rsqrt(jnp.sum(pv * pv))
    score = lax.dot_general(
        lax.transpose(pv, (1, 0)), h, (((1,), (1,)), ((), ())),
        preferred_element_type=_f32,
    ) * pn
    colid = lax.broadcasted_iota(_i32, (1, NP), 1)
    score = jnp.where(colid < N, score, -jnp.inf)
    b = lax.bitcast_convert_type(score, _i32)
    ks = b ^ (_MAXINT & (b >> 31))
    def bstep(i, prefix):
        cand = prefix | jnp.left_shift(jnp.int32(1), 31 - i)
        c = jnp.sum((ks >= (cand ^ _MININT)).astype(_i32))
        return jnp.where(c >= K, cand, prefix)

    prefix = lax.fori_loop(0, 32, bstep, jnp.int32(0))
    sel = (ks >= (prefix ^ _MININT)).astype(_f32)
    ts = jnp.tanh(score) * sel
    ts_col = lax.transpose(ts, (1, 0))
    sel_col = lax.transpose(sel, (1, 0))
    sel16_o[...] = jnp.broadcast_to(sel_col, (NP, CW))
    selrow_o[...] = sel
    xpm = h * ts_col
    h2t_o[...] = jnp.dot(xpm, w3[...], preferred_element_type=_f32)


_tc_mid = pl.pallas_call(
    _tc_mid_body,
    out_shape=(
        jax.ShapeDtypeStruct((NP, CW), _f32),
        jax.ShapeDtypeStruct((NP, HID), _f32),
        jax.ShapeDtypeStruct((1, NP), _f32),
    ),
)


def _tc_g2_body(cntp, h2t, sel16, g2_o):
    cnt = cntp[0:1, :] + cntp[1:2, :]
    dinv_col = lax.transpose(lax.rsqrt(cnt + 1.0), (1, 0))
    g2_o[...] = h2t[...] * dinv_col * sel16[:, 0:1]


_tc_g2 = pl.pallas_call(
    _tc_g2_body, out_shape=jax.ShapeDtypeStruct((NP, HID), _f32)
)


def _tc_post_body(accp, cntp, h2t, sel16, batchb, b3_ref, wfc, bfc, out_o):
    raw = accp[0] + accp[1]
    d2 = cntp[0:1, :] + cntp[1:2, :] + 1.0
    dinv_col = lax.transpose(lax.rsqrt(d2), (1, 0))
    rd_col = lax.transpose(1.0 / d2, (1, 0))
    h2 = jnp.maximum(raw * dinv_col + h2t[...] * rd_col + b3_ref[...], 0.0)
    sel = sel16[:, 0:1]
    h2m = h2 * sel
    gid = lax.broadcasted_iota(_i32, (G, NP), 0)
    oh = (gid == batchb[...]).astype(_f32)
    sums = jnp.dot(oh, h2m, preferred_element_type=_f32)
    counts = jnp.dot(oh, sel, preferred_element_type=_f32)
    mean = sums / jnp.maximum(counts, 1.0)
    z = jnp.dot(mean, wfc[...], preferred_element_type=_f32) + bfc[...]
    out_o[...] = 1.0 / (1.0 + jnp.exp(-z))


_tc_post = pl.pallas_call(
    _tc_post_body, out_shape=jax.ShapeDtypeStruct((G, 1), _f32)
)



def kernel(x, edge_list, batch, W1, b1, p, W3, b3, Wfc, bfc):
    src3d = edge_list[:, 0].astype(_i32).reshape(NW, NBPW, BB)
    dst3d = edge_list[:, 1].astype(_i32).reshape(NW, NBPW, BB)
    xpad = jnp.pad(x.astype(_f32), ((0, NP - N), (0, 0)))
    batchb = jnp.pad(
        batch.astype(_i32), (0, NP - N), constant_values=G
    ).reshape(1, NP)
    b1r = jnp.reshape(b1, (1, HID)).astype(_f32)
    b3r = jnp.reshape(b3, (1, HID)).astype(_f32)
    p2 = jnp.reshape(p, (HID, 1)).astype(_f32)
    wfc = jnp.reshape(Wfc, (HID, 1)).astype(_f32)
    bfcr = jnp.reshape(bfc, (1, 1)).astype(_f32)

    sc_feat, sc_cnt1, sc_cnt2 = _sc_kernels()
    cnt1p = sc_cnt1(dst3d)
    g1, selft = _tc_pre(xpad, W1.astype(_f32), b1r, cnt1p)
    acc1p = sc_feat(src3d, dst3d, g1)
    sel16, h2t, selrow = _tc_mid(acc1p, cnt1p, selft, p2, W3.astype(_f32))
    cnt2p = sc_cnt2(src3d, dst3d, selrow.reshape(NP))
    g2 = _tc_g2(cnt2p, h2t, sel16)
    acc2p = sc_feat(src3d, dst3d, g2)
    out = _tc_post(acc2p, cnt2p, h2t, sel16, batchb, b3r, wfc, bfcr)
    return out.reshape(G)

# --- scband reference (transcript-rebuilt; emitter-appended) ---
"""Pipeline reference for scband-graph-conv-pool-nnprotein-18270790877376 (READ-ONLY COPY).

The authoritative reference and input builder live on the scoring server;
editing this copy changes nothing except your own understanding.
"""

import jax, jax.numpy as jnp
import numpy as np

N = 10000
E = 320000
F_IN = 128
HID = 32
G = 16


def _gcn_conv(x, src, dst, valid, W, b, n):
    # GCNConv with self loops and symmetric normalization; 'valid' masks edges
    h = x @ W
    deg = 1.0 + jax.ops.segment_sum(valid, dst, num_segments=n)
    dinv = jax.lax.rsqrt(deg)
    norm = dinv[src] * dinv[dst] * valid
    agg = jax.ops.segment_sum(h[src] * norm[:, None], dst, num_segments=n)
    out = agg + h / deg[:, None] + b
    return out


def setup_inputs(seed: int = 0) -> dict:
    key = jax.random.key(seed)
    ks = jax.random.split(key, 10)
    x = jax.random.normal(ks[0], (N, F_IN), dtype=jnp.float32)
    edge_list = jax.random.randint(ks[1], (E, 2), 0, N, dtype=jnp.int64)
    batch = jnp.sort(jax.random.randint(ks[2], (N,), 0, G, dtype=jnp.int64))
    W1 = jax.random.normal(ks[3], (F_IN, HID), dtype=jnp.float32) * 0.05
    b1 = jnp.zeros((HID,), dtype=jnp.float32)
    p = jax.random.normal(ks[4], (HID,), dtype=jnp.float32) * 0.05
    W3 = jax.random.normal(ks[5], (HID, HID), dtype=jnp.float32) * 0.05
    b3 = jnp.zeros((HID,), dtype=jnp.float32)
    Wfc = jax.random.normal(ks[6], (HID, 1), dtype=jnp.float32) * 0.05
    bfc = jnp.zeros((1,), dtype=jnp.float32)
    return {"x": x, "edge_list": edge_list, "batch": batch,
            "W1": W1, "b1": b1, "p": p, "W3": W3, "b3": b3,
            "Wfc": Wfc, "bfc": bfc}


def reference(x, edge_list, batch, W1, b1, p, W3, b3, Wfc, bfc):
    src = edge_list[:, 0]
    dst = edge_list[:, 1]
    valid0 = jnp.ones((E,), dtype=jnp.float32)
    # conv1 + relu (dropout p=0.0 is identity)
    h = jax.nn.relu(_gcn_conv(x, src, dst, valid0, W1, b1, N))
    # TopKPooling(hid_channel), ratio=0.5, tanh nonlinearity
    score = (h @ p) / jnp.linalg.norm(p)
    k = N // 2
    vals, perm = jax.lax.top_k(score, k)
    xp = h[perm] * jnp.tanh(vals)[:, None]
    sel = jnp.zeros((N,), dtype=bool).at[perm].set(True)
    mapping = jnp.zeros((N,), dtype=jnp.int32).at[perm].set(jnp.arange(k, dtype=jnp.int32))
    src2 = mapping[src]
    dst2 = mapping[dst]
    valid2 = (sel[src] & sel[dst]).astype(jnp.float32)
    batch2 = batch[perm]
    # conv3 + relu on pooled graph
    h2 = jax.nn.relu(_gcn_conv(xp, src2, dst2, valid2, W3, b3, k))
    # global mean pool over graphs
    sums = jax.ops.segment_sum(h2, batch2, num_segments=G)
    counts = jax.ops.segment_sum(jnp.ones((k,), dtype=jnp.float32), batch2, num_segments=G)
    mean = sums / jnp.clip(counts, 1.0)[:, None]
    out = jax.nn.sigmoid(mean @ Wfc + bfc)
    return out.flatten()  # [G], num_classes==2 -> 1 logit -> flatten

if __name__ == "__main__":
    import jax
    _d = setup_inputs()
    print(jax.jit(kernel)(*tuple(_d.values())))

</pallas_src>

<mosaic_0001>
#map = affine_map<(d0, d1) -> (0, 0, 0)>
#map1 = affine_map<(d0, d1) -> (0)>
#map2 = affine_map<(d0, d1) -> (0, 0)>
module attributes {stable_mosaic.version = 14 : i64} {
  func.func @sc_cnt2(%arg0: i32, %arg1: i32, %arg2: memref<32x125x80xi32, #tpu.memory_space<hbm>>, %arg3: memref<32x125x80xi32, #tpu.memory_space<hbm>>, %arg4: memref<10240xf32, #tpu.memory_space<hbm>>, %arg5: memref<2x10240xf32, #tpu.memory_space<hbm>>, %arg6: memref<10240xf32, #tpu.memory_space<vmem_shared>>, %arg7: memref<10240xf32, #tpu.memory_space<vmem>>, %arg8: memref<125x80xi32, #tpu.memory_space<vmem>>, %arg9: memref<125x80xi32, #tpu.memory_space<vmem>>, %arg10: memref<125x80xf32, #tpu.memory_space<vmem>>, %arg11: memref<640xf32, #tpu.memory_space<vmem>>, %arg12: memref<5x!tpu.dma_semaphore, #tpu.memory_space<semaphore_mem>>) attributes {dimension_semantics = [#tpu.dimension_semantics<core_parallel>, #tpu.dimension_semantics<subcore_parallel>], iteration_bounds = array<i64: 2, 16>, scalar_prefetch = 0 : i64, scratch_operands = 7 : i64, tpu.core_type = #tpu.core_type<sc_vector_subcore>, window_params = [{transform_indices = #map}, {transform_indices = #map}, {transform_indices = #map1}, {transform_indices = #map2}]} {
    %mul3A = arith.constant 16 : i32
    %mul3A_0 = arith.muli %arg0, %mul3A : i32
    %add3A = arith.addi %mul3A_0, %arg1 : i32
    %broadcast_in_dim3A = arith.constant 0.000000e+00 : f32
    %broadcast_in_dim3A_1 = vector.broadcast %broadcast_in_dim3A : f32 to vector<16xf32>
    %scan3A = arith.constant 0 : i32
    %scan3A_2 = arith.constant 0 : i32
    %scan3A_3 = arith.constant 40 : i32
    %scan3A_4 = arith.addi %scan3A_2, %scan3A_3 : i32
    %scan3A_5 = arith.constant 1 : i32
    scf.for %scan3A_26 = %scan3A_2 to %scan3A_4 step %scan3A_5  : i32 {
      %mul3A_27 = arith.constant 16 : i32
      %mul3A_28 = arith.muli %scan3A_26, %mul3A_27 : i32
      %swap3A = arith.index_cast %mul3A_28 : i32 to index
      %swap3A_29 = tpu.vector_load %arg11[%swap3A] {strides = array<i32>} : memref<640xf32, #tpu.memory_space<vmem>>, vector<16xf32>,
      %swap3A_30 = vector.shape_cast %swap3A_29 : vector<16xf32> to vector<16xf32>
      %swap3A_31 = vector.shape_cast %broadcast_in_dim3A_1 : vector<16xf32> to vector<16xf32>
      tpu.vector_store %arg11[%swap3A], %swap3A_31 {strides = array<i32>} : memref<640xf32, #tpu.memory_space<vmem>>, vector<16xf32>,
    }
    %scan3A_6 = arith.constant 40 : i32
    %mul3A_7 = arith.constant 640 : i32
    %mul3A_8 = arith.muli %arg1, %mul3A_7 : i32
    "tpu.region"() ({
      %run_scoped3A = tpu.sem_alloc : memref<!tpu.dma_semaphore, #tpu.memory_space<semaphore_mem>>
      %dma_start3A = tpu.memref_slice %arg6[%mul3A_8] : memref<10240xf32, #tpu.memory_space<vmem_shared>> -> memref<640xf32, #tpu.memory_space<vmem_shared>>
      %dma_start3A_26 = tpu.memref_slice %arg6[%mul3A_8] : memref<10240xf32, #tpu.memory_space<vmem_shared>> -> memref<640xf32, #tpu.memory_space<vmem_shared>>
      tpu.enqueue_dma source(%arg11 : memref<640xf32, #tpu.memory_space<vmem>>) target(%dma_start3A_26 : memref<640xf32, #tpu.memory_space<vmem_shared>>) target_semaphore(%run_scoped3A : memref<!tpu.dma_semaphore, #tpu.memory_space<semaphore_mem>>)
      %dma_wait3A = tpu.memref_slice %arg6[%mul3A_8] : memref<10240xf32, #tpu.memory_space<vmem_shared>> -> memref<640xf32, #tpu.memory_space<vmem_shared>>
      %dma_wait3A_27 = tpu.memref_slice %arg6[%mul3A_8] : memref<10240xf32, #tpu.memory_space<vmem_shared>> -> memref<640xf32, #tpu.memory_space<vmem_shared>>
      tpu.wait_dma2 semaphore(%run_scoped3A : memref<!tpu.dma_semaphore, #tpu.memory_space<semaphore_mem>>) src(%arg11 : memref<640xf32, #tpu.memory_space<vmem>>) dst(%dma_wait3A_27 : memref<640xf32, #tpu.memory_space<vmem_shared>>)
      tpu.yield
    }) : () -> ()
    "tpu.region"() ({
      %run_scoped3A = tpu.sem_alloc : memref<!tpu.dma_semaphore, #tpu.memory_space<semaphore_mem>>
      tpu.enqueue_dma source(%arg4 : memref<10240xf32, #tpu.memory_space<hbm>>) target(%arg7 : memref<10240xf32, #tpu.memory_space<vmem>>) target_semaphore(%run_scoped3A : memref<!tpu.dma_semaphore, #tpu.memory_space<semaphore_mem>>)
      tpu.wait_dma2 semaphore(%run_scoped3A : memref<!tpu.dma_semaphore, #tpu.memory_space<semaphore_mem>>) src(%arg4 : memref<10240xf32, #tpu.memory_space<hbm>>) dst(%arg7 : memref<10240xf32, #tpu.memory_space<vmem>>)
      tpu.yield
    }) : () -> ()
    %barrier3A = arith.constant 0 : index
    tpu.barrier barrier_id(%barrier3A)
    "tpu.region"() ({
      %run_scoped3A = tpu.sem_alloc : memref<!tpu.dma_semaphore, #tpu.memory_space<semaphore_mem>>
      %dma_start3A = arith.constant 0 : i32
      %dma_start3A_26 = arith.constant 0 : i32
      %dma_start3A_27 = tpu.memref_slice %arg2[%add3A, %dma_start3A, %dma_start3A_26] : memref<32x125x80xi32, #tpu.memory_space<hbm>> -> memref<1x125x80xi32, #tpu.memory_space<hbm>>
      %dma_start3A_28 = tpu.memref_squeeze %dma_start3A_27 : memref<1x125x80xi32, #tpu.memory_space<hbm>> -> memref<125x80xi32, #tpu.memory_space<hbm>>
      %dma_start3A_29 = arith.constant 0 : i32
      %dma_start3A_30 = arith.constant 0 : i32
      %dma_start3A_31 = tpu.memref_slice %arg2[%add3A, %dma_start3A_29, %dma_start3A_30] : memref<32x125x80xi32, #tpu.memory_space<hbm>> -> memref<1x125x80xi32, #tpu.memory_space<hbm>>
      %dma_start3A_32 = tpu.memref_squeeze %dma_start3A_31 : memref<1x125x80xi32, #tpu.memory_space<hbm>> -> memref<125x80xi32, #tpu.memory_space<hbm>>
      tpu.enqueue_dma source(%dma_start3A_32 : memref<125x80xi32, #tpu.memory_space<hbm>>) target(%arg8 : memref<125x80xi32, #tpu.memory_space<vmem>>) target_semaphore(%run_scoped3A : memref<!tpu.dma_semaphore, #tpu.memory_space<semaphore_mem>>)
      %dma_wait3A = arith.constant 0 : i32
      %dma_wait3A_33 = arith.constant 0 : i32
      %dma_wait3A_34 = tpu.memref_slice %arg2[%add3A, %dma_wait3A, %dma_wait3A_33] : memref<32x125x80xi32, #tpu.memory_space<hbm>> -> memref<1x125x80xi32, #tpu.memory_space<hbm>>
      %dma_wait3A_35 = tpu.memref_squeeze %dma_wait3A_34 : memref<1x125x80xi32, #tpu.memory_space<hbm>> -> memref<125x80xi32, #tpu.memory_space<hbm>>
      %dma_wait3A_36 = arith.constant 0 : i32
      %dma_wait3A_37 = arith.constant 0 : i32
      %dma_wait3A_38 = tpu.memref_slice %arg2[%add3A, %dma_wait3A_36, %dma_wait3A_37] : memref<32x125x80xi32, #tpu.memory_space<hbm>> -> memref<1x125x80xi32, #tpu.memory_space<hbm>>
      %dma_wait3A_39 = tpu.memref_squeeze %dma_wait3A_38 : memref<1x125x80xi32, #tpu.memory_space<hbm>> -> memref<125x80xi32, #tpu.memory_space<hbm>>
      tpu.wait_dma2 semaphore(%run_scoped3A : memref<!tpu.dma_semaphore, #tpu.memory_space<semaphore_mem>>) src(%dma_wait3A_39 : memref<125x80xi32, #tpu.memory_space<hbm>>) dst(%arg8 : memref<125x80xi32, #tpu.memory_space<vmem>>)
      tpu.yield
    }) : () -> ()
    "tpu.region"() ({
      %run_scoped3A = tpu.sem_alloc : memref<!tpu.dma_semaphore, #tpu.memory_space<semaphore_mem>>
      %dma_start3A = arith.constant 0 : i32
      %dma_start3A_26 = arith.constant 0 : i32
      %dma_start3A_27 = tpu.memref_slice %arg3[%add3A, %dma_start3A, %dma_start3A_26] : memref<32x125x80xi32, #tpu.memory_space<hbm>> -> memref<1x125x80xi32, #tpu.memory_space<hbm>>
      %dma_start3A_28 = tpu.memref_squeeze %dma_start3A_27 : memref<1x125x80xi32, #tpu.memory_space<hbm>> -> memref<125x80xi32, #tpu.memory_space<hbm>>
      %dma_start3A_29 = arith.constant 0 : i32
      %dma_start3A_30 = arith.constant 0 : i32
      %dma_start3A_31 = tpu.memref_slice %arg3[%add3A, %dma_start3A_29, %dma_start3A_30] : memref<32x125x80xi32, #tpu.memory_space<hbm>> -> memref<1x125x80xi32, #tpu.memory_space<hbm>>
      %dma_start3A_32 = tpu.memref_squeeze %dma_start3A_31 : memref<1x125x80xi32, #tpu.memory_space<hbm>> -> memref<125x80xi32, #tpu.memory_space<hbm>>
      tpu.enqueue_dma source(%dma_start3A_32 : memref<125x80xi32, #tpu.memory_space<hbm>>) target(%arg9 : memref<125x80xi32, #tpu.memory_space<vmem>>) target_semaphore(%run_scoped3A : memref<!tpu.dma_semaphore, #tpu.memory_space<semaphore_mem>>)
      %dma_wait3A = arith.constant 0 : i32
      %dma_wait3A_33 = arith.constant 0 : i32
      %dma_wait3A_34 = tpu.memref_slice %arg3[%add3A, %dma_wait3A, %dma_wait3A_33] : memref<32x125x80xi32, #tpu.memory_space<hbm>> -> memref<1x125x80xi32, #tpu.memory_space<hbm>>
      %dma_wait3A_35 = tpu.memref_squeeze %dma_wait3A_34 : memref<1x125x80xi32, #tpu.memory_space<hbm>> -> memref<125x80xi32, #tpu.memory_space<hbm>>
      %dma_wait3A_36 = arith.constant 0 : i32
      %dma_wait3A_37 = arith.constant 0 : i32
      %dma_wait3A_38 = tpu.memref_slice %arg3[%add3A, %dma_wait3A_36, %dma_wait3A_37] : memref<32x125x80xi32, #tpu.memory_space<hbm>> -> memref<1x125x80xi32, #tpu.memory_space<hbm>>
      %dma_wait3A_39 = tpu.memref_squeeze %dma_wait3A_38 : memref<1x125x80xi32, #tpu.memory_space<hbm>> -> memref<125x80xi32, #tpu.memory_space<hbm>>
      tpu.wait_dma2 semaphore(%run_scoped3A : memref<!tpu.dma_semaphore, #tpu.memory_space<semaphore_mem>>) src(%dma_wait3A_39 : memref<125x80xi32, #tpu.memory_space<hbm>>) dst(%arg9 : memref<125x80xi32, #tpu.memory_space<vmem>>)
      tpu.yield
    }) : () -> ()
    %scan3A_9 = arith.constant 0 : i32
    %scan3A_10 = arith.constant 0 : i32
    %scan3A_11 = arith.constant 125 : i32
    %scan3A_12 = arith.addi %scan3A_10, %scan3A_11 : i32
    %scan3A_13 = arith.constant 1 : i32
    scf.for %scan3A_26 = %scan3A_10 to %scan3A_12 step %scan3A_13  : i32 {
      %get3A = arith.index_cast %scan3A_26 : i32 to index
      %get3A_27 = arith.constant 0 : index
      %get3A_28 = tpu.vector_load %arg8[%get3A, %get3A_27] {strides = array<i32>} : memref<125x80xi32, #tpu.memory_space<vmem>>, vector<16xi32>,
      %gather3A = tpu.vector_load_idx %arg7[%get3A_28] : memref<10240xf32, #tpu.memory_space<vmem>>[vector<16xi32>], vector<16xf32>,
      %swap3A = arith.index_cast %scan3A_26 : i32 to index
      %swap3A_29 = arith.constant 0 : index
      %swap3A_30 = tpu.vector_load %arg10[%swap3A, %swap3A_29] {strides = array<i32>} : memref<125x80xf32, #tpu.memory_space<vmem>>, vector<16xf32>,
      tpu.vector_store %arg10[%swap3A, %swap3A_29], %gather3A {strides = array<i32>} : memref<125x80xf32, #tpu.memory_space<vmem>>, vector<16xf32>,
      %get3A_31 = arith.index_cast %scan3A_26 : i32 to index
      %get3A_32 = arith.constant 16 : index
      %get3A_33 = tpu.vector_load %arg8[%get3A_31, %get3A_32] {strides = array<i32>} : memref<125x80xi32, #tpu.memory_space<vmem>>, vector<16xi32>,
      %gather3A_34 = tpu.vector_load_idx %arg7[%get3A_33] : memref<10240xf32, #tpu.memory_space<vmem>>[vector<16xi32>], vector<16xf32>,
      %swap3A_35 = arith.index_cast %scan3A_26 : i32 to index
      %swap3A_36 = arith.constant 16 : index
      %swap3A_37 = tpu.vector_load %arg10[%swap3A_35, %swap3A_36] {strides = array<i32>} : memref<125x80xf32, #tpu.memory_space<vmem>>, vector<16xf32>,
      tpu.vector_store %arg10[%swap3A_35, %swap3A_36], %gather3A_34 {strides = array<i32>} : memref<125x80xf32, #tpu.memory_space<vmem>>, vector<16xf32>,
      %get3A_38 = arith.index_cast %scan3A_26 : i32 to index
      %get3A_39 = arith.constant 32 : index
      %get3A_40 = tpu.vector_load %arg8[%get3A_38, %get3A_39] {strides = array<i32>} : memref<125x80xi32, #tpu.memory_space<vmem>>, vector<16xi32>,
      %gather3A_41 = tpu.vector_load_idx %arg7[%get3A_40] : memref<10240xf32, #tpu.memory_space<vmem>>[vector<16xi32>], vector<16xf32>,
      %swap3A_42 = arith.index_cast %scan3A_26 : i32 to index
      %swap3A_43 = arith.constant 32 : index
      %swap3A_44 = tpu.vector_load %arg10[%swap3A_42, %swap3A_43] {strides = array<i32>} : memref<125x80xf32, #tpu.memory_space<vmem>>, vector<16xf32>,
      tpu.vector_store %arg10[%swap3A_42, %swap3A_43], %gather3A_41 {strides = array<i32>} : memref<125x80xf32, #tpu.memory_space<vmem>>, vector<16xf32>,
      %get3A_45 = arith.index_cast %scan3A_26 : i32 to index
      %get3A_46 = arith.constant 48 : index
      %get3A_47 = tpu.vector_load %arg8[%get3A_45, %get3A_46] {strides = array<i32>} : memref<125x80xi32, #tpu.memory_space<vmem>>, vector<16xi32>,
      %gather3A_48 = tpu.vector_load_idx %arg7[%get3A_47] : memref<10240xf32, #tpu.memory_space<vmem>>[vector<16xi32>], vector<16xf32>,
      %swap3A_49 = arith.index_cast %scan3A_26 : i32 to index
      %swap3A_50 = arith.constant 48 : index
      %swap3A_51 = tpu.vector_load %arg10[%swap3A_49, %swap3A_50] {strides = array<i32>} : memref<125x80xf32, #tpu.memory_space<vmem>>, vector<16xf32>,
      tpu.vector_store %arg10[%swap3A_49, %swap3A_50], %gather3A_48 {strides = array<i32>} : memref<125x80xf32, #tpu.memory_space<vmem>>, vector<16xf32>,
      %get3A_52 = arith.index_cast %scan3A_26 : i32 to index
      %get3A_53 = arith.constant 64 : index
      %get3A_54 = tpu.vector_load %arg8[%get3A_52, %get3A_53] {strides = array<i32>} : memref<125x80xi32, #tpu.memory_space<vmem>>, vector<16xi32>,
      %gather3A_55 = tpu.vector_load_idx %arg7[%get3A_54] : memref<10240xf32, #tpu.memory_space<vmem>>[vector<16xi32>], vector<16xf32>,
      %swap3A_56 = arith.index_cast %scan3A_26 : i32 to index
      %swap3A_57 = arith.constant 64 : index
      %swap3A_58 = tpu.vector_load %arg10[%swap3A_56, %swap3A_57] {strides = array<i32>} : memref<125x80xf32, #tpu.memory_space<vmem>>, vector<16xf32>,
      tpu.vector_store %arg10[%swap3A_56, %swap3A_57], %gather3A_55 {strides = array<i32>} : memref<125x80xf32, #tpu.memory_space<vmem>>, vector<16xf32>,
    }
    %scan3A_14 = arith.constant 125 : i32
    %scan3A_15 = arith.constant 0 : i32
    %scan3A_16 = arith.constant 0 : i32
    %scan3A_17 = arith.constant 25 : i32
    %scan3A_18 = arith.addi %scan3A_16, %scan3A_17 : i32
    %scan3A_19 = arith.constant 1 : i32
    scf.for %scan3A_26 = %scan3A_16 to %scan3A_18 step %scan3A_19  : i32 {
      %mul3A_27 = arith.constant 5 : i32
      %mul3A_28 = arith.muli %scan3A_26, %mul3A_27 : i32
      %add3A_29 = arith.constant 0 : i32
      %add3A_30 = arith.addi %mul3A_28, %add3A_29 : i32
      %dma_start3A = arith.constant 0 : i32
      %dma_start3A_31 = arith.constant 0 : i32
      %dma_start3A_32 = tpu.memref_slice %arg10[%add3A_30, %dma_start3A_31] : memref<125x80xf32, #tpu.memory_space<vmem>> -> memref<1x80xf32, #tpu.memory_space<vmem>>
      %dma_start3A_33 = tpu.memref_squeeze %dma_start3A_32 : memref<1x80xf32, #tpu.memory_space<vmem>> -> memref<80xf32, #tpu.memory_space<vmem>>
      %dma_start3A_34 = arith.constant 0 : i32
      %dma_start3A_35 = tpu.memref_slice %arg9[%add3A_30, %dma_start3A_34] : memref<125x80xi32, #tpu.memory_space<vmem>> -> memref<1x80xi32, #tpu.memory_space<vmem>>
      %dma_start3A_36 = tpu.memref_squeeze %dma_start3A_35 : memref<1x80xi32, #tpu.memory_space<vmem>> -> memref<80xi32, #tpu.memory_space<vmem>>
      %dma_start3A_37 = arith.constant 0 : i32
      %dma_start3A_38 = tpu.memref_slice %arg6[%dma_start3A_37] : memref<10240xf32, #tpu.memory_space<vmem_shared>> -> memref<10240xf32, #tpu.memory_space<vmem_shared>>
      %dma_start3A_39 = tpu.memref_slice %arg12[%dma_start3A] : memref<5x!tpu.dma_semaphore, #tpu.memory_space<semaphore_mem>> -> memref<1x!tpu.dma_semaphore, #tpu.memory_space<semaphore_mem>>
      %dma_start3A_40 = tpu.memref_squeeze %dma_start3A_39 : memref<1x!tpu.dma_semaphore, #tpu.memory_space<semaphore_mem>> -> memref<!tpu.dma_semaphore, #tpu.memory_space<semaphore_mem>>
      tpu.enqueue_indirect_dma source(%dma_start3A_33 : memref<80xf32, #tpu.memory_space<vmem>>) target(%dma_start3A_38 : memref<10240xf32, #tpu.memory_space<vmem_shared>>) offsets(%dma_start3A_36 : memref<80xi32, #tpu.memory_space<vmem>>) semaphore(%dma_start3A_40 : memref<!tpu.dma_semaphore, #tpu.memory_space<semaphore_mem>>) {add = true}
      %add3A_41 = arith.constant 1 : i32
      %add3A_42 = arith.addi %mul3A_28, %add3A_41 : i32
      %dma_start3A_43 = arith.constant 1 : i32
      %dma_start3A_44 = arith.constant 0 : i32
      %dma_start3A_45 = tpu.memref_slice %arg10[%add3A_42, %dma_start3A_44] : memref<125x80xf32, #tpu.memory_space<vmem>> -> memref<1x80xf32, #tpu.memory_space<vmem>>
      %dma_start3A_46 = tpu.memref_squeeze %dma_start3A_45 : memref<1x80xf32, #tpu.memory_space<vmem>> -> memref<80xf32, #tpu.memory_space<vmem>>
      %dma_start3A_47 = arith.constant 0 : i32
      %dma_start3A_48 = tpu.memref_slice %arg9[%add3A_42, %dma_start3A_47] : memref<125x80xi32, #tpu.memory_space<vmem>> -> memref<1x80xi32, #tpu.memory_space<vmem>>
      %dma_start3A_49 = tpu.memref_squeeze %dma_start3A_48 : memref<1x80xi32, #tpu.memory_space<vmem>> -> memref<80xi32, #tpu.memory_space<vmem>>
      %dma_start3A_50 = arith.constant 0 : i32
      %dma_start3A_51 = tpu.memref_slice %arg6[%dma_start3A_50] : memref<10240xf32, #tpu.memory_space<vmem_shared>> -> memref<10240xf32, #tpu.memory_space<vmem_shared>>
      %dma_start3A_52 = tpu.memref_slice %arg12[%dma_start3A_43] : memref<5x!tpu.dma_semaphore, #tpu.memory_space<semaphore_mem>> -> memref<1x!tpu.dma_semaphore, #tpu.memory_space<semaphore_mem>>
      %dma_start3A_53 = tpu.memref_squeeze %dma_start3A_52 : memref<1x!tpu.dma_semaphore, #tpu.memory_space<semaphore_mem>> -> memref<!tpu.dma_semaphore, #tpu.memory_space<semaphore_mem>>
      tpu.enqueue_indirect_dma source(%dma_start3A_46 : memref<80xf32, #tpu.memory_space<vmem>>) target(%dma_start3A_51 : memref<10240xf32, #tpu.memory_space<vmem_shared>>) offsets(%dma_start3A_49 : memref<80xi32, #tpu.memory_space<vmem>>) semaphore(%dma_start3A_53 : memref<!tpu.dma_semaphore, #tpu.memory_space<semaphore_mem>>) {add = true}
      %add3A_54 = arith.constant 2 : i32
      %add3A_55 = arith.addi %mul3A_28, %add3A_54 : i32
      %dma_start3A_56 = arith.constant 2 : i32
      %dma_start3A_57 = arith.constant 0 : i32
      %dma_start3A_58 = tpu.memref_slice %arg10[%add3A_55, %dma_start3A_57] : memref<125x80xf32, #tpu.memory_space<vmem>> -> memref<1x80xf32, #tpu.memory_space<vmem>>
      %dma_start3A_59 = tpu.memref_squeeze %dma_start3A_58 : memref<1x80xf32, #tpu.memory_space<vmem>> -> memref<80xf32, #tpu.memory_space<vmem>>
      %dma_start3A_60 = arith.constant 0 : i32
      %dma_start3A_61 = tpu.memref_slice %arg9[%add3A_55, %dma_start3A_60] : memref<125x80xi32, #tpu.memory_space<vmem>> -> memref<1x80xi32, #tpu.memory_space<vmem>>
      %dma_start3A_62 = tpu.memref_squeeze %dma_start3A_61 : memref<1x80xi32, #tpu.memory_space<vmem>> -> memref<80xi32, #tpu.memory_space<vmem>>
      %dma_start3A_63 = arith.constant 0 : i32
      %dma_start3A_64 = tpu.memref_slice %arg6[%dma_start3A_63] : memref<10240xf32, #tpu.memory_space<vmem_shared>> -> memref<10240xf32, #tpu.memory_space<vmem_shared>>
      %dma_start3A_65 = tpu.memref_slice %arg12[%dma_start3A_56] : memref<5x!tpu.dma_semaphore, #tpu.memory_space<semaphore_mem>> -> memref<1x!tpu.dma_semaphore, #tpu.memory_space<semaphore_mem>>
      %dma_start3A_66 = tpu.memref_squeeze %dma_start3A_65 : memref<1x!tpu.dma_semaphore, #tpu.memory_space<semaphore_mem>> -> memref<!tpu.dma_semaphore, #tpu.memory_space<semaphore_mem>>
      tpu.enqueue_indirect_dma source(%dma_start3A_59 : memref<80xf32, #tpu.memory_space<vmem>>) target(%dma_start3A_64 : memref<10240xf32, #tpu.memory_space<vmem_shared>>) offsets(%dma_start3A_62 : memref<80xi32, #tpu.memory_space<vmem>>) semaphore(%dma_start3A_66 : memref<!tpu.dma_semaphore, #tpu.memory_space<semaphore_mem>>) {add = true}
      %add3A_67 = arith.constant 3 : i32
      %add3A_68 = arith.addi %mul3A_28, %add3A_67 : i32
      %dma_start3A_69 = arith.constant 3 : i32
      %dma_start3A_70 = arith.constant 0 : i32
      %dma_start3A_71 = tpu.memref_slice %arg10[%add3A_68, %dma_start3A_70] : memref<125x80xf32, #tpu.memory_space<vmem>> -> memref<1x80xf32, #tpu.memory_space<vmem>>
      %dma_start3A_72 = tpu.memref_squeeze %dma_start3A_71 : memref<1x80xf32, #tpu.memory_space<vmem>> -> memref<80xf32, #tpu.memory_space<vmem>>
      %dma_start3A_73 = arith.constant 0 : i32
      %dma_start3A_74 = tpu.memref_slice %arg9[%add3A_68, %dma_start3A_73] : memref<125x80xi32, #tpu.memory_space<vmem>> -> memref<1x80xi32, #tpu.memory_space<vmem>>
      %dma_start3A_75 = tpu.memref_squeeze %dma_start3A_74 : memref<1x80xi32, #tpu.memory_space<vmem>> -> memref<80xi32, #tpu.memory_space<vmem>>
      %dma_start3A_76 = arith.constant 0 : i32
      %dma_start3A_77 = tpu.memref_slice %arg6[%dma_start3A_76] : memref<10240xf32, #tpu.memory_space<vmem_shared>> -> memref<10240xf32, #tpu.memory_space<vmem_shared>>
      %dma_start3A_78 = tpu.memref_slice %arg12[%dma_start3A_69] : memref<5x!tpu.dma_semaphore, #tpu.memory_space<semaphore_mem>> -> memref<1x!tpu.dma_semaphore, #tpu.memory_space<semaphore_mem>>
      %dma_start3A_79 = tpu.memref_squeeze %dma_start3A_78 : memref<1x!tpu.dma_semaphore, #tpu.memory_space<semaphore_mem>> -> memref<!tpu.dma_semaphore, #tpu.memory_space<semaphore_mem>>
      tpu.enqueue_indirect_dma source(%dma_start3A_72 : memref<80xf32, #tpu.memory_space<vmem>>) target(%dma_start3A_77 : memref<10240xf32, #tpu.memory_space<vmem_shared>>) offsets(%dma_start3A_75 : memref<80xi32, #tpu.memory_space<vmem>>) semaphore(%dma_start3A_79 : memref<!tpu.dma_semaphore, #tpu.memory_space<semaphore_mem>>) {add = true}
      %add3A_80 = arith.constant 4 : i32
      %add3A_81 = arith.addi %mul3A_28, %add3A_80 : i32
      %dma_start3A_82 = arith.constant 4 : i32
      %dma_start3A_83 = arith.constant 0 : i32
      %dma_start3A_84 = tpu.memref_slice %arg10[%add3A_81, %dma_start3A_83] : memref<125x80xf32, #tpu.memory_space<vmem>> -> memref<1x80xf32, #tpu.memory_space<vmem>>
      %dma_start3A_85 = tpu.memref_squeeze %dma_start3A_84 : memref<1x80xf32, #tpu.memory_space<vmem>> -> memref<80xf32, #tpu.memory_space<vmem>>
      %dma_start3A_86 = arith.constant 0 : i32
      %dma_start3A_87 = tpu.memref_slice %arg9[%add3A_81, %dma_start3A_86] : memref<125x80xi32, #tpu.memory_space<vmem>> -> memref<1x80xi32, #tpu.memory_space<vmem>>
      %dma_start3A_88 = tpu.memref_squeeze %dma_start3A_87 : memref<1x80xi32, #tpu.memory_space<vmem>> -> memref<80xi32, #tpu.memory_space<vmem>>
      %dma_start3A_89 = arith.constant 0 : i32
      %dma_start3A_90 = tpu.memref_slice %arg6[%dma_start3A_89] : memref<10240xf32, #tpu.memory_space<vmem_shared>> -> memref<10240xf32, #tpu.memory_space<vmem_shared>>
      %dma_start3A_91 = tpu.memref_slice %arg12[%dma_start3A_82] : memref<5x!tpu.dma_semaphore, #tpu.memory_space<semaphore_mem>> -> memref<1x!tpu.dma_semaphore, #tpu.memory_space<semaphore_mem>>
      %dma_start3A_92 = tpu.memref_squeeze %dma_start3A_91 : memref<1x!tpu.dma_semaphore, #tpu.memory_space<semaphore_mem>> -> memref<!tpu.dma_semaphore, #tpu.memory_space<semaphore_mem>>
      tpu.enqueue_indirect_dma source(%dma_start3A_85 : memref<80xf32, #tpu.memory_space<vmem>>) target(%dma_start3A_90 : memref<10240xf32, #tpu.memory_space<vmem_shared>>) offsets(%dma_start3A_88 : memref<80xi32, #tpu.memory_space<vmem>>) semaphore(%dma_start3A_92 : memref<!tpu.dma_semaphore, #tpu.memory_space<semaphore_mem>>) {add = true}
      %add3A_93 = arith.constant 0 : i32
      %add3A_94 = arith.addi %mul3A_28, %add3A_93 : i32
      %dma_wait3A = arith.constant 0 : i32
      %dma_wait3A_95 = arith.constant 0 : i32
      %dma_wait3A_96 = tpu.memref_slice %arg10[%add3A_94, %dma_wait3A_95] : memref<125x80xf32, #tpu.memory_space<vmem>> -> memref<1x80xf32, #tpu.memory_space<vmem>>
      %dma_wait3A_97 = tpu.memref_squeeze %dma_wait3A_96 : memref<1x80xf32, #tpu.memory_space<vmem>> -> memref<80xf32, #tpu.memory_space<vmem>>
      %dma_wait3A_98 = arith.constant 0 : i32
      %dma_wait3A_99 = tpu.memref_slice %arg9[%add3A_94, %dma_wait3A_98] : memref<125x80xi32, #tpu.memory_space<vmem>> -> memref<1x80xi32, #tpu.memory_space<vmem>>
      %dma_wait3A_100 = tpu.memref_squeeze %dma_wait3A_99 : memref<1x80xi32, #tpu.memory_space<vmem>> -> memref<80xi32, #tpu.memory_space<vmem>>
      %dma_wait3A_101 = arith.constant 0 : i32
      %dma_wait3A_102 = tpu.memref_slice %arg6[%dma_wait3A_101] : memref<10240xf32, #tpu.memory_space<vmem_shared>> -> memref<10240xf32, #tpu.memory_space<vmem_shared>>
      %dma_wait3A_103 = tpu.memref_slice %arg12[%dma_wait3A] : memref<5x!tpu.dma_semaphore, #tpu.memory_space<semaphore_mem>> -> memref<1x!tpu.dma_semaphore, #tpu.memory_space<semaphore_mem>>
      %dma_wait3A_104 = tpu.memref_squeeze %dma_wait3A_103 : memref<1x!tpu.dma_semaphore, #tpu.memory_space<semaphore_mem>> -> memref<!tpu.dma_semaphore, #tpu.memory_space<semaphore_mem>>
      tpu.wait_indirect_dma semaphore(%dma_wait3A_104 : memref<!tpu.dma_semaphore, #tpu.memory_space<semaphore_mem>>) src(%dma_wait3A_97 : memref<80xf32, #tpu.memory_space<vmem>>) dst(%dma_wait3A_102 : memref<10240xf32, #tpu.memory_space<vmem_shared>>)
      %add3A_105 = arith.constant 1 : i32
      %add3A_106 = arith.addi %mul3A_28, %add3A_105 : i32
      %dma_wait3A_107 = arith.constant 1 : i32
      %dma_wait3A_108 = arith.constant 0 : i32
      %dma_wait3A_109 = tpu.memref_slice %arg10[%add3A_106, %dma_wait3A_108] : memref<125x80xf32, #tpu.memory_space<vmem>> -> memref<1x80xf32, #tpu.memory_space<vmem>>
      %dma_wait3A_110 = tpu.memref_squeeze %dma_wait3A_109 : memref<1x80xf32, #tpu.memory_space<vmem>> -> memref<80xf32, #tpu.memory_space<vmem>>
      %dma_wait3A_111 = arith.constant 0 : i32
      %dma_wait3A_112 = tpu.memref_slice %arg9[%add3A_106, %dma_wait3A_111] : memref<125x80xi32, #tpu.memory_space<vmem>> -> memref<1x80xi32, #tpu.memory_space<vmem>>
      %dma_wait3A_113 = tpu.memref_squeeze %dma_wait3A_112 : memref<1x80xi32, #tpu.memory_space<vmem>> -> memref<80xi32, #tpu.memory_space<vmem>>
      %dma_wait3A_114 = arith.constant 0 : i32
      %dma_wait3A_115 = tpu.memref_slice %arg6[%dma_wait3A_114] : memref<10240xf32, #tpu.memory_space<vmem_shared>> -> memref<10240xf32, #tpu.memory_space<vmem_shared>>
      %dma_wait3A_116 = tpu.memref_slice %arg12[%dma_wait3A_107] : memref<5x!tpu.dma_semaphore, #tpu.memory_space<semaphore_mem>> -> memref<1x!tpu.dma_semaphore, #tpu.memory_space<semaphore_mem>>
      %dma_wait3A_117 = tpu.memref_squeeze %dma_wait3A_116 : memref<1x!tpu.dma_semaphore, #tpu.memory_space<semaphore_mem>> -> memref<!tpu.dma_semaphore, #tpu.memory_space<semaphore_mem>>
      tpu.wait_indirect_dma semaphore(%dma_wait3A_117 : memref<!tpu.dma_semaphore, #tpu.memory_space<semaphore_mem>>) src(%dma_wait3A_110 : memref<80xf32, #tpu.memory_space<vmem>>) dst(%dma_wait3A_115 : memref<10240xf32, #tpu.memory_space<vmem_shared>>)
      %add3A_118 = arith.constant 2 : i32
      %add3A_119 = arith.addi %mul3A_28, %add3A_118 : i32
      %dma_wait3A_120 = arith.constant 2 : i32
      %dma_wait3A_121 = arith.constant 0 : i32
      %dma_wait3A_122 = tpu.memref_slice %arg10[%add3A_119, %dma_wait3A_121] : memref<125x80xf32, #tpu.memory_space<vmem>> -> memref<1x80xf32, #tpu.memory_space<vmem>>
      %dma_wait3A_123 = tpu.memref_squeeze %dma_wait3A_122 : memref<1x80xf32, #tpu.memory_space<vmem>> -> memref<80xf32, #tpu.memory_space<vmem>>
      %dma_wait3A_124 = arith.constant 0 : i32
      %dma_wait3A_125 = tpu.memref_slice %arg9[%add3A_119, %dma_wait3A_124] : memref<125x80xi32, #tpu.memory_space<vmem>> -> memref<1x80xi32, #tpu.memory_space<vmem>>
      %dma_wait3A_126 = tpu.memref_squeeze %dma_wait3A_125 : memref<1x80xi32, #tpu.memory_space<vmem>> -> memref<80xi32, #tpu.memory_space<vmem>>
      %dma_wait3A_127 = arith.constant 0 : i32
      %dma_wait3A_128 = tpu.memref_slice %arg6[%dma_wait3A_127] : memref<10240xf32, #tpu.memory_space<vmem_shared>> -> memref<10240xf32, #tpu.memory_space<vmem_shared>>
      %dma_wait3A_129 = tpu.memref_slice %arg12[%dma_wait3A_120] : memref<5x!tpu.dma_semaphore, #tpu.memory_space<semaphore_mem>> -> memref<1x!tpu.dma_semaphore, #tpu.memory_space<semaphore_mem>>
      %dma_wait3A_130 = tpu.memref_squeeze %dma_wait3A_129 : memref<1x!tpu.dma_semaphore, #tpu.memory_space<semaphore_mem>> -> memref<!tpu.dma_semaphore, #tpu.memory_space<semaphore_mem>>
      tpu.wait_indirect_dma semaphore(%dma_wait3A_130 : memref<!tpu.dma_semaphore, #tpu.memory_space<semaphore_mem>>) src(%dma_wait3A_123 : memref<80xf32, #tpu.memory_space<vmem>>) dst(%dma_wait3A_128 : memref<10240xf32, #tpu.memory_space<vmem_shared>>)
      %add3A_131 = arith.constant 3 : i32
      %add3A_132 = arith.addi %mul3A_28, %add3A_131 : i32
      %dma_wait3A_133 = arith.constant 3 : i32
      %dma_wait3A_134 = arith.constant 0 : i32
      %dma_wait3A_135 = tpu.memref_slice %arg10[%add3A_132, %dma_wait3A_134] : memref<125x80xf32, #tpu.memory_space<vmem>> -> memref<1x80xf32, #tpu.memory_space<vmem>>
      %dma_wait3A_136 = tpu.memref_squeeze %dma_wait3A_135 : memref<1x80xf32, #tpu.memory_space<vmem>> -> memref<80xf32, #tpu.memory_space<vmem>>
      %dma_wait3A_137 = arith.constant 0 : i32
      %dma_wait3A_138 = tpu.memref_slice %arg9[%add3A_132, %dma_wait3A_137] : memref<125x80xi32, #tpu.memory_space<vmem>> -> memref<1x80xi32, #tpu.memory_space<vmem>>
      %dma_wait3A_139 = tpu.memref_squeeze %dma_wait3A_138 : memref<1x80xi32, #tpu.memory_space<vmem>> -> memref<80xi32, #tpu.memory_space<vmem>>
      %dma_wait3A_140 = arith.constant 0 : i32
      %dma_wait3A_141 = tpu.memref_slice %arg6[%dma_wait3A_140] : memref<10240xf32, #tpu.memory_space<vmem_shared>> -> memref<10240xf32, #tpu.memory_space<vmem_shared>>
      %dma_wait3A_142 = tpu.memref_slice %arg12[%dma_wait3A_133] : memref<5x!tpu.dma_semaphore, #tpu.memory_space<semaphore_mem>> -> memref<1x!tpu.dma_semaphore, #tpu.memory_space<semaphore_mem>>
      %dma_wait3A_143 = tpu.memref_squeeze %dma_wait3A_142 : memref<1x!tpu.dma_semaphore, #tpu.memory_space<semaphore_mem>> -> memref<!tpu.dma_semaphore, #tpu.memory_space<semaphore_mem>>
      tpu.wait_indirect_dma semaphore(%dma_wait3A_143 : memref<!tpu.dma_semaphore, #tpu.memory_space<semaphore_mem>>) src(%dma_wait3A_136 : memref<80xf32, #tpu.memory_space<vmem>>) dst(%dma_wait3A_141 : memref<10240xf32, #tpu.memory_space<vmem_shared>>)
      %add3A_144 = arith.constant 4 : i32
      %add3A_145 = arith.addi %mul3A_28, %add3A_144 : i32
      %dma_wait3A_146 = arith.constant 4 : i32
      %dma_wait3A_147 = arith.constant 0 : i32
      %dma_wait3A_148 = tpu.memref_slice %arg10[%add3A_145, %dma_wait3A_147] : memref<125x80xf32, #tpu.memory_space<vmem>> -> memref<1x80xf32, #tpu.memory_space<vmem>>
      %dma_wait3A_149 = tpu.memref_squeeze %dma_wait3A_148 : memref<1x80xf32, #tpu.memory_space<vmem>> -> memref<80xf32, #tpu.memory_space<vmem>>
      %dma_wait3A_150 = arith.constant 0 : i32
      %dma_wait3A_151 = tpu.memref_slice %arg9[%add3A_145, %dma_wait3A_150] : memref<125x80xi32, #tpu.memory_space<vmem>> -> memref<1x80xi32, #tpu.memory_space<vmem>>
      %dma_wait3A_152 = tpu.memref_squeeze %dma_wait3A_151 : memref<1x80xi32, #tpu.memory_space<vmem>> -> memref<80xi32, #tpu.memory_space<vmem>>
      %dma_wait3A_153 = arith.constant 0 : i32
      %dma_wait3A_154 = tpu.memref_slice %arg6[%dma_wait3A_153] : memref<10240xf32, #tpu.memory_space<vmem_shared>> -> memref<10240xf32, #tpu.memory_space<vmem_shared>>
      %dma_wait3A_155 = tpu.memref_slice %arg12[%dma_wait3A_146] : memref<5x!tpu.dma_semaphore, #tpu.memory_space<semaphore_mem>> -> memref<1x!tpu.dma_semaphore, #tpu.memory_space<semaphore_mem>>
      %dma_wait3A_156 = tpu.memref_squeeze %dma_wait3A_155 : memref<1x!tpu.dma_semaphore, #tpu.memory_space<semaphore_mem>> -> memref<!tpu.dma_semaphore, #tpu.memory_space<semaphore_mem>>
      tpu.wait_indirect_dma semaphore(%dma_wait3A_156 : memref<!tpu.dma_semaphore, #tpu.memory_space<semaphore_mem>>) src(%dma_wait3A_149 : memref<80xf32, #tpu.memory_space<vmem>>) dst(%dma_wait3A_154 : memref<10240xf32, #tpu.memory_space<vmem_shared>>)
    }
    %scan3A_20 = arith.constant 25 : i32
    %barrier3A_21 = arith.constant 0 : index
    tpu.barrier barrier_id(%barrier3A_21)
    %mul3A_22 = arith.constant 640 : i32
    %mul3A_23 = arith.muli %arg1, %mul3A_22 : i32
    "tpu.region"() ({
      %run_scoped3A = tpu.sem_alloc : memref<!tpu.dma_semaphore, #tpu.memory_space<semaphore_mem>>
      %dma_start3A = tpu.memref_slice %arg6[%mul3A_23] : memref<10240xf32, #tpu.memory_space<vmem_shared>> -> memref<640xf32, #tpu.memory_space<vmem_shared>>
      %dma_start3A_26 = tpu.memref_slice %arg6[%mul3A_23] : memref<10240xf32, #tpu.memory_space<vmem_shared>> -> memref<640xf32, #tpu.memory_space<vmem_shared>>
      tpu.enqueue_dma source(%dma_start3A_26 : memref<640xf32, #tpu.memory_space<vmem_shared>>) target(%arg11 : memref<640xf32, #tpu.memory_space<vmem>>) target_semaphore(%run_scoped3A : memref<!tpu.dma_semaphore, #tpu.memory_space<semaphore_mem>>)
      %dma_wait3A = tpu.memref_slice %arg6[%mul3A_23] : memref<10240xf32, #tpu.memory_space<vmem_shared>> -> memref<640xf32, #tpu.memory_space<vmem_shared>>
      %dma_wait3A_27 = tpu.memref_slice %arg6[%mul3A_23] : memref<10240xf32, #tpu.memory_space<vmem_shared>> -> memref<640xf32, #tpu.memory_space<vmem_shared>>
      tpu.wait_dma2 semaphore(%run_scoped3A : memref<!tpu.dma_semaphore, #tpu.memory_space<semaphore_mem>>) src(%dma_wait3A_27 : memref<640xf32, #tpu.memory_space<vmem_shared>>) dst(%arg11 : memref<640xf32, #tpu.memory_space<vmem>>)
      tpu.yield
    }) : () -> ()
    %mul3A_24 = arith.constant 640 : i32
    %mul3A_25 = arith.muli %arg1, %mul3A_24 : i32
    "tpu.region"() ({
      %run_scoped3A = tpu.sem_alloc : memref<!tpu.dma_semaphore, #tpu.memory_space<semaphore_mem>>
      %dma_start3A = tpu.memref_slice %arg5[%arg0, %mul3A_25] : memref<2x10240xf32, #tpu.memory_space<hbm>> -> memref<1x640xf32, #tpu.memory_space<hbm>>
      %dma_start3A_26 = tpu.memref_squeeze %dma_start3A : memref<1x640xf32, #tpu.memory_space<hbm>> -> memref<640xf32, #tpu.memory_space<hbm>>
      %dma_start3A_27 = tpu.memref_slice %arg5[%arg0, %mul3A_25] : memref<2x10240xf32, #tpu.memory_space<hbm>> -> memref<1x640xf32, #tpu.memory_space<hbm>>
      %dma_start3A_28 = tpu.memref_squeeze %dma_start3A_27 : memref<1x640xf32, #tpu.memory_space<hbm>> -> memref<640xf32, #tpu.memory_space<hbm>>
      tpu.enqueue_dma source(%arg11 : memref<640xf32, #tpu.memory_space<vmem>>) target(%dma_start3A_28 : memref<640xf32, #tpu.memory_space<hbm>>) target_semaphore(%run_scoped3A : memref<!tpu.dma_semaphore, #tpu.memory_space<semaphore_mem>>)
      %dma_wait3A = tpu.memref_slice %arg5[%arg0, %mul3A_25] : memref<2x10240xf32, #tpu.memory_space<hbm>> -> memref<1x640xf32, #tpu.memory_space<hbm>>
      %dma_wait3A_29 = tpu.memref_squeeze %dma_wait3A : memref<1x640xf32, #tpu.memory_space<hbm>> -> memref<640xf32, #tpu.memory_space<hbm>>
      %dma_wait3A_30 = tpu.memref_slice %arg5[%arg0, %mul3A_25] : memref<2x10240xf32, #tpu.memory_space<hbm>> -> memref<1x640xf32, #tpu.memory_space<hbm>>
      %dma_wait3A_31 = tpu.memref_squeeze %dma_wait3A_30 : memref<1x640xf32, #tpu.memory_space<hbm>> -> memref<640xf32, #tpu.memory_space<hbm>>
      tpu.wait_dma2 semaphore(%run_scoped3A : memref<!tpu.dma_semaphore, #tpu.memory_space<semaphore_mem>>) src(%arg11 : memref<640xf32, #tpu.memory_space<vmem>>) dst(%dma_wait3A_31 : memref<640xf32, #tpu.memory_space<hbm>>)
      tpu.yield
    }) : () -> ()
    return
  }
}

#map = affine_map<(d0, d1) -> (0, 0, 0)>
#map1 = affine_map<(d0, d1) -> (0, 0)>
module attributes {stable_mosaic.version = 14 : i64} {
  func.func @sc_cnt1(%arg0: i32, %arg1: i32, %arg2: memref<32x125x80xi32, #tpu.memory_space<hbm>>, %arg3: memref<2x10240xf32, #tpu.memory_space<hbm>>, %arg4: memref<10240xf32, #tpu.memory_space<vmem_shared>>, %arg5: memref<125x80xi32, #tpu.memory_space<vmem>>, %arg6: memref<80xf32, #tpu.memory_space<vmem>>, %arg7: memref<640xf32, #tpu.memory_space<vmem>>, %arg8: memref<5x!tpu.dma_semaphore, #tpu.memory_space<semaphore_mem>>) attributes {dimension_semantics = [#tpu.dimension_semantics<core_parallel>, #tpu.dimension_semantics<subcore_parallel>], iteration_bounds = array<i64: 2, 16>, scalar_prefetch = 0 : i64, scratch_operands = 5 : i64, tpu.core_type = #tpu.core_type<sc_vector_subcore>, window_params = [{transform_indices = #map}, {transform_indices = #map1}]} {
    %mul3A = arith.constant 16 : i32
    %mul3A_0 = arith.muli %arg0, %mul3A : i32
    %add3A = arith.addi %mul3A_0, %arg1 : i32
    %broadcast_in_dim3A = arith.constant 0.000000e+00 : f32
    %broadcast_in_dim3A_1 = vector.broadcast %broadcast_in_dim3A : f32 to vector<16xf32>
    %broadcast_in_dim3A_2 = arith.constant 1.000000e+00 : f32
    %broadcast_in_dim3A_3 = vector.broadcast %broadcast_in_dim3A_2 : f32 to vector<16xf32>
    %scan3A = arith.constant 0 : i32
    %scan3A_4 = arith.constant 0 : i32
    %scan3A_5 = arith.constant 40 : i32
    %scan3A_6 = arith.addi %scan3A_4, %scan3A_5 : i32
    %scan3A_7 = arith.constant 1 : i32
    scf.for %scan3A_41 = %scan3A_4 to %scan3A_6 step %scan3A_7  : i32 {
      %mul3A_42 = arith.constant 16 : i32
      %mul3A_43 = arith.muli %scan3A_41, %mul3A_42 : i32
      %swap3A_44 = arith.index_cast %mul3A_43 : i32 to index
      %swap3A_45 = tpu.vector_load %arg7[%swap3A_44] {strides = array<i32>} : memref<640xf32, #tpu.memory_space<vmem>>, vector<16xf32>,
      %swap3A_46 = vector.shape_cast %swap3A_45 : vector<16xf32> to vector<16xf32>
      %swap3A_47 = vector.shape_cast %broadcast_in_dim3A_1 : vector<16xf32> to vector<16xf32>
      tpu.vector_store %arg7[%swap3A_44], %swap3A_47 {strides = array<i32>} : memref<640xf32, #tpu.memory_space<vmem>>, vector<16xf32>,
    }
    %scan3A_8 = arith.constant 40 : i32
    %mul3A_9 = arith.constant 640 : i32
    %mul3A_10 = arith.muli %arg1, %mul3A_9 : i32
    "tpu.region"() ({
      %run_scoped3A = tpu.sem_alloc : memref<!tpu.dma_semaphore, #tpu.memory_space<semaphore_mem>>
      %dma_start3A = tpu.memref_slice %arg4[%mul3A_10] : memref<10240xf32, #tpu.memory_space<vmem_shared>> -> memref<640xf32, #tpu.memory_space<vmem_shared>>
      %dma_start3A_41 = tpu.memref_slice %arg4[%mul3A_10] : memref<10240xf32, #tpu.memory_space<vmem_shared>> -> memref<640xf32, #tpu.memory_space<vmem_shared>>
      tpu.enqueue_dma source(%arg7 : memref<640xf32, #tpu.memory_space<vmem>>) target(%dma_start3A_41 : memref<640xf32, #tpu.memory_space<vmem_shared>>) target_semaphore(%run_scoped3A : memref<!tpu.dma_semaphore, #tpu.memory_space<semaphore_mem>>)
      %dma_wait3A = tpu.memref_slice %arg4[%mul3A_10] : memref<10240xf32, #tpu.memory_space<vmem_shared>> -> memref<640xf32, #tpu.memory_space<vmem_shared>>
      %dma_wait3A_42 = tpu.memref_slice %arg4[%mul3A_10] : memref<10240xf32, #tpu.memory_space<vmem_shared>> -> memref<640xf32, #tpu.memory_space<vmem_shared>>
      tpu.wait_dma2 semaphore(%run_scoped3A : memref<!tpu.dma_semaphore, #tpu.memory_space<semaphore_mem>>) src(%arg7 : memref<640xf32, #tpu.memory_space<vmem>>) dst(%dma_wait3A_42 : memref<640xf32, #tpu.memory_space<vmem_shared>>)
      tpu.yield
    }) : () -> ()
    %swap3A = arith.constant 0 : index
    %swap3A_11 = tpu.vector_load %arg6[%swap3A] {strides = array<i32>} : memref<80xf32, #tpu.memory_space<vmem>>, vector<16xf32>,
    %swap3A_12 = vector.shape_cast %swap3A_11 : vector<16xf32> to vector<16xf32>
    %swap3A_13 = vector.shape_cast %broadcast_in_dim3A_3 : vector<16xf32> to vector<16xf32>
    tpu.vector_store %arg6[%swap3A], %swap3A_13 {strides = array<i32>} : memref<80xf32, #tpu.memory_space<vmem>>, vector<16xf32>,
    %swap3A_14 = arith.constant 16 : index
    %swap3A_15 = tpu.vector_load %arg6[%swap3A_14] {strides = array<i32>} : memref<80xf32, #tpu.memory_space<vmem>>, vector<16xf32>,
    %swap3A_16 = vector.shape_cast %swap3A_15 : vector<16xf32> to vector<16xf32>
    %swap3A_17 = vector.shape_cast %broadcast_in_dim3A_3 : vector<16xf32> to vector<16xf32>
    tpu.vector_store %arg6[%swap3A_14], %swap3A_17 {strides = array<i32>} : memref<80xf32, #tpu.memory_space<vmem>>, vector<16xf32>,
    %swap3A_18 = arith.constant 32 : index
    %swap3A_19 = tpu.vector_load %arg6[%swap3A_18] {strides = array<i32>} : memref<80xf32, #tpu.memory_space<vmem>>, vector<16xf32>,
    %swap3A_20 = vector.shape_cast %swap3A_19 : vector<16xf32> to vector<16xf32>
    %swap3A_21 = vector.shape_cast %broadcast_in_dim3A_3 : vector<16xf32> to vector<16xf32>
    tpu.vector_store %arg6[%swap3A_18], %swap3A_21 {strides = array<i32>} : memref<80xf32, #tpu.memory_space<vmem>>, vector<16xf32>,
    %swap3A_22 = arith.constant 48 : index
    %swap3A_23 = tpu.vector_load %arg6[%swap3A_22] {strides = array<i32>} : memref<80xf32, #tpu.memory_space<vmem>>, vector<16xf32>,
    %swap3A_24 = vector.shape_cast %swap3A_23 : vector<16xf32> to vector<16xf32>
    %swap3A_25 = vector.shape_cast %broadcast_in_dim3A_3 : vector<16xf32> to vector<16xf32>
    tpu.vector_store %arg6[%swap3A_22], %swap3A_25 {strides = array<i32>} : memref<80xf32, #tpu.memory_space<vmem>>, vector<16xf32>,
    %swap3A_26 = arith.constant 64 : index
    %swap3A_27 = tpu.vector_load %arg6[%swap3A_26] {strides = array<i32>} : memref<80xf32, #tpu.memory_space<vmem>>, vector<16xf32>,
    %swap3A_28 = vector.shape_cast %swap3A_27 : vector<16xf32> to vector<16xf32>
    %swap3A_29 = vector.shape_cast %broadcast_in_dim3A_3 : vector<16xf32> to vector<16xf32>
    tpu.vector_store %arg6[%swap3A_26], %swap3A_29 {strides = array<i32>} : memref<80xf32, #tpu.memory_space<vmem>>, vector<16xf32>,
    %barrier3A = arith.constant 0 : index
    tpu.barrier barrier_id(%barrier3A)
    "tpu.region"() ({
      %run_scoped3A = tpu.sem_alloc : memref<!tpu.dma_semaphore, #tpu.memory_space<semaphore_mem>>
      %dma_start3A = arith.constant 0 : i32
      %dma_start3A_41 = arith.constant 0 : i32
      %dma_start3A_42 = tpu.memref_slice %arg2[%add3A, %dma_start3A, %dma_start3A_41] : memref<32x125x80xi32, #tpu.memory_space<hbm>> -> memref<1x125x80xi32, #tpu.memory_space<hbm>>
      %dma_start3A_43 = tpu.memref_squeeze %dma_start3A_42 : memref<1x125x80xi32, #tpu.memory_space<hbm>> -> memref<125x80xi32, #tpu.memory_space<hbm>>
      %dma_start3A_44 = arith.constant 0 : i32
      %dma_start3A_45 = arith.constant 0 : i32
      %dma_start3A_46 = tpu.memref_slice %arg2[%add3A, %dma_start3A_44, %dma_start3A_45] : memref<32x125x80xi32, #tpu.memory_space<hbm>> -> memref<1x125x80xi32, #tpu.memory_space<hbm>>
      %dma_start3A_47 = tpu.memref_squeeze %dma_start3A_46 : memref<1x125x80xi32, #tpu.memory_space<hbm>> -> memref<125x80xi32, #tpu.memory_space<hbm>>
      tpu.enqueue_dma source(%dma_start3A_47 : memref<125x80xi32, #tpu.memory_space<hbm>>) target(%arg5 : memref<125x80xi32, #tpu.memory_space<vmem>>) target_semaphore(%run_scoped3A : memref<!tpu.dma_semaphore, #tpu.memory_space<semaphore_mem>>)
      %dma_wait3A = arith.constant 0 : i32
      %dma_wait3A_48 = arith.constant 0 : i32
      %dma_wait3A_49 = tpu.memref_slice %arg2[%add3A, %dma_wait3A, %dma_wait3A_48] : memref<32x125x80xi32, #tpu.memory_space<hbm>> -> memref<1x125x80xi32, #tpu.memory_space<hbm>>
      %dma_wait3A_50 = tpu.memref_squeeze %dma_wait3A_49 : memref<1x125x80xi32, #tpu.memory_space<hbm>> -> memref<125x80xi32, #tpu.memory_space<hbm>>
      %dma_wait3A_51 = arith.constant 0 : i32
      %dma_wait3A_52 = arith.constant 0 : i32
      %dma_wait3A_53 = tpu.memref_slice %arg2[%add3A, %dma_wait3A_51, %dma_wait3A_52] : memref<32x125x80xi32, #tpu.memory_space<hbm>> -> memref<1x125x80xi32, #tpu.memory_space<hbm>>
      %dma_wait3A_54 = tpu.memref_squeeze %dma_wait3A_53 : memref<1x125x80xi32, #tpu.memory_space<hbm>> -> memref<125x80xi32, #tpu.memory_space<hbm>>
      tpu.wait_dma2 semaphore(%run_scoped3A : memref<!tpu.dma_semaphore, #tpu.memory_space<semaphore_mem>>) src(%dma_wait3A_54 : memref<125x80xi32, #tpu.memory_space<hbm>>) dst(%arg5 : memref<125x80xi32, #tpu.memory_space<vmem>>)
      tpu.yield
    }) : () -> ()
    %scan3A_30 = arith.constant 0 : i32
    %scan3A_31 = arith.constant 0 : i32
    %scan3A_32 = arith.constant 25 : i32
    %scan3A_33 = arith.addi %scan3A_31, %scan3A_32 : i32
    %scan3A_34 = arith.constant 1 : i32
    scf.for %scan3A_41 = %scan3A_31 to %scan3A_33 step %scan3A_34  : i32 {
      %mul3A_42 = arith.constant 5 : i32
      %mul3A_43 = arith.muli %scan3A_41, %mul3A_42 : i32
      %add3A_44 = arith.constant 0 : i32
      %add3A_45 = arith.addi %mul3A_43, %add3A_44 : i32
      %dma_start3A = arith.constant 0 : i32
      %dma_start3A_46 = arith.constant 0 : i32
      %dma_start3A_47 = tpu.memref_slice %arg5[%add3A_45, %dma_start3A_46] : memref<125x80xi32, #tpu.memory_space<vmem>> -> memref<1x80xi32, #tpu.memory_space<vmem>>
      %dma_start3A_48 = tpu.memref_squeeze %dma_start3A_47 : memref<1x80xi32, #tpu.memory_space<vmem>> -> memref<80xi32, #tpu.memory_space<vmem>>
      %dma_start3A_49 = arith.constant 0 : i32
      %dma_start3A_50 = tpu.memref_slice %arg4[%dma_start3A_49] : memref<10240xf32, #tpu.memory_space<vmem_shared>> -> memref<10240xf32, #tpu.memory_space<vmem_shared>>
      %dma_start3A_51 = tpu.memref_slice %arg8[%dma_start3A] : memref<5x!tpu.dma_semaphore, #tpu.memory_space<semaphore_mem>> -> memref<1x!tpu.dma_semaphore, #tpu.memory_space<semaphore_mem>>
      %dma_start3A_52 = tpu.memref_squeeze %dma_start3A_51 : memref<1x!tpu.dma_semaphore, #tpu.memory_space<semaphore_mem>> -> memref<!tpu.dma_semaphore, #tpu.memory_space<semaphore_mem>>
      tpu.enqueue_indirect_dma source(%arg6 : memref<80xf32, #tpu.memory_space<vmem>>) target(%dma_start3A_50 : memref<10240xf32, #tpu.memory_space<vmem_shared>>) offsets(%dma_start3A_48 : memref<80xi32, #tpu.memory_space<vmem>>) semaphore(%dma_start3A_52 : memref<!tpu.dma_semaphore, #tpu.memory_space<semaphore_mem>>) {add = true}
      %add3A_53 = arith.constant 1 : i32
      %add3A_54 = arith.addi %mul3A_43, %add3A_53 : i32
      %dma_start3A_55 = arith.constant 1 : i32
      %dma_start3A_56 = arith.constant 0 : i32
      %dma_start3A_57 = tpu.memref_slice %arg5[%add3A_54, %dma_start3A_56] : memref<125x80xi32, #tpu.memory_space<vmem>> -> memref<1x80xi32, #tpu.memory_space<vmem>>
      %dma_start3A_58 = tpu.memref_squeeze %dma_start3A_57 : memref<1x80xi32, #tpu.memory_space<vmem>> -> memref<80xi32, #tpu.memory_space<vmem>>
      %dma_start3A_59 = arith.constant 0 : i32
      %dma_start3A_60 = tpu.memref_slice %arg4[%dma_start3A_59] : memref<10240xf32, #tpu.memory_space<vmem_shared>> -> memref<10240xf32, #tpu.memory_space<vmem_shared>>
      %dma_start3A_61 = tpu.memref_slice %arg8[%dma_start3A_55] : memref<5x!tpu.dma_semaphore, #tpu.memory_space<semaphore_mem>> -> memref<1x!tpu.dma_semaphore, #tpu.memory_space<semaphore_mem>>
      %dma_start3A_62 = tpu.memref_squeeze %dma_start3A_61 : memref<1x!tpu.dma_semaphore, #tpu.memory_space<semaphore_mem>> -> memref<!tpu.dma_semaphore, #tpu.memory_space<semaphore_mem>>
      tpu.enqueue_indirect_dma source(%arg6 : memref<80xf32, #tpu.memory_space<vmem>>) target(%dma_start3A_60 : memref<10240xf32, #tpu.memory_space<vmem_shared>>) offsets(%dma_start3A_58 : memref<80xi32, #tpu.memory_space<vmem>>) semaphore(%dma_start3A_62 : memref<!tpu.dma_semaphore, #tpu.memory_space<semaphore_mem>>) {add = true}
      %add3A_63 = arith.constant 2 : i32
      %add3A_64 = arith.addi %mul3A_43, %add3A_63 : i32
      %dma_start3A_65 = arith.constant 2 : i32
      %dma_start3A_66 = arith.constant 0 : i32
      %dma_start3A_67 = tpu.memref_slice %arg5[%add3A_64, %dma_start3A_66] : memref<125x80xi32, #tpu.memory_space<vmem>> -> memref<1x80xi32, #tpu.memory_space<vmem>>
      %dma_start3A_68 = tpu.memref_squeeze %dma_start3A_67 : memref<1x80xi32, #tpu.memory_space<vmem>> -> memref<80xi32, #tpu.memory_space<vmem>>
      %dma_start3A_69 = arith.constant 0 : i32
      %dma_start3A_70 = tpu.memref_slice %arg4[%dma_start3A_69] : memref<10240xf32, #tpu.memory_space<vmem_shared>> -> memref<10240xf32, #tpu.memory_space<vmem_shared>>
      %dma_start3A_71 = tpu.memref_slice %arg8[%dma_start3A_65] : memref<5x!tpu.dma_semaphore, #tpu.memory_space<semaphore_mem>> -> memref<1x!tpu.dma_semaphore, #tpu.memory_space<semaphore_mem>>
      %dma_start3A_72 = tpu.memref_squeeze %dma_start3A_71 : memref<1x!tpu.dma_semaphore, #tpu.memory_space<semaphore_mem>> -> memref<!tpu.dma_semaphore, #tpu.memory_space<semaphore_mem>>
      tpu.enqueue_indirect_dma source(%arg6 : memref<80xf32, #tpu.memory_space<vmem>>) target(%dma_start3A_70 : memref<10240xf32, #tpu.memory_space<vmem_shared>>) offsets(%dma_start3A_68 : memref<80xi32, #tpu.memory_space<vmem>>) semaphore(%dma_start3A_72 : memref<!tpu.dma_semaphore, #tpu.memory_space<semaphore_mem>>) {add = true}
      %add3A_73 = arith.constant 3 : i32
      %add3A_74 = arith.addi %mul3A_43, %add3A_73 : i32
      %dma_start3A_75 = arith.constant 3 : i32
      %dma_start3A_76 = arith.constant 0 : i32
      %dma_start3A_77 = tpu.memref_slice %arg5[%add3A_74, %dma_start3A_76] : memref<125x80xi32, #tpu.memory_space<vmem>> -> memref<1x80xi32, #tpu.memory_space<vmem>>
      %dma_start3A_78 = tpu.memref_squeeze %dma_start3A_77 : memref<1x80xi32, #tpu.memory_space<vmem>> -> memref<80xi32, #tpu.memory_space<vmem>>
      %dma_start3A_79 = arith.constant 0 : i32
      %dma_start3A_80 = tpu.memref_slice %arg4[%dma_start3A_79] : memref<10240xf32, #tpu.memory_space<vmem_shared>> -> memref<10240xf32, #tpu.memory_space<vmem_shared>>
      %dma_start3A_81 = tpu.memref_slice %arg8[%dma_start3A_75] : memref<5x!tpu.dma_semaphore, #tpu.memory_space<semaphore_mem>> -> memref<1x!tpu.dma_semaphore, #tpu.memory_space<semaphore_mem>>
      %dma_start3A_82 = tpu.memref_squeeze %dma_start3A_81 : memref<1x!tpu.dma_semaphore, #tpu.memory_space<semaphore_mem>> -> memref<!tpu.dma_semaphore, #tpu.memory_space<semaphore_mem>>
      tpu.enqueue_indirect_dma source(%arg6 : memref<80xf32, #tpu.memory_space<vmem>>) target(%dma_start3A_80 : memref<10240xf32, #tpu.memory_space<vmem_shared>>) offsets(%dma_start3A_78 : memref<80xi32, #tpu.memory_space<vmem>>) semaphore(%dma_start3A_82 : memref<!tpu.dma_semaphore, #tpu.memory_space<semaphore_mem>>) {add = true}
      %add3A_83 = arith.constant 4 : i32
      %add3A_84 = arith.addi %mul3A_43, %add3A_83 : i32
      %dma_start3A_85 = arith.constant 4 : i32
      %dma_start3A_86 = arith.constant 0 : i32
      %dma_start3A_87 = tpu.memref_slice %arg5[%add3A_84, %dma_start3A_86] : memref<125x80xi32, #tpu.memory_space<vmem>> -> memref<1x80xi32, #tpu.memory_space<vmem>>
      %dma_start3A_88 = tpu.memref_squeeze %dma_start3A_87 : memref<1x80xi32, #tpu.memory_space<vmem>> -> memref<80xi32, #tpu.memory_space<vmem>>
      %dma_start3A_89 = arith.constant 0 : i32
      %dma_start3A_90 = tpu.memref_slice %arg4[%dma_start3A_89] : memref<10240xf32, #tpu.memory_space<vmem_shared>> -> memref<10240xf32, #tpu.memory_space<vmem_shared>>
      %dma_start3A_91 = tpu.memref_slice %arg8[%dma_start3A_85] : memref<5x!tpu.dma_semaphore, #tpu.memory_space<semaphore_mem>> -> memref<1x!tpu.dma_semaphore, #tpu.memory_space<semaphore_mem>>
      %dma_start3A_92 = tpu.memref_squeeze %dma_start3A_91 : memref<1x!tpu.dma_semaphore, #tpu.memory_space<semaphore_mem>> -> memref<!tpu.dma_semaphore, #tpu.memory_space<semaphore_mem>>
      tpu.enqueue_indirect_dma source(%arg6 : memref<80xf32, #tpu.memory_space<vmem>>) target(%dma_start3A_90 : memref<10240xf32, #tpu.memory_space<vmem_shared>>) offsets(%dma_start3A_88 : memref<80xi32, #tpu.memory_space<vmem>>) semaphore(%dma_start3A_92 : memref<!tpu.dma_semaphore, #tpu.memory_space<semaphore_mem>>) {add = true}
      %add3A_93 = arith.constant 0 : i32
      %add3A_94 = arith.addi %mul3A_43, %add3A_93 : i32
      %dma_wait3A = arith.constant 0 : i32
      %dma_wait3A_95 = arith.constant 0 : i32
      %dma_wait3A_96 = tpu.memref_slice %arg5[%add3A_94, %dma_wait3A_95] : memref<125x80xi32, #tpu.memory_space<vmem>> -> memref<1x80xi32, #tpu.memory_space<vmem>>
      %dma_wait3A_97 = tpu.memref_squeeze %dma_wait3A_96 : memref<1x80xi32, #tpu.memory_space<vmem>> -> memref<80xi32, #tpu.memory_space<vmem>>
      %dma_wait3A_98 = arith.constant 0 : i32
      %dma_wait3A_99 = tpu.memref_slice %arg4[%dma_wait3A_98] : memref<10240xf32, #tpu.memory_space<vmem_shared>> -> memref<10240xf32, #tpu.memory_space<vmem_shared>>
      %dma_wait3A_100 = tpu.memref_slice %arg8[%dma_wait3A] : memref<5x!tpu.dma_semaphore, #tpu.memory_space<semaphore_mem>> -> memref<1x!tpu.dma_semaphore, #tpu.memory_space<semaphore_mem>>
      %dma_wait3A_101 = tpu.memref_squeeze %dma_wait3A_100 : memref<1x!tpu.dma_semaphore, #tpu.memory_space<semaphore_mem>> -> memref<!tpu.dma_semaphore, #tpu.memory_space<semaphore_mem>>
      tpu.wait_indirect_dma semaphore(%dma_wait3A_101 : memref<!tpu.dma_semaphore, #tpu.memory_space<semaphore_mem>>) src(%arg6 : memref<80xf32, #tpu.memory_space<vmem>>) dst(%dma_wait3A_99 : memref<10240xf32, #tpu.memory_space<vmem_shared>>)
      %add3A_102 = arith.constant 1 : i32
      %add3A_103 = arith.addi %mul3A_43, %add3A_102 : i32
      %dma_wait3A_104 = arith.constant 1 : i32
      %dma_wait3A_105 = arith.constant 0 : i32
      %dma_wait3A_106 = tpu.memref_slice %arg5[%add3A_103, %dma_wait3A_105] : memref<125x80xi32, #tpu.memory_space<vmem>> -> memref<1x80xi32, #tpu.memory_space<vmem>>
      %dma_wait3A_107 = tpu.memref_squeeze %dma_wait3A_106 : memref<1x80xi32, #tpu.memory_space<vmem>> -> memref<80xi32, #tpu.memory_space<vmem>>
      %dma_wait3A_108 = arith.constant 0 : i32
      %dma_wait3A_109 = tpu.memref_slice %arg4[%dma_wait3A_108] : memref<10240xf32, #tpu.memory_space<vmem_shared>> -> memref<10240xf32, #tpu.memory_space<vmem_shared>>
      %dma_wait3A_110 = tpu.memref_slice %arg8[%dma_wait3A_104] : memref<5x!tpu.dma_semaphore, #tpu.memory_space<semaphore_mem>> -> memref<1x!tpu.dma_semaphore, #tpu.memory_space<semaphore_mem>>
      %dma_wait3A_111 = tpu.memref_squeeze %dma_wait3A_110 : memref<1x!tpu.dma_semaphore, #tpu.memory_space<semaphore_mem>> -> memref<!tpu.dma_semaphore, #tpu.memory_space<semaphore_mem>>
      tpu.wait_indirect_dma semaphore(%dma_wait3A_111 : memref<!tpu.dma_semaphore, #tpu.memory_space<semaphore_mem>>) src(%arg6 : memref<80xf32, #tpu.memory_space<vmem>>) dst(%dma_wait3A_109 : memref<10240xf32, #tpu.memory_space<vmem_shared>>)
      %add3A_112 = arith.constant 2 : i32
      %add3A_113 = arith.addi %mul3A_43, %add3A_112 : i32
      %dma_wait3A_114 = arith.constant 2 : i32
      %dma_wait3A_115 = arith.constant 0 : i32
      %dma_wait3A_116 = tpu.memref_slice %arg5[%add3A_113, %dma_wait3A_115] : memref<125x80xi32, #tpu.memory_space<vmem>> -> memref<1x80xi32, #tpu.memory_space<vmem>>
      %dma_wait3A_117 = tpu.memref_squeeze %dma_wait3A_116 : memref<1x80xi32, #tpu.memory_space<vmem>> -> memref<80xi32, #tpu.memory_space<vmem>>
      %dma_wait3A_118 = arith.constant 0 : i32
      %dma_wait3A_119 = tpu.memref_slice %arg4[%dma_wait3A_118] : memref<10240xf32, #tpu.memory_space<vmem_shared>> -> memref<10240xf32, #tpu.memory_space<vmem_shared>>
      %dma_wait3A_120 = tpu.memref_slice %arg8[%dma_wait3A_114] : memref<5x!tpu.dma_semaphore, #tpu.memory_space<semaphore_mem>> -> memref<1x!tpu.dma_semaphore, #tpu.memory_space<semaphore_mem>>
      %dma_wait3A_121 = tpu.memref_squeeze %dma_wait3A_120 : memref<1x!tpu.dma_semaphore, #tpu.memory_space<semaphore_mem>> -> memref<!tpu.dma_semaphore, #tpu.memory_space<semaphore_mem>>
      tpu.wait_indirect_dma semaphore(%dma_wait3A_121 : memref<!tpu.dma_semaphore, #tpu.memory_space<semaphore_mem>>) src(%arg6 : memref<80xf32, #tpu.memory_space<vmem>>) dst(%dma_wait3A_119 : memref<10240xf32, #tpu.memory_space<vmem_shared>>)
      %add3A_122 = arith.constant 3 : i32
      %add3A_123 = arith.addi %mul3A_43, %add3A_122 : i32
      %dma_wait3A_124 = arith.constant 3 : i32
      %dma_wait3A_125 = arith.constant 0 : i32
      %dma_wait3A_126 = tpu.memref_slice %arg5[%add3A_123, %dma_wait3A_125] : memref<125x80xi32, #tpu.memory_space<vmem>> -> memref<1x80xi32, #tpu.memory_space<vmem>>
      %dma_wait3A_127 = tpu.memref_squeeze %dma_wait3A_126 : memref<1x80xi32, #tpu.memory_space<vmem>> -> memref<80xi32, #tpu.memory_space<vmem>>
      %dma_wait3A_128 = arith.constant 0 : i32
      %dma_wait3A_129 = tpu.memref_slice %arg4[%dma_wait3A_128] : memref<10240xf32, #tpu.memory_space<vmem_shared>> -> memref<10240xf32, #tpu.memory_space<vmem_shared>>
      %dma_wait3A_130 = tpu.memref_slice %arg8[%dma_wait3A_124] : memref<5x!tpu.dma_semaphore, #tpu.memory_space<semaphore_mem>> -> memref<1x!tpu.dma_semaphore, #tpu.memory_space<semaphore_mem>>
      %dma_wait3A_131 = tpu.memref_squeeze %dma_wait3A_130 : memref<1x!tpu.dma_semaphore, #tpu.memory_space<semaphore_mem>> -> memref<!tpu.dma_semaphore, #tpu.memory_space<semaphore_mem>>
      tpu.wait_indirect_dma semaphore(%dma_wait3A_131 : memref<!tpu.dma_semaphore, #tpu.memory_space<semaphore_mem>>) src(%arg6 : memref<80xf32, #tpu.memory_space<vmem>>) dst(%dma_wait3A_129 : memref<10240xf32, #tpu.memory_space<vmem_shared>>)
      %add3A_132 = arith.constant 4 : i32
      %add3A_133 = arith.addi %mul3A_43, %add3A_132 : i32
      %dma_wait3A_134 = arith.constant 4 : i32
      %dma_wait3A_135 = arith.constant 0 : i32
      %dma_wait3A_136 = tpu.memref_slice %arg5[%add3A_133, %dma_wait3A_135] : memref<125x80xi32, #tpu.memory_space<vmem>> -> memref<1x80xi32, #tpu.memory_space<vmem>>
      %dma_wait3A_137 = tpu.memref_squeeze %dma_wait3A_136 : memref<1x80xi32, #tpu.memory_space<vmem>> -> memref<80xi32, #tpu.memory_space<vmem>>
      %dma_wait3A_138 = arith.constant 0 : i32
      %dma_wait3A_139 = tpu.memref_slice %arg4[%dma_wait3A_138] : memref<10240xf32, #tpu.memory_space<vmem_shared>> -> memref<10240xf32, #tpu.memory_space<vmem_shared>>
      %dma_wait3A_140 = tpu.memref_slice %arg8[%dma_wait3A_134] : memref<5x!tpu.dma_semaphore, #tpu.memory_space<semaphore_mem>> -> memref<1x!tpu.dma_semaphore, #tpu.memory_space<semaphore_mem>>
      %dma_wait3A_141 = tpu.memref_squeeze %dma_wait3A_140 : memref<1x!tpu.dma_semaphore, #tpu.memory_space<semaphore_mem>> -> memref<!tpu.dma_semaphore, #tpu.memory_space<semaphore_mem>>
      tpu.wait_indirect_dma semaphore(%dma_wait3A_141 : memref<!tpu.dma_semaphore, #tpu.memory_space<semaphore_mem>>) src(%arg6 : memref<80xf32, #tpu.memory_space<vmem>>) dst(%dma_wait3A_139 : memref<10240xf32, #tpu.memory_space<vmem_shared>>)
    }
    %scan3A_35 = arith.constant 25 : i32
    %barrier3A_36 = arith.constant 0 : index
    tpu.barrier barrier_id(%barrier3A_36)
    %mul3A_37 = arith.constant 640 : i32
    %mul3A_38 = arith.muli %arg1, %mul3A_37 : i32
    "tpu.region"() ({
      %run_scoped3A = tpu.sem_alloc : memref<!tpu.dma_semaphore, #tpu.memory_space<semaphore_mem>>
      %dma_start3A = tpu.memref_slice %arg4[%mul3A_38] : memref<10240xf32, #tpu.memory_space<vmem_shared>> -> memref<640xf32, #tpu.memory_space<vmem_shared>>
      %dma_start3A_41 = tpu.memref_slice %arg4[%mul3A_38] : memref<10240xf32, #tpu.memory_space<vmem_shared>> -> memref<640xf32, #tpu.memory_space<vmem_shared>>
      tpu.enqueue_dma source(%dma_start3A_41 : memref<640xf32, #tpu.memory_space<vmem_shared>>) target(%arg7 : memref<640xf32, #tpu.memory_space<vmem>>) target_semaphore(%run_scoped3A : memref<!tpu.dma_semaphore, #tpu.memory_space<semaphore_mem>>)
      %dma_wait3A = tpu.memref_slice %arg4[%mul3A_38] : memref<10240xf32, #tpu.memory_space<vmem_shared>> -> memref<640xf32, #tpu.memory_space<vmem_shared>>
      %dma_wait3A_42 = tpu.memref_slice %arg4[%mul3A_38] : memref<10240xf32, #tpu.memory_space<vmem_shared>> -> memref<640xf32, #tpu.memory_space<vmem_shared>>
      tpu.wait_dma2 semaphore(%run_scoped3A : memref<!tpu.dma_semaphore, #tpu.memory_space<semaphore_mem>>) src(%dma_wait3A_42 : memref<640xf32, #tpu.memory_space<vmem_shared>>) dst(%arg7 : memref<640xf32, #tpu.memory_space<vmem>>)
      tpu.yield
    }) : () -> ()
    %mul3A_39 = arith.constant 640 : i32
    %mul3A_40 = arith.muli %arg1, %mul3A_39 : i32
    "tpu.region"() ({
      %run_scoped3A = tpu.sem_alloc : memref<!tpu.dma_semaphore, #tpu.memory_space<semaphore_mem>>
      %dma_start3A = tpu.memref_slice %arg3[%arg0, %mul3A_40] : memref<2x10240xf32, #tpu.memory_space<hbm>> -> memref<1x640xf32, #tpu.memory_space<hbm>>
      %dma_start3A_41 = tpu.memref_squeeze %dma_start3A : memref<1x640xf32, #tpu.memory_space<hbm>> -> memref<640xf32, #tpu.memory_space<hbm>>
      %dma_start3A_42 = tpu.memref_slice %arg3[%arg0, %mul3A_40] : memref<2x10240xf32, #tpu.memory_space<hbm>> -> memref<1x640xf32, #tpu.memory_space<hbm>>
      %dma_start3A_43 = tpu.memref_squeeze %dma_start3A_42 : memref<1x640xf32, #tpu.memory_space<hbm>> -> memref<640xf32, #tpu.memory_space<hbm>>
      tpu.enqueue_dma source(%arg7 : memref<640xf32, #tpu.memory_space<vmem>>) target(%dma_start3A_43 : memref<640xf32, #tpu.memory_space<hbm>>) target_semaphore(%run_scoped3A : memref<!tpu.dma_semaphore, #tpu.memory_space<semaphore_mem>>)
      %dma_wait3A = tpu.memref_slice %arg3[%arg0, %mul3A_40] : memref<2x10240xf32, #tpu.memory_space<hbm>> -> memref<1x640xf32, #tpu.memory_space<hbm>>
      %dma_wait3A_44 = tpu.memref_squeeze %dma_wait3A : memref<1x640xf32, #tpu.memory_space<hbm>> -> memref<640xf32, #tpu.memory_space<hbm>>
      %dma_wait3A_45 = tpu.memref_slice %arg3[%arg0, %mul3A_40] : memref<2x10240xf32, #tpu.memory_space<hbm>> -> memref<1x640xf32, #tpu.memory_space<hbm>>
      %dma_wait3A_46 = tpu.memref_squeeze %dma_wait3A_45 : memref<1x640xf32, #tpu.memory_space<hbm>> -> memref<640xf32, #tpu.memory_space<hbm>>
      tpu.wait_dma2 semaphore(%run_scoped3A : memref<!tpu.dma_semaphore, #tpu.memory_space<semaphore_mem>>) src(%arg7 : memref<640xf32, #tpu.memory_space<vmem>>) dst(%dma_wait3A_46 : memref<640xf32, #tpu.memory_space<hbm>>)
      tpu.yield
    }) : () -> ()
    return
  }
}

#map = affine_map<(d0, d1) -> (0, 0, 0)>
#map1 = affine_map<(d0, d1) -> (0, 0)>
module attributes {stable_mosaic.version = 14 : i64} {
  func.func @sc_feat(%arg0: i32, %arg1: i32, %arg2: memref<32x125x80xi32, #tpu.memory_space<hbm>>, %arg3: memref<32x125x80xi32, #tpu.memory_space<hbm>>, %arg4: memref<10240x32xf32, #tpu.memory_space<hbm>>, %arg5: memref<2x10240x32xf32, #tpu.memory_space<hbm>>, %arg6: memref<10240x32xf32, #tpu.memory_space<vmem_shared>>, %arg7: memref<125x80xi32, #tpu.memory_space<vmem>>, %arg8: memref<125x80xi32, #tpu.memory_space<vmem>>, %arg9: memref<5x80x32xf32, #tpu.memory_space<vmem>>, %arg10: memref<640x32xf32, #tpu.memory_space<vmem>>, %arg11: memref<5x!tpu.dma_semaphore, #tpu.memory_space<semaphore_mem>>, %arg12: memref<5x!tpu.dma_semaphore, #tpu.memory_space<semaphore_mem>>) attributes {dimension_semantics = [#tpu.dimension_semantics<core_parallel>, #tpu.dimension_semantics<subcore_parallel>], iteration_bounds = array<i64: 2, 16>, scalar_prefetch = 0 : i64, scratch_operands = 7 : i64, tpu.core_type = #tpu.core_type<sc_vector_subcore>, window_params = [{transform_indices = #map}, {transform_indices = #map}, {transform_indices = #map1}, {transform_indices = #map}]} {
    %mul3A = arith.constant 16 : i32
    %mul3A_0 = arith.muli %arg0, %mul3A : i32
    %add3A = arith.addi %mul3A_0, %arg1 : i32
    %broadcast_in_dim3A = arith.constant 0.000000e+00 : f32
    %broadcast_in_dim3A_1 = vector.broadcast %broadcast_in_dim3A : f32 to vector<16xf32>
    %scan3A = arith.constant 0 : i32
    %scan3A_2 = arith.constant 0 : i32
    %scan3A_3 = arith.constant 640 : i32
    %scan3A_4 = arith.addi %scan3A_2, %scan3A_3 : i32
    %scan3A_5 = arith.constant 1 : i32
    scf.for %scan3A_318 = %scan3A_2 to %scan3A_4 step %scan3A_5  : i32 {
      %swap3A = arith.index_cast %scan3A_318 : i32 to index
      %swap3A_319 = arith.constant 0 : index
      %swap3A_320 = tpu.vector_load %arg10[%swap3A, %swap3A_319] {strides = array<i32>} : memref<640x32xf32, #tpu.memory_space<vmem>>, vector<1x16xf32>,
      %swap3A_321 = vector.shape_cast %swap3A_320 : vector<1x16xf32> to vector<16xf32>
      %swap3A_322 = vector.shape_cast %broadcast_in_dim3A_1 : vector<16xf32> to vector<1x16xf32>
      tpu.vector_store %arg10[%swap3A, %swap3A_319], %swap3A_322 {strides = array<i32>} : memref<640x32xf32, #tpu.memory_space<vmem>>, vector<1x16xf32>,
      %swap3A_323 = arith.index_cast %scan3A_318 : i32 to index
      %swap3A_324 = arith.constant 16 : index
      %swap3A_325 = tpu.vector_load %arg10[%swap3A_323, %swap3A_324] {strides = array<i32>} : memref<640x32xf32, #tpu.memory_space<vmem>>, vector<1x16xf32>,
      %swap3A_326 = vector.shape_cast %swap3A_325 : vector<1x16xf32> to vector<16xf32>
      %swap3A_327 = vector.shape_cast %broadcast_in_dim3A_1 : vector<16xf32> to vector<1x16xf32>
      tpu.vector_store %arg10[%swap3A_323, %swap3A_324], %swap3A_327 {strides = array<i32>} : memref<640x32xf32, #tpu.memory_space<vmem>>, vector<1x16xf32>,
    }
    %scan3A_6 = arith.constant 640 : i32
    %mul3A_7 = arith.constant 640 : i32
    %mul3A_8 = arith.muli %arg1, %mul3A_7 : i32
    "tpu.region"() ({
      %run_scoped3A = tpu.sem_alloc : memref<!tpu.dma_semaphore, #tpu.memory_space<semaphore_mem>>
      %dma_start3A_318 = arith.constant 0 : i32
      %dma_start3A_319 = tpu.memref_slice %arg6[%mul3A_8, %dma_start3A_318] : memref<10240x32xf32, #tpu.memory_space<vmem_shared>> -> memref<640x32xf32, #tpu.memory_space<vmem_shared>>
      %dma_start3A_320 = arith.constant 0 : i32
      %dma_start3A_321 = tpu.memref_slice %arg6[%mul3A_8, %dma_start3A_320] : memref<10240x32xf32, #tpu.memory_space<vmem_shared>> -> memref<640x32xf32, #tpu.memory_space<vmem_shared>>
      tpu.enqueue_dma source(%arg10 : memref<640x32xf32, #tpu.memory_space<vmem>>) target(%dma_start3A_321 : memref<640x32xf32, #tpu.memory_space<vmem_shared>>) target_semaphore(%run_scoped3A : memref<!tpu.dma_semaphore, #tpu.memory_space<semaphore_mem>>)
      %dma_wait3A_322 = arith.constant 0 : i32
      %dma_wait3A_323 = tpu.memref_slice %arg6[%mul3A_8, %dma_wait3A_322] : memref<10240x32xf32, #tpu.memory_space<vmem_shared>> -> memref<640x32xf32, #tpu.memory_space<vmem_shared>>
      %dma_wait3A_324 = arith.constant 0 : i32
      %dma_wait3A_325 = tpu.memref_slice %arg6[%mul3A_8, %dma_wait3A_324] : memref<10240x32xf32, #tpu.memory_space<vmem_shared>> -> memref<640x32xf32, #tpu.memory_space<vmem_shared>>
      tpu.wait_dma2 semaphore(%run_scoped3A : memref<!tpu.dma_semaphore, #tpu.memory_space<semaphore_mem>>) src(%arg10 : memref<640x32xf32, #tpu.memory_space<vmem>>) dst(%dma_wait3A_325 : memref<640x32xf32, #tpu.memory_space<vmem_shared>>)
      tpu.yield
    }) : () -> ()
    %barrier3A = arith.constant 0 : index
    tpu.barrier barrier_id(%barrier3A)
    "tpu.region"() ({
      %run_scoped3A = tpu.sem_alloc : memref<!tpu.dma_semaphore, #tpu.memory_space<semaphore_mem>>
      %dma_start3A_318 = arith.constant 0 : i32
      %dma_start3A_319 = arith.constant 0 : i32
      %dma_start3A_320 = tpu.memref_slice %arg2[%add3A, %dma_start3A_318, %dma_start3A_319] : memref<32x125x80xi32, #tpu.memory_space<hbm>> -> memref<1x125x80xi32, #tpu.memory_space<hbm>>
      %dma_start3A_321 = tpu.memref_squeeze %dma_start3A_320 : memref<1x125x80xi32, #tpu.memory_space<hbm>> -> memref<125x80xi32, #tpu.memory_space<hbm>>
      %dma_start3A_322 = arith.constant 0 : i32
      %dma_start3A_323 = arith.constant 0 : i32
      %dma_start3A_324 = tpu.memref_slice %arg2[%add3A, %dma_start3A_322, %dma_start3A_323] : memref<32x125x80xi32, #tpu.memory_space<hbm>> -> memref<1x125x80xi32, #tpu.memory_space<hbm>>
      %dma_start3A_325 = tpu.memref_squeeze %dma_start3A_324 : memref<1x125x80xi32, #tpu.memory_space<hbm>> -> memref<125x80xi32, #tpu.memory_space<hbm>>
      tpu.enqueue_dma source(%dma_start3A_325 : memref<125x80xi32, #tpu.memory_space<hbm>>) target(%arg7 : memref<125x80xi32, #tpu.memory_space<vmem>>) target_semaphore(%run_scoped3A : memref<!tpu.dma_semaphore, #tpu.memory_space<semaphore_mem>>)
      %dma_wait3A_326 = arith.constant 0 : i32
      %dma_wait3A_327 = arith.constant 0 : i32
      %dma_wait3A_328 = tpu.memref_slice %arg2[%add3A, %dma_wait3A_326, %dma_wait3A_327] : memref<32x125x80xi32, #tpu.memory_space<hbm>> -> memref<1x125x80xi32, #tpu.memory_space<hbm>>
      %dma_wait3A_329 = tpu.memref_squeeze %dma_wait3A_328 : memref<1x125x80xi32, #tpu.memory_space<hbm>> -> memref<125x80xi32, #tpu.memory_space<hbm>>
      %dma_wait3A_330 = arith.constant 0 : i32
      %dma_wait3A_331 = arith.constant 0 : i32
      %dma_wait3A_332 = tpu.memref_slice %arg2[%add3A, %dma_wait3A_330, %dma_wait3A_331] : memref<32x125x80xi32, #tpu.memory_space<hbm>> -> memref<1x125x80xi32, #tpu.memory_space<hbm>>
      %dma_wait3A_333 = tpu.memref_squeeze %dma_wait3A_332 : memref<1x125x80xi32, #tpu.memory_space<hbm>> -> memref<125x80xi32, #tpu.memory_space<hbm>>
      tpu.wait_dma2 semaphore(%run_scoped3A : memref<!tpu.dma_semaphore, #tpu.memory_space<semaphore_mem>>) src(%dma_wait3A_333 : memref<125x80xi32, #tpu.memory_space<hbm>>) dst(%arg7 : memref<125x80xi32, #tpu.memory_space<vmem>>)
      tpu.yield
    }) : () -> ()
    "tpu.region"() ({
      %run_scoped3A = tpu.sem_alloc : memref<!tpu.dma_semaphore, #tpu.memory_space<semaphore_mem>>
      %dma_start3A_318 = arith.constant 0 : i32
      %dma_start3A_319 = arith.constant 0 : i32
      %dma_start3A_320 = tpu.memref_slice %arg3[%add3A, %dma_start3A_318, %dma_start3A_319] : memref<32x125x80xi32, #tpu.memory_space<hbm>> -> memref<1x125x80xi32, #tpu.memory_space<hbm>>
      %dma_start3A_321 = tpu.memref_squeeze %dma_start3A_320 : memref<1x125x80xi32, #tpu.memory_space<hbm>> -> memref<125x80xi32, #tpu.memory_space<hbm>>
      %dma_start3A_322 = arith.constant 0 : i32
      %dma_start3A_323 = arith.constant 0 : i32
      %dma_start3A_324 = tpu.memref_slice %arg3[%add3A, %dma_start3A_322, %dma_start3A_323] : memref<32x125x80xi32, #tpu.memory_space<hbm>> -> memref<1x125x80xi32, #tpu.memory_space<hbm>>
      %dma_start3A_325 = tpu.memref_squeeze %dma_start3A_324 : memref<1x125x80xi32, #tpu.memory_space<hbm>> -> memref<125x80xi32, #tpu.memory_space<hbm>>
      tpu.enqueue_dma source(%dma_start3A_325 : memref<125x80xi32, #tpu.memory_space<hbm>>) target(%arg8 : memref<125x80xi32, #tpu.memory_space<vmem>>) target_semaphore(%run_scoped3A : memref<!tpu.dma_semaphore, #tpu.memory_space<semaphore_mem>>)
      %dma_wait3A_326 = arith.constant 0 : i32
      %dma_wait3A_327 = arith.constant 0 : i32
      %dma_wait3A_328 = tpu.memref_slice %arg3[%add3A, %dma_wait3A_326, %dma_wait3A_327] : memref<32x125x80xi32, #tpu.memory_space<hbm>> -> memref<1x125x80xi32, #tpu.memory_space<hbm>>
      %dma_wait3A_329 = tpu.memref_squeeze %dma_wait3A_328 : memref<1x125x80xi32, #tpu.memory_space<hbm>> -> memref<125x80xi32, #tpu.memory_space<hbm>>
      %dma_wait3A_330 = arith.constant 0 : i32
      %dma_wait3A_331 = arith.constant 0 : i32
      %dma_wait3A_332 = tpu.memref_slice %arg3[%add3A, %dma_wait3A_330, %dma_wait3A_331] : memref<32x125x80xi32, #tpu.memory_space<hbm>> -> memref<1x125x80xi32, #tpu.memory_space<hbm>>
      %dma_wait3A_333 = tpu.memref_squeeze %dma_wait3A_332 : memref<1x125x80xi32, #tpu.memory_space<hbm>> -> memref<125x80xi32, #tpu.memory_space<hbm>>
      tpu.wait_dma2 semaphore(%run_scoped3A : memref<!tpu.dma_semaphore, #tpu.memory_space<semaphore_mem>>) src(%dma_wait3A_333 : memref<125x80xi32, #tpu.memory_space<hbm>>) dst(%arg8 : memref<125x80xi32, #tpu.memory_space<vmem>>)
      tpu.yield
    }) : () -> ()
    %dma_start3A = arith.constant 0 : i32
    %dma_start3A_9 = arith.constant 0 : i32
    %dma_start3A_10 = arith.constant 0 : i32
    %dma_start3A_11 = arith.constant 0 : i32
    %dma_start3A_12 = arith.constant 0 : i32
    %dma_start3A_13 = tpu.memref_slice %arg9[%dma_start3A_9, %dma_start3A_11, %dma_start3A_12] : memref<5x80x32xf32, #tpu.memory_space<vmem>> -> memref<1x80x32xf32, #tpu.memory_space<vmem>>
    %dma_start3A_14 = tpu.memref_squeeze %dma_start3A_13 : memref<1x80x32xf32, #tpu.memory_space<vmem>> -> memref<80x32xf32, #tpu.memory_space<vmem>>
    %dma_start3A_15 = arith.constant 0 : i32
    %dma_start3A_16 = tpu.memref_slice %arg7[%dma_start3A, %dma_start3A_15] : memref<125x80xi32, #tpu.memory_space<vmem>> -> memref<1x80xi32, #tpu.memory_space<vmem>>
    %dma_start3A_17 = tpu.memref_squeeze %dma_start3A_16 : memref<1x80xi32, #tpu.memory_space<vmem>> -> memref<80xi32, #tpu.memory_space<vmem>>
    %dma_start3A_18 = arith.constant 0 : i32
    %dma_start3A_19 = arith.constant 0 : i32
    %dma_start3A_20 = tpu.memref_slice %arg4[%dma_start3A_18, %dma_start3A_19] : memref<10240x32xf32, #tpu.memory_space<hbm>> -> memref<10240x32xf32, #tpu.memory_space<hbm>>
    %dma_start3A_21 = tpu.memref_slice %arg11[%dma_start3A_10] : memref<5x!tpu.dma_semaphore, #tpu.memory_space<semaphore_mem>> -> memref<1x!tpu.dma_semaphore, #tpu.memory_space<semaphore_mem>>
    %dma_start3A_22 = tpu.memref_squeeze %dma_start3A_21 : memref<1x!tpu.dma_semaphore, #tpu.memory_space<semaphore_mem>> -> memref<!tpu.dma_semaphore, #tpu.memory_space<semaphore_mem>>
    tpu.enqueue_indirect_dma source(%dma_start3A_20 : memref<10240x32xf32, #tpu.memory_space<hbm>>) target(%dma_start3A_14 : memref<80x32xf32, #tpu.memory_space<vmem>>) offsets(%dma_start3A_17 : memref<80xi32, #tpu.memory_space<vmem>>) semaphore(%dma_start3A_22 : memref<!tpu.dma_semaphore, #tpu.memory_space<semaphore_mem>>)
    %dma_start3A_23 = arith.constant 1 : i32
    %dma_start3A_24 = arith.constant 1 : i32
    %dma_start3A_25 = arith.constant 1 : i32
    %dma_start3A_26 = arith.constant 0 : i32
    %dma_start3A_27 = arith.constant 0 : i32
    %dma_start3A_28 = tpu.memref_slice %arg9[%dma_start3A_24, %dma_start3A_26, %dma_start3A_27] : memref<5x80x32xf32, #tpu.memory_space<vmem>> -> memref<1x80x32xf32, #tpu.memory_space<vmem>>
    %dma_start3A_29 = tpu.memref_squeeze %dma_start3A_28 : memref<1x80x32xf32, #tpu.memory_space<vmem>> -> memref<80x32xf32, #tpu.memory_space<vmem>>
    %dma_start3A_30 = arith.constant 0 : i32
    %dma_start3A_31 = tpu.memref_slice %arg7[%dma_start3A_23, %dma_start3A_30] : memref<125x80xi32, #tpu.memory_space<vmem>> -> memref<1x80xi32, #tpu.memory_space<vmem>>
    %dma_start3A_32 = tpu.memref_squeeze %dma_start3A_31 : memref<1x80xi32, #tpu.memory_space<vmem>> -> memref<80xi32, #tpu.memory_space<vmem>>
    %dma_start3A_33 = arith.constant 0 : i32
    %dma_start3A_34 = arith.constant 0 : i32
    %dma_start3A_35 = tpu.memref_slice %arg4[%dma_start3A_33, %dma_start3A_34] : memref<10240x32xf32, #tpu.memory_space<hbm>> -> memref<10240x32xf32, #tpu.memory_space<hbm>>
    %dma_start3A_36 = tpu.memref_slice %arg11[%dma_start3A_25] : memref<5x!tpu.dma_semaphore, #tpu.memory_space<semaphore_mem>> -> memref<1x!tpu.dma_semaphore, #tpu.memory_space<semaphore_mem>>
    %dma_start3A_37 = tpu.memref_squeeze %dma_start3A_36 : memref<1x!tpu.dma_semaphore, #tpu.memory_space<semaphore_mem>> -> memref<!tpu.dma_semaphore, #tpu.memory_space<semaphore_mem>>
    tpu.enqueue_indirect_dma source(%dma_start3A_35 : memref<10240x32xf32, #tpu.memory_space<hbm>>) target(%dma_start3A_29 : memref<80x32xf32, #tpu.memory_space<vmem>>) offsets(%dma_start3A_32 : memref<80xi32, #tpu.memory_space<vmem>>) semaphore(%dma_start3A_37 : memref<!tpu.dma_semaphore, #tpu.memory_space<semaphore_mem>>)
    %dma_start3A_38 = arith.constant 2 : i32
    %dma_start3A_39 = arith.constant 2 : i32
    %dma_start3A_40 = arith.constant 2 : i32
    %dma_start3A_41 = arith.constant 0 : i32
    %dma_start3A_42 = arith.constant 0 : i32
    %dma_start3A_43 = tpu.memref_slice %arg9[%dma_start3A_39, %dma_start3A_41, %dma_start3A_42] : memref<5x80x32xf32, #tpu.memory_space<vmem>> -> memref<1x80x32xf32, #tpu.memory_space<vmem>>
    %dma_start3A_44 = tpu.memref_squeeze %dma_start3A_43 : memref<1x80x32xf32, #tpu.memory_space<vmem>> -> memref<80x32xf32, #tpu.memory_space<vmem>>
    %dma_start3A_45 = arith.constant 0 : i32
    %dma_start3A_46 = tpu.memref_slice %arg7[%dma_start3A_38, %dma_start3A_45] : memref<125x80xi32, #tpu.memory_space<vmem>> -> memref<1x80xi32, #tpu.memory_space<vmem>>
    %dma_start3A_47 = tpu.memref_squeeze %dma_start3A_46 : memref<1x80xi32, #tpu.memory_space<vmem>> -> memref<80xi32, #tpu.memory_space<vmem>>
    %dma_start3A_48 = arith.constant 0 : i32
    %dma_start3A_49 = arith.constant 0 : i32
    %dma_start3A_50 = tpu.memref_slice %arg4[%dma_start3A_48, %dma_start3A_49] : memref<10240x32xf32, #tpu.memory_space<hbm>> -> memref<10240x32xf32, #tpu.memory_space<hbm>>
    %dma_start3A_51 = tpu.memref_slice %arg11[%dma_start3A_40] : memref<5x!tpu.dma_semaphore, #tpu.memory_space<semaphore_mem>> -> memref<1x!tpu.dma_semaphore, #tpu.memory_space<semaphore_mem>>
    %dma_start3A_52 = tpu.memref_squeeze %dma_start3A_51 : memref<1x!tpu.dma_semaphore, #tpu.memory_space<semaphore_mem>> -> memref<!tpu.dma_semaphore, #tpu.memory_space<semaphore_mem>>
    tpu.enqueue_indirect_dma source(%dma_start3A_50 : memref<10240x32xf32, #tpu.memory_space<hbm>>) target(%dma_start3A_44 : memref<80x32xf32, #tpu.memory_space<vmem>>) offsets(%dma_start3A_47 : memref<80xi32, #tpu.memory_space<vmem>>) semaphore(%dma_start3A_52 : memref<!tpu.dma_semaphore, #tpu.memory_space<semaphore_mem>>)
    %dma_start3A_53 = arith.constant 3 : i32
    %dma_start3A_54 = arith.constant 3 : i32
    %dma_start3A_55 = arith.constant 3 : i32
    %dma_start3A_56 = arith.constant 0 : i32
    %dma_start3A_57 = arith.constant 0 : i32
    %dma_start3A_58 = tpu.memref_slice %arg9[%dma_start3A_54, %dma_start3A_56, %dma_start3A_57] : memref<5x80x32xf32, #tpu.memory_space<vmem>> -> memref<1x80x32xf32, #tpu.memory_space<vmem>>
    %dma_start3A_59 = tpu.memref_squeeze %dma_start3A_58 : memref<1x80x32xf32, #tpu.memory_space<vmem>> -> memref<80x32xf32, #tpu.memory_space<vmem>>
    %dma_start3A_60 = arith.constant 0 : i32
    %dma_start3A_61 = tpu.memref_slice %arg7[%dma_start3A_53, %dma_start3A_60] : memref<125x80xi32, #tpu.memory_space<vmem>> -> memref<1x80xi32, #tpu.memory_space<vmem>>
    %dma_start3A_62 = tpu.memref_squeeze %dma_start3A_61 : memref<1x80xi32, #tpu.memory_space<vmem>> -> memref<80xi32, #tpu.memory_space<vmem>>
    %dma_start3A_63 = arith.constant 0 : i32
    %dma_start3A_64 = arith.constant 0 : i32
    %dma_start3A_65 = tpu.memref_slice %arg4[%dma_start3A_63, %dma_start3A_64] : memref<10240x32xf32, #tpu.memory_space<hbm>> -> memref<10240x32xf32, #tpu.memory_space<hbm>>
    %dma_start3A_66 = tpu.memref_slice %arg11[%dma_start3A_55] : memref<5x!tpu.dma_semaphore, #tpu.memory_space<semaphore_mem>> -> memref<1x!tpu.dma_semaphore, #tpu.memory_space<semaphore_mem>>
    %dma_start3A_67 = tpu.memref_squeeze %dma_start3A_66 : memref<1x!tpu.dma_semaphore, #tpu.memory_space<semaphore_mem>> -> memref<!tpu.dma_semaphore, #tpu.memory_space<semaphore_mem>>
    tpu.enqueue_indirect_dma source(%dma_start3A_65 : memref<10240x32xf32, #tpu.memory_space<hbm>>) target(%dma_start3A_59 : memref<80x32xf32, #tpu.memory_space<vmem>>) offsets(%dma_start3A_62 : memref<80xi32, #tpu.memory_space<vmem>>) semaphore(%dma_start3A_67 : memref<!tpu.dma_semaphore, #tpu.memory_space<semaphore_mem>>)
    %dma_start3A_68 = arith.constant 4 : i32
    %dma_start3A_69 = arith.constant 4 : i32
    %dma_start3A_70 = arith.constant 4 : i32
    %dma_start3A_71 = arith.constant 0 : i32
    %dma_start3A_72 = arith.constant 0 : i32
    %dma_start3A_73 = tpu.memref_slice %arg9[%dma_start3A_69, %dma_start3A_71, %dma_start3A_72] : memref<5x80x32xf32, #tpu.memory_space<vmem>> -> memref<1x80x32xf32, #tpu.memory_space<vmem>>
    %dma_start3A_74 = tpu.memref_squeeze %dma_start3A_73 : memref<1x80x32xf32, #tpu.memory_space<vmem>> -> memref<80x32xf32, #tpu.memory_space<vmem>>
    %dma_start3A_75 = arith.constant 0 : i32
    %dma_start3A_76 = tpu.memref_slice %arg7[%dma_start3A_68, %dma_start3A_75] : memref<125x80xi32, #tpu.memory_space<vmem>> -> memref<1x80xi32, #tpu.memory_space<vmem>>
    %dma_start3A_77 = tpu.memref_squeeze %dma_start3A_76 : memref<1x80xi32, #tpu.memory_space<vmem>> -> memref<80xi32, #tpu.memory_space<vmem>>
    %dma_start3A_78 = arith.constant 0 : i32
    %dma_start3A_79 = arith.constant 0 : i32
    %dma_start3A_80 = tpu.memref_slice %arg4[%dma_start3A_78, %dma_start3A_79] : memref<10240x32xf32, #tpu.memory_space<hbm>> -> memref<10240x32xf32, #tpu.memory_space<hbm>>
    %dma_start3A_81 = tpu.memref_slice %arg11[%dma_start3A_70] : memref<5x!tpu.dma_semaphore, #tpu.memory_space<semaphore_mem>> -> memref<1x!tpu.dma_semaphore, #tpu.memory_space<semaphore_mem>>
    %dma_start3A_82 = tpu.memref_squeeze %dma_start3A_81 : memref<1x!tpu.dma_semaphore, #tpu.memory_space<semaphore_mem>> -> memref<!tpu.dma_semaphore, #tpu.memory_space<semaphore_mem>>
    tpu.enqueue_indirect_dma source(%dma_start3A_80 : memref<10240x32xf32, #tpu.memory_space<hbm>>) target(%dma_start3A_74 : memref<80x32xf32, #tpu.memory_space<vmem>>) offsets(%dma_start3A_77 : memref<80xi32, #tpu.memory_space<vmem>>) semaphore(%dma_start3A_82 : memref<!tpu.dma_semaphore, #tpu.memory_space<semaphore_mem>>)
    %scan3A_83 = arith.constant 0 : i32
    %scan3A_84 = arith.constant 0 : i32
    %scan3A_85 = arith.constant 24 : i32
    %scan3A_86 = arith.addi %scan3A_84, %scan3A_85 : i32
    %scan3A_87 = arith.constant 1 : i32
    scf.for %scan3A_318 = %scan3A_84 to %scan3A_86 step %scan3A_87  : i32 {
      %mul3A_319 = arith.constant 5 : i32
      %mul3A_320 = arith.muli %scan3A_318, %mul3A_319 : i32
      %add3A_321 = arith.constant 0 : i32
      %add3A_322 = arith.addi %mul3A_320, %add3A_321 : i32
      %dma_wait3A_323 = arith.constant 0 : i32
      %dma_wait3A_324 = arith.constant 0 : i32
      %dma_wait3A_325 = arith.constant 0 : i32
      %dma_wait3A_326 = arith.constant 0 : i32
      %dma_wait3A_327 = tpu.memref_slice %arg9[%dma_wait3A_323, %dma_wait3A_325, %dma_wait3A_326] : memref<5x80x32xf32, #tpu.memory_space<vmem>> -> memref<1x80x32xf32, #tpu.memory_space<vmem>>
      %dma_wait3A_328 = tpu.memref_squeeze %dma_wait3A_327 : memref<1x80x32xf32, #tpu.memory_space<vmem>> -> memref<80x32xf32, #tpu.memory_space<vmem>>
      %dma_wait3A_329 = arith.constant 0 : i32
      %dma_wait3A_330 = tpu.memref_slice %arg7[%add3A_322, %dma_wait3A_329] : memref<125x80xi32, #tpu.memory_space<vmem>> -> memref<1x80xi32, #tpu.memory_space<vmem>>
      %dma_wait3A_331 = tpu.memref_squeeze %dma_wait3A_330 : memref<1x80xi32, #tpu.memory_space<vmem>> -> memref<80xi32, #tpu.memory_space<vmem>>
      %dma_wait3A_332 = arith.constant 0 : i32
      %dma_wait3A_333 = arith.constant 0 : i32
      %dma_wait3A_334 = tpu.memref_slice %arg4[%dma_wait3A_332, %dma_wait3A_333] : memref<10240x32xf32, #tpu.memory_space<hbm>> -> memref<10240x32xf32, #tpu.memory_space<hbm>>
      %dma_wait3A_335 = tpu.memref_slice %arg11[%dma_wait3A_324] : memref<5x!tpu.dma_semaphore, #tpu.memory_space<semaphore_mem>> -> memref<1x!tpu.dma_semaphore, #tpu.memory_space<semaphore_mem>>
      %dma_wait3A_336 = tpu.memref_squeeze %dma_wait3A_335 : memref<1x!tpu.dma_semaphore, #tpu.memory_space<semaphore_mem>> -> memref<!tpu.dma_semaphore, #tpu.memory_space<semaphore_mem>>
      tpu.wait_indirect_dma semaphore(%dma_wait3A_336 : memref<!tpu.dma_semaphore, #tpu.memory_space<semaphore_mem>>) src(%dma_wait3A_334 : memref<10240x32xf32, #tpu.memory_space<hbm>>) dst(%dma_wait3A_328 : memref<80x32xf32, #tpu.memory_space<vmem>>)
      %add3A_337 = arith.constant 0 : i32
      %add3A_338 = arith.addi %mul3A_320, %add3A_337 : i32
      %dma_start3A_339 = arith.constant 0 : i32
      %dma_start3A_340 = arith.constant 0 : i32
      %dma_start3A_341 = arith.constant 0 : i32
      %dma_start3A_342 = arith.constant 0 : i32
      %dma_start3A_343 = tpu.memref_slice %arg9[%dma_start3A_339, %dma_start3A_341, %dma_start3A_342] : memref<5x80x32xf32, #tpu.memory_space<vmem>> -> memref<1x80x32xf32, #tpu.memory_space<vmem>>
      %dma_start3A_344 = tpu.memref_squeeze %dma_start3A_343 : memref<1x80x32xf32, #tpu.memory_space<vmem>> -> memref<80x32xf32, #tpu.memory_space<vmem>>
      %dma_start3A_345 = arith.constant 0 : i32
      %dma_start3A_346 = tpu.memref_slice %arg8[%add3A_338, %dma_start3A_345] : memref<125x80xi32, #tpu.memory_space<vmem>> -> memref<1x80xi32, #tpu.memory_space<vmem>>
      %dma_start3A_347 = tpu.memref_squeeze %dma_start3A_346 : memref<1x80xi32, #tpu.memory_space<vmem>> -> memref<80xi32, #tpu.memory_space<vmem>>
      %dma_start3A_348 = arith.constant 0 : i32
      %dma_start3A_349 = arith.constant 0 : i32
      %dma_start3A_350 = tpu.memref_slice %arg6[%dma_start3A_348, %dma_start3A_349] : memref<10240x32xf32, #tpu.memory_space<vmem_shared>> -> memref<10240x32xf32, #tpu.memory_space<vmem_shared>>
      %dma_start3A_351 = tpu.memref_slice %arg12[%dma_start3A_340] : memref<5x!tpu.dma_semaphore, #tpu.memory_space<semaphore_mem>> -> memref<1x!tpu.dma_semaphore, #tpu.memory_space<semaphore_mem>>
      %dma_start3A_352 = tpu.memref_squeeze %dma_start3A_351 : memref<1x!tpu.dma_semaphore, #tpu.memory_space<semaphore_mem>> -> memref<!tpu.dma_semaphore, #tpu.memory_space<semaphore_mem>>
      tpu.enqueue_indirect_dma source(%dma_start3A_344 : memref<80x32xf32, #tpu.memory_space<vmem>>) target(%dma_start3A_350 : memref<10240x32xf32, #tpu.memory_space<vmem_shared>>) offsets(%dma_start3A_347 : memref<80xi32, #tpu.memory_space<vmem>>) semaphore(%dma_start3A_352 : memref<!tpu.dma_semaphore, #tpu.memory_space<semaphore_mem>>) {add = true}
      %add3A_353 = arith.constant 1 : i32
      %add3A_354 = arith.addi %mul3A_320, %add3A_353 : i32
      %dma_wait3A_355 = arith.constant 1 : i32
      %dma_wait3A_356 = arith.constant 1 : i32
      %dma_wait3A_357 = arith.constant 0 : i32
      %dma_wait3A_358 = arith.constant 0 : i32
      %dma_wait3A_359 = tpu.memref_slice %arg9[%dma_wait3A_355, %dma_wait3A_357, %dma_wait3A_358] : memref<5x80x32xf32, #tpu.memory_space<vmem>> -> memref<1x80x32xf32, #tpu.memory_space<vmem>>
      %dma_wait3A_360 = tpu.memref_squeeze %dma_wait3A_359 : memref<1x80x32xf32, #tpu.memory_space<vmem>> -> memref<80x32xf32, #tpu.memory_space<vmem>>
      %dma_wait3A_361 = arith.constant 0 : i32
      %dma_wait3A_362 = tpu.memref_slice %arg7[%add3A_354, %dma_wait3A_361] : memref<125x80xi32, #tpu.memory_space<vmem>> -> memref<1x80xi32, #tpu.memory_space<vmem>>
      %dma_wait3A_363 = tpu.memref_squeeze %dma_wait3A_362 : memref<1x80xi32, #tpu.memory_space<vmem>> -> memref<80xi32, #tpu.memory_space<vmem>>
      %dma_wait3A_364 = arith.constant 0 : i32
      %dma_wait3A_365 = arith.constant 0 : i32
      %dma_wait3A_366 = tpu.memref_slice %arg4[%dma_wait3A_364, %dma_wait3A_365] : memref<10240x32xf32, #tpu.memory_space<hbm>> -> memref<10240x32xf32, #tpu.memory_space<hbm>>
      %dma_wait3A_367 = tpu.memref_slice %arg11[%dma_wait3A_356] : memref<5x!tpu.dma_semaphore, #tpu.memory_space<semaphore_mem>> -> memref<1x!tpu.dma_semaphore, #tpu.memory_space<semaphore_mem>>
      %dma_wait3A_368 = tpu.memref_squeeze %dma_wait3A_367 : memref<1x!tpu.dma_semaphore, #tpu.memory_space<semaphore_mem>> -> memref<!tpu.dma_semaphore, #tpu.memory_space<semaphore_mem>>
      tpu.wait_indirect_dma semaphore(%dma_wait3A_368 : memref<!tpu.dma_semaphore, #tpu.memory_space<semaphore_mem>>) src(%dma_wait3A_366 : memref<10240x32xf32, #tpu.memory_space<hbm>>) dst(%dma_wait3A_360 : memref<80x32xf32, #tpu.memory_space<vmem>>)
      %add3A_369 = arith.constant 1 : i32
      %add3A_370 = arith.addi %mul3A_320, %add3A_369 : i32
      %dma_start3A_371 = arith.constant 1 : i32
      %dma_start3A_372 = arith.constant 1 : i32
      %dma_start3A_373 = arith.constant 0 : i32
      %dma_start3A_374 = arith.constant 0 : i32
      %dma_start3A_375 = tpu.memref_slice %arg9[%dma_start3A_371, %dma_start3A_373, %dma_start3A_374] : memref<5x80x32xf32, #tpu.memory_space<vmem>> -> memref<1x80x32xf32, #tpu.memory_space<vmem>>
      %dma_start3A_376 = tpu.memref_squeeze %dma_start3A_375 : memref<1x80x32xf32, #tpu.memory_space<vmem>> -> memref<80x32xf32, #tpu.memory_space<vmem>>
      %dma_start3A_377 = arith.constant 0 : i32
      %dma_start3A_378 = tpu.memref_slice %arg8[%add3A_370, %dma_start3A_377] : memref<125x80xi32, #tpu.memory_space<vmem>> -> memref<1x80xi32, #tpu.memory_space<vmem>>
      %dma_start3A_379 = tpu.memref_squeeze %dma_start3A_378 : memref<1x80xi32, #tpu.memory_space<vmem>> -> memref<80xi32, #tpu.memory_space<vmem>>
      %dma_start3A_380 = arith.constant 0 : i32
      %dma_start3A_381 = arith.constant 0 : i32
      %dma_start3A_382 = tpu.memref_slice %arg6[%dma_start3A_380, %dma_start3A_381] : memref<10240x32xf32, #tpu.memory_space<vmem_shared>> -> memref<10240x32xf32, #tpu.memory_space<vmem_shared>>
      %dma_start3A_383 = tpu.memref_slice %arg12[%dma_start3A_372] : memref<5x!tpu.dma_semaphore, #tpu.memory_space<semaphore_mem>> -> memref<1x!tpu.dma_semaphore, #tpu.memory_space<semaphore_mem>>
      %dma_start3A_384 = tpu.memref_squeeze %dma_start3A_383 : memref<1x!tpu.dma_semaphore, #tpu.memory_space<semaphore_mem>> -> memref<!tpu.dma_semaphore, #tpu.memory_space<semaphore_mem>>
      tpu.enqueue_indirect_dma source(%dma_start3A_376 : memref<80x32xf32, #tpu.memory_space<vmem>>) target(%dma_start3A_382 : memref<10240x32xf32, #tpu.memory_space<vmem_shared>>) offsets(%dma_start3A_379 : memref<80xi32, #tpu.memory_space<vmem>>) semaphore(%dma_start3A_384 : memref<!tpu.dma_semaphore, #tpu.memory_space<semaphore_mem>>) {add = true}
      %add3A_385 = arith.constant 2 : i32
      %add3A_386 = arith.addi %mul3A_320, %add3A_385 : i32
      %dma_wait3A_387 = arith.constant 2 : i32
      %dma_wait3A_388 = arith.constant 2 : i32
      %dma_wait3A_389 = arith.constant 0 : i32
      %dma_wait3A_390 = arith.constant 0 : i32
      %dma_wait3A_391 = tpu.memref_slice %arg9[%dma_wait3A_387, %dma_wait3A_389, %dma_wait3A_390] : memref<5x80x32xf32, #tpu.memory_space<vmem>> -> memref<1x80x32xf32, #tpu.memory_space<vmem>>
      %dma_wait3A_392 = tpu.memref_squeeze %dma_wait3A_391 : memref<1x80x32xf32, #tpu.memory_space<vmem>> -> memref<80x32xf32, #tpu.memory_space<vmem>>
      %dma_wait3A_393 = arith.constant 0 : i32
      %dma_wait3A_394 = tpu.memref_slice %arg7[%add3A_386, %dma_wait3A_393] : memref<125x80xi32, #tpu.memory_space<vmem>> -> memref<1x80xi32, #tpu.memory_space<vmem>>
      %dma_wait3A_395 = tpu.memref_squeeze %dma_wait3A_394 : memref<1x80xi32, #tpu.memory_space<vmem>> -> memref<80xi32, #tpu.memory_space<vmem>>
      %dma_wait3A_396 = arith.constant 0 : i32
      %dma_wait3A_397 = arith.constant 0 : i32
      %dma_wait3A_398 = tpu.memref_slice %arg4[%dma_wait3A_396, %dma_wait3A_397] : memref<10240x32xf32, #tpu.memory_space<hbm>> -> memref<10240x32xf32, #tpu.memory_space<hbm>>
      %dma_wait3A_399 = tpu.memref_slice %arg11[%dma_wait3A_388] : memref<5x!tpu.dma_semaphore, #tpu.memory_space<semaphore_mem>> -> memref<1x!tpu.dma_semaphore, #tpu.memory_space<semaphore_mem>>
      %dma_wait3A_400 = tpu.memref_squeeze %dma_wait3A_399 : memref<1x!tpu.dma_semaphore, #tpu.memory_space<semaphore_mem>> -> memref<!tpu.dma_semaphore, #tpu.memory_space<semaphore_mem>>
      tpu.wait_indirect_dma semaphore(%dma_wait3A_400 : memref<!tpu.dma_semaphore, #tpu.memory_space<semaphore_mem>>) src(%dma_wait3A_398 : memref<10240x32xf32, #tpu.memory_space<hbm>>) dst(%dma_wait3A_392 : memref<80x32xf32, #tpu.memory_space<vmem>>)
      %add3A_401 = arith.constant 2 : i32
      %add3A_402 = arith.addi %mul3A_320, %add3A_401 : i32
      %dma_start3A_403 = arith.constant 2 : i32
      %dma_start3A_404 = arith.constant 2 : i32
      %dma_start3A_405 = arith.constant 0 : i32
      %dma_start3A_406 = arith.constant 0 : i32
      %dma_start3A_407 = tpu.memref_slice %arg9[%dma_start3A_403, %dma_start3A_405, %dma_start3A_406] : memref<5x80x32xf32, #tpu.memory_space<vmem>> -> memref<1x80x32xf32, #tpu.memory_space<vmem>>
      %dma_start3A_408 = tpu.memref_squeeze %dma_start3A_407 : memref<1x80x32xf32, #tpu.memory_space<vmem>> -> memref<80x32xf32, #tpu.memory_space<vmem>>
      %dma_start3A_409 = arith.constant 0 : i32
      %dma_start3A_410 = tpu.memref_slice %arg8[%add3A_402, %dma_start3A_409] : memref<125x80xi32, #tpu.memory_space<vmem>> -> memref<1x80xi32, #tpu.memory_space<vmem>>
      %dma_start3A_411 = tpu.memref_squeeze %dma_start3A_410 : memref<1x80xi32, #tpu.memory_space<vmem>> -> memref<80xi32, #tpu.memory_space<vmem>>
      %dma_start3A_412 = arith.constant 0 : i32
      %dma_start3A_413 = arith.constant 0 : i32
      %dma_start3A_414 = tpu.memref_slice %arg6[%dma_start3A_412, %dma_start3A_413] : memref<10240x32xf32, #tpu.memory_space<vmem_shared>> -> memref<10240x32xf32, #tpu.memory_space<vmem_shared>>
      %dma_start3A_415 = tpu.memref_slice %arg12[%dma_start3A_404] : memref<5x!tpu.dma_semaphore, #tpu.memory_space<semaphore_mem>> -> memref<1x!tpu.dma_semaphore, #tpu.memory_space<semaphore_mem>>
      %dma_start3A_416 = tpu.memref_squeeze %dma_start3A_415 : memref<1x!tpu.dma_semaphore, #tpu.memory_space<semaphore_mem>> -> memref<!tpu.dma_semaphore, #tpu.memory_space<semaphore_mem>>
      tpu.enqueue_indirect_dma source(%dma_start3A_408 : memref<80x32xf32, #tpu.memory_space<vmem>>) target(%dma_start3A_414 : memref<10240x32xf32, #tpu.memory_space<vmem_shared>>) offsets(%dma_start3A_411 : memref<80xi32, #tpu.memory_space<vmem>>) semaphore(%dma_start3A_416 : memref<!tpu.dma_semaphore, #tpu.memory_space<semaphore_mem>>) {add = true}
      %add3A_417 = arith.constant 3 : i32
      %add3A_418 = arith.addi %mul3A_320, %add3A_417 : i32
      %dma_wait3A_419 = arith.constant 3 : i32
      %dma_wait3A_420 = arith.constant 3 : i32
      %dma_wait3A_421 = arith.constant 0 : i32
      %dma_wait3A_422 = arith.constant 0 : i32
      %dma_wait3A_423 = tpu.memref_slice %arg9[%dma_wait3A_419, %dma_wait3A_421, %dma_wait3A_422] : memref<5x80x32xf32, #tpu.memory_space<vmem>> -> memref<1x80x32xf32, #tpu.memory_space<vmem>>
      %dma_wait3A_424 = tpu.memref_squeeze %dma_wait3A_423 : memref<1x80x32xf32, #tpu.memory_space<vmem>> -> memref<80x32xf32, #tpu.memory_space<vmem>>
      %dma_wait3A_425 = arith.constant 0 : i32
      %dma_wait3A_426 = tpu.memref_slice %arg7[%add3A_418, %dma_wait3A_425] : memref<125x80xi32, #tpu.memory_space<vmem>> -> memref<1x80xi32, #tpu.memory_space<vmem>>
      %dma_wait3A_427 = tpu.memref_squeeze %dma_wait3A_426 : memref<1x80xi32, #tpu.memory_space<vmem>> -> memref<80xi32, #tpu.memory_space<vmem>>
      %dma_wait3A_428 = arith.constant 0 : i32
      %dma_wait3A_429 = arith.constant 0 : i32
      %dma_wait3A_430 = tpu.memref_slice %arg4[%dma_wait3A_428, %dma_wait3A_429] : memref<10240x32xf32, #tpu.memory_space<hbm>> -> memref<10240x32xf32, #tpu.memory_space<hbm>>
      %dma_wait3A_431 = tpu.memref_slice %arg11[%dma_wait3A_420] : memref<5x!tpu.dma_semaphore, #tpu.memory_space<semaphore_mem>> -> memref<1x!tpu.dma_semaphore, #tpu.memory_space<semaphore_mem>>
      %dma_wait3A_432 = tpu.memref_squeeze %dma_wait3A_431 : memref<1x!tpu.dma_semaphore, #tpu.memory_space<semaphore_mem>> -> memref<!tpu.dma_semaphore, #tpu.memory_space<semaphore_mem>>
      tpu.wait_indirect_dma semaphore(%dma_wait3A_432 : memref<!tpu.dma_semaphore, #tpu.memory_space<semaphore_mem>>) src(%dma_wait3A_430 : memref<10240x32xf32, #tpu.memory_space<hbm>>) dst(%dma_wait3A_424 : memref<80x32xf32, #tpu.memory_space<vmem>>)
      %add3A_433 = arith.constant 3 : i32
      %add3A_434 = arith.addi %mul3A_320, %add3A_433 : i32
      %dma_start3A_435 = arith.constant 3 : i32
      %dma_start3A_436 = arith.constant 3 : i32
      %dma_start3A_437 = arith.constant 0 : i32
      %dma_start3A_438 = arith.constant 0 : i32
      %dma_start3A_439 = tpu.memref_slice %arg9[%dma_start3A_435, %dma_start3A_437, %dma_start3A_438] : memref<5x80x32xf32, #tpu.memory_space<vmem>> -> memref<1x80x32xf32, #tpu.memory_space<vmem>>
      %dma_start3A_440 = tpu.memref_squeeze %dma_start3A_439 : memref<1x80x32xf32, #tpu.memory_space<vmem>> -> memref<80x32xf32, #tpu.memory_space<vmem>>
      %dma_start3A_441 = arith.constant 0 : i32
      %dma_start3A_442 = tpu.memref_slice %arg8[%add3A_434, %dma_start3A_441] : memref<125x80xi32, #tpu.memory_space<vmem>> -> memref<1x80xi32, #tpu.memory_space<vmem>>
      %dma_start3A_443 = tpu.memref_squeeze %dma_start3A_442 : memref<1x80xi32, #tpu.memory_space<vmem>> -> memref<80xi32, #tpu.memory_space<vmem>>
      %dma_start3A_444 = arith.constant 0 : i32
      %dma_start3A_445 = arith.constant 0 : i32
      %dma_start3A_446 = tpu.memref_slice %arg6[%dma_start3A_444, %dma_start3A_445] : memref<10240x32xf32, #tpu.memory_space<vmem_shared>> -> memref<10240x32xf32, #tpu.memory_space<vmem_shared>>
      %dma_start3A_447 = tpu.memref_slice %arg12[%dma_start3A_436] : memref<5x!tpu.dma_semaphore, #tpu.memory_space<semaphore_mem>> -> memref<1x!tpu.dma_semaphore, #tpu.memory_space<semaphore_mem>>
      %dma_start3A_448 = tpu.memref_squeeze %dma_start3A_447 : memref<1x!tpu.dma_semaphore, #tpu.memory_space<semaphore_mem>> -> memref<!tpu.dma_semaphore, #tpu.memory_space<semaphore_mem>>
      tpu.enqueue_indirect_dma source(%dma_start3A_440 : memref<80x32xf32, #tpu.memory_space<vmem>>) target(%dma_start3A_446 : memref<10240x32xf32, #tpu.memory_space<vmem_shared>>) offsets(%dma_start3A_443 : memref<80xi32, #tpu.memory_space<vmem>>) semaphore(%dma_start3A_448 : memref<!tpu.dma_semaphore, #tpu.memory_space<semaphore_mem>>) {add = true}
      %add3A_449 = arith.constant 4 : i32
      %add3A_450 = arith.addi %mul3A_320, %add3A_449 : i32
      %dma_wait3A_451 = arith.constant 4 : i32
      %dma_wait3A_452 = arith.constant 4 : i32
      %dma_wait3A_453 = arith.constant 0 : i32
      %dma_wait3A_454 = arith.constant 0 : i32
      %dma_wait3A_455 = tpu.memref_slice %arg9[%dma_wait3A_451, %dma_wait3A_453, %dma_wait3A_454] : memref<5x80x32xf32, #tpu.memory_space<vmem>> -> memref<1x80x32xf32, #tpu.memory_space<vmem>>
      %dma_wait3A_456 = tpu.memref_squeeze %dma_wait3A_455 : memref<1x80x32xf32, #tpu.memory_space<vmem>> -> memref<80x32xf32, #tpu.memory_space<vmem>>
      %dma_wait3A_457 = arith.constant 0 : i32
      %dma_wait3A_458 = tpu.memref_slice %arg7[%add3A_450, %dma_wait3A_457] : memref<125x80xi32, #tpu.memory_space<vmem>> -> memref<1x80xi32, #tpu.memory_space<vmem>>
      %dma_wait3A_459 = tpu.memref_squeeze %dma_wait3A_458 : memref<1x80xi32, #tpu.memory_space<vmem>> -> memref<80xi32, #tpu.memory_space<vmem>>
      %dma_wait3A_460 = arith.constant 0 : i32
      %dma_wait3A_461 = arith.constant 0 : i32
      %dma_wait3A_462 = tpu.memref_slice %arg4[%dma_wait3A_460, %dma_wait3A_461] : memref<10240x32xf32, #tpu.memory_space<hbm>> -> memref<10240x32xf32, #tpu.memory_space<hbm>>
      %dma_wait3A_463 = tpu.memref_slice %arg11[%dma_wait3A_452] : memref<5x!tpu.dma_semaphore, #tpu.memory_space<semaphore_mem>> -> memref<1x!tpu.dma_semaphore, #tpu.memory_space<semaphore_mem>>
      %dma_wait3A_464 = tpu.memref_squeeze %dma_wait3A_463 : memref<1x!tpu.dma_semaphore, #tpu.memory_space<semaphore_mem>> -> memref<!tpu.dma_semaphore, #tpu.memory_space<semaphore_mem>>
      tpu.wait_indirect_dma semaphore(%dma_wait3A_464 : memref<!tpu.dma_semaphore, #tpu.memory_space<semaphore_mem>>) src(%dma_wait3A_462 : memref<10240x32xf32, #tpu.memory_space<hbm>>) dst(%dma_wait3A_456 : memref<80x32xf32, #tpu.memory_space<vmem>>)
      %add3A_465 = arith.constant 4 : i32
      %add3A_466 = arith.addi %mul3A_320, %add3A_465 : i32
      %dma_start3A_467 = arith.constant 4 : i32
      %dma_start3A_468 = arith.constant 4 : i32
      %dma_start3A_469 = arith.constant 0 : i32
      %dma_start3A_470 = arith.constant 0 : i32
      %dma_start3A_471 = tpu.memref_slice %arg9[%dma_start3A_467, %dma_start3A_469, %dma_start3A_470] : memref<5x80x32xf32, #tpu.memory_space<vmem>> -> memref<1x80x32xf32, #tpu.memory_space<vmem>>
      %dma_start3A_472 = tpu.memref_squeeze %dma_start3A_471 : memref<1x80x32xf32, #tpu.memory_space<vmem>> -> memref<80x32xf32, #tpu.memory_space<vmem>>
      %dma_start3A_473 = arith.constant 0 : i32
      %dma_start3A_474 = tpu.memref_slice %arg8[%add3A_466, %dma_start3A_473] : memref<125x80xi32, #tpu.memory_space<vmem>> -> memref<1x80xi32, #tpu.memory_space<vmem>>
      %dma_start3A_475 = tpu.memref_squeeze %dma_start3A_474 : memref<1x80xi32, #tpu.memory_space<vmem>> -> memref<80xi32, #tpu.memory_space<vmem>>
      %dma_start3A_476 = arith.constant 0 : i32
      %dma_start3A_477 = arith.constant 0 : i32
      %dma_start3A_478 = tpu.memref_slice %arg6[%dma_start3A_476, %dma_start3A_477] : memref<10240x32xf32, #tpu.memory_space<vmem_shared>> -> memref<10240x32xf32, #tpu.memory_space<vmem_shared>>
      %dma_start3A_479 = tpu.memref_slice %arg12[%dma_start3A_468] : memref<5x!tpu.dma_semaphore, #tpu.memory_space<semaphore_mem>> -> memref<1x!tpu.dma_semaphore, #tpu.memory_space<semaphore_mem>>
      %dma_start3A_480 = tpu.memref_squeeze %dma_start3A_479 : memref<1x!tpu.dma_semaphore, #tpu.memory_space<semaphore_mem>> -> memref<!tpu.dma_semaphore, #tpu.memory_space<semaphore_mem>>
      tpu.enqueue_indirect_dma source(%dma_start3A_472 : memref<80x32xf32, #tpu.memory_space<vmem>>) target(%dma_start3A_478 : memref<10240x32xf32, #tpu.memory_space<vmem_shared>>) offsets(%dma_start3A_475 : memref<80xi32, #tpu.memory_space<vmem>>) semaphore(%dma_start3A_480 : memref<!tpu.dma_semaphore, #tpu.memory_space<semaphore_mem>>) {add = true}
      %add3A_481 = arith.constant 0 : i32
      %add3A_482 = arith.addi %mul3A_320, %add3A_481 : i32
      %dma_wait3A_483 = arith.constant 0 : i32
      %dma_wait3A_484 = arith.constant 0 : i32
      %dma_wait3A_485 = arith.constant 0 : i32
      %dma_wait3A_486 = arith.constant 0 : i32
      %dma_wait3A_487 = tpu.memref_slice %arg9[%dma_wait3A_483, %dma_wait3A_485, %dma_wait3A_486] : memref<5x80x32xf32, #tpu.memory_space<vmem>> -> memref<1x80x32xf32, #tpu.memory_space<vmem>>
      %dma_wait3A_488 = tpu.memref_squeeze %dma_wait3A_487 : memref<1x80x32xf32, #tpu.memory_space<vmem>> -> memref<80x32xf32, #tpu.memory_space<vmem>>
      %dma_wait3A_489 = arith.constant 0 : i32
      %dma_wait3A_490 = tpu.memref_slice %arg8[%add3A_482, %dma_wait3A_489] : memref<125x80xi32, #tpu.memory_space<vmem>> -> memref<1x80xi32, #tpu.memory_space<vmem>>
      %dma_wait3A_491 = tpu.memref_squeeze %dma_wait3A_490 : memref<1x80xi32, #tpu.memory_space<vmem>> -> memref<80xi32, #tpu.memory_space<vmem>>
      %dma_wait3A_492 = arith.constant 0 : i32
      %dma_wait3A_493 = arith.constant 0 : i32
      %dma_wait3A_494 = tpu.memref_slice %arg6[%dma_wait3A_492, %dma_wait3A_493] : memref<10240x32xf32, #tpu.memory_space<vmem_shared>> -> memref<10240x32xf32, #tpu.memory_space<vmem_shared>>
      %dma_wait3A_495 = tpu.memref_slice %arg12[%dma_wait3A_484] : memref<5x!tpu.dma_semaphore, #tpu.memory_space<semaphore_mem>> -> memref<1x!tpu.dma_semaphore, #tpu.memory_space<semaphore_mem>>
      %dma_wait3A_496 = tpu.memref_squeeze %dma_wait3A_495 : memref<1x!tpu.dma_semaphore, #tpu.memory_space<semaphore_mem>> -> memref<!tpu.dma_semaphore, #tpu.memory_space<semaphore_mem>>
      tpu.wait_indirect_dma semaphore(%dma_wait3A_496 : memref<!tpu.dma_semaphore, #tpu.memory_space<semaphore_mem>>) src(%dma_wait3A_488 : memref<80x32xf32, #tpu.memory_space<vmem>>) dst(%dma_wait3A_494 : memref<10240x32xf32, #tpu.memory_space<vmem_shared>>)
      %add3A_497 = arith.constant 5 : i32
      %add3A_498 = arith.addi %mul3A_320, %add3A_497 : i32
      %add3A_499 = arith.constant 0 : i32
      %add3A_500 = arith.addi %add3A_498, %add3A_499 : i32
      %dma_start3A_501 = arith.constant 0 : i32
      %dma_start3A_502 = arith.constant 0 : i32
      %dma_start3A_503 = arith.constant 0 : i32
      %dma_start3A_504 = arith.constant 0 : i32
      %dma_start3A_505 = tpu.memref_slice %arg9[%dma_start3A_501, %dma_start3A_503, %dma_start3A_504] : memref<5x80x32xf32, #tpu.memory_space<vmem>> -> memref<1x80x32xf32, #tpu.memory_space<vmem>>
      %dma_start3A_506 = tpu.memref_squeeze %dma_start3A_505 : memref<1x80x32xf32, #tpu.memory_space<vmem>> -> memref<80x32xf32, #tpu.memory_space<vmem>>
      %dma_start3A_507 = arith.constant 0 : i32
      %dma_start3A_508 = tpu.memref_slice %arg7[%add3A_500, %dma_start3A_507] : memref<125x80xi32, #tpu.memory_space<vmem>> -> memref<1x80xi32, #tpu.memory_space<vmem>>
      %dma_start3A_509 = tpu.memref_squeeze %dma_start3A_508 : memref<1x80xi32, #tpu.memory_space<vmem>> -> memref<80xi32, #tpu.memory_space<vmem>>
      %dma_start3A_510 = arith.constant 0 : i32
      %dma_start3A_511 = arith.constant 0 : i32
      %dma_start3A_512 = tpu.memref_slice %arg4[%dma_start3A_510, %dma_start3A_511] : memref<10240x32xf32, #tpu.memory_space<hbm>> -> memref<10240x32xf32, #tpu.memory_space<hbm>>
      %dma_start3A_513 = tpu.memref_slice %arg11[%dma_start3A_502] : memref<5x!tpu.dma_semaphore, #tpu.memory_space<semaphore_mem>> -> memref<1x!tpu.dma_semaphore, #tpu.memory_space<semaphore_mem>>
      %dma_start3A_514 = tpu.memref_squeeze %dma_start3A_513 : memref<1x!tpu.dma_semaphore, #tpu.memory_space<semaphore_mem>> -> memref<!tpu.dma_semaphore, #tpu.memory_space<semaphore_mem>>
      tpu.enqueue_indirect_dma source(%dma_start3A_512 : memref<10240x32xf32, #tpu.memory_space<hbm>>) target(%dma_start3A_506 : memref<80x32xf32, #tpu.memory_space<vmem>>) offsets(%dma_start3A_509 : memref<80xi32, #tpu.memory_space<vmem>>) semaphore(%dma_start3A_514 : memref<!tpu.dma_semaphore, #tpu.memory_space<semaphore_mem>>)
      %add3A_515 = arith.constant 1 : i32
      %add3A_516 = arith.addi %mul3A_320, %add3A_515 : i32
      %dma_wait3A_517 = arith.constant 1 : i32
      %dma_wait3A_518 = arith.constant 1 : i32
      %dma_wait3A_519 = arith.constant 0 : i32
      %dma_wait3A_520 = arith.constant 0 : i32
      %dma_wait3A_521 = tpu.memref_slice %arg9[%dma_wait3A_517, %dma_wait3A_519, %dma_wait3A_520] : memref<5x80x32xf32, #tpu.memory_space<vmem>> -> memref<1x80x32xf32, #tpu.memory_space<vmem>>
      %dma_wait3A_522 = tpu.memref_squeeze %dma_wait3A_521 : memref<1x80x32xf32, #tpu.memory_space<vmem>> -> memref<80x32xf32, #tpu.memory_space<vmem>>
      %dma_wait3A_523 = arith.constant 0 : i32
      %dma_wait3A_524 = tpu.memref_slice %arg8[%add3A_516, %dma_wait3A_523] : memref<125x80xi32, #tpu.memory_space<vmem>> -> memref<1x80xi32, #tpu.memory_space<vmem>>
      %dma_wait3A_525 = tpu.memref_squeeze %dma_wait3A_524 : memref<1x80xi32, #tpu.memory_space<vmem>> -> memref<80xi32, #tpu.memory_space<vmem>>
      %dma_wait3A_526 = arith.constant 0 : i32
      %dma_wait3A_527 = arith.constant 0 : i32
      %dma_wait3A_528 = tpu.memref_slice %arg6[%dma_wait3A_526, %dma_wait3A_527] : memref<10240x32xf32, #tpu.memory_space<vmem_shared>> -> memref<10240x32xf32, #tpu.memory_space<vmem_shared>>
      %dma_wait3A_529 = tpu.memref_slice %arg12[%dma_wait3A_518] : memref<5x!tpu.dma_semaphore, #tpu.memory_space<semaphore_mem>> -> memref<1x!tpu.dma_semaphore, #tpu.memory_space<semaphore_mem>>
      %dma_wait3A_530 = tpu.memref_squeeze %dma_wait3A_529 : memref<1x!tpu.dma_semaphore, #tpu.memory_space<semaphore_mem>> -> memref<!tpu.dma_semaphore, #tpu.memory_space<semaphore_mem>>
      tpu.wait_indirect_dma semaphore(%dma_wait3A_530 : memref<!tpu.dma_semaphore, #tpu.memory_space<semaphore_mem>>) src(%dma_wait3A_522 : memref<80x32xf32, #tpu.memory_space<vmem>>) dst(%dma_wait3A_528 : memref<10240x32xf32, #tpu.memory_space<vmem_shared>>)
      %add3A_531 = arith.constant 5 : i32
      %add3A_532 = arith.addi %mul3A_320, %add3A_531 : i32
      %add3A_533 = arith.constant 1 : i32
      %add3A_534 = arith.addi %add3A_532, %add3A_533 : i32
      %dma_start3A_535 = arith.constant 1 : i32
      %dma_start3A_536 = arith.constant 1 : i32
      %dma_start3A_537 = arith.constant 0 : i32
      %dma_start3A_538 = arith.constant 0 : i32
      %dma_start3A_539 = tpu.memref_slice %arg9[%dma_start3A_535, %dma_start3A_537, %dma_start3A_538] : memref<5x80x32xf32, #tpu.memory_space<vmem>> -> memref<1x80x32xf32, #tpu.memory_space<vmem>>
      %dma_start3A_540 = tpu.memref_squeeze %dma_start3A_539 : memref<1x80x32xf32, #tpu.memory_space<vmem>> -> memref<80x32xf32, #tpu.memory_space<vmem>>
      %dma_start3A_541 = arith.constant 0 : i32
      %dma_start3A_542 = tpu.memref_slice %arg7[%add3A_534, %dma_start3A_541] : memref<125x80xi32, #tpu.memory_space<vmem>> -> memref<1x80xi32, #tpu.memory_space<vmem>>
      %dma_start3A_543 = tpu.memref_squeeze %dma_start3A_542 : memref<1x80xi32, #tpu.memory_space<vmem>> -> memref<80xi32, #tpu.memory_space<vmem>>
      %dma_start3A_544 = arith.constant 0 : i32
      %dma_start3A_545 = arith.constant 0 : i32
      %dma_start3A_546 = tpu.memref_slice %arg4[%dma_start3A_544, %dma_start3A_545] : memref<10240x32xf32, #tpu.memory_space<hbm>> -> memref<10240x32xf32, #tpu.memory_space<hbm>>
      %dma_start3A_547 = tpu.memref_slice %arg11[%dma_start3A_536] : memref<5x!tpu.dma_semaphore, #tpu.memory_space<semaphore_mem>> -> memref<1x!tpu.dma_semaphore, #tpu.memory_space<semaphore_mem>>
      %dma_start3A_548 = tpu.memref_squeeze %dma_start3A_547 : memref<1x!tpu.dma_semaphore, #tpu.memory_space<semaphore_mem>> -> memref<!tpu.dma_semaphore, #tpu.memory_space<semaphore_mem>>
      tpu.enqueue_indirect_dma source(%dma_start3A_546 : memref<10240x32xf32, #tpu.memory_space<hbm>>) target(%dma_start3A_540 : memref<80x32xf32, #tpu.memory_space<vmem>>) offsets(%dma_start3A_543 : memref<80xi32, #tpu.memory_space<vmem>>) semaphore(%dma_start3A_548 : memref<!tpu.dma_semaphore, #tpu.memory_space<semaphore_mem>>)
      %add3A_549 = arith.constant 2 : i32
      %add3A_550 = arith.addi %mul3A_320, %add3A_549 : i32
      %dma_wait3A_551 = arith.constant 2 : i32
      %dma_wait3A_552 = arith.constant 2 : i32
      %dma_wait3A_553 = arith.constant 0 : i32
      %dma_wait3A_554 = arith.constant 0 : i32
      %dma_wait3A_555 = tpu.memref_slice %arg9[%dma_wait3A_551, %dma_wait3A_553, %dma_wait3A_554] : memref<5x80x32xf32, #tpu.memory_space<vmem>> -> memref<1x80x32xf32, #tpu.memory_space<vmem>>
      %dma_wait3A_556 = tpu.memref_squeeze %dma_wait3A_555 : memref<1x80x32xf32, #tpu.memory_space<vmem>> -> memref<80x32xf32, #tpu.memory_space<vmem>>
      %dma_wait3A_557 = arith.constant 0 : i32
      %dma_wait3A_558 = tpu.memref_slice %arg8[%add3A_550, %dma_wait3A_557] : memref<125x80xi32, #tpu.memory_space<vmem>> -> memref<1x80xi32, #tpu.memory_space<vmem>>
      %dma_wait3A_559 = tpu.memref_squeeze %dma_wait3A_558 : memref<1x80xi32, #tpu.memory_space<vmem>> -> memref<80xi32, #tpu.memory_space<vmem>>
      %dma_wait3A_560 = arith.constant 0 : i32
      %dma_wait3A_561 = arith.constant 0 : i32
      %dma_wait3A_562 = tpu.memref_slice %arg6[%dma_wait3A_560, %dma_wait3A_561] : memref<10240x32xf32, #tpu.memory_space<vmem_shared>> -> memref<10240x32xf32, #tpu.memory_space<vmem_shared>>
      %dma_wait3A_563 = tpu.memref_slice %arg12[%dma_wait3A_552] : memref<5x!tpu.dma_semaphore, #tpu.memory_space<semaphore_mem>> -> memref<1x!tpu.dma_semaphore, #tpu.memory_space<semaphore_mem>>
      %dma_wait3A_564 = tpu.memref_squeeze %dma_wait3A_563 : memref<1x!tpu.dma_semaphore, #tpu.memory_space<semaphore_mem>> -> memref<!tpu.dma_semaphore, #tpu.memory_space<semaphore_mem>>
      tpu.wait_indirect_dma semaphore(%dma_wait3A_564 : memref<!tpu.dma_semaphore, #tpu.memory_space<semaphore_mem>>) src(%dma_wait3A_556 : memref<80x32xf32, #tpu.memory_space<vmem>>) dst(%dma_wait3A_562 : memref<10240x32xf32, #tpu.memory_space<vmem_shared>>)
      %add3A_565 = arith.constant 5 : i32
      %add3A_566 = arith.addi %mul3A_320, %add3A_565 : i32
      %add3A_567 = arith.constant 2 : i32
      %add3A_568 = arith.addi %add3A_566, %add3A_567 : i32
      %dma_start3A_569 = arith.constant 2 : i32
      %dma_start3A_570 = arith.constant 2 : i32
      %dma_start3A_571 = arith.constant 0 : i32
      %dma_start3A_572 = arith.constant 0 : i32
      %dma_start3A_573 = tpu.memref_slice %arg9[%dma_start3A_569, %dma_start3A_571, %dma_start3A_572] : memref<5x80x32xf32, #tpu.memory_space<vmem>> -> memref<1x80x32xf32, #tpu.memory_space<vmem>>
      %dma_start3A_574 = tpu.memref_squeeze %dma_start3A_573 : memref<1x80x32xf32, #tpu.memory_space<vmem>> -> memref<80x32xf32, #tpu.memory_space<vmem>>
      %dma_start3A_575 = arith.constant 0 : i32
      %dma_start3A_576 = tpu.memref_slice %arg7[%add3A_568, %dma_start3A_575] : memref<125x80xi32, #tpu.memory_space<vmem>> -> memref<1x80xi32, #tpu.memory_space<vmem>>
      %dma_start3A_577 = tpu.memref_squeeze %dma_start3A_576 : memref<1x80xi32, #tpu.memory_space<vmem>> -> memref<80xi32, #tpu.memory_space<vmem>>
      %dma_start3A_578 = arith.constant 0 : i32
      %dma_start3A_579 = arith.constant 0 : i32
      %dma_start3A_580 = tpu.memref_slice %arg4[%dma_start3A_578, %dma_start3A_579] : memref<10240x32xf32, #tpu.memory_space<hbm>> -> memref<10240x32xf32, #tpu.memory_space<hbm>>
      %dma_start3A_581 = tpu.memref_slice %arg11[%dma_start3A_570] : memref<5x!tpu.dma_semaphore, #tpu.memory_space<semaphore_mem>> -> memref<1x!tpu.dma_semaphore, #tpu.memory_space<semaphore_mem>>
      %dma_start3A_582 = tpu.memref_squeeze %dma_start3A_581 : memref<1x!tpu.dma_semaphore, #tpu.memory_space<semaphore_mem>> -> memref<!tpu.dma_semaphore, #tpu.memory_space<semaphore_mem>>
      tpu.enqueue_indirect_dma source(%dma_start3A_580 : memref<10240x32xf32, #tpu.memory_space<hbm>>) target(%dma_start3A_574 : memref<80x32xf32, #tpu.memory_space<vmem>>) offsets(%dma_start3A_577 : memref<80xi32, #tpu.memory_space<vmem>>) semaphore(%dma_start3A_582 : memref<!tpu.dma_semaphore, #tpu.memory_space<semaphore_mem>>)
      %add3A_583 = arith.constant 3 : i32
      %add3A_584 = arith.addi %mul3A_320, %add3A_583 : i32
      %dma_wait3A_585 = arith.constant 3 : i32
      %dma_wait3A_586 = arith.constant 3 : i32
      %dma_wait3A_587 = arith.constant 0 : i32
      %dma_wait3A_588 = arith.constant 0 : i32
      %dma_wait3A_589 = tpu.memref_slice %arg9[%dma_wait3A_585, %dma_wait3A_587, %dma_wait3A_588] : memref<5x80x32xf32, #tpu.memory_space<vmem>> -> memref<1x80x32xf32, #tpu.memory_space<vmem>>
      %dma_wait3A_590 = tpu.memref_squeeze %dma_wait3A_589 : memref<1x80x32xf32, #tpu.memory_space<vmem>> -> memref<80x32xf32, #tpu.memory_space<vmem>>
      %dma_wait3A_591 = arith.constant 0 : i32
      %dma_wait3A_592 = tpu.memref_slice %arg8[%add3A_584, %dma_wait3A_591] : memref<125x80xi32, #tpu.memory_space<vmem>> -> memref<1x80xi32, #tpu.memory_space<vmem>>
      %dma_wait3A_593 = tpu.memref_squeeze %dma_wait3A_592 : memref<1x80xi32, #tpu.memory_space<vmem>> -> memref<80xi32, #tpu.memory_space<vmem>>
      %dma_wait3A_594 = arith.constant 0 : i32
      %dma_wait3A_595 = arith.constant 0 : i32
      %dma_wait3A_596 = tpu.memref_slice %arg6[%dma_wait3A_594, %dma_wait3A_595] : memref<10240x32xf32, #tpu.memory_space<vmem_shared>> -> memref<10240x32xf32, #tpu.memory_space<vmem_shared>>
      %dma_wait3A_597 = tpu.memref_slice %arg12[%dma_wait3A_586] : memref<5x!tpu.dma_semaphore, #tpu.memory_space<semaphore_mem>> -> memref<1x!tpu.dma_semaphore, #tpu.memory_space<semaphore_mem>>
      %dma_wait3A_598 = tpu.memref_squeeze %dma_wait3A_597 : memref<1x!tpu.dma_semaphore, #tpu.memory_space<semaphore_mem>> -> memref<!tpu.dma_semaphore, #tpu.memory_space<semaphore_mem>>
      tpu.wait_indirect_dma semaphore(%dma_wait3A_598 : memref<!tpu.dma_semaphore, #tpu.memory_space<semaphore_mem>>) src(%dma_wait3A_590 : memref<80x32xf32, #tpu.memory_space<vmem>>) dst(%dma_wait3A_596 : memref<10240x32xf32, #tpu.memory_space<vmem_shared>>)
      %add3A_599 = arith.constant 5 : i32
      %add3A_600 = arith.addi %mul3A_320, %add3A_599 : i32
      %add3A_601 = arith.constant 3 : i32
      %add3A_602 = arith.addi %add3A_600, %add3A_601 : i32
      %dma_start3A_603 = arith.constant 3 : i32
      %dma_start3A_604 = arith.constant 3 : i32
      %dma_start3A_605 = arith.constant 0 : i32
      %dma_start3A_606 = arith.constant 0 : i32
      %dma_start3A_607 = tpu.memref_slice %arg9[%dma_start3A_603, %dma_start3A_605, %dma_start3A_606] : memref<5x80x32xf32, #tpu.memory_space<vmem>> -> memref<1x80x32xf32, #tpu.memory_space<vmem>>
      %dma_start3A_608 = tpu.memref_squeeze %dma_start3A_607 : memref<1x80x32xf32, #tpu.memory_space<vmem>> -> memref<80x32xf32, #tpu.memory_space<vmem>>
      %dma_start3A_609 = arith.constant 0 : i32
      %dma_start3A_610 = tpu.memref_slice %arg7[%add3A_602, %dma_start3A_609] : memref<125x80xi32, #tpu.memory_space<vmem>> -> memref<1x80xi32, #tpu.memory_space<vmem>>
      %dma_start3A_611 = tpu.memref_squeeze %dma_start3A_610 : memref<1x80xi32, #tpu.memory_space<vmem>> -> memref<80xi32, #tpu.memory_space<vmem>>
      %dma_start3A_612 = arith.constant 0 : i32
      %dma_start3A_613 = arith.constant 0 : i32
      %dma_start3A_614 = tpu.memref_slice %arg4[%dma_start3A_612, %dma_start3A_613] : memref<10240x32xf32, #tpu.memory_space<hbm>> -> memref<10240x32xf32, #tpu.memory_space<hbm>>
      %dma_start3A_615 = tpu.memref_slice %arg11[%dma_start3A_604] : memref<5x!tpu.dma_semaphore, #tpu.memory_space<semaphore_mem>> -> memref<1x!tpu.dma_semaphore, #tpu.memory_space<semaphore_mem>>
      %dma_start3A_616 = tpu.memref_squeeze %dma_start3A_615 : memref<1x!tpu.dma_semaphore, #tpu.memory_space<semaphore_mem>> -> memref<!tpu.dma_semaphore, #tpu.memory_space<semaphore_mem>>
      tpu.enqueue_indirect_dma source(%dma_start3A_614 : memref<10240x32xf32, #tpu.memory_space<hbm>>) target(%dma_start3A_608 : memref<80x32xf32, #tpu.memory_space<vmem>>) offsets(%dma_start3A_611 : memref<80xi32, #tpu.memory_space<vmem>>) semaphore(%dma_start3A_616 : memref<!tpu.dma_semaphore, #tpu.memory_space<semaphore_mem>>)
      %add3A_617 = arith.constant 4 : i32
      %add3A_618 = arith.addi %mul3A_320, %add3A_617 : i32
      %dma_wait3A_619 = arith.constant 4 : i32
      %dma_wait3A_620 = arith.constant 4 : i32
      %dma_wait3A_621 = arith.constant 0 : i32
      %dma_wait3A_622 = arith.constant 0 : i32
      %dma_wait3A_623 = tpu.memref_slice %arg9[%dma_wait3A_619, %dma_wait3A_621, %dma_wait3A_622] : memref<5x80x32xf32, #tpu.memory_space<vmem>> -> memref<1x80x32xf32, #tpu.memory_space<vmem>>
      %dma_wait3A_624 = tpu.memref_squeeze %dma_wait3A_623 : memref<1x80x32xf32, #tpu.memory_space<vmem>> -> memref<80x32xf32, #tpu.memory_space<vmem>>
      %dma_wait3A_625 = arith.constant 0 : i32
      %dma_wait3A_626 = tpu.memref_slice %arg8[%add3A_618, %dma_wait3A_625] : memref<125x80xi32, #tpu.memory_space<vmem>> -> memref<1x80xi32, #tpu.memory_space<vmem>>
      %dma_wait3A_627 = tpu.memref_squeeze %dma_wait3A_626 : memref<1x80xi32, #tpu.memory_space<vmem>> -> memref<80xi32, #tpu.memory_space<vmem>>
      %dma_wait3A_628 = arith.constant 0 : i32
      %dma_wait3A_629 = arith.constant 0 : i32
      %dma_wait3A_630 = tpu.memref_slice %arg6[%dma_wait3A_628, %dma_wait3A_629] : memref<10240x32xf32, #tpu.memory_space<vmem_shared>> -> memref<10240x32xf32, #tpu.memory_space<vmem_shared>>
      %dma_wait3A_631 = tpu.memref_slice %arg12[%dma_wait3A_620] : memref<5x!tpu.dma_semaphore, #tpu.memory_space<semaphore_mem>> -> memref<1x!tpu.dma_semaphore, #tpu.memory_space<semaphore_mem>>
      %dma_wait3A_632 = tpu.memref_squeeze %dma_wait3A_631 : memref<1x!tpu.dma_semaphore, #tpu.memory_space<semaphore_mem>> -> memref<!tpu.dma_semaphore, #tpu.memory_space<semaphore_mem>>
      tpu.wait_indirect_dma semaphore(%dma_wait3A_632 : memref<!tpu.dma_semaphore, #tpu.memory_space<semaphore_mem>>) src(%dma_wait3A_624 : memref<80x32xf32, #tpu.memory_space<vmem>>) dst(%dma_wait3A_630 : memref<10240x32xf32, #tpu.memory_space<vmem_shared>>)
      %add3A_633 = arith.constant 5 : i32
      %add3A_634 = arith.addi %mul3A_320, %add3A_633 : i32
      %add3A_635 = arith.constant 4 : i32
      %add3A_636 = arith.addi %add3A_634, %add3A_635 : i32
      %dma_start3A_637 = arith.constant 4 : i32
      %dma_start3A_638 = arith.constant 4 : i32
      %dma_start3A_639 = arith.constant 0 : i32
      %dma_start3A_640 = arith.constant 0 : i32
      %dma_start3A_641 = tpu.memref_slice %arg9[%dma_start3A_637, %dma_start3A_639, %dma_start3A_640] : memref<5x80x32xf32, #tpu.memory_space<vmem>> -> memref<1x80x32xf32, #tpu.memory_space<vmem>>
      %dma_start3A_642 = tpu.memref_squeeze %dma_start3A_641 : memref<1x80x32xf32, #tpu.memory_space<vmem>> -> memref<80x32xf32, #tpu.memory_space<vmem>>
      %dma_start3A_643 = arith.constant 0 : i32
      %dma_start3A_644 = tpu.memref_slice %arg7[%add3A_636, %dma_start3A_643] : memref<125x80xi32, #tpu.memory_space<vmem>> -> memref<1x80xi32, #tpu.memory_space<vmem>>
      %dma_start3A_645 = tpu.memref_squeeze %dma_start3A_644 : memref<1x80xi32, #tpu.memory_space<vmem>> -> memref<80xi32, #tpu.memory_space<vmem>>
      %dma_start3A_646 = arith.constant 0 : i32
      %dma_start3A_647 = arith.constant 0 : i32
      %dma_start3A_648 = tpu.memref_slice %arg4[%dma_start3A_646, %dma_start3A_647] : memref<10240x32xf32, #tpu.memory_space<hbm>> -> memref<10240x32xf32, #tpu.memory_space<hbm>>
      %dma_start3A_649 = tpu.memref_slice %arg11[%dma_start3A_638] : memref<5x!tpu.dma_semaphore, #tpu.memory_space<semaphore_mem>> -> memref<1x!tpu.dma_semaphore, #tpu.memory_space<semaphore_mem>>
      %dma_start3A_650 = tpu.memref_squeeze %dma_start3A_649 : memref<1x!tpu.dma_semaphore, #tpu.memory_space<semaphore_mem>> -> memref<!tpu.dma_semaphore, #tpu.memory_space<semaphore_mem>>
      tpu.enqueue_indirect_dma source(%dma_start3A_648 : memref<10240x32xf32, #tpu.memory_space<hbm>>) target(%dma_start3A_642 : memref<80x32xf32, #tpu.memory_space<vmem>>) offsets(%dma_start3A_645 : memref<80xi32, #tpu.memory_space<vmem>>) semaphore(%dma_start3A_650 : memref<!tpu.dma_semaphore, #tpu.memory_space<semaphore_mem>>)
    }
    %scan3A_88 = arith.constant 24 : i32
    %dma_wait3A = arith.constant 120 : i32
    %dma_wait3A_89 = arith.constant 0 : i32
    %dma_wait3A_90 = arith.constant 0 : i32
    %dma_wait3A_91 = arith.constant 0 : i32
    %dma_wait3A_92 = arith.constant 0 : i32
    %dma_wait3A_93 = tpu.memref_slice %arg9[%dma_wait3A_89, %dma_wait3A_91, %dma_wait3A_92] : memref<5x80x32xf32, #tpu.memory_space<vmem>> -> memref<1x80x32xf32, #tpu.memory_space<vmem>>
    %dma_wait3A_94 = tpu.memref_squeeze %dma_wait3A_93 : memref<1x80x32xf32, #tpu.memory_space<vmem>> -> memref<80x32xf32, #tpu.memory_space<vmem>>
    %dma_wait3A_95 = arith.constant 0 : i32
    %dma_wait3A_96 = tpu.memref_slice %arg7[%dma_wait3A, %dma_wait3A_95] : memref<125x80xi32, #tpu.memory_space<vmem>> -> memref<1x80xi32, #tpu.memory_space<vmem>>
    %dma_wait3A_97 = tpu.memref_squeeze %dma_wait3A_96 : memref<1x80xi32, #tpu.memory_space<vmem>> -> memref<80xi32, #tpu.memory_space<vmem>>
    %dma_wait3A_98 = arith.constant 0 : i32
    %dma_wait3A_99 = arith.constant 0 : i32
    %dma_wait3A_100 = tpu.memref_slice %arg4[%dma_wait3A_98, %dma_wait3A_99] : memref<10240x32xf32, #tpu.memory_space<hbm>> -> memref<10240x32xf32, #tpu.memory_space<hbm>>
    %dma_wait3A_101 = tpu.memref_slice %arg11[%dma_wait3A_90] : memref<5x!tpu.dma_semaphore, #tpu.memory_space<semaphore_mem>> -> memref<1x!tpu.dma_semaphore, #tpu.memory_space<semaphore_mem>>
    %dma_wait3A_102 = tpu.memref_squeeze %dma_wait3A_101 : memref<1x!tpu.dma_semaphore, #tpu.memory_space<semaphore_mem>> -> memref<!tpu.dma_semaphore, #tpu.memory_space<semaphore_mem>>
    tpu.wait_indirect_dma semaphore(%dma_wait3A_102 : memref<!tpu.dma_semaphore, #tpu.memory_space<semaphore_mem>>) src(%dma_wait3A_100 : memref<10240x32xf32, #tpu.memory_space<hbm>>) dst(%dma_wait3A_94 : memref<80x32xf32, #tpu.memory_space<vmem>>)
    %dma_start3A_103 = arith.constant 0 : i32
    %dma_start3A_104 = arith.constant 120 : i32
    %dma_start3A_105 = arith.constant 0 : i32
    %dma_start3A_106 = arith.constant 0 : i32
    %dma_start3A_107 = arith.constant 0 : i32
    %dma_start3A_108 = tpu.memref_slice %arg9[%dma_start3A_103, %dma_start3A_106, %dma_start3A_107] : memref<5x80x32xf32, #tpu.memory_space<vmem>> -> memref<1x80x32xf32, #tpu.memory_space<vmem>>
    %dma_start3A_109 = tpu.memref_squeeze %dma_start3A_108 : memref<1x80x32xf32, #tpu.memory_space<vmem>> -> memref<80x32xf32, #tpu.memory_space<vmem>>
    %dma_start3A_110 = arith.constant 0 : i32
    %dma_start3A_111 = tpu.memref_slice %arg8[%dma_start3A_104, %dma_start3A_110] : memref<125x80xi32, #tpu.memory_space<vmem>> -> memref<1x80xi32, #tpu.memory_space<vmem>>
    %dma_start3A_112 = tpu.memref_squeeze %dma_start3A_111 : memref<1x80xi32, #tpu.memory_space<vmem>> -> memref<80xi32, #tpu.memory_space<vmem>>
    %dma_start3A_113 = arith.constant 0 : i32
    %dma_start3A_114 = arith.constant 0 : i32
    %dma_start3A_115 = tpu.memref_slice %arg6[%dma_start3A_113, %dma_start3A_114] : memref<10240x32xf32, #tpu.memory_space<vmem_shared>> -> memref<10240x32xf32, #tpu.memory_space<vmem_shared>>
    %dma_start3A_116 = tpu.memref_slice %arg12[%dma_start3A_105] : memref<5x!tpu.dma_semaphore, #tpu.memory_space<semaphore_mem>> -> memref<1x!tpu.dma_semaphore, #tpu.memory_space<semaphore_mem>>
    %dma_start3A_117 = tpu.memref_squeeze %dma_start3A_116 : memref<1x!tpu.dma_semaphore, #tpu.memory_space<semaphore_mem>> -> memref<!tpu.dma_semaphore, #tpu.memory_space<semaphore_mem>>
    tpu.enqueue_indirect_dma source(%dma_start3A_109 : memref<80x32xf32, #tpu.memory_space<vmem>>) target(%dma_start3A_115 : memref<10240x32xf32, #tpu.memory_space<vmem_shared>>) offsets(%dma_start3A_112 : memref<80xi32, #tpu.memory_space<vmem>>) semaphore(%dma_start3A_117 : memref<!tpu.dma_semaphore, #tpu.memory_space<semaphore_mem>>) {add = true}
    %dma_wait3A_118 = arith.constant 121 : i32
    %dma_wait3A_119 = arith.constant 1 : i32
    %dma_wait3A_120 = arith.constant 1 : i32
    %dma_wait3A_121 = arith.constant 0 : i32
    %dma_wait3A_122 = arith.constant 0 : i32
    %dma_wait3A_123 = tpu.memref_slice %arg9[%dma_wait3A_119, %dma_wait3A_121, %dma_wait3A_122] : memref<5x80x32xf32, #tpu.memory_space<vmem>> -> memref<1x80x32xf32, #tpu.memory_space<vmem>>
    %dma_wait3A_124 = tpu.memref_squeeze %dma_wait3A_123 : memref<1x80x32xf32, #tpu.memory_space<vmem>> -> memref<80x32xf32, #tpu.memory_space<vmem>>
    %dma_wait3A_125 = arith.constant 0 : i32
    %dma_wait3A_126 = tpu.memref_slice %arg7[%dma_wait3A_118, %dma_wait3A_125] : memref<125x80xi32, #tpu.memory_space<vmem>> -> memref<1x80xi32, #tpu.memory_space<vmem>>
    %dma_wait3A_127 = tpu.memref_squeeze %dma_wait3A_126 : memref<1x80xi32, #tpu.memory_space<vmem>> -> memref<80xi32, #tpu.memory_space<vmem>>
    %dma_wait3A_128 = arith.constant 0 : i32
    %dma_wait3A_129 = arith.constant 0 : i32
    %dma_wait3A_130 = tpu.memref_slice %arg4[%dma_wait3A_128, %dma_wait3A_129] : memref<10240x32xf32, #tpu.memory_space<hbm>> -> memref<10240x32xf32, #tpu.memory_space<hbm>>
    %dma_wait3A_131 = tpu.memref_slice %arg11[%dma_wait3A_120] : memref<5x!tpu.dma_semaphore, #tpu.memory_space<semaphore_mem>> -> memref<1x!tpu.dma_semaphore, #tpu.memory_space<semaphore_mem>>
    %dma_wait3A_132 = tpu.memref_squeeze %dma_wait3A_131 : memref<1x!tpu.dma_semaphore, #tpu.memory_space<semaphore_mem>> -> memref<!tpu.dma_semaphore, #tpu.memory_space<semaphore_mem>>
    tpu.wait_indirect_dma semaphore(%dma_wait3A_132 : memref<!tpu.dma_semaphore, #tpu.memory_space<semaphore_mem>>) src(%dma_wait3A_130 : memref<10240x32xf32, #tpu.memory_space<hbm>>) dst(%dma_wait3A_124 : memref<80x32xf32, #tpu.memory_space<vmem>>)
    %dma_start3A_133 = arith.constant 1 : i32
    %dma_start3A_134 = arith.constant 121 : i32
    %dma_start3A_135 = arith.constant 1 : i32
    %dma_start3A_136 = arith.constant 0 : i32
    %dma_start3A_137 = arith.constant 0 : i32
    %dma_start3A_138 = tpu.memref_slice %arg9[%dma_start3A_133, %dma_start3A_136, %dma_start3A_137] : memref<5x80x32xf32, #tpu.memory_space<vmem>> -> memref<1x80x32xf32, #tpu.memory_space<vmem>>
    %dma_start3A_139 = tpu.memref_squeeze %dma_start3A_138 : memref<1x80x32xf32, #tpu.memory_space<vmem>> -> memref<80x32xf32, #tpu.memory_space<vmem>>
    %dma_start3A_140 = arith.constant 0 : i32
    %dma_start3A_141 = tpu.memref_slice %arg8[%dma_start3A_134, %dma_start3A_140] : memref<125x80xi32, #tpu.memory_space<vmem>> -> memref<1x80xi32, #tpu.memory_space<vmem>>
    %dma_start3A_142 = tpu.memref_squeeze %dma_start3A_141 : memref<1x80xi32, #tpu.memory_space<vmem>> -> memref<80xi32, #tpu.memory_space<vmem>>
    %dma_start3A_143 = arith.constant 0 : i32
    %dma_start3A_144 = arith.constant 0 : i32
    %dma_start3A_145 = tpu.memref_slice %arg6[%dma_start3A_143, %dma_start3A_144] : memref<10240x32xf32, #tpu.memory_space<vmem_shared>> -> memref<10240x32xf32, #tpu.memory_space<vmem_shared>>
    %dma_start3A_146 = tpu.memref_slice %arg12[%dma_start3A_135] : memref<5x!tpu.dma_semaphore, #tpu.memory_space<semaphore_mem>> -> memref<1x!tpu.dma_semaphore, #tpu.memory_space<semaphore_mem>>
    %dma_start3A_147 = tpu.memref_squeeze %dma_start3A_146 : memref<1x!tpu.dma_semaphore, #tpu.memory_space<semaphore_mem>> -> memref<!tpu.dma_semaphore, #tpu.memory_space<semaphore_mem>>
    tpu.enqueue_indirect_dma source(%dma_start3A_139 : memref<80x32xf32, #tpu.memory_space<vmem>>) target(%dma_start3A_145 : memref<10240x32xf32, #tpu.memory_space<vmem_shared>>) offsets(%dma_start3A_142 : memref<80xi32, #tpu.memory_space<vmem>>) semaphore(%dma_start3A_147 : memref<!tpu.dma_semaphore, #tpu.memory_space<semaphore_mem>>) {add = true}
    %dma_wait3A_148 = arith.constant 122 : i32
    %dma_wait3A_149 = arith.constant 2 : i32
    %dma_wait3A_150 = arith.constant 2 : i32
    %dma_wait3A_151 = arith.constant 0 : i32
    %dma_wait3A_152 = arith.constant 0 : i32
    %dma_wait3A_153 = tpu.memref_slice %arg9[%dma_wait3A_149, %dma_wait3A_151, %dma_wait3A_152] : memref<5x80x32xf32, #tpu.memory_space<vmem>> -> memref<1x80x32xf32, #tpu.memory_space<vmem>>
    %dma_wait3A_154 = tpu.memref_squeeze %dma_wait3A_153 : memref<1x80x32xf32, #tpu.memory_space<vmem>> -> memref<80x32xf32, #tpu.memory_space<vmem>>
    %dma_wait3A_155 = arith.constant 0 : i32
    %dma_wait3A_156 = tpu.memref_slice %arg7[%dma_wait3A_148, %dma_wait3A_155] : memref<125x80xi32, #tpu.memory_space<vmem>> -> memref<1x80xi32, #tpu.memory_space<vmem>>
    %dma_wait3A_157 = tpu.memref_squeeze %dma_wait3A_156 : memref<1x80xi32, #tpu.memory_space<vmem>> -> memref<80xi32, #tpu.memory_space<vmem>>
    %dma_wait3A_158 = arith.constant 0 : i32
    %dma_wait3A_159 = arith.constant 0 : i32
    %dma_wait3A_160 = tpu.memref_slice %arg4[%dma_wait3A_158, %dma_wait3A_159] : memref<10240x32xf32, #tpu.memory_space<hbm>> -> memref<10240x32xf32, #tpu.memory_space<hbm>>
    %dma_wait3A_161 = tpu.memref_slice %arg11[%dma_wait3A_150] : memref<5x!tpu.dma_semaphore, #tpu.memory_space<semaphore_mem>> -> memref<1x!tpu.dma_semaphore, #tpu.memory_space<semaphore_mem>>
    %dma_wait3A_162 = tpu.memref_squeeze %dma_wait3A_161 : memref<1x!tpu.dma_semaphore, #tpu.memory_space<semaphore_mem>> -> memref<!tpu.dma_semaphore, #tpu.memory_space<semaphore_mem>>
    tpu.wait_indirect_dma semaphore(%dma_wait3A_162 : memref<!tpu.dma_semaphore, #tpu.memory_space<semaphore_mem>>) src(%dma_wait3A_160 : memref<10240x32xf32, #tpu.memory_space<hbm>>) dst(%dma_wait3A_154 : memref<80x32xf32, #tpu.memory_space<vmem>>)
    %dma_start3A_163 = arith.constant 2 : i32
    %dma_start3A_164 = arith.constant 122 : i32
    %dma_start3A_165 = arith.constant 2 : i32
    %dma_start3A_166 = arith.constant 0 : i32
    %dma_start3A_167 = arith.constant 0 : i32
    %dma_start3A_168 = tpu.memref_slice %arg9[%dma_start3A_163, %dma_start3A_166, %dma_start3A_167] : memref<5x80x32xf32, #tpu.memory_space<vmem>> -> memref<1x80x32xf32, #tpu.memory_space<vmem>>
    %dma_start3A_169 = tpu.memref_squeeze %dma_start3A_168 : memref<1x80x32xf32, #tpu.memory_space<vmem>> -> memref<80x32xf32, #tpu.memory_space<vmem>>
    %dma_start3A_170 = arith.constant 0 : i32
    %dma_start3A_171 = tpu.memref_slice %arg8[%dma_start3A_164, %dma_start3A_170] : memref<125x80xi32, #tpu.memory_space<vmem>> -> memref<1x80xi32, #tpu.memory_space<vmem>>
    %dma_start3A_172 = tpu.memref_squeeze %dma_start3A_171 : memref<1x80xi32, #tpu.memory_space<vmem>> -> memref<80xi32, #tpu.memory_space<vmem>>
    %dma_start3A_173 = arith.constant 0 : i32
    %dma_start3A_174 = arith.constant 0 : i32
    %dma_start3A_175 = tpu.memref_slice %arg6[%dma_start3A_173, %dma_start3A_174] : memref<10240x32xf32, #tpu.memory_space<vmem_shared>> -> memref<10240x32xf32, #tpu.memory_space<vmem_shared>>
    %dma_start3A_176 = tpu.memref_slice %arg12[%dma_start3A_165] : memref<5x!tpu.dma_semaphore, #tpu.memory_space<semaphore_mem>> -> memref<1x!tpu.dma_semaphore, #tpu.memory_space<semaphore_mem>>
    %dma_start3A_177 = tpu.memref_squeeze %dma_start3A_176 : memref<1x!tpu.dma_semaphore, #tpu.memory_space<semaphore_mem>> -> memref<!tpu.dma_semaphore, #tpu.memory_space<semaphore_mem>>
    tpu.enqueue_indirect_dma source(%dma_start3A_169 : memref<80x32xf32, #tpu.memory_space<vmem>>) target(%dma_start3A_175 : memref<10240x32xf32, #tpu.memory_space<vmem_shared>>) offsets(%dma_start3A_172 : memref<80xi32, #tpu.memory_space<vmem>>) semaphore(%dma_start3A_177 : memref<!tpu.dma_semaphore, #tpu.memory_space<semaphore_mem>>) {add = true}
    %dma_wait3A_178 = arith.constant 123 : i32
    %dma_wait3A_179 = arith.constant 3 : i32
    %dma_wait3A_180 = arith.constant 3 : i32
    %dma_wait3A_181 = arith.constant 0 : i32
    %dma_wait3A_182 = arith.constant 0 : i32
    %dma_wait3A_183 = tpu.memref_slice %arg9[%dma_wait3A_179, %dma_wait3A_181, %dma_wait3A_182] : memref<5x80x32xf32, #tpu.memory_space<vmem>> -> memref<1x80x32xf32, #tpu.memory_space<vmem>>
    %dma_wait3A_184 = tpu.memref_squeeze %dma_wait3A_183 : memref<1x80x32xf32, #tpu.memory_space<vmem>> -> memref<80x32xf32, #tpu.memory_space<vmem>>
    %dma_wait3A_185 = arith.constant 0 : i32
    %dma_wait3A_186 = tpu.memref_slice %arg7[%dma_wait3A_178, %dma_wait3A_185] : memref<125x80xi32, #tpu.memory_space<vmem>> -> memref<1x80xi32, #tpu.memory_space<vmem>>
    %dma_wait3A_187 = tpu.memref_squeeze %dma_wait3A_186 : memref<1x80xi32, #tpu.memory_space<vmem>> -> memref<80xi32, #tpu.memory_space<vmem>>
    %dma_wait3A_188 = arith.constant 0 : i32
    %dma_wait3A_189 = arith.constant 0 : i32
    %dma_wait3A_190 = tpu.memref_slice %arg4[%dma_wait3A_188, %dma_wait3A_189] : memref<10240x32xf32, #tpu.memory_space<hbm>> -> memref<10240x32xf32, #tpu.memory_space<hbm>>
    %dma_wait3A_191 = tpu.memref_slice %arg11[%dma_wait3A_180] : memref<5x!tpu.dma_semaphore, #tpu.memory_space<semaphore_mem>> -> memref<1x!tpu.dma_semaphore, #tpu.memory_space<semaphore_mem>>
    %dma_wait3A_192 = tpu.memref_squeeze %dma_wait3A_191 : memref<1x!tpu.dma_semaphore, #tpu.memory_space<semaphore_mem>> -> memref<!tpu.dma_semaphore, #tpu.memory_space<semaphore_mem>>
    tpu.wait_indirect_dma semaphore(%dma_wait3A_192 : memref<!tpu.dma_semaphore, #tpu.memory_space<semaphore_mem>>) src(%dma_wait3A_190 : memref<10240x32xf32, #tpu.memory_space<hbm>>) dst(%dma_wait3A_184 : memref<80x32xf32, #tpu.memory_space<vmem>>)
    %dma_start3A_193 = arith.constant 3 : i32
    %dma_start3A_194 = arith.constant 123 : i32
    %dma_start3A_195 = arith.constant 3 : i32
    %dma_start3A_196 = arith.constant 0 : i32
    %dma_start3A_197 = arith.constant 0 : i32
    %dma_start3A_198 = tpu.memref_slice %arg9[%dma_start3A_193, %dma_start3A_196, %dma_start3A_197] : memref<5x80x32xf32, #tpu.memory_space<vmem>> -> memref<1x80x32xf32, #tpu.memory_space<vmem>>
    %dma_start3A_199 = tpu.memref_squeeze %dma_start3A_198 : memref<1x80x32xf32, #tpu.memory_space<vmem>> -> memref<80x32xf32, #tpu.memory_space<vmem>>
    %dma_start3A_200 = arith.constant 0 : i32
    %dma_start3A_201 = tpu.memref_slice %arg8[%dma_start3A_194, %dma_start3A_200] : memref<125x80xi32, #tpu.memory_space<vmem>> -> memref<1x80xi32, #tpu.memory_space<vmem>>
    %dma_start3A_202 = tpu.memref_squeeze %dma_start3A_201 : memref<1x80xi32, #tpu.memory_space<vmem>> -> memref<80xi32, #tpu.memory_space<vmem>>
    %dma_start3A_203 = arith.constant 0 : i32
    %dma_start3A_204 = arith.constant 0 : i32
    %dma_start3A_205 = tpu.memref_slice %arg6[%dma_start3A_203, %dma_start3A_204] : memref<10240x32xf32, #tpu.memory_space<vmem_shared>> -> memref<10240x32xf32, #tpu.memory_space<vmem_shared>>
    %dma_start3A_206 = tpu.memref_slice %arg12[%dma_start3A_195] : memref<5x!tpu.dma_semaphore, #tpu.memory_space<semaphore_mem>> -> memref<1x!tpu.dma_semaphore, #tpu.memory_space<semaphore_mem>>
    %dma_start3A_207 = tpu.memref_squeeze %dma_start3A_206 : memref<1x!tpu.dma_semaphore, #tpu.memory_space<semaphore_mem>> -> memref<!tpu.dma_semaphore, #tpu.memory_space<semaphore_mem>>
    tpu.enqueue_indirect_dma source(%dma_start3A_199 : memref<80x32xf32, #tpu.memory_space<vmem>>) target(%dma_start3A_205 : memref<10240x32xf32, #tpu.memory_space<vmem_shared>>) offsets(%dma_start3A_202 : memref<80xi32, #tpu.memory_space<vmem>>) semaphore(%dma_start3A_207 : memref<!tpu.dma_semaphore, #tpu.memory_space<semaphore_mem>>) {add = true}
    %dma_wait3A_208 = arith.constant 124 : i32
    %dma_wait3A_209 = arith.constant 4 : i32
    %dma_wait3A_210 = arith.constant 4 : i32
    %dma_wait3A_211 = arith.constant 0 : i32
    %dma_wait3A_212 = arith.constant 0 : i32
    %dma_wait3A_213 = tpu.memref_slice %arg9[%dma_wait3A_209, %dma_wait3A_211, %dma_wait3A_212] : memref<5x80x32xf32, #tpu.memory_space<vmem>> -> memref<1x80x32xf32, #tpu.memory_space<vmem>>
    %dma_wait3A_214 = tpu.memref_squeeze %dma_wait3A_213 : memref<1x80x32xf32, #tpu.memory_space<vmem>> -> memref<80x32xf32, #tpu.memory_space<vmem>>
    %dma_wait3A_215 = arith.constant 0 : i32
    %dma_wait3A_216 = tpu.memref_slice %arg7[%dma_wait3A_208, %dma_wait3A_215] : memref<125x80xi32, #tpu.memory_space<vmem>> -> memref<1x80xi32, #tpu.memory_space<vmem>>
    %dma_wait3A_217 = tpu.memref_squeeze %dma_wait3A_216 : memref<1x80xi32, #tpu.memory_space<vmem>> -> memref<80xi32, #tpu.memory_space<vmem>>
    %dma_wait3A_218 = arith.constant 0 : i32
    %dma_wait3A_219 = arith.constant 0 : i32
    %dma_wait3A_220 = tpu.memref_slice %arg4[%dma_wait3A_218, %dma_wait3A_219] : memref<10240x32xf32, #tpu.memory_space<hbm>> -> memref<10240x32xf32, #tpu.memory_space<hbm>>
    %dma_wait3A_221 = tpu.memref_slice %arg11[%dma_wait3A_210] : memref<5x!tpu.dma_semaphore, #tpu.memory_space<semaphore_mem>> -> memref<1x!tpu.dma_semaphore, #tpu.memory_space<semaphore_mem>>
    %dma_wait3A_222 = tpu.memref_squeeze %dma_wait3A_221 : memref<1x!tpu.dma_semaphore, #tpu.memory_space<semaphore_mem>> -> memref<!tpu.dma_semaphore, #tpu.memory_space<semaphore_mem>>
    tpu.wait_indirect_dma semaphore(%dma_wait3A_222 : memref<!tpu.dma_semaphore, #tpu.memory_space<semaphore_mem>>) src(%dma_wait3A_220 : memref<10240x32xf32, #tpu.memory_space<hbm>>) dst(%dma_wait3A_214 : memref<80x32xf32, #tpu.memory_space<vmem>>)
    %dma_start3A_223 = arith.constant 4 : i32
    %dma_start3A_224 = arith.constant 124 : i32
    %dma_start3A_225 = arith.constant 4 : i32
    %dma_start3A_226 = arith.constant 0 : i32
    %dma_start3A_227 = arith.constant 0 : i32
    %dma_start3A_228 = tpu.memref_slice %arg9[%dma_start3A_223, %dma_start3A_226, %dma_start3A_227] : memref<5x80x32xf32, #tpu.memory_space<vmem>> -> memref<1x80x32xf32, #tpu.memory_space<vmem>>
    %dma_start3A_229 = tpu.memref_squeeze %dma_start3A_228 : memref<1x80x32xf32, #tpu.memory_space<vmem>> -> memref<80x32xf32, #tpu.memory_space<vmem>>
    %dma_start3A_230 = arith.constant 0 : i32
    %dma_start3A_231 = tpu.memref_slice %arg8[%dma_start3A_224, %dma_start3A_230] : memref<125x80xi32, #tpu.memory_space<vmem>> -> memref<1x80xi32, #tpu.memory_space<vmem>>
    %dma_start3A_232 = tpu.memref_squeeze %dma_start3A_231 : memref<1x80xi32, #tpu.memory_space<vmem>> -> memref<80xi32, #tpu.memory_space<vmem>>
    %dma_start3A_233 = arith.constant 0 : i32
    %dma_start3A_234 = arith.constant 0 : i32
    %dma_start3A_235 = tpu.memref_slice %arg6[%dma_start3A_233, %dma_start3A_234] : memref<10240x32xf32, #tpu.memory_space<vmem_shared>> -> memref<10240x32xf32, #tpu.memory_space<vmem_shared>>
    %dma_start3A_236 = tpu.memref_slice %arg12[%dma_start3A_225] : memref<5x!tpu.dma_semaphore, #tpu.memory_space<semaphore_mem>> -> memref<1x!tpu.dma_semaphore, #tpu.memory_space<semaphore_mem>>
    %dma_start3A_237 = tpu.memref_squeeze %dma_start3A_236 : memref<1x!tpu.dma_semaphore, #tpu.memory_space<semaphore_mem>> -> memref<!tpu.dma_semaphore, #tpu.memory_space<semaphore_mem>>
    tpu.enqueue_indirect_dma source(%dma_start3A_229 : memref<80x32xf32, #tpu.memory_space<vmem>>) target(%dma_start3A_235 : memref<10240x32xf32, #tpu.memory_space<vmem_shared>>) offsets(%dma_start3A_232 : memref<80xi32, #tpu.memory_space<vmem>>) semaphore(%dma_start3A_237 : memref<!tpu.dma_semaphore, #tpu.memory_space<semaphore_mem>>) {add = true}
    %dma_wait3A_238 = arith.constant 0 : i32
    %dma_wait3A_239 = arith.constant 120 : i32
    %dma_wait3A_240 = arith.constant 0 : i32
    %dma_wait3A_241 = arith.constant 0 : i32
    %dma_wait3A_242 = arith.constant 0 : i32
    %dma_wait3A_243 = tpu.memref_slice %arg9[%dma_wait3A_238, %dma_wait3A_241, %dma_wait3A_242] : memref<5x80x32xf32, #tpu.memory_space<vmem>> -> memref<1x80x32xf32, #tpu.memory_space<vmem>>
    %dma_wait3A_244 = tpu.memref_squeeze %dma_wait3A_243 : memref<1x80x32xf32, #tpu.memory_space<vmem>> -> memref<80x32xf32, #tpu.memory_space<vmem>>
    %dma_wait3A_245 = arith.constant 0 : i32
    %dma_wait3A_246 = tpu.memref_slice %arg8[%dma_wait3A_239, %dma_wait3A_245] : memref<125x80xi32, #tpu.memory_space<vmem>> -> memref<1x80xi32, #tpu.memory_space<vmem>>
    %dma_wait3A_247 = tpu.memref_squeeze %dma_wait3A_246 : memref<1x80xi32, #tpu.memory_space<vmem>> -> memref<80xi32, #tpu.memory_space<vmem>>
    %dma_wait3A_248 = arith.constant 0 : i32
    %dma_wait3A_249 = arith.constant 0 : i32
    %dma_wait3A_250 = tpu.memref_slice %arg6[%dma_wait3A_248, %dma_wait3A_249] : memref<10240x32xf32, #tpu.memory_space<vmem_shared>> -> memref<10240x32xf32, #tpu.memory_space<vmem_shared>>
    %dma_wait3A_251 = tpu.memref_slice %arg12[%dma_wait3A_240] : memref<5x!tpu.dma_semaphore, #tpu.memory_space<semaphore_mem>> -> memref<1x!tpu.dma_semaphore, #tpu.memory_space<semaphore_mem>>
    %dma_wait3A_252 = tpu.memref_squeeze %dma_wait3A_251 : memref<1x!tpu.dma_semaphore, #tpu.memory_space<semaphore_mem>> -> memref<!tpu.dma_semaphore, #tpu.memory_space<semaphore_mem>>
    tpu.wait_indirect_dma semaphore(%dma_wait3A_252 : memref<!tpu.dma_semaphore, #tpu.memory_space<semaphore_mem>>) src(%dma_wait3A_244 : memref<80x32xf32, #tpu.memory_space<vmem>>) dst(%dma_wait3A_250 : memref<10240x32xf32, #tpu.memory_space<vmem_shared>>)
    %dma_wait3A_253 = arith.constant 1 : i32
    %dma_wait3A_254 = arith.constant 121 : i32
    %dma_wait3A_255 = arith.constant 1 : i32
    %dma_wait3A_256 = arith.constant 0 : i32
    %dma_wait3A_257 = arith.constant 0 : i32
    %dma_wait3A_258 = tpu.memref_slice %arg9[%dma_wait3A_253, %dma_wait3A_256, %dma_wait3A_257] : memref<5x80x32xf32, #tpu.memory_space<vmem>> -> memref<1x80x32xf32, #tpu.memory_space<vmem>>
    %dma_wait3A_259 = tpu.memref_squeeze %dma_wait3A_258 : memref<1x80x32xf32, #tpu.memory_space<vmem>> -> memref<80x32xf32, #tpu.memory_space<vmem>>
    %dma_wait3A_260 = arith.constant 0 : i32
    %dma_wait3A_261 = tpu.memref_slice %arg8[%dma_wait3A_254, %dma_wait3A_260] : memref<125x80xi32, #tpu.memory_space<vmem>> -> memref<1x80xi32, #tpu.memory_space<vmem>>
    %dma_wait3A_262 = tpu.memref_squeeze %dma_wait3A_261 : memref<1x80xi32, #tpu.memory_space<vmem>> -> memref<80xi32, #tpu.memory_space<vmem>>
    %dma_wait3A_263 = arith.constant 0 : i32
    %dma_wait3A_264 = arith.constant 0 : i32
    %dma_wait3A_265 = tpu.memref_slice %arg6[%dma_wait3A_263, %dma_wait3A_264] : memref<10240x32xf32, #tpu.memory_space<vmem_shared>> -> memref<10240x32xf32, #tpu.memory_space<vmem_shared>>
    %dma_wait3A_266 = tpu.memref_slice %arg12[%dma_wait3A_255] : memref<5x!tpu.dma_semaphore, #tpu.memory_space<semaphore_mem>> -> memref<1x!tpu.dma_semaphore, #tpu.memory_space<semaphore_mem>>
    %dma_wait3A_267 = tpu.memref_squeeze %dma_wait3A_266 : memref<1x!tpu.dma_semaphore, #tpu.memory_space<semaphore_mem>> -> memref<!tpu.dma_semaphore, #tpu.memory_space<semaphore_mem>>
    tpu.wait_indirect_dma semaphore(%dma_wait3A_267 : memref<!tpu.dma_semaphore, #tpu.memory_space<semaphore_mem>>) src(%dma_wait3A_259 : memref<80x32xf32, #tpu.memory_space<vmem>>) dst(%dma_wait3A_265 : memref<10240x32xf32, #tpu.memory_space<vmem_shared>>)
    %dma_wait3A_268 = arith.constant 2 : i32
    %dma_wait3A_269 = arith.constant 122 : i32
    %dma_wait3A_270 = arith.constant 2 : i32
    %dma_wait3A_271 = arith.constant 0 : i32
    %dma_wait3A_272 = arith.constant 0 : i32
    %dma_wait3A_273 = tpu.memref_slice %arg9[%dma_wait3A_268, %dma_wait3A_271, %dma_wait3A_272] : memref<5x80x32xf32, #tpu.memory_space<vmem>> -> memref<1x80x32xf32, #tpu.memory_space<vmem>>
    %dma_wait3A_274 = tpu.memref_squeeze %dma_wait3A_273 : memref<1x80x32xf32, #tpu.memory_space<vmem>> -> memref<80x32xf32, #tpu.memory_space<vmem>>
    %dma_wait3A_275 = arith.constant 0 : i32
    %dma_wait3A_276 = tpu.memref_slice %arg8[%dma_wait3A_269, %dma_wait3A_275] : memref<125x80xi32, #tpu.memory_space<vmem>> -> memref<1x80xi32, #tpu.memory_space<vmem>>
    %dma_wait3A_277 = tpu.memref_squeeze %dma_wait3A_276 : memref<1x80xi32, #tpu.memory_space<vmem>> -> memref<80xi32, #tpu.memory_space<vmem>>
    %dma_wait3A_278 = arith.constant 0 : i32
    %dma_wait3A_279 = arith.constant 0 : i32
    %dma_wait3A_280 = tpu.memref_slice %arg6[%dma_wait3A_278, %dma_wait3A_279] : memref<10240x32xf32, #tpu.memory_space<vmem_shared>> -> memref<10240x32xf32, #tpu.memory_space<vmem_shared>>
    %dma_wait3A_281 = tpu.memref_slice %arg12[%dma_wait3A_270] : memref<5x!tpu.dma_semaphore, #tpu.memory_space<semaphore_mem>> -> memref<1x!tpu.dma_semaphore, #tpu.memory_space<semaphore_mem>>
    %dma_wait3A_282 = tpu.memref_squeeze %dma_wait3A_281 : memref<1x!tpu.dma_semaphore, #tpu.memory_space<semaphore_mem>> -> memref<!tpu.dma_semaphore, #tpu.memory_space<semaphore_mem>>
    tpu.wait_indirect_dma semaphore(%dma_wait3A_282 : memref<!tpu.dma_semaphore, #tpu.memory_space<semaphore_mem>>) src(%dma_wait3A_274 : memref<80x32xf32, #tpu.memory_space<vmem>>) dst(%dma_wait3A_280 : memref<10240x32xf32, #tpu.memory_space<vmem_shared>>)
    %dma_wait3A_283 = arith.constant 3 : i32
    %dma_wait3A_284 = arith.constant 123 : i32
    %dma_wait3A_285 = arith.constant 3 : i32
    %dma_wait3A_286 = arith.constant 0 : i32
    %dma_wait3A_287 = arith.constant 0 : i32
    %dma_wait3A_288 = tpu.memref_slice %arg9[%dma_wait3A_283, %dma_wait3A_286, %dma_wait3A_287] : memref<5x80x32xf32, #tpu.memory_space<vmem>> -> memref<1x80x32xf32, #tpu.memory_space<vmem>>
    %dma_wait3A_289 = tpu.memref_squeeze %dma_wait3A_288 : memref<1x80x32xf32, #tpu.memory_space<vmem>> -> memref<80x32xf32, #tpu.memory_space<vmem>>
    %dma_wait3A_290 = arith.constant 0 : i32
    %dma_wait3A_291 = tpu.memref_slice %arg8[%dma_wait3A_284, %dma_wait3A_290] : memref<125x80xi32, #tpu.memory_space<vmem>> -> memref<1x80xi32, #tpu.memory_space<vmem>>
    %dma_wait3A_292 = tpu.memref_squeeze %dma_wait3A_291 : memref<1x80xi32, #tpu.memory_space<vmem>> -> memref<80xi32, #tpu.memory_space<vmem>>
    %dma_wait3A_293 = arith.constant 0 : i32
    %dma_wait3A_294 = arith.constant 0 : i32
    %dma_wait3A_295 = tpu.memref_slice %arg6[%dma_wait3A_293, %dma_wait3A_294] : memref<10240x32xf32, #tpu.memory_space<vmem_shared>> -> memref<10240x32xf32, #tpu.memory_space<vmem_shared>>
    %dma_wait3A_296 = tpu.memref_slice %arg12[%dma_wait3A_285] : memref<5x!tpu.dma_semaphore, #tpu.memory_space<semaphore_mem>> -> memref<1x!tpu.dma_semaphore, #tpu.memory_space<semaphore_mem>>
    %dma_wait3A_297 = tpu.memref_squeeze %dma_wait3A_296 : memref<1x!tpu.dma_semaphore, #tpu.memory_space<semaphore_mem>> -> memref<!tpu.dma_semaphore, #tpu.memory_space<semaphore_mem>>
    tpu.wait_indirect_dma semaphore(%dma_wait3A_297 : memref<!tpu.dma_semaphore, #tpu.memory_space<semaphore_mem>>) src(%dma_wait3A_289 : memref<80x32xf32, #tpu.memory_space<vmem>>) dst(%dma_wait3A_295 : memref<10240x32xf32, #tpu.memory_space<vmem_shared>>)
    %dma_wait3A_298 = arith.constant 4 : i32
    %dma_wait3A_299 = arith.constant 124 : i32
    %dma_wait3A_300 = arith.constant 4 : i32
    %dma_wait3A_301 = arith.constant 0 : i32
    %dma_wait3A_302 = arith.constant 0 : i32
    %dma_wait3A_303 = tpu.memref_slice %arg9[%dma_wait3A_298, %dma_wait3A_301, %dma_wait3A_302] : memref<5x80x32xf32, #tpu.memory_space<vmem>> -> memref<1x80x32xf32, #tpu.memory_space<vmem>>
    %dma_wait3A_304 = tpu.memref_squeeze %dma_wait3A_303 : memref<1x80x32xf32, #tpu.memory_space<vmem>> -> memref<80x32xf32, #tpu.memory_space<vmem>>
    %dma_wait3A_305 = arith.constant 0 : i32
    %dma_wait3A_306 = tpu.memref_slice %arg8[%dma_wait3A_299, %dma_wait3A_305] : memref<125x80xi32, #tpu.memory_space<vmem>> -> memref<1x80xi32, #tpu.memory_space<vmem>>
    %dma_wait3A_307 = tpu.memref_squeeze %dma_wait3A_306 : memref<1x80xi32, #tpu.memory_space<vmem>> -> memref<80xi32, #tpu.memory_space<vmem>>
    %dma_wait3A_308 = arith.constant 0 : i32
    %dma_wait3A_309 = arith.constant 0 : i32
    %dma_wait3A_310 = tpu.memref_slice %arg6[%dma_wait3A_308, %dma_wait3A_309] : memref<10240x32xf32, #tpu.memory_space<vmem_shared>> -> memref<10240x32xf32, #tpu.memory_space<vmem_shared>>
    %dma_wait3A_311 = tpu.memref_slice %arg12[%dma_wait3A_300] : memref<5x!tpu.dma_semaphore, #tpu.memory_space<semaphore_mem>> -> memref<1x!tpu.dma_semaphore, #tpu.memory_space<semaphore_mem>>
    %dma_wait3A_312 = tpu.memref_squeeze %dma_wait3A_311 : memref<1x!tpu.dma_semaphore, #tpu.memory_space<semaphore_mem>> -> memref<!tpu.dma_semaphore, #tpu.memory_space<semaphore_mem>>
    tpu.wait_indirect_dma semaphore(%dma_wait3A_312 : memref<!tpu.dma_semaphore, #tpu.memory_space<semaphore_mem>>) src(%dma_wait3A_304 : memref<80x32xf32, #tpu.memory_space<vmem>>) dst(%dma_wait3A_310 : memref<10240x32xf32, #tpu.memory_space<vmem_shared>>)
    %barrier3A_313 = arith.constant 0 : index
    tpu.barrier barrier_id(%barrier3A_313)
    %mul3A_314 = arith.constant 640 : i32
    %mul3A_315 = arith.muli %arg1, %mul3A_314 : i32
    "tpu.region"() ({
      %run_scoped3A = tpu.sem_alloc : memref<!tpu.dma_semaphore, #tpu.memory_space<semaphore_mem>>
      %dma_start3A_318 = arith.constant 0 : i32
      %dma_start3A_319 = tpu.memref_slice %arg6[%mul3A_315, %dma_start3A_318] : memref<10240x32xf32, #tpu.memory_space<vmem_shared>> -> memref<640x32xf32, #tpu.memory_space<vmem_shared>>
      %dma_start3A_320 = arith.constant 0 : i32
      %dma_start3A_321 = tpu.memref_slice %arg6[%mul3A_315, %dma_start3A_320] : memref<10240x32xf32, #tpu.memory_space<vmem_shared>> -> memref<640x32xf32, #tpu.memory_space<vmem_shared>>
      tpu.enqueue_dma source(%dma_start3A_321 : memref<640x32xf32, #tpu.memory_space<vmem_shared>>) target(%arg10 : memref<640x32xf32, #tpu.memory_space<vmem>>) target_semaphore(%run_scoped3A : memref<!tpu.dma_semaphore, #tpu.memory_space<semaphore_mem>>)
      %dma_wait3A_322 = arith.constant 0 : i32
      %dma_wait3A_323 = tpu.memref_slice %arg6[%mul3A_315, %dma_wait3A_322] : memref<10240x32xf32, #tpu.memory_space<vmem_shared>> -> memref<640x32xf32, #tpu.memory_space<vmem_shared>>
      %dma_wait3A_324 = arith.constant 0 : i32
      %dma_wait3A_325 = tpu.memref_slice %arg6[%mul3A_315, %dma_wait3A_324] : memref<10240x32xf32, #tpu.memory_space<vmem_shared>> -> memref<640x32xf32, #tpu.memory_space<vmem_shared>>
      tpu.wait_dma2 semaphore(%run_scoped3A : memref<!tpu.dma_semaphore, #tpu.memory_space<semaphore_mem>>) src(%dma_wait3A_325 : memref<640x32xf32, #tpu.memory_space<vmem_shared>>) dst(%arg10 : memref<640x32xf32, #tpu.memory_space<vmem>>)
      tpu.yield
    }) : () -> ()
    %mul3A_316 = arith.constant 640 : i32
    %mul3A_317 = arith.muli %arg1, %mul3A_316 : i32
    "tpu.region"() ({
      %run_scoped3A = tpu.sem_alloc : memref<!tpu.dma_semaphore, #tpu.memory_space<semaphore_mem>>
      %dma_start3A_318 = arith.constant 0 : i32
      %dma_start3A_319 = tpu.memref_slice %arg5[%arg0, %mul3A_317, %dma_start3A_318] : memref<2x10240x32xf32, #tpu.memory_space<hbm>> -> memref<1x640x32xf32, #tpu.memory_space<hbm>>
      %dma_start3A_320 = tpu.memref_squeeze %dma_start3A_319 : memref<1x640x32xf32, #tpu.memory_space<hbm>> -> memref<640x32xf32, #tpu.memory_space<hbm>>
      %dma_start3A_321 = arith.constant 0 : i32
      %dma_start3A_322 = tpu.memref_slice %arg5[%arg0, %mul3A_317, %dma_start3A_321] : memref<2x10240x32xf32, #tpu.memory_space<hbm>> -> memref<1x640x32xf32, #tpu.memory_space<hbm>>
      %dma_start3A_323 = tpu.memref_squeeze %dma_start3A_322 : memref<1x640x32xf32, #tpu.memory_space<hbm>> -> memref<640x32xf32, #tpu.memory_space<hbm>>
      tpu.enqueue_dma source(%arg10 : memref<640x32xf32, #tpu.memory_space<vmem>>) target(%dma_start3A_323 : memref<640x32xf32, #tpu.memory_space<hbm>>) target_semaphore(%run_scoped3A : memref<!tpu.dma_semaphore, #tpu.memory_space<semaphore_mem>>)
      %dma_wait3A_324 = arith.constant 0 : i32
      %dma_wait3A_325 = tpu.memref_slice %arg5[%arg0, %mul3A_317, %dma_wait3A_324] : memref<2x10240x32xf32, #tpu.memory_space<hbm>> -> memref<1x640x32xf32, #tpu.memory_space<hbm>>
      %dma_wait3A_326 = tpu.memref_squeeze %dma_wait3A_325 : memref<1x640x32xf32, #tpu.memory_space<hbm>> -> memref<640x32xf32, #tpu.memory_space<hbm>>
      %dma_wait3A_327 = arith.constant 0 : i32
      %dma_wait3A_328 = tpu.memref_slice %arg5[%arg0, %mul3A_317, %dma_wait3A_327] : memref<2x10240x32xf32, #tpu.memory_space<hbm>> -> memref<1x640x32xf32, #tpu.memory_space<hbm>>
      %dma_wait3A_329 = tpu.memref_squeeze %dma_wait3A_328 : memref<1x640x32xf32, #tpu.memory_space<hbm>> -> memref<640x32xf32, #tpu.memory_space<hbm>>
      tpu.wait_dma2 semaphore(%run_scoped3A : memref<!tpu.dma_semaphore, #tpu.memory_space<semaphore_mem>>) src(%arg10 : memref<640x32xf32, #tpu.memory_space<vmem>>) dst(%dma_wait3A_329 : memref<640x32xf32, #tpu.memory_space<hbm>>)
      tpu.yield
    }) : () -> ()
    return
  }
}

#map = affine_map<(d0, d1) -> (0, 0, 0)>
#map1 = affine_map<(d0, d1) -> (0, 0)>
module attributes {stable_mosaic.version = 14 : i64} {
  func.func @sc_feat(%arg0: i32, %arg1: i32, %arg2: memref<32x125x80xi32, #tpu.memory_space<hbm>>, %arg3: memref<32x125x80xi32, #tpu.memory_space<hbm>>, %arg4: memref<10240x32xf32, #tpu.memory_space<hbm>>, %arg5: memref<2x10240x32xf32, #tpu.memory_space<hbm>>, %arg6: memref<10240x32xf32, #tpu.memory_space<vmem_shared>>, %arg7: memref<125x80xi32, #tpu.memory_space<vmem>>, %arg8: memref<125x80xi32, #tpu.memory_space<vmem>>, %arg9: memref<5x80x32xf32, #tpu.memory_space<vmem>>, %arg10: memref<640x32xf32, #tpu.memory_space<vmem>>, %arg11: memref<5x!tpu.dma_semaphore, #tpu.memory_space<semaphore_mem>>, %arg12: memref<5x!tpu.dma_semaphore, #tpu.memory_space<semaphore_mem>>) attributes {dimension_semantics = [#tpu.dimension_semantics<core_parallel>, #tpu.dimension_semantics<subcore_parallel>], iteration_bounds = array<i64: 2, 16>, scalar_prefetch = 0 : i64, scratch_operands = 7 : i64, tpu.core_type = #tpu.core_type<sc_vector_subcore>, window_params = [{transform_indices = #map}, {transform_indices = #map}, {transform_indices = #map1}, {transform_indices = #map}]} {
    %mul3A = arith.constant 16 : i32
    %mul3A_0 = arith.muli %arg0, %mul3A : i32
    %add3A = arith.addi %mul3A_0, %arg1 : i32
    %broadcast_in_dim3A = arith.constant 0.000000e+00 : f32
    %broadcast_in_dim3A_1 = vector.broadcast %broadcast_in_dim3A : f32 to vector<16xf32>
    %scan3A = arith.constant 0 : i32
    %scan3A_2 = arith.constant 0 : i32
    %scan3A_3 = arith.constant 640 : i32
    %scan3A_4 = arith.addi %scan3A_2, %scan3A_3 : i32
    %scan3A_5 = arith.constant 1 : i32
    scf.for %scan3A_318 = %scan3A_2 to %scan3A_4 step %scan3A_5  : i32 {
      %swap3A = arith.index_cast %scan3A_318 : i32 to index
      %swap3A_319 = arith.constant 0 : index
      %swap3A_320 = tpu.vector_load %arg10[%swap3A, %swap3A_319] {strides = array<i32>} : memref<640x32xf32, #tpu.memory_space<vmem>>, vector<1x16xf32>,
      %swap3A_321 = vector.shape_cast %swap3A_320 : vector<1x16xf32> to vector<16xf32>
      %swap3A_322 = vector.shape_cast %broadcast_in_dim3A_1 : vector<16xf32> to vector<1x16xf32>
      tpu.vector_store %arg10[%swap3A, %swap3A_319], %swap3A_322 {strides = array<i32>} : memref<640x32xf32, #tpu.memory_space<vmem>>, vector<1x16xf32>,
      %swap3A_323 = arith.index_cast %scan3A_318 : i32 to index
      %swap3A_324 = arith.constant 16 : index
      %swap3A_325 = tpu.vector_load %arg10[%swap3A_323, %swap3A_324] {strides = array<i32>} : memref<640x32xf32, #tpu.memory_space<vmem>>, vector<1x16xf32>,
      %swap3A_326 = vector.shape_cast %swap3A_325 : vector<1x16xf32> to vector<16xf32>
      %swap3A_327 = vector.shape_cast %broadcast_in_dim3A_1 : vector<16xf32> to vector<1x16xf32>
      tpu.vector_store %arg10[%swap3A_323, %swap3A_324], %swap3A_327 {strides = array<i32>} : memref<640x32xf32, #tpu.memory_space<vmem>>, vector<1x16xf32>,
    }
    %scan3A_6 = arith.constant 640 : i32
    %mul3A_7 = arith.constant 640 : i32
    %mul3A_8 = arith.muli %arg1, %mul3A_7 : i32
    "tpu.region"() ({
      %run_scoped3A = tpu.sem_alloc : memref<!tpu.dma_semaphore, #tpu.memory_space<semaphore_mem>>
      %dma_start3A_318 = arith.constant 0 : i32
      %dma_start3A_319 = tpu.memref_slice %arg6[%mul3A_8, %dma_start3A_318] : memref<10240x32xf32, #tpu.memory_space<vmem_shared>> -> memref<640x32xf32, #tpu.memory_space<vmem_shared>>
      %dma_start3A_320 = arith.constant 0 : i32
      %dma_start3A_321 = tpu.memref_slice %arg6[%mul3A_8, %dma_start3A_320] : memref<10240x32xf32, #tpu.memory_space<vmem_shared>> -> memref<640x32xf32, #tpu.memory_space<vmem_shared>>
      tpu.enqueue_dma source(%arg10 : memref<640x32xf32, #tpu.memory_space<vmem>>) target(%dma_start3A_321 : memref<640x32xf32, #tpu.memory_space<vmem_shared>>) target_semaphore(%run_scoped3A : memref<!tpu.dma_semaphore, #tpu.memory_space<semaphore_mem>>)
      %dma_wait3A_322 = arith.constant 0 : i32
      %dma_wait3A_323 = tpu.memref_slice %arg6[%mul3A_8, %dma_wait3A_322] : memref<10240x32xf32, #tpu.memory_space<vmem_shared>> -> memref<640x32xf32, #tpu.memory_space<vmem_shared>>
      %dma_wait3A_324 = arith.constant 0 : i32
      %dma_wait3A_325 = tpu.memref_slice %arg6[%mul3A_8, %dma_wait3A_324] : memref<10240x32xf32, #tpu.memory_space<vmem_shared>> -> memref<640x32xf32, #tpu.memory_space<vmem_shared>>
      tpu.wait_dma2 semaphore(%run_scoped3A : memref<!tpu.dma_semaphore, #tpu.memory_space<semaphore_mem>>) src(%arg10 : memref<640x32xf32, #tpu.memory_space<vmem>>) dst(%dma_wait3A_325 : memref<640x32xf32, #tpu.memory_space<vmem_shared>>)
      tpu.yield
    }) : () -> ()
    %barrier3A = arith.constant 0 : index
    tpu.barrier barrier_id(%barrier3A)
    "tpu.region"() ({
      %run_scoped3A = tpu.sem_alloc : memref<!tpu.dma_semaphore, #tpu.memory_space<semaphore_mem>>
      %dma_start3A_318 = arith.constant 0 : i32
      %dma_start3A_319 = arith.constant 0 : i32
      %dma_start3A_320 = tpu.memref_slice %arg2[%add3A, %dma_start3A_318, %dma_start3A_319] : memref<32x125x80xi32, #tpu.memory_space<hbm>> -> memref<1x125x80xi32, #tpu.memory_space<hbm>>
      %dma_start3A_321 = tpu.memref_squeeze %dma_start3A_320 : memref<1x125x80xi32, #tpu.memory_space<hbm>> -> memref<125x80xi32, #tpu.memory_space<hbm>>
      %dma_start3A_322 = arith.constant 0 : i32
      %dma_start3A_323 = arith.constant 0 : i32
      %dma_start3A_324 = tpu.memref_slice %arg2[%add3A, %dma_start3A_322, %dma_start3A_323] : memref<32x125x80xi32, #tpu.memory_space<hbm>> -> memref<1x125x80xi32, #tpu.memory_space<hbm>>
      %dma_start3A_325 = tpu.memref_squeeze %dma_start3A_324 : memref<1x125x80xi32, #tpu.memory_space<hbm>> -> memref<125x80xi32, #tpu.memory_space<hbm>>
      tpu.enqueue_dma source(%dma_start3A_325 : memref<125x80xi32, #tpu.memory_space<hbm>>) target(%arg7 : memref<125x80xi32, #tpu.memory_space<vmem>>) target_semaphore(%run_scoped3A : memref<!tpu.dma_semaphore, #tpu.memory_space<semaphore_mem>>)
      %dma_wait3A_326 = arith.constant 0 : i32
      %dma_wait3A_327 = arith.constant 0 : i32
      %dma_wait3A_328 = tpu.memref_slice %arg2[%add3A, %dma_wait3A_326, %dma_wait3A_327] : memref<32x125x80xi32, #tpu.memory_space<hbm>> -> memref<1x125x80xi32, #tpu.memory_space<hbm>>
      %dma_wait3A_329 = tpu.memref_squeeze %dma_wait3A_328 : memref<1x125x80xi32, #tpu.memory_space<hbm>> -> memref<125x80xi32, #tpu.memory_space<hbm>>
      %dma_wait3A_330 = arith.constant 0 : i32
      %dma_wait3A_331 = arith.constant 0 : i32
      %dma_wait3A_332 = tpu.memref_slice %arg2[%add3A, %dma_wait3A_330, %dma_wait3A_331] : memref<32x125x80xi32, #tpu.memory_space<hbm>> -> memref<1x125x80xi32, #tpu.memory_space<hbm>>
      %dma_wait3A_333 = tpu.memref_squeeze %dma_wait3A_332 : memref<1x125x80xi32, #tpu.memory_space<hbm>> -> memref<125x80xi32, #tpu.memory_space<hbm>>
      tpu.wait_dma2 semaphore(%run_scoped3A : memref<!tpu.dma_semaphore, #tpu.memory_space<semaphore_mem>>) src(%dma_wait3A_333 : memref<125x80xi32, #tpu.memory_space<hbm>>) dst(%arg7 : memref<125x80xi32, #tpu.memory_space<vmem>>)
      tpu.yield
    }) : () -> ()
    "tpu.region"() ({
      %run_scoped3A = tpu.sem_alloc : memref<!tpu.dma_semaphore, #tpu.memory_space<semaphore_mem>>
      %dma_start3A_318 = arith.constant 0 : i32
      %dma_start3A_319 = arith.constant 0 : i32
      %dma_start3A_320 = tpu.memref_slice %arg3[%add3A, %dma_start3A_318, %dma_start3A_319] : memref<32x125x80xi32, #tpu.memory_space<hbm>> -> memref<1x125x80xi32, #tpu.memory_space<hbm>>
      %dma_start3A_321 = tpu.memref_squeeze %dma_start3A_320 : memref<1x125x80xi32, #tpu.memory_space<hbm>> -> memref<125x80xi32, #tpu.memory_space<hbm>>
      %dma_start3A_322 = arith.constant 0 : i32
      %dma_start3A_323 = arith.constant 0 : i32
      %dma_start3A_324 = tpu.memref_slice %arg3[%add3A, %dma_start3A_322, %dma_start3A_323] : memref<32x125x80xi32, #tpu.memory_space<hbm>> -> memref<1x125x80xi32, #tpu.memory_space<hbm>>
      %dma_start3A_325 = tpu.memref_squeeze %dma_start3A_324 : memref<1x125x80xi32, #tpu.memory_space<hbm>> -> memref<125x80xi32, #tpu.memory_space<hbm>>
      tpu.enqueue_dma source(%dma_start3A_325 : memref<125x80xi32, #tpu.memory_space<hbm>>) target(%arg8 : memref<125x80xi32, #tpu.memory_space<vmem>>) target_semaphore(%run_scoped3A : memref<!tpu.dma_semaphore, #tpu.memory_space<semaphore_mem>>)
      %dma_wait3A_326 = arith.constant 0 : i32
      %dma_wait3A_327 = arith.constant 0 : i32
      %dma_wait3A_328 = tpu.memref_slice %arg3[%add3A, %dma_wait3A_326, %dma_wait3A_327] : memref<32x125x80xi32, #tpu.memory_space<hbm>> -> memref<1x125x80xi32, #tpu.memory_space<hbm>>
      %dma_wait3A_329 = tpu.memref_squeeze %dma_wait3A_328 : memref<1x125x80xi32, #tpu.memory_space<hbm>> -> memref<125x80xi32, #tpu.memory_space<hbm>>
      %dma_wait3A_330 = arith.constant 0 : i32
      %dma_wait3A_331 = arith.constant 0 : i32
      %dma_wait3A_332 = tpu.memref_slice %arg3[%add3A, %dma_wait3A_330, %dma_wait3A_331] : memref<32x125x80xi32, #tpu.memory_space<hbm>> -> memref<1x125x80xi32, #tpu.memory_space<hbm>>
      %dma_wait3A_333 = tpu.memref_squeeze %dma_wait3A_332 : memref<1x125x80xi32, #tpu.memory_space<hbm>> -> memref<125x80xi32, #tpu.memory_space<hbm>>
      tpu.wait_dma2 semaphore(%run_scoped3A : memref<!tpu.dma_semaphore, #tpu.memory_space<semaphore_mem>>) src(%dma_wait3A_333 : memref<125x80xi32, #tpu.memory_space<hbm>>) dst(%arg8 : memref<125x80xi32, #tpu.memory_space<vmem>>)
      tpu.yield
    }) : () -> ()
    %dma_start3A = arith.constant 0 : i32
    %dma_start3A_9 = arith.constant 0 : i32
    %dma_start3A_10 = arith.constant 0 : i32
    %dma_start3A_11 = arith.constant 0 : i32
    %dma_start3A_12 = arith.constant 0 : i32
    %dma_start3A_13 = tpu.memref_slice %arg9[%dma_start3A_9, %dma_start3A_11, %dma_start3A_12] : memref<5x80x32xf32, #tpu.memory_space<vmem>> -> memref<1x80x32xf32, #tpu.memory_space<vmem>>
    %dma_start3A_14 = tpu.memref_squeeze %dma_start3A_13 : memref<1x80x32xf32, #tpu.memory_space<vmem>> -> memref<80x32xf32, #tpu.memory_space<vmem>>
    %dma_start3A_15 = arith.constant 0 : i32
    %dma_start3A_16 = tpu.memref_slice %arg7[%dma_start3A, %dma_start3A_15] : memref<125x80xi32, #tpu.memory_space<vmem>> -> memref<1x80xi32, #tpu.memory_space<vmem>>
    %dma_start3A_17 = tpu.memref_squeeze %dma_start3A_16 : memref<1x80xi32, #tpu.memory_space<vmem>> -> memref<80xi32, #tpu.memory_space<vmem>>
    %dma_start3A_18 = arith.constant 0 : i32
    %dma_start3A_19 = arith.constant 0 : i32
    %dma_start3A_20 = tpu.memref_slice %arg4[%dma_start3A_18, %dma_start3A_19] : memref<10240x32xf32, #tpu.memory_space<hbm>> -> memref<10240x32xf32, #tpu.memory_space<hbm>>
    %dma_start3A_21 = tpu.memref_slice %arg11[%dma_start3A_10] : memref<5x!tpu.dma_semaphore, #tpu.memory_space<semaphore_mem>> -> memref<1x!tpu.dma_semaphore, #tpu.memory_space<semaphore_mem>>
    %dma_start3A_22 = tpu.memref_squeeze %dma_start3A_21 : memref<1x!tpu.dma_semaphore, #tpu.memory_space<semaphore_mem>> -> memref<!tpu.dma_semaphore, #tpu.memory_space<semaphore_mem>>
    tpu.enqueue_indirect_dma source(%dma_start3A_20 : memref<10240x32xf32, #tpu.memory_space<hbm>>) target(%dma_start3A_14 : memref<80x32xf32, #tpu.memory_space<vmem>>) offsets(%dma_start3A_17 : memref<80xi32, #tpu.memory_space<vmem>>) semaphore(%dma_start3A_22 : memref<!tpu.dma_semaphore, #tpu.memory_space<semaphore_mem>>)
    %dma_start3A_23 = arith.constant 1 : i32
    %dma_start3A_24 = arith.constant 1 : i32
    %dma_start3A_25 = arith.constant 1 : i32
    %dma_start3A_26 = arith.constant 0 : i32
    %dma_start3A_27 = arith.constant 0 : i32
    %dma_start3A_28 = tpu.memref_slice %arg9[%dma_start3A_24, %dma_start3A_26, %dma_start3A_27] : memref<5x80x32xf32, #tpu.memory_space<vmem>> -> memref<1x80x32xf32, #tpu.memory_space<vmem>>
    %dma_start3A_29 = tpu.memref_squeeze %dma_start3A_28 : memref<1x80x32xf32, #tpu.memory_space<vmem>> -> memref<80x32xf32, #tpu.memory_space<vmem>>
    %dma_start3A_30 = arith.constant 0 : i32
    %dma_start3A_31 = tpu.memref_slice %arg7[%dma_start3A_23, %dma_start3A_30] : memref<125x80xi32, #tpu.memory_space<vmem>> -> memref<1x80xi32, #tpu.memory_space<vmem>>
    %dma_start3A_32 = tpu.memref_squeeze %dma_start3A_31 : memref<1x80xi32, #tpu.memory_space<vmem>> -> memref<80xi32, #tpu.memory_space<vmem>>
    %dma_start3A_33 = arith.constant 0 : i32
    %dma_start3A_34 = arith.constant 0 : i32
    %dma_start3A_35 = tpu.memref_slice %arg4[%dma_start3A_33, %dma_start3A_34] : memref<10240x32xf32, #tpu.memory_space<hbm>> -> memref<10240x32xf32, #tpu.memory_space<hbm>>
    %dma_start3A_36 = tpu.memref_slice %arg11[%dma_start3A_25] : memref<5x!tpu.dma_semaphore, #tpu.memory_space<semaphore_mem>> -> memref<1x!tpu.dma_semaphore, #tpu.memory_space<semaphore_mem>>
    %dma_start3A_37 = tpu.memref_squeeze %dma_start3A_36 : memref<1x!tpu.dma_semaphore, #tpu.memory_space<semaphore_mem>> -> memref<!tpu.dma_semaphore, #tpu.memory_space<semaphore_mem>>
    tpu.enqueue_indirect_dma source(%dma_start3A_35 : memref<10240x32xf32, #tpu.memory_space<hbm>>) target(%dma_start3A_29 : memref<80x32xf32, #tpu.memory_space<vmem>>) offsets(%dma_start3A_32 : memref<80xi32, #tpu.memory_space<vmem>>) semaphore(%dma_start3A_37 : memref<!tpu.dma_semaphore, #tpu.memory_space<semaphore_mem>>)
    %dma_start3A_38 = arith.constant 2 : i32
    %dma_start3A_39 = arith.constant 2 : i32
    %dma_start3A_40 = arith.constant 2 : i32
    %dma_start3A_41 = arith.constant 0 : i32
    %dma_start3A_42 = arith.constant 0 : i32
    %dma_start3A_43 = tpu.memref_slice %arg9[%dma_start3A_39, %dma_start3A_41, %dma_start3A_42] : memref<5x80x32xf32, #tpu.memory_space<vmem>> -> memref<1x80x32xf32, #tpu.memory_space<vmem>>
    %dma_start3A_44 = tpu.memref_squeeze %dma_start3A_43 : memref<1x80x32xf32, #tpu.memory_space<vmem>> -> memref<80x32xf32, #tpu.memory_space<vmem>>
    %dma_start3A_45 = arith.constant 0 : i32
    %dma_start3A_46 = tpu.memref_slice %arg7[%dma_start3A_38, %dma_start3A_45] : memref<125x80xi32, #tpu.memory_space<vmem>> -> memref<1x80xi32, #tpu.memory_space<vmem>>
    %dma_start3A_47 = tpu.memref_squeeze %dma_start3A_46 : memref<1x80xi32, #tpu.memory_space<vmem>> -> memref<80xi32, #tpu.memory_space<vmem>>
    %dma_start3A_48 = arith.constant 0 : i32
    %dma_start3A_49 = arith.constant 0 : i32
    %dma_start3A_50 = tpu.memref_slice %arg4[%dma_start3A_48, %dma_start3A_49] : memref<10240x32xf32, #tpu.memory_space<hbm>> -> memref<10240x32xf32, #tpu.memory_space<hbm>>
    %dma_start3A_51 = tpu.memref_slice %arg11[%dma_start3A_40] : memref<5x!tpu.dma_semaphore, #tpu.memory_space<semaphore_mem>> -> memref<1x!tpu.dma_semaphore, #tpu.memory_space<semaphore_mem>>
    %dma_start3A_52 = tpu.memref_squeeze %dma_start3A_51 : memref<1x!tpu.dma_semaphore, #tpu.memory_space<semaphore_mem>> -> memref<!tpu.dma_semaphore, #tpu.memory_space<semaphore_mem>>
    tpu.enqueue_indirect_dma source(%dma_start3A_50 : memref<10240x32xf32, #tpu.memory_space<hbm>>) target(%dma_start3A_44 : memref<80x32xf32, #tpu.memory_space<vmem>>) offsets(%dma_start3A_47 : memref<80xi32, #tpu.memory_space<vmem>>) semaphore(%dma_start3A_52 : memref<!tpu.dma_semaphore, #tpu.memory_space<semaphore_mem>>)
    %dma_start3A_53 = arith.constant 3 : i32
    %dma_start3A_54 = arith.constant 3 : i32
    %dma_start3A_55 = arith.constant 3 : i32
    %dma_start3A_56 = arith.constant 0 : i32
    %dma_start3A_57 = arith.constant 0 : i32
    %dma_start3A_58 = tpu.memref_slice %arg9[%dma_start3A_54, %dma_start3A_56, %dma_start3A_57] : memref<5x80x32xf32, #tpu.memory_space<vmem>> -> memref<1x80x32xf32, #tpu.memory_space<vmem>>
    %dma_start3A_59 = tpu.memref_squeeze %dma_start3A_58 : memref<1x80x32xf32, #tpu.memory_space<vmem>> -> memref<80x32xf32, #tpu.memory_space<vmem>>
    %dma_start3A_60 = arith.constant 0 : i32
    %dma_start3A_61 = tpu.memref_slice %arg7[%dma_start3A_53, %dma_start3A_60] : memref<125x80xi32, #tpu.memory_space<vmem>> -> memref<1x80xi32, #tpu.memory_space<vmem>>
    %dma_start3A_62 = tpu.memref_squeeze %dma_start3A_61 : memref<1x80xi32, #tpu.memory_space<vmem>> -> memref<80xi32, #tpu.memory_space<vmem>>
    %dma_start3A_63 = arith.constant 0 : i32
    %dma_start3A_64 = arith.constant 0 : i32
    %dma_start3A_65 = tpu.memref_slice %arg4[%dma_start3A_63, %dma_start3A_64] : memref<10240x32xf32, #tpu.memory_space<hbm>> -> memref<10240x32xf32, #tpu.memory_space<hbm>>
    %dma_start3A_66 = tpu.memref_slice %arg11[%dma_start3A_55] : memref<5x!tpu.dma_semaphore, #tpu.memory_space<semaphore_mem>> -> memref<1x!tpu.dma_semaphore, #tpu.memory_space<semaphore_mem>>
    %dma_start3A_67 = tpu.memref_squeeze %dma_start3A_66 : memref<1x!tpu.dma_semaphore, #tpu.memory_space<semaphore_mem>> -> memref<!tpu.dma_semaphore, #tpu.memory_space<semaphore_mem>>
    tpu.enqueue_indirect_dma source(%dma_start3A_65 : memref<10240x32xf32, #tpu.memory_space<hbm>>) target(%dma_start3A_59 : memref<80x32xf32, #tpu.memory_space<vmem>>) offsets(%dma_start3A_62 : memref<80xi32, #tpu.memory_space<vmem>>) semaphore(%dma_start3A_67 : memref<!tpu.dma_semaphore, #tpu.memory_space<semaphore_mem>>)
    %dma_start3A_68 = arith.constant 4 : i32
    %dma_start3A_69 = arith.constant 4 : i32
    %dma_start3A_70 = arith.constant 4 : i32
    %dma_start3A_71 = arith.constant 0 : i32
    %dma_start3A_72 = arith.constant 0 : i32
    %dma_start3A_73 = tpu.memref_slice %arg9[%dma_start3A_69, %dma_start3A_71, %dma_start3A_72] : memref<5x80x32xf32, #tpu.memory_space<vmem>> -> memref<1x80x32xf32, #tpu.memory_space<vmem>>
    %dma_start3A_74 = tpu.memref_squeeze %dma_start3A_73 : memref<1x80x32xf32, #tpu.memory_space<vmem>> -> memref<80x32xf32, #tpu.memory_space<vmem>>
    %dma_start3A_75 = arith.constant 0 : i32
    %dma_start3A_76 = tpu.memref_slice %arg7[%dma_start3A_68, %dma_start3A_75] : memref<125x80xi32, #tpu.memory_space<vmem>> -> memref<1x80xi32, #tpu.memory_space<vmem>>
    %dma_start3A_77 = tpu.memref_squeeze %dma_start3A_76 : memref<1x80xi32, #tpu.memory_space<vmem>> -> memref<80xi32, #tpu.memory_space<vmem>>
    %dma_start3A_78 = arith.constant 0 : i32
    %dma_start3A_79 = arith.constant 0 : i32
    %dma_start3A_80 = tpu.memref_slice %arg4[%dma_start3A_78, %dma_start3A_79] : memref<10240x32xf32, #tpu.memory_space<hbm>> -> memref<10240x32xf32, #tpu.memory_space<hbm>>
    %dma_start3A_81 = tpu.memref_slice %arg11[%dma_start3A_70] : memref<5x!tpu.dma_semaphore, #tpu.memory_space<semaphore_mem>> -> memref<1x!tpu.dma_semaphore, #tpu.memory_space<semaphore_mem>>
    %dma_start3A_82 = tpu.memref_squeeze %dma_start3A_81 : memref<1x!tpu.dma_semaphore, #tpu.memory_space<semaphore_mem>> -> memref<!tpu.dma_semaphore, #tpu.memory_space<semaphore_mem>>
    tpu.enqueue_indirect_dma source(%dma_start3A_80 : memref<10240x32xf32, #tpu.memory_space<hbm>>) target(%dma_start3A_74 : memref<80x32xf32, #tpu.memory_space<vmem>>) offsets(%dma_start3A_77 : memref<80xi32, #tpu.memory_space<vmem>>) semaphore(%dma_start3A_82 : memref<!tpu.dma_semaphore, #tpu.memory_space<semaphore_mem>>)
    %scan3A_83 = arith.constant 0 : i32
    %scan3A_84 = arith.constant 0 : i32
    %scan3A_85 = arith.constant 24 : i32
    %scan3A_86 = arith.addi %scan3A_84, %scan3A_85 : i32
    %scan3A_87 = arith.constant 1 : i32
    scf.for %scan3A_318 = %scan3A_84 to %scan3A_86 step %scan3A_87  : i32 {
      %mul3A_319 = arith.constant 5 : i32
      %mul3A_320 = arith.muli %scan3A_318, %mul3A_319 : i32
      %add3A_321 = arith.constant 0 : i32
      %add3A_322 = arith.addi %mul3A_320, %add3A_321 : i32
      %dma_wait3A_323 = arith.constant 0 : i32
      %dma_wait3A_324 = arith.constant 0 : i32
      %dma_wait3A_325 = arith.constant 0 : i32
      %dma_wait3A_326 = arith.constant 0 : i32
      %dma_wait3A_327 = tpu.memref_slice %arg9[%dma_wait3A_323, %dma_wait3A_325, %dma_wait3A_326] : memref<5x80x32xf32, #tpu.memory_space<vmem>> -> memref<1x80x32xf32, #tpu.memory_space<vmem>>
      %dma_wait3A_328 = tpu.memref_squeeze %dma_wait3A_327 : memref<1x80x32xf32, #tpu.memory_space<vmem>> -> memref<80x32xf32, #tpu.memory_space<vmem>>
      %dma_wait3A_329 = arith.constant 0 : i32
      %dma_wait3A_330 = tpu.memref_slice %arg7[%add3A_322, %dma_wait3A_329] : memref<125x80xi32, #tpu.memory_space<vmem>> -> memref<1x80xi32, #tpu.memory_space<vmem>>
      %dma_wait3A_331 = tpu.memref_squeeze %dma_wait3A_330 : memref<1x80xi32, #tpu.memory_space<vmem>> -> memref<80xi32, #tpu.memory_space<vmem>>
      %dma_wait3A_332 = arith.constant 0 : i32
      %dma_wait3A_333 = arith.constant 0 : i32
      %dma_wait3A_334 = tpu.memref_slice %arg4[%dma_wait3A_332, %dma_wait3A_333] : memref<10240x32xf32, #tpu.memory_space<hbm>> -> memref<10240x32xf32, #tpu.memory_space<hbm>>
      %dma_wait3A_335 = tpu.memref_slice %arg11[%dma_wait3A_324] : memref<5x!tpu.dma_semaphore, #tpu.memory_space<semaphore_mem>> -> memref<1x!tpu.dma_semaphore, #tpu.memory_space<semaphore_mem>>
      %dma_wait3A_336 = tpu.memref_squeeze %dma_wait3A_335 : memref<1x!tpu.dma_semaphore, #tpu.memory_space<semaphore_mem>> -> memref<!tpu.dma_semaphore, #tpu.memory_space<semaphore_mem>>
      tpu.wait_indirect_dma semaphore(%dma_wait3A_336 : memref<!tpu.dma_semaphore, #tpu.memory_space<semaphore_mem>>) src(%dma_wait3A_334 : memref<10240x32xf32, #tpu.memory_space<hbm>>) dst(%dma_wait3A_328 : memref<80x32xf32, #tpu.memory_space<vmem>>)
      %add3A_337 = arith.constant 0 : i32
      %add3A_338 = arith.addi %mul3A_320, %add3A_337 : i32
      %dma_start3A_339 = arith.constant 0 : i32
      %dma_start3A_340 = arith.constant 0 : i32
      %dma_start3A_341 = arith.constant 0 : i32
      %dma_start3A_342 = arith.constant 0 : i32
      %dma_start3A_343 = tpu.memref_slice %arg9[%dma_start3A_339, %dma_start3A_341, %dma_start3A_342] : memref<5x80x32xf32, #tpu.memory_space<vmem>> -> memref<1x80x32xf32, #tpu.memory_space<vmem>>
      %dma_start3A_344 = tpu.memref_squeeze %dma_start3A_343 : memref<1x80x32xf32, #tpu.memory_space<vmem>> -> memref<80x32xf32, #tpu.memory_space<vmem>>
      %dma_start3A_345 = arith.constant 0 : i32
      %dma_start3A_346 = tpu.memref_slice %arg8[%add3A_338, %dma_start3A_345] : memref<125x80xi32, #tpu.memory_space<vmem>> -> memref<1x80xi32, #tpu.memory_space<vmem>>
      %dma_start3A_347 = tpu.memref_squeeze %dma_start3A_346 : memref<1x80xi32, #tpu.memory_space<vmem>> -> memref<80xi32, #tpu.memory_space<vmem>>
      %dma_start3A_348 = arith.constant 0 : i32
      %dma_start3A_349 = arith.constant 0 : i32
      %dma_start3A_350 = tpu.memref_slice %arg6[%dma_start3A_348, %dma_start3A_349] : memref<10240x32xf32, #tpu.memory_space<vmem_shared>> -> memref<10240x32xf32, #tpu.memory_space<vmem_shared>>
      %dma_start3A_351 = tpu.memref_slice %arg12[%dma_start3A_340] : memref<5x!tpu.dma_semaphore, #tpu.memory_space<semaphore_mem>> -> memref<1x!tpu.dma_semaphore, #tpu.memory_space<semaphore_mem>>
      %dma_start3A_352 = tpu.memref_squeeze %dma_start3A_351 : memref<1x!tpu.dma_semaphore, #tpu.memory_space<semaphore_mem>> -> memref<!tpu.dma_semaphore, #tpu.memory_space<semaphore_mem>>
      tpu.enqueue_indirect_dma source(%dma_start3A_344 : memref<80x32xf32, #tpu.memory_space<vmem>>) target(%dma_start3A_350 : memref<10240x32xf32, #tpu.memory_space<vmem_shared>>) offsets(%dma_start3A_347 : memref<80xi32, #tpu.memory_space<vmem>>) semaphore(%dma_start3A_352 : memref<!tpu.dma_semaphore, #tpu.memory_space<semaphore_mem>>) {add = true}
      %add3A_353 = arith.constant 1 : i32
      %add3A_354 = arith.addi %mul3A_320, %add3A_353 : i32
      %dma_wait3A_355 = arith.constant 1 : i32
      %dma_wait3A_356 = arith.constant 1 : i32
      %dma_wait3A_357 = arith.constant 0 : i32
      %dma_wait3A_358 = arith.constant 0 : i32
      %dma_wait3A_359 = tpu.memref_slice %arg9[%dma_wait3A_355, %dma_wait3A_357, %dma_wait3A_358] : memref<5x80x32xf32, #tpu.memory_space<vmem>> -> memref<1x80x32xf32, #tpu.memory_space<vmem>>
      %dma_wait3A_360 = tpu.memref_squeeze %dma_wait3A_359 : memref<1x80x32xf32, #tpu.memory_space<vmem>> -> memref<80x32xf32, #tpu.memory_space<vmem>>
      %dma_wait3A_361 = arith.constant 0 : i32
      %dma_wait3A_362 = tpu.memref_slice %arg7[%add3A_354, %dma_wait3A_361] : memref<125x80xi32, #tpu.memory_space<vmem>> -> memref<1x80xi32, #tpu.memory_space<vmem>>
      %dma_wait3A_363 = tpu.memref_squeeze %dma_wait3A_362 : memref<1x80xi32, #tpu.memory_space<vmem>> -> memref<80xi32, #tpu.memory_space<vmem>>
      %dma_wait3A_364 = arith.constant 0 : i32
      %dma_wait3A_365 = arith.constant 0 : i32
      %dma_wait3A_366 = tpu.memref_slice %arg4[%dma_wait3A_364, %dma_wait3A_365] : memref<10240x32xf32, #tpu.memory_space<hbm>> -> memref<10240x32xf32, #tpu.memory_space<hbm>>
      %dma_wait3A_367 = tpu.memref_slice %arg11[%dma_wait3A_356] : memref<5x!tpu.dma_semaphore, #tpu.memory_space<semaphore_mem>> -> memref<1x!tpu.dma_semaphore, #tpu.memory_space<semaphore_mem>>
      %dma_wait3A_368 = tpu.memref_squeeze %dma_wait3A_367 : memref<1x!tpu.dma_semaphore, #tpu.memory_space<semaphore_mem>> -> memref<!tpu.dma_semaphore, #tpu.memory_space<semaphore_mem>>
      tpu.wait_indirect_dma semaphore(%dma_wait3A_368 : memref<!tpu.dma_semaphore, #tpu.memory_space<semaphore_mem>>) src(%dma_wait3A_366 : memref<10240x32xf32, #tpu.memory_space<hbm>>) dst(%dma_wait3A_360 : memref<80x32xf32, #tpu.memory_space<vmem>>)
      %add3A_369 = arith.constant 1 : i32
      %add3A_370 = arith.addi %mul3A_320, %add3A_369 : i32
      %dma_start3A_371 = arith.constant 1 : i32
      %dma_start3A_372 = arith.constant 1 : i32
      %dma_start3A_373 = arith.constant 0 : i32
      %dma_start3A_374 = arith.constant 0 : i32
      %dma_start3A_375 = tpu.memref_slice %arg9[%dma_start3A_371, %dma_start3A_373, %dma_start3A_374] : memref<5x80x32xf32, #tpu.memory_space<vmem>> -> memref<1x80x32xf32, #tpu.memory_space<vmem>>
      %dma_start3A_376 = tpu.memref_squeeze %dma_start3A_375 : memref<1x80x32xf32, #tpu.memory_space<vmem>> -> memref<80x32xf32, #tpu.memory_space<vmem>>
      %dma_start3A_377 = arith.constant 0 : i32
      %dma_start3A_378 = tpu.memref_slice %arg8[%add3A_370, %dma_start3A_377] : memref<125x80xi32, #tpu.memory_space<vmem>> -> memref<1x80xi32, #tpu.memory_space<vmem>>
      %dma_start3A_379 = tpu.memref_squeeze %dma_start3A_378 : memref<1x80xi32, #tpu.memory_space<vmem>> -> memref<80xi32, #tpu.memory_space<vmem>>
      %dma_start3A_380 = arith.constant 0 : i32
      %dma_start3A_381 = arith.constant 0 : i32
      %dma_start3A_382 = tpu.memref_slice %arg6[%dma_start3A_380, %dma_start3A_381] : memref<10240x32xf32, #tpu.memory_space<vmem_shared>> -> memref<10240x32xf32, #tpu.memory_space<vmem_shared>>
      %dma_start3A_383 = tpu.memref_slice %arg12[%dma_start3A_372] : memref<5x!tpu.dma_semaphore, #tpu.memory_space<semaphore_mem>> -> memref<1x!tpu.dma_semaphore, #tpu.memory_space<semaphore_mem>>
      %dma_start3A_384 = tpu.memref_squeeze %dma_start3A_383 : memref<1x!tpu.dma_semaphore, #tpu.memory_space<semaphore_mem>> -> memref<!tpu.dma_semaphore, #tpu.memory_space<semaphore_mem>>
      tpu.enqueue_indirect_dma source(%dma_start3A_376 : memref<80x32xf32, #tpu.memory_space<vmem>>) target(%dma_start3A_382 : memref<10240x32xf32, #tpu.memory_space<vmem_shared>>) offsets(%dma_start3A_379 : memref<80xi32, #tpu.memory_space<vmem>>) semaphore(%dma_start3A_384 : memref<!tpu.dma_semaphore, #tpu.memory_space<semaphore_mem>>) {add = true}
      %add3A_385 = arith.constant 2 : i32
      %add3A_386 = arith.addi %mul3A_320, %add3A_385 : i32
      %dma_wait3A_387 = arith.constant 2 : i32
      %dma_wait3A_388 = arith.constant 2 : i32
      %dma_wait3A_389 = arith.constant 0 : i32
      %dma_wait3A_390 = arith.constant 0 : i32
      %dma_wait3A_391 = tpu.memref_slice %arg9[%dma_wait3A_387, %dma_wait3A_389, %dma_wait3A_390] : memref<5x80x32xf32, #tpu.memory_space<vmem>> -> memref<1x80x32xf32, #tpu.memory_space<vmem>>
      %dma_wait3A_392 = tpu.memref_squeeze %dma_wait3A_391 : memref<1x80x32xf32, #tpu.memory_space<vmem>> -> memref<80x32xf32, #tpu.memory_space<vmem>>
      %dma_wait3A_393 = arith.constant 0 : i32
      %dma_wait3A_394 = tpu.memref_slice %arg7[%add3A_386, %dma_wait3A_393] : memref<125x80xi32, #tpu.memory_space<vmem>> -> memref<1x80xi32, #tpu.memory_space<vmem>>
      %dma_wait3A_395 = tpu.memref_squeeze %dma_wait3A_394 : memref<1x80xi32, #tpu.memory_space<vmem>> -> memref<80xi32, #tpu.memory_space<vmem>>
      %dma_wait3A_396 = arith.constant 0 : i32
      %dma_wait3A_397 = arith.constant 0 : i32
      %dma_wait3A_398 = tpu.memref_slice %arg4[%dma_wait3A_396, %dma_wait3A_397] : memref<10240x32xf32, #tpu.memory_space<hbm>> -> memref<10240x32xf32, #tpu.memory_space<hbm>>
      %dma_wait3A_399 = tpu.memref_slice %arg11[%dma_wait3A_388] : memref<5x!tpu.dma_semaphore, #tpu.memory_space<semaphore_mem>> -> memref<1x!tpu.dma_semaphore, #tpu.memory_space<semaphore_mem>>
      %dma_wait3A_400 = tpu.memref_squeeze %dma_wait3A_399 : memref<1x!tpu.dma_semaphore, #tpu.memory_space<semaphore_mem>> -> memref<!tpu.dma_semaphore, #tpu.memory_space<semaphore_mem>>
      tpu.wait_indirect_dma semaphore(%dma_wait3A_400 : memref<!tpu.dma_semaphore, #tpu.memory_space<semaphore_mem>>) src(%dma_wait3A_398 : memref<10240x32xf32, #tpu.memory_space<hbm>>) dst(%dma_wait3A_392 : memref<80x32xf32, #tpu.memory_space<vmem>>)
      %add3A_401 = arith.constant 2 : i32
      %add3A_402 = arith.addi %mul3A_320, %add3A_401 : i32
      %dma_start3A_403 = arith.constant 2 : i32
      %dma_start3A_404 = arith.constant 2 : i32
      %dma_start3A_405 = arith.constant 0 : i32
      %dma_start3A_406 = arith.constant 0 : i32
      %dma_start3A_407 = tpu.memref_slice %arg9[%dma_start3A_403, %dma_start3A_405, %dma_start3A_406] : memref<5x80x32xf32, #tpu.memory_space<vmem>> -> memref<1x80x32xf32, #tpu.memory_space<vmem>>
      %dma_start3A_408 = tpu.memref_squeeze %dma_start3A_407 : memref<1x80x32xf32, #tpu.memory_space<vmem>> -> memref<80x32xf32, #tpu.memory_space<vmem>>
      %dma_start3A_409 = arith.constant 0 : i32
      %dma_start3A_410 = tpu.memref_slice %arg8[%add3A_402, %dma_start3A_409] : memref<125x80xi32, #tpu.memory_space<vmem>> -> memref<1x80xi32, #tpu.memory_space<vmem>>
      %dma_start3A_411 = tpu.memref_squeeze %dma_start3A_410 : memref<1x80xi32, #tpu.memory_space<vmem>> -> memref<80xi32, #tpu.memory_space<vmem>>
      %dma_start3A_412 = arith.constant 0 : i32
      %dma_start3A_413 = arith.constant 0 : i32
      %dma_start3A_414 = tpu.memref_slice %arg6[%dma_start3A_412, %dma_start3A_413] : memref<10240x32xf32, #tpu.memory_space<vmem_shared>> -> memref<10240x32xf32, #tpu.memory_space<vmem_shared>>
      %dma_start3A_415 = tpu.memref_slice %arg12[%dma_start3A_404] : memref<5x!tpu.dma_semaphore, #tpu.memory_space<semaphore_mem>> -> memref<1x!tpu.dma_semaphore, #tpu.memory_space<semaphore_mem>>
      %dma_start3A_416 = tpu.memref_squeeze %dma_start3A_415 : memref<1x!tpu.dma_semaphore, #tpu.memory_space<semaphore_mem>> -> memref<!tpu.dma_semaphore, #tpu.memory_space<semaphore_mem>>
      tpu.enqueue_indirect_dma source(%dma_start3A_408 : memref<80x32xf32, #tpu.memory_space<vmem>>) target(%dma_start3A_414 : memref<10240x32xf32, #tpu.memory_space<vmem_shared>>) offsets(%dma_start3A_411 : memref<80xi32, #tpu.memory_space<vmem>>) semaphore(%dma_start3A_416 : memref<!tpu.dma_semaphore, #tpu.memory_space<semaphore_mem>>) {add = true}
      %add3A_417 = arith.constant 3 : i32
      %add3A_418 = arith.addi %mul3A_320, %add3A_417 : i32
      %dma_wait3A_419 = arith.constant 3 : i32
      %dma_wait3A_420 = arith.constant 3 : i32
      %dma_wait3A_421 = arith.constant 0 : i32
      %dma_wait3A_422 = arith.constant 0 : i32
      %dma_wait3A_423 = tpu.memref_slice %arg9[%dma_wait3A_419, %dma_wait3A_421, %dma_wait3A_422] : memref<5x80x32xf32, #tpu.memory_space<vmem>> -> memref<1x80x32xf32, #tpu.memory_space<vmem>>
      %dma_wait3A_424 = tpu.memref_squeeze %dma_wait3A_423 : memref<1x80x32xf32, #tpu.memory_space<vmem>> -> memref<80x32xf32, #tpu.memory_space<vmem>>
      %dma_wait3A_425 = arith.constant 0 : i32
      %dma_wait3A_426 = tpu.memref_slice %arg7[%add3A_418, %dma_wait3A_425] : memref<125x80xi32, #tpu.memory_space<vmem>> -> memref<1x80xi32, #tpu.memory_space<vmem>>
      %dma_wait3A_427 = tpu.memref_squeeze %dma_wait3A_426 : memref<1x80xi32, #tpu.memory_space<vmem>> -> memref<80xi32, #tpu.memory_space<vmem>>
      %dma_wait3A_428 = arith.constant 0 : i32
      %dma_wait3A_429 = arith.constant 0 : i32
      %dma_wait3A_430 = tpu.memref_slice %arg4[%dma_wait3A_428, %dma_wait3A_429] : memref<10240x32xf32, #tpu.memory_space<hbm>> -> memref<10240x32xf32, #tpu.memory_space<hbm>>
      %dma_wait3A_431 = tpu.memref_slice %arg11[%dma_wait3A_420] : memref<5x!tpu.dma_semaphore, #tpu.memory_space<semaphore_mem>> -> memref<1x!tpu.dma_semaphore, #tpu.memory_space<semaphore_mem>>
      %dma_wait3A_432 = tpu.memref_squeeze %dma_wait3A_431 : memref<1x!tpu.dma_semaphore, #tpu.memory_space<semaphore_mem>> -> memref<!tpu.dma_semaphore, #tpu.memory_space<semaphore_mem>>
      tpu.wait_indirect_dma semaphore(%dma_wait3A_432 : memref<!tpu.dma_semaphore, #tpu.memory_space<semaphore_mem>>) src(%dma_wait3A_430 : memref<10240x32xf32, #tpu.memory_space<hbm>>) dst(%dma_wait3A_424 : memref<80x32xf32, #tpu.memory_space<vmem>>)
      %add3A_433 = arith.constant 3 : i32
      %add3A_434 = arith.addi %mul3A_320, %add3A_433 : i32
      %dma_start3A_435 = arith.constant 3 : i32
      %dma_start3A_436 = arith.constant 3 : i32
      %dma_start3A_437 = arith.constant 0 : i32
      %dma_start3A_438 = arith.constant 0 : i32
      %dma_start3A_439 = tpu.memref_slice %arg9[%dma_start3A_435, %dma_start3A_437, %dma_start3A_438] : memref<5x80x32xf32, #tpu.memory_space<vmem>> -> memref<1x80x32xf32, #tpu.memory_space<vmem>>
      %dma_start3A_440 = tpu.memref_squeeze %dma_start3A_439 : memref<1x80x32xf32, #tpu.memory_space<vmem>> -> memref<80x32xf32, #tpu.memory_space<vmem>>
      %dma_start3A_441 = arith.constant 0 : i32
      %dma_start3A_442 = tpu.memref_slice %arg8[%add3A_434, %dma_start3A_441] : memref<125x80xi32, #tpu.memory_space<vmem>> -> memref<1x80xi32, #tpu.memory_space<vmem>>
      %dma_start3A_443 = tpu.memref_squeeze %dma_start3A_442 : memref<1x80xi32, #tpu.memory_space<vmem>> -> memref<80xi32, #tpu.memory_space<vmem>>
      %dma_start3A_444 = arith.constant 0 : i32
      %dma_start3A_445 = arith.constant 0 : i32
      %dma_start3A_446 = tpu.memref_slice %arg6[%dma_start3A_444, %dma_start3A_445] : memref<10240x32xf32, #tpu.memory_space<vmem_shared>> -> memref<10240x32xf32, #tpu.memory_space<vmem_shared>>
      %dma_start3A_447 = tpu.memref_slice %arg12[%dma_start3A_436] : memref<5x!tpu.dma_semaphore, #tpu.memory_space<semaphore_mem>> -> memref<1x!tpu.dma_semaphore, #tpu.memory_space<semaphore_mem>>
      %dma_start3A_448 = tpu.memref_squeeze %dma_start3A_447 : memref<1x!tpu.dma_semaphore, #tpu.memory_space<semaphore_mem>> -> memref<!tpu.dma_semaphore, #tpu.memory_space<semaphore_mem>>
      tpu.enqueue_indirect_dma source(%dma_start3A_440 : memref<80x32xf32, #tpu.memory_space<vmem>>) target(%dma_start3A_446 : memref<10240x32xf32, #tpu.memory_space<vmem_shared>>) offsets(%dma_start3A_443 : memref<80xi32, #tpu.memory_space<vmem>>) semaphore(%dma_start3A_448 : memref<!tpu.dma_semaphore, #tpu.memory_space<semaphore_mem>>) {add = true}
      %add3A_449 = arith.constant 4 : i32
      %add3A_450 = arith.addi %mul3A_320, %add3A_449 : i32
      %dma_wait3A_451 = arith.constant 4 : i32
      %dma_wait3A_452 = arith.constant 4 : i32
      %dma_wait3A_453 = arith.constant 0 : i32
      %dma_wait3A_454 = arith.constant 0 : i32
      %dma_wait3A_455 = tpu.memref_slice %arg9[%dma_wait3A_451, %dma_wait3A_453, %dma_wait3A_454] : memref<5x80x32xf32, #tpu.memory_space<vmem>> -> memref<1x80x32xf32, #tpu.memory_space<vmem>>
      %dma_wait3A_456 = tpu.memref_squeeze %dma_wait3A_455 : memref<1x80x32xf32, #tpu.memory_space<vmem>> -> memref<80x32xf32, #tpu.memory_space<vmem>>
      %dma_wait3A_457 = arith.constant 0 : i32
      %dma_wait3A_458 = tpu.memref_slice %arg7[%add3A_450, %dma_wait3A_457] : memref<125x80xi32, #tpu.memory_space<vmem>> -> memref<1x80xi32, #tpu.memory_space<vmem>>
      %dma_wait3A_459 = tpu.memref_squeeze %dma_wait3A_458 : memref<1x80xi32, #tpu.memory_space<vmem>> -> memref<80xi32, #tpu.memory_space<vmem>>
      %dma_wait3A_460 = arith.constant 0 : i32
      %dma_wait3A_461 = arith.constant 0 : i32
      %dma_wait3A_462 = tpu.memref_slice %arg4[%dma_wait3A_460, %dma_wait3A_461] : memref<10240x32xf32, #tpu.memory_space<hbm>> -> memref<10240x32xf32, #tpu.memory_space<hbm>>
      %dma_wait3A_463 = tpu.memref_slice %arg11[%dma_wait3A_452] : memref<5x!tpu.dma_semaphore, #tpu.memory_space<semaphore_mem>> -> memref<1x!tpu.dma_semaphore, #tpu.memory_space<semaphore_mem>>
      %dma_wait3A_464 = tpu.memref_squeeze %dma_wait3A_463 : memref<1x!tpu.dma_semaphore, #tpu.memory_space<semaphore_mem>> -> memref<!tpu.dma_semaphore, #tpu.memory_space<semaphore_mem>>
      tpu.wait_indirect_dma semaphore(%dma_wait3A_464 : memref<!tpu.dma_semaphore, #tpu.memory_space<semaphore_mem>>) src(%dma_wait3A_462 : memref<10240x32xf32, #tpu.memory_space<hbm>>) dst(%dma_wait3A_456 : memref<80x32xf32, #tpu.memory_space<vmem>>)
      %add3A_465 = arith.constant 4 : i32
      %add3A_466 = arith.addi %mul3A_320, %add3A_465 : i32
      %dma_start3A_467 = arith.constant 4 : i32
      %dma_start3A_468 = arith.constant 4 : i32
      %dma_start3A_469 = arith.constant 0 : i32
      %dma_start3A_470 = arith.constant 0 : i32
      %dma_start3A_471 = tpu.memref_slice %arg9[%dma_start3A_467, %dma_start3A_469, %dma_start3A_470] : memref<5x80x32xf32, #tpu.memory_space<vmem>> -> memref<1x80x32xf32, #tpu.memory_space<vmem>>
      %dma_start3A_472 = tpu.memref_squeeze %dma_start3A_471 : memref<1x80x32xf32, #tpu.memory_space<vmem>> -> memref<80x32xf32, #tpu.memory_space<vmem>>
      %dma_start3A_473 = arith.constant 0 : i32
      %dma_start3A_474 = tpu.memref_slice %arg8[%add3A_466, %dma_start3A_473] : memref<125x80xi32, #tpu.memory_space<vmem>> -> memref<1x80xi32, #tpu.memory_space<vmem>>
      %dma_start3A_475 = tpu.memref_squeeze %dma_start3A_474 : memref<1x80xi32, #tpu.memory_space<vmem>> -> memref<80xi32, #tpu.memory_space<vmem>>
      %dma_start3A_476 = arith.constant 0 : i32
      %dma_start3A_477 = arith.constant 0 : i32
      %dma_start3A_478 = tpu.memref_slice %arg6[%dma_start3A_476, %dma_start3A_477] : memref<10240x32xf32, #tpu.memory_space<vmem_shared>> -> memref<10240x32xf32, #tpu.memory_space<vmem_shared>>
      %dma_start3A_479 = tpu.memref_slice %arg12[%dma_start3A_468] : memref<5x!tpu.dma_semaphore, #tpu.memory_space<semaphore_mem>> -> memref<1x!tpu.dma_semaphore, #tpu.memory_space<semaphore_mem>>
      %dma_start3A_480 = tpu.memref_squeeze %dma_start3A_479 : memref<1x!tpu.dma_semaphore, #tpu.memory_space<semaphore_mem>> -> memref<!tpu.dma_semaphore, #tpu.memory_space<semaphore_mem>>
      tpu.enqueue_indirect_dma source(%dma_start3A_472 : memref<80x32xf32, #tpu.memory_space<vmem>>) target(%dma_start3A_478 : memref<10240x32xf32, #tpu.memory_space<vmem_shared>>) offsets(%dma_start3A_475 : memref<80xi32, #tpu.memory_space<vmem>>) semaphore(%dma_start3A_480 : memref<!tpu.dma_semaphore, #tpu.memory_space<semaphore_mem>>) {add = true}
      %add3A_481 = arith.constant 0 : i32
      %add3A_482 = arith.addi %mul3A_320, %add3A_481 : i32
      %dma_wait3A_483 = arith.constant 0 : i32
      %dma_wait3A_484 = arith.constant 0 : i32
      %dma_wait3A_485 = arith.constant 0 : i32
      %dma_wait3A_486 = arith.constant 0 : i32
      %dma_wait3A_487 = tpu.memref_slice %arg9[%dma_wait3A_483, %dma_wait3A_485, %dma_wait3A_486] : memref<5x80x32xf32, #tpu.memory_space<vmem>> -> memref<1x80x32xf32, #tpu.memory_space<vmem>>
      %dma_wait3A_488 = tpu.memref_squeeze %dma_wait3A_487 : memref<1x80x32xf32, #tpu.memory_space<vmem>> -> memref<80x32xf32, #tpu.memory_space<vmem>>
      %dma_wait3A_489 = arith.constant 0 : i32
      %dma_wait3A_490 = tpu.memref_slice %arg8[%add3A_482, %dma_wait3A_489] : memref<125x80xi32, #tpu.memory_space<vmem>> -> memref<1x80xi32, #tpu.memory_space<vmem>>
      %dma_wait3A_491 = tpu.memref_squeeze %dma_wait3A_490 : memref<1x80xi32, #tpu.memory_space<vmem>> -> memref<80xi32, #tpu.memory_space<vmem>>
      %dma_wait3A_492 = arith.constant 0 : i32
      %dma_wait3A_493 = arith.constant 0 : i32
      %dma_wait3A_494 = tpu.memref_slice %arg6[%dma_wait3A_492, %dma_wait3A_493] : memref<10240x32xf32, #tpu.memory_space<vmem_shared>> -> memref<10240x32xf32, #tpu.memory_space<vmem_shared>>
      %dma_wait3A_495 = tpu.memref_slice %arg12[%dma_wait3A_484] : memref<5x!tpu.dma_semaphore, #tpu.memory_space<semaphore_mem>> -> memref<1x!tpu.dma_semaphore, #tpu.memory_space<semaphore_mem>>
      %dma_wait3A_496 = tpu.memref_squeeze %dma_wait3A_495 : memref<1x!tpu.dma_semaphore, #tpu.memory_space<semaphore_mem>> -> memref<!tpu.dma_semaphore, #tpu.memory_space<semaphore_mem>>
      tpu.wait_indirect_dma semaphore(%dma_wait3A_496 : memref<!tpu.dma_semaphore, #tpu.memory_space<semaphore_mem>>) src(%dma_wait3A_488 : memref<80x32xf32, #tpu.memory_space<vmem>>) dst(%dma_wait3A_494 : memref<10240x32xf32, #tpu.memory_space<vmem_shared>>)
      %add3A_497 = arith.constant 5 : i32
      %add3A_498 = arith.addi %mul3A_320, %add3A_497 : i32
      %add3A_499 = arith.constant 0 : i32
      %add3A_500 = arith.addi %add3A_498, %add3A_499 : i32
      %dma_start3A_501 = arith.constant 0 : i32
      %dma_start3A_502 = arith.constant 0 : i32
      %dma_start3A_503 = arith.constant 0 : i32
      %dma_start3A_504 = arith.constant 0 : i32
      %dma_start3A_505 = tpu.memref_slice %arg9[%dma_start3A_501, %dma_start3A_503, %dma_start3A_504] : memref<5x80x32xf32, #tpu.memory_space<vmem>> -> memref<1x80x32xf32, #tpu.memory_space<vmem>>
      %dma_start3A_506 = tpu.memref_squeeze %dma_start3A_505 : memref<1x80x32xf32, #tpu.memory_space<vmem>> -> memref<80x32xf32, #tpu.memory_space<vmem>>
      %dma_start3A_507 = arith.constant 0 : i32
      %dma_start3A_508 = tpu.memref_slice %arg7[%add3A_500, %dma_start3A_507] : memref<125x80xi32, #tpu.memory_space<vmem>> -> memref<1x80xi32, #tpu.memory_space<vmem>>
      %dma_start3A_509 = tpu.memref_squeeze %dma_start3A_508 : memref<1x80xi32, #tpu.memory_space<vmem>> -> memref<80xi32, #tpu.memory_space<vmem>>
      %dma_start3A_510 = arith.constant 0 : i32
      %dma_start3A_511 = arith.constant 0 : i32
      %dma_start3A_512 = tpu.memref_slice %arg4[%dma_start3A_510, %dma_start3A_511] : memref<10240x32xf32, #tpu.memory_space<hbm>> -> memref<10240x32xf32, #tpu.memory_space<hbm>>
      %dma_start3A_513 = tpu.memref_slice %arg11[%dma_start3A_502] : memref<5x!tpu.dma_semaphore, #tpu.memory_space<semaphore_mem>> -> memref<1x!tpu.dma_semaphore, #tpu.memory_space<semaphore_mem>>
      %dma_start3A_514 = tpu.memref_squeeze %dma_start3A_513 : memref<1x!tpu.dma_semaphore, #tpu.memory_space<semaphore_mem>> -> memref<!tpu.dma_semaphore, #tpu.memory_space<semaphore_mem>>
      tpu.enqueue_indirect_dma source(%dma_start3A_512 : memref<10240x32xf32, #tpu.memory_space<hbm>>) target(%dma_start3A_506 : memref<80x32xf32, #tpu.memory_space<vmem>>) offsets(%dma_start3A_509 : memref<80xi32, #tpu.memory_space<vmem>>) semaphore(%dma_start3A_514 : memref<!tpu.dma_semaphore, #tpu.memory_space<semaphore_mem>>)
      %add3A_515 = arith.constant 1 : i32
      %add3A_516 = arith.addi %mul3A_320, %add3A_515 : i32
      %dma_wait3A_517 = arith.constant 1 : i32
      %dma_wait3A_518 = arith.constant 1 : i32
      %dma_wait3A_519 = arith.constant 0 : i32
      %dma_wait3A_520 = arith.constant 0 : i32
      %dma_wait3A_521 = tpu.memref_slice %arg9[%dma_wait3A_517, %dma_wait3A_519, %dma_wait3A_520] : memref<5x80x32xf32, #tpu.memory_space<vmem>> -> memref<1x80x32xf32, #tpu.memory_space<vmem>>
      %dma_wait3A_522 = tpu.memref_squeeze %dma_wait3A_521 : memref<1x80x32xf32, #tpu.memory_space<vmem>> -> memref<80x32xf32, #tpu.memory_space<vmem>>
      %dma_wait3A_523 = arith.constant 0 : i32
      %dma_wait3A_524 = tpu.memref_slice %arg8[%add3A_516, %dma_wait3A_523] : memref<125x80xi32, #tpu.memory_space<vmem>> -> memref<1x80xi32, #tpu.memory_space<vmem>>
      %dma_wait3A_525 = tpu.memref_squeeze %dma_wait3A_524 : memref<1x80xi32, #tpu.memory_space<vmem>> -> memref<80xi32, #tpu.memory_space<vmem>>
      %dma_wait3A_526 = arith.constant 0 : i32
      %dma_wait3A_527 = arith.constant 0 : i32
      %dma_wait3A_528 = tpu.memref_slice %arg6[%dma_wait3A_526, %dma_wait3A_527] : memref<10240x32xf32, #tpu.memory_space<vmem_shared>> -> memref<10240x32xf32, #tpu.memory_space<vmem_shared>>
      %dma_wait3A_529 = tpu.memref_slice %arg12[%dma_wait3A_518] : memref<5x!tpu.dma_semaphore, #tpu.memory_space<semaphore_mem>> -> memref<1x!tpu.dma_semaphore, #tpu.memory_space<semaphore_mem>>
      %dma_wait3A_530 = tpu.memref_squeeze %dma_wait3A_529 : memref<1x!tpu.dma_semaphore, #tpu.memory_space<semaphore_mem>> -> memref<!tpu.dma_semaphore, #tpu.memory_space<semaphore_mem>>
      tpu.wait_indirect_dma semaphore(%dma_wait3A_530 : memref<!tpu.dma_semaphore, #tpu.memory_space<semaphore_mem>>) src(%dma_wait3A_522 : memref<80x32xf32, #tpu.memory_space<vmem>>) dst(%dma_wait3A_528 : memref<10240x32xf32, #tpu.memory_space<vmem_shared>>)
      %add3A_531 = arith.constant 5 : i32
      %add3A_532 = arith.addi %mul3A_320, %add3A_531 : i32
      %add3A_533 = arith.constant 1 : i32
      %add3A_534 = arith.addi %add3A_532, %add3A_533 : i32
      %dma_start3A_535 = arith.constant 1 : i32
      %dma_start3A_536 = arith.constant 1 : i32
      %dma_start3A_537 = arith.constant 0 : i32
      %dma_start3A_538 = arith.constant 0 : i32
      %dma_start3A_539 = tpu.memref_slice %arg9[%dma_start3A_535, %dma_start3A_537, %dma_start3A_538] : memref<5x80x32xf32, #tpu.memory_space<vmem>> -> memref<1x80x32xf32, #tpu.memory_space<vmem>>
      %dma_start3A_540 = tpu.memref_squeeze %dma_start3A_539 : memref<1x80x32xf32, #tpu.memory_space<vmem>> -> memref<80x32xf32, #tpu.memory_space<vmem>>
      %dma_start3A_541 = arith.constant 0 : i32
      %dma_start3A_542 = tpu.memref_slice %arg7[%add3A_534, %dma_start3A_541] : memref<125x80xi32, #tpu.memory_space<vmem>> -> memref<1x80xi32, #tpu.memory_space<vmem>>
      %dma_start3A_543 = tpu.memref_squeeze %dma_start3A_542 : memref<1x80xi32, #tpu.memory_space<vmem>> -> memref<80xi32, #tpu.memory_space<vmem>>
      %dma_start3A_544 = arith.constant 0 : i32
      %dma_start3A_545 = arith.constant 0 : i32
      %dma_start3A_546 = tpu.memref_slice %arg4[%dma_start3A_544, %dma_start3A_545] : memref<10240x32xf32, #tpu.memory_space<hbm>> -> memref<10240x32xf32, #tpu.memory_space<hbm>>
      %dma_start3A_547 = tpu.memref_slice %arg11[%dma_start3A_536] : memref<5x!tpu.dma_semaphore, #tpu.memory_space<semaphore_mem>> -> memref<1x!tpu.dma_semaphore, #tpu.memory_space<semaphore_mem>>
      %dma_start3A_548 = tpu.memref_squeeze %dma_start3A_547 : memref<1x!tpu.dma_semaphore, #tpu.memory_space<semaphore_mem>> -> memref<!tpu.dma_semaphore, #tpu.memory_space<semaphore_mem>>
      tpu.enqueue_indirect_dma source(%dma_start3A_546 : memref<10240x32xf32, #tpu.memory_space<hbm>>) target(%dma_start3A_540 : memref<80x32xf32, #tpu.memory_space<vmem>>) offsets(%dma_start3A_543 : memref<80xi32, #tpu.memory_space<vmem>>) semaphore(%dma_start3A_548 : memref<!tpu.dma_semaphore, #tpu.memory_space<semaphore_mem>>)
      %add3A_549 = arith.constant 2 : i32
      %add3A_550 = arith.addi %mul3A_320, %add3A_549 : i32
      %dma_wait3A_551 = arith.constant 2 : i32
      %dma_wait3A_552 = arith.constant 2 : i32
      %dma_wait3A_553 = arith.constant 0 : i32
      %dma_wait3A_554 = arith.constant 0 : i32
      %dma_wait3A_555 = tpu.memref_slice %arg9[%dma_wait3A_551, %dma_wait3A_553, %dma_wait3A_554] : memref<5x80x32xf32, #tpu.memory_space<vmem>> -> memref<1x80x32xf32, #tpu.memory_space<vmem>>
      %dma_wait3A_556 = tpu.memref_squeeze %dma_wait3A_555 : memref<1x80x32xf32, #tpu.memory_space<vmem>> -> memref<80x32xf32, #tpu.memory_space<vmem>>
      %dma_wait3A_557 = arith.constant 0 : i32
      %dma_wait3A_558 = tpu.memref_slice %arg8[%add3A_550, %dma_wait3A_557] : memref<125x80xi32, #tpu.memory_space<vmem>> -> memref<1x80xi32, #tpu.memory_space<vmem>>
      %dma_wait3A_559 = tpu.memref_squeeze %dma_wait3A_558 : memref<1x80xi32, #tpu.memory_space<vmem>> -> memref<80xi32, #tpu.memory_space<vmem>>
      %dma_wait3A_560 = arith.constant 0 : i32
      %dma_wait3A_561 = arith.constant 0 : i32
      %dma_wait3A_562 = tpu.memref_slice %arg6[%dma_wait3A_560, %dma_wait3A_561] : memref<10240x32xf32, #tpu.memory_space<vmem_shared>> -> memref<10240x32xf32, #tpu.memory_space<vmem_shared>>
      %dma_wait3A_563 = tpu.memref_slice %arg12[%dma_wait3A_552] : memref<5x!tpu.dma_semaphore, #tpu.memory_space<semaphore_mem>> -> memref<1x!tpu.dma_semaphore, #tpu.memory_space<semaphore_mem>>
      %dma_wait3A_564 = tpu.memref_squeeze %dma_wait3A_563 : memref<1x!tpu.dma_semaphore, #tpu.memory_space<semaphore_mem>> -> memref<!tpu.dma_semaphore, #tpu.memory_space<semaphore_mem>>
      tpu.wait_indirect_dma semaphore(%dma_wait3A_564 : memref<!tpu.dma_semaphore, #tpu.memory_space<semaphore_mem>>) src(%dma_wait3A_556 : memref<80x32xf32, #tpu.memory_space<vmem>>) dst(%dma_wait3A_562 : memref<10240x32xf32, #tpu.memory_space<vmem_shared>>)
      %add3A_565 = arith.constant 5 : i32
      %add3A_566 = arith.addi %mul3A_320, %add3A_565 : i32
      %add3A_567 = arith.constant 2 : i32
      %add3A_568 = arith.addi %add3A_566, %add3A_567 : i32
      %dma_start3A_569 = arith.constant 2 : i32
      %dma_start3A_570 = arith.constant 2 : i32
      %dma_start3A_571 = arith.constant 0 : i32
      %dma_start3A_572 = arith.constant 0 : i32
      %dma_start3A_573 = tpu.memref_slice %arg9[%dma_start3A_569, %dma_start3A_571, %dma_start3A_572] : memref<5x80x32xf32, #tpu.memory_space<vmem>> -> memref<1x80x32xf32, #tpu.memory_space<vmem>>
      %dma_start3A_574 = tpu.memref_squeeze %dma_start3A_573 : memref<1x80x32xf32, #tpu.memory_space<vmem>> -> memref<80x32xf32, #tpu.memory_space<vmem>>
      %dma_start3A_575 = arith.constant 0 : i32
      %dma_start3A_576 = tpu.memref_slice %arg7[%add3A_568, %dma_start3A_575] : memref<125x80xi32, #tpu.memory_space<vmem>> -> memref<1x80xi32, #tpu.memory_space<vmem>>
      %dma_start3A_577 = tpu.memref_squeeze %dma_start3A_576 : memref<1x80xi32, #tpu.memory_space<vmem>> -> memref<80xi32, #tpu.memory_space<vmem>>
      %dma_start3A_578 = arith.constant 0 : i32
      %dma_start3A_579 = arith.constant 0 : i32
      %dma_start3A_580 = tpu.memref_slice %arg4[%dma_start3A_578, %dma_start3A_579] : memref<10240x32xf32, #tpu.memory_space<hbm>> -> memref<10240x32xf32, #tpu.memory_space<hbm>>
      %dma_start3A_581 = tpu.memref_slice %arg11[%dma_start3A_570] : memref<5x!tpu.dma_semaphore, #tpu.memory_space<semaphore_mem>> -> memref<1x!tpu.dma_semaphore, #tpu.memory_space<semaphore_mem>>
      %dma_start3A_582 = tpu.memref_squeeze %dma_start3A_581 : memref<1x!tpu.dma_semaphore, #tpu.memory_space<semaphore_mem>> -> memref<!tpu.dma_semaphore, #tpu.memory_space<semaphore_mem>>
      tpu.enqueue_indirect_dma source(%dma_start3A_580 : memref<10240x32xf32, #tpu.memory_space<hbm>>) target(%dma_start3A_574 : memref<80x32xf32, #tpu.memory_space<vmem>>) offsets(%dma_start3A_577 : memref<80xi32, #tpu.memory_space<vmem>>) semaphore(%dma_start3A_582 : memref<!tpu.dma_semaphore, #tpu.memory_space<semaphore_mem>>)
      %add3A_583 = arith.constant 3 : i32
      %add3A_584 = arith.addi %mul3A_320, %add3A_583 : i32
      %dma_wait3A_585 = arith.constant 3 : i32
      %dma_wait3A_586 = arith.constant 3 : i32
      %dma_wait3A_587 = arith.constant 0 : i32
      %dma_wait3A_588 = arith.constant 0 : i32
      %dma_wait3A_589 = tpu.memref_slice %arg9[%dma_wait3A_585, %dma_wait3A_587, %dma_wait3A_588] : memref<5x80x32xf32, #tpu.memory_space<vmem>> -> memref<1x80x32xf32, #tpu.memory_space<vmem>>
      %dma_wait3A_590 = tpu.memref_squeeze %dma_wait3A_589 : memref<1x80x32xf32, #tpu.memory_space<vmem>> -> memref<80x32xf32, #tpu.memory_space<vmem>>
      %dma_wait3A_591 = arith.constant 0 : i32
      %dma_wait3A_592 = tpu.memref_slice %arg8[%add3A_584, %dma_wait3A_591] : memref<125x80xi32, #tpu.memory_space<vmem>> -> memref<1x80xi32, #tpu.memory_space<vmem>>
      %dma_wait3A_593 = tpu.memref_squeeze %dma_wait3A_592 : memref<1x80xi32, #tpu.memory_space<vmem>> -> memref<80xi32, #tpu.memory_space<vmem>>
      %dma_wait3A_594 = arith.constant 0 : i32
      %dma_wait3A_595 = arith.constant 0 : i32
      %dma_wait3A_596 = tpu.memref_slice %arg6[%dma_wait3A_594, %dma_wait3A_595] : memref<10240x32xf32, #tpu.memory_space<vmem_shared>> -> memref<10240x32xf32, #tpu.memory_space<vmem_shared>>
      %dma_wait3A_597 = tpu.memref_slice %arg12[%dma_wait3A_586] : memref<5x!tpu.dma_semaphore, #tpu.memory_space<semaphore_mem>> -> memref<1x!tpu.dma_semaphore, #tpu.memory_space<semaphore_mem>>
      %dma_wait3A_598 = tpu.memref_squeeze %dma_wait3A_597 : memref<1x!tpu.dma_semaphore, #tpu.memory_space<semaphore_mem>> -> memref<!tpu.dma_semaphore, #tpu.memory_space<semaphore_mem>>
      tpu.wait_indirect_dma semaphore(%dma_wait3A_598 : memref<!tpu.dma_semaphore, #tpu.memory_space<semaphore_mem>>) src(%dma_wait3A_590 : memref<80x32xf32, #tpu.memory_space<vmem>>) dst(%dma_wait3A_596 : memref<10240x32xf32, #tpu.memory_space<vmem_shared>>)
      %add3A_599 = arith.constant 5 : i32
      %add3A_600 = arith.addi %mul3A_320, %add3A_599 : i32
      %add3A_601 = arith.constant 3 : i32
      %add3A_602 = arith.addi %add3A_600, %add3A_601 : i32
      %dma_start3A_603 = arith.constant 3 : i32
      %dma_start3A_604 = arith.constant 3 : i32
      %dma_start3A_605 = arith.constant 0 : i32
      %dma_start3A_606 = arith.constant 0 : i32
      %dma_start3A_607 = tpu.memref_slice %arg9[%dma_start3A_603, %dma_start3A_605, %dma_start3A_606] : memref<5x80x32xf32, #tpu.memory_space<vmem>> -> memref<1x80x32xf32, #tpu.memory_space<vmem>>
      %dma_start3A_608 = tpu.memref_squeeze %dma_start3A_607 : memref<1x80x32xf32, #tpu.memory_space<vmem>> -> memref<80x32xf32, #tpu.memory_space<vmem>>
      %dma_start3A_609 = arith.constant 0 : i32
      %dma_start3A_610 = tpu.memref_slice %arg7[%add3A_602, %dma_start3A_609] : memref<125x80xi32, #tpu.memory_space<vmem>> -> memref<1x80xi32, #tpu.memory_space<vmem>>
      %dma_start3A_611 = tpu.memref_squeeze %dma_start3A_610 : memref<1x80xi32, #tpu.memory_space<vmem>> -> memref<80xi32, #tpu.memory_space<vmem>>
      %dma_start3A_612 = arith.constant 0 : i32
      %dma_start3A_613 = arith.constant 0 : i32
      %dma_start3A_614 = tpu.memref_slice %arg4[%dma_start3A_612, %dma_start3A_613] : memref<10240x32xf32, #tpu.memory_space<hbm>> -> memref<10240x32xf32, #tpu.memory_space<hbm>>
      %dma_start3A_615 = tpu.memref_slice %arg11[%dma_start3A_604] : memref<5x!tpu.dma_semaphore, #tpu.memory_space<semaphore_mem>> -> memref<1x!tpu.dma_semaphore, #tpu.memory_space<semaphore_mem>>
      %dma_start3A_616 = tpu.memref_squeeze %dma_start3A_615 : memref<1x!tpu.dma_semaphore, #tpu.memory_space<semaphore_mem>> -> memref<!tpu.dma_semaphore, #tpu.memory_space<semaphore_mem>>
      tpu.enqueue_indirect_dma source(%dma_start3A_614 : memref<10240x32xf32, #tpu.memory_space<hbm>>) target(%dma_start3A_608 : memref<80x32xf32, #tpu.memory_space<vmem>>) offsets(%dma_start3A_611 : memref<80xi32, #tpu.memory_space<vmem>>) semaphore(%dma_start3A_616 : memref<!tpu.dma_semaphore, #tpu.memory_space<semaphore_mem>>)
      %add3A_617 = arith.constant 4 : i32
      %add3A_618 = arith.addi %mul3A_320, %add3A_617 : i32
      %dma_wait3A_619 = arith.constant 4 : i32
      %dma_wait3A_620 = arith.constant 4 : i32
      %dma_wait3A_621 = arith.constant 0 : i32
      %dma_wait3A_622 = arith.constant 0 : i32
      %dma_wait3A_623 = tpu.memref_slice %arg9[%dma_wait3A_619, %dma_wait3A_621, %dma_wait3A_622] : memref<5x80x32xf32, #tpu.memory_space<vmem>> -> memref<1x80x32xf32, #tpu.memory_space<vmem>>
      %dma_wait3A_624 = tpu.memref_squeeze %dma_wait3A_623 : memref<1x80x32xf32, #tpu.memory_space<vmem>> -> memref<80x32xf32, #tpu.memory_space<vmem>>
      %dma_wait3A_625 = arith.constant 0 : i32
      %dma_wait3A_626 = tpu.memref_slice %arg8[%add3A_618, %dma_wait3A_625] : memref<125x80xi32, #tpu.memory_space<vmem>> -> memref<1x80xi32, #tpu.memory_space<vmem>>
      %dma_wait3A_627 = tpu.memref_squeeze %dma_wait3A_626 : memref<1x80xi32, #tpu.memory_space<vmem>> -> memref<80xi32, #tpu.memory_space<vmem>>
      %dma_wait3A_628 = arith.constant 0 : i32
      %dma_wait3A_629 = arith.constant 0 : i32
      %dma_wait3A_630 = tpu.memref_slice %arg6[%dma_wait3A_628, %dma_wait3A_629] : memref<10240x32xf32, #tpu.memory_space<vmem_shared>> -> memref<10240x32xf32, #tpu.memory_space<vmem_shared>>
      %dma_wait3A_631 = tpu.memref_slice %arg12[%dma_wait3A_620] : memref<5x!tpu.dma_semaphore, #tpu.memory_space<semaphore_mem>> -> memref<1x!tpu.dma_semaphore, #tpu.memory_space<semaphore_mem>>
      %dma_wait3A_632 = tpu.memref_squeeze %dma_wait3A_631 : memref<1x!tpu.dma_semaphore, #tpu.memory_space<semaphore_mem>> -> memref<!tpu.dma_semaphore, #tpu.memory_space<semaphore_mem>>
      tpu.wait_indirect_dma semaphore(%dma_wait3A_632 : memref<!tpu.dma_semaphore, #tpu.memory_space<semaphore_mem>>) src(%dma_wait3A_624 : memref<80x32xf32, #tpu.memory_space<vmem>>) dst(%dma_wait3A_630 : memref<10240x32xf32, #tpu.memory_space<vmem_shared>>)
      %add3A_633 = arith.constant 5 : i32
      %add3A_634 = arith.addi %mul3A_320, %add3A_633 : i32
      %add3A_635 = arith.constant 4 : i32
      %add3A_636 = arith.addi %add3A_634, %add3A_635 : i32
      %dma_start3A_637 = arith.constant 4 : i32
      %dma_start3A_638 = arith.constant 4 : i32
      %dma_start3A_639 = arith.constant 0 : i32
      %dma_start3A_640 = arith.constant 0 : i32
      %dma_start3A_641 = tpu.memref_slice %arg9[%dma_start3A_637, %dma_start3A_639, %dma_start3A_640] : memref<5x80x32xf32, #tpu.memory_space<vmem>> -> memref<1x80x32xf32, #tpu.memory_space<vmem>>
      %dma_start3A_642 = tpu.memref_squeeze %dma_start3A_641 : memref<1x80x32xf32, #tpu.memory_space<vmem>> -> memref<80x32xf32, #tpu.memory_space<vmem>>
      %dma_start3A_643 = arith.constant 0 : i32
      %dma_start3A_644 = tpu.memref_slice %arg7[%add3A_636, %dma_start3A_643] : memref<125x80xi32, #tpu.memory_space<vmem>> -> memref<1x80xi32, #tpu.memory_space<vmem>>
      %dma_start3A_645 = tpu.memref_squeeze %dma_start3A_644 : memref<1x80xi32, #tpu.memory_space<vmem>> -> memref<80xi32, #tpu.memory_space<vmem>>
      %dma_start3A_646 = arith.constant 0 : i32
      %dma_start3A_647 = arith.constant 0 : i32
      %dma_start3A_648 = tpu.memref_slice %arg4[%dma_start3A_646, %dma_start3A_647] : memref<10240x32xf32, #tpu.memory_space<hbm>> -> memref<10240x32xf32, #tpu.memory_space<hbm>>
      %dma_start3A_649 = tpu.memref_slice %arg11[%dma_start3A_638] : memref<5x!tpu.dma_semaphore, #tpu.memory_space<semaphore_mem>> -> memref<1x!tpu.dma_semaphore, #tpu.memory_space<semaphore_mem>>
      %dma_start3A_650 = tpu.memref_squeeze %dma_start3A_649 : memref<1x!tpu.dma_semaphore, #tpu.memory_space<semaphore_mem>> -> memref<!tpu.dma_semaphore, #tpu.memory_space<semaphore_mem>>
      tpu.enqueue_indirect_dma source(%dma_start3A_648 : memref<10240x32xf32, #tpu.memory_space<hbm>>) target(%dma_start3A_642 : memref<80x32xf32, #tpu.memory_space<vmem>>) offsets(%dma_start3A_645 : memref<80xi32, #tpu.memory_space<vmem>>) semaphore(%dma_start3A_650 : memref<!tpu.dma_semaphore, #tpu.memory_space<semaphore_mem>>)
    }
    %scan3A_88 = arith.constant 24 : i32
    %dma_wait3A = arith.constant 120 : i32
    %dma_wait3A_89 = arith.constant 0 : i32
    %dma_wait3A_90 = arith.constant 0 : i32
    %dma_wait3A_91 = arith.constant 0 : i32
    %dma_wait3A_92 = arith.constant 0 : i32
    %dma_wait3A_93 = tpu.memref_slice %arg9[%dma_wait3A_89, %dma_wait3A_91, %dma_wait3A_92] : memref<5x80x32xf32, #tpu.memory_space<vmem>> -> memref<1x80x32xf32, #tpu.memory_space<vmem>>
    %dma_wait3A_94 = tpu.memref_squeeze %dma_wait3A_93 : memref<1x80x32xf32, #tpu.memory_space<vmem>> -> memref<80x32xf32, #tpu.memory_space<vmem>>
    %dma_wait3A_95 = arith.constant 0 : i32
    %dma_wait3A_96 = tpu.memref_slice %arg7[%dma_wait3A, %dma_wait3A_95] : memref<125x80xi32, #tpu.memory_space<vmem>> -> memref<1x80xi32, #tpu.memory_space<vmem>>
    %dma_wait3A_97 = tpu.memref_squeeze %dma_wait3A_96 : memref<1x80xi32, #tpu.memory_space<vmem>> -> memref<80xi32, #tpu.memory_space<vmem>>
    %dma_wait3A_98 = arith.constant 0 : i32
    %dma_wait3A_99 = arith.constant 0 : i32
    %dma_wait3A_100 = tpu.memref_slice %arg4[%dma_wait3A_98, %dma_wait3A_99] : memref<10240x32xf32, #tpu.memory_space<hbm>> -> memref<10240x32xf32, #tpu.memory_space<hbm>>
    %dma_wait3A_101 = tpu.memref_slice %arg11[%dma_wait3A_90] : memref<5x!tpu.dma_semaphore, #tpu.memory_space<semaphore_mem>> -> memref<1x!tpu.dma_semaphore, #tpu.memory_space<semaphore_mem>>
    %dma_wait3A_102 = tpu.memref_squeeze %dma_wait3A_101 : memref<1x!tpu.dma_semaphore, #tpu.memory_space<semaphore_mem>> -> memref<!tpu.dma_semaphore, #tpu.memory_space<semaphore_mem>>
    tpu.wait_indirect_dma semaphore(%dma_wait3A_102 : memref<!tpu.dma_semaphore, #tpu.memory_space<semaphore_mem>>) src(%dma_wait3A_100 : memref<10240x32xf32, #tpu.memory_space<hbm>>) dst(%dma_wait3A_94 : memref<80x32xf32, #tpu.memory_space<vmem>>)
    %dma_start3A_103 = arith.constant 0 : i32
    %dma_start3A_104 = arith.constant 120 : i32
    %dma_start3A_105 = arith.constant 0 : i32
    %dma_start3A_106 = arith.constant 0 : i32
    %dma_start3A_107 = arith.constant 0 : i32
    %dma_start3A_108 = tpu.memref_slice %arg9[%dma_start3A_103, %dma_start3A_106, %dma_start3A_107] : memref<5x80x32xf32, #tpu.memory_space<vmem>> -> memref<1x80x32xf32, #tpu.memory_space<vmem>>
    %dma_start3A_109 = tpu.memref_squeeze %dma_start3A_108 : memref<1x80x32xf32, #tpu.memory_space<vmem>> -> memref<80x32xf32, #tpu.memory_space<vmem>>
    %dma_start3A_110 = arith.constant 0 : i32
    %dma_start3A_111 = tpu.memref_slice %arg8[%dma_start3A_104, %dma_start3A_110] : memref<125x80xi32, #tpu.memory_space<vmem>> -> memref<1x80xi32, #tpu.memory_space<vmem>>
    %dma_start3A_112 = tpu.memref_squeeze %dma_start3A_111 : memref<1x80xi32, #tpu.memory_space<vmem>> -> memref<80xi32, #tpu.memory_space<vmem>>
    %dma_start3A_113 = arith.constant 0 : i32
    %dma_start3A_114 = arith.constant 0 : i32
    %dma_start3A_115 = tpu.memref_slice %arg6[%dma_start3A_113, %dma_start3A_114] : memref<10240x32xf32, #tpu.memory_space<vmem_shared>> -> memref<10240x32xf32, #tpu.memory_space<vmem_shared>>
    %dma_start3A_116 = tpu.memref_slice %arg12[%dma_start3A_105] : memref<5x!tpu.dma_semaphore, #tpu.memory_space<semaphore_mem>> -> memref<1x!tpu.dma_semaphore, #tpu.memory_space<semaphore_mem>>
    %dma_start3A_117 = tpu.memref_squeeze %dma_start3A_116 : memref<1x!tpu.dma_semaphore, #tpu.memory_space<semaphore_mem>> -> memref<!tpu.dma_semaphore, #tpu.memory_space<semaphore_mem>>
    tpu.enqueue_indirect_dma source(%dma_start3A_109 : memref<80x32xf32, #tpu.memory_space<vmem>>) target(%dma_start3A_115 : memref<10240x32xf32, #tpu.memory_space<vmem_shared>>) offsets(%dma_start3A_112 : memref<80xi32, #tpu.memory_space<vmem>>) semaphore(%dma_start3A_117 : memref<!tpu.dma_semaphore, #tpu.memory_space<semaphore_mem>>) {add = true}
    %dma_wait3A_118 = arith.constant 121 : i32
    %dma_wait3A_119 = arith.constant 1 : i32
    %dma_wait3A_120 = arith.constant 1 : i32
    %dma_wait3A_121 = arith.constant 0 : i32
    %dma_wait3A_122 = arith.constant 0 : i32
    %dma_wait3A_123 = tpu.memref_slice %arg9[%dma_wait3A_119, %dma_wait3A_121, %dma_wait3A_122] : memref<5x80x32xf32, #tpu.memory_space<vmem>> -> memref<1x80x32xf32, #tpu.memory_space<vmem>>
    %dma_wait3A_124 = tpu.memref_squeeze %dma_wait3A_123 : memref<1x80x32xf32, #tpu.memory_space<vmem>> -> memref<80x32xf32, #tpu.memory_space<vmem>>
    %dma_wait3A_125 = arith.constant 0 : i32
    %dma_wait3A_126 = tpu.memref_slice %arg7[%dma_wait3A_118, %dma_wait3A_125] : memref<125x80xi32, #tpu.memory_space<vmem>> -> memref<1x80xi32, #tpu.memory_space<vmem>>
    %dma_wait3A_127 = tpu.memref_squeeze %dma_wait3A_126 : memref<1x80xi32, #tpu.memory_space<vmem>> -> memref<80xi32, #tpu.memory_space<vmem>>
    %dma_wait3A_128 = arith.constant 0 : i32
    %dma_wait3A_129 = arith.constant 0 : i32
    %dma_wait3A_130 = tpu.memref_slice %arg4[%dma_wait3A_128, %dma_wait3A_129] : memref<10240x32xf32, #tpu.memory_space<hbm>> -> memref<10240x32xf32, #tpu.memory_space<hbm>>
    %dma_wait3A_131 = tpu.memref_slice %arg11[%dma_wait3A_120] : memref<5x!tpu.dma_semaphore, #tpu.memory_space<semaphore_mem>> -> memref<1x!tpu.dma_semaphore, #tpu.memory_space<semaphore_mem>>
    %dma_wait3A_132 = tpu.memref_squeeze %dma_wait3A_131 : memref<1x!tpu.dma_semaphore, #tpu.memory_space<semaphore_mem>> -> memref<!tpu.dma_semaphore, #tpu.memory_space<semaphore_mem>>
    tpu.wait_indirect_dma semaphore(%dma_wait3A_132 : memref<!tpu.dma_semaphore, #tpu.memory_space<semaphore_mem>>) src(%dma_wait3A_130 : memref<10240x32xf32, #tpu.memory_space<hbm>>) dst(%dma_wait3A_124 : memref<80x32xf32, #tpu.memory_space<vmem>>)
    %dma_start3A_133 = arith.constant 1 : i32
    %dma_start3A_134 = arith.constant 121 : i32
    %dma_start3A_135 = arith.constant 1 : i32
    %dma_start3A_136 = arith.constant 0 : i32
    %dma_start3A_137 = arith.constant 0 : i32
    %dma_start3A_138 = tpu.memref_slice %arg9[%dma_start3A_133, %dma_start3A_136, %dma_start3A_137] : memref<5x80x32xf32, #tpu.memory_space<vmem>> -> memref<1x80x32xf32, #tpu.memory_space<vmem>>
    %dma_start3A_139 = tpu.memref_squeeze %dma_start3A_138 : memref<1x80x32xf32, #tpu.memory_space<vmem>> -> memref<80x32xf32, #tpu.memory_space<vmem>>
    %dma_start3A_140 = arith.constant 0 : i32
    %dma_start3A_141 = tpu.memref_slice %arg8[%dma_start3A_134, %dma_start3A_140] : memref<125x80xi32, #tpu.memory_space<vmem>> -> memref<1x80xi32, #tpu.memory_space<vmem>>
    %dma_start3A_142 = tpu.memref_squeeze %dma_start3A_141 : memref<1x80xi32, #tpu.memory_space<vmem>> -> memref<80xi32, #tpu.memory_space<vmem>>
    %dma_start3A_143 = arith.constant 0 : i32
    %dma_start3A_144 = arith.constant 0 : i32
    %dma_start3A_145 = tpu.memref_slice %arg6[%dma_start3A_143, %dma_start3A_144] : memref<10240x32xf32, #tpu.memory_space<vmem_shared>> -> memref<10240x32xf32, #tpu.memory_space<vmem_shared>>
    %dma_start3A_146 = tpu.memref_slice %arg12[%dma_start3A_135] : memref<5x!tpu.dma_semaphore, #tpu.memory_space<semaphore_mem>> -> memref<1x!tpu.dma_semaphore, #tpu.memory_space<semaphore_mem>>
    %dma_start3A_147 = tpu.memref_squeeze %dma_start3A_146 : memref<1x!tpu.dma_semaphore, #tpu.memory_space<semaphore_mem>> -> memref<!tpu.dma_semaphore, #tpu.memory_space<semaphore_mem>>
    tpu.enqueue_indirect_dma source(%dma_start3A_139 : memref<80x32xf32, #tpu.memory_space<vmem>>) target(%dma_start3A_145 : memref<10240x32xf32, #tpu.memory_space<vmem_shared>>) offsets(%dma_start3A_142 : memref<80xi32, #tpu.memory_space<vmem>>) semaphore(%dma_start3A_147 : memref<!tpu.dma_semaphore, #tpu.memory_space<semaphore_mem>>) {add = true}
    %dma_wait3A_148 = arith.constant 122 : i32
    %dma_wait3A_149 = arith.constant 2 : i32
    %dma_wait3A_150 = arith.constant 2 : i32
    %dma_wait3A_151 = arith.constant 0 : i32
    %dma_wait3A_152 = arith.constant 0 : i32
    %dma_wait3A_153 = tpu.memref_slice %arg9[%dma_wait3A_149, %dma_wait3A_151, %dma_wait3A_152] : memref<5x80x32xf32, #tpu.memory_space<vmem>> -> memref<1x80x32xf32, #tpu.memory_space<vmem>>
    %dma_wait3A_154 = tpu.memref_squeeze %dma_wait3A_153 : memref<1x80x32xf32, #tpu.memory_space<vmem>> -> memref<80x32xf32, #tpu.memory_space<vmem>>
    %dma_wait3A_155 = arith.constant 0 : i32
    %dma_wait3A_156 = tpu.memref_slice %arg7[%dma_wait3A_148, %dma_wait3A_155] : memref<125x80xi32, #tpu.memory_space<vmem>> -> memref<1x80xi32, #tpu.memory_space<vmem>>
    %dma_wait3A_157 = tpu.memref_squeeze %dma_wait3A_156 : memref<1x80xi32, #tpu.memory_space<vmem>> -> memref<80xi32, #tpu.memory_space<vmem>>
    %dma_wait3A_158 = arith.constant 0 : i32
    %dma_wait3A_159 = arith.constant 0 : i32
    %dma_wait3A_160 = tpu.memref_slice %arg4[%dma_wait3A_158, %dma_wait3A_159] : memref<10240x32xf32, #tpu.memory_space<hbm>> -> memref<10240x32xf32, #tpu.memory_space<hbm>>
    %dma_wait3A_161 = tpu.memref_slice %arg11[%dma_wait3A_150] : memref<5x!tpu.dma_semaphore, #tpu.memory_space<semaphore_mem>> -> memref<1x!tpu.dma_semaphore, #tpu.memory_space<semaphore_mem>>
    %dma_wait3A_162 = tpu.memref_squeeze %dma_wait3A_161 : memref<1x!tpu.dma_semaphore, #tpu.memory_space<semaphore_mem>> -> memref<!tpu.dma_semaphore, #tpu.memory_space<semaphore_mem>>
    tpu.wait_indirect_dma semaphore(%dma_wait3A_162 : memref<!tpu.dma_semaphore, #tpu.memory_space<semaphore_mem>>) src(%dma_wait3A_160 : memref<10240x32xf32, #tpu.memory_space<hbm>>) dst(%dma_wait3A_154 : memref<80x32xf32, #tpu.memory_space<vmem>>)
    %dma_start3A_163 = arith.constant 2 : i32
    %dma_start3A_164 = arith.constant 122 : i32
    %dma_start3A_165 = arith.constant 2 : i32
    %dma_start3A_166 = arith.constant 0 : i32
    %dma_start3A_167 = arith.constant 0 : i32
    %dma_start3A_168 = tpu.memref_slice %arg9[%dma_start3A_163, %dma_start3A_166, %dma_start3A_167] : memref<5x80x32xf32, #tpu.memory_space<vmem>> -> memref<1x80x32xf32, #tpu.memory_space<vmem>>
    %dma_start3A_169 = tpu.memref_squeeze %dma_start3A_168 : memref<1x80x32xf32, #tpu.memory_space<vmem>> -> memref<80x32xf32, #tpu.memory_space<vmem>>
    %dma_start3A_170 = arith.constant 0 : i32
    %dma_start3A_171 = tpu.memref_slice %arg8[%dma_start3A_164, %dma_start3A_170] : memref<125x80xi32, #tpu.memory_space<vmem>> -> memref<1x80xi32, #tpu.memory_space<vmem>>
    %dma_start3A_172 = tpu.memref_squeeze %dma_start3A_171 : memref<1x80xi32, #tpu.memory_space<vmem>> -> memref<80xi32, #tpu.memory_space<vmem>>
    %dma_start3A_173 = arith.constant 0 : i32
    %dma_start3A_174 = arith.constant 0 : i32
    %dma_start3A_175 = tpu.memref_slice %arg6[%dma_start3A_173, %dma_start3A_174] : memref<10240x32xf32, #tpu.memory_space<vmem_shared>> -> memref<10240x32xf32, #tpu.memory_space<vmem_shared>>
    %dma_start3A_176 = tpu.memref_slice %arg12[%dma_start3A_165] : memref<5x!tpu.dma_semaphore, #tpu.memory_space<semaphore_mem>> -> memref<1x!tpu.dma_semaphore, #tpu.memory_space<semaphore_mem>>
    %dma_start3A_177 = tpu.memref_squeeze %dma_start3A_176 : memref<1x!tpu.dma_semaphore, #tpu.memory_space<semaphore_mem>> -> memref<!tpu.dma_semaphore, #tpu.memory_space<semaphore_mem>>
    tpu.enqueue_indirect_dma source(%dma_start3A_169 : memref<80x32xf32, #tpu.memory_space<vmem>>) target(%dma_start3A_175 : memref<10240x32xf32, #tpu.memory_space<vmem_shared>>) offsets(%dma_start3A_172 : memref<80xi32, #tpu.memory_space<vmem>>) semaphore(%dma_start3A_177 : memref<!tpu.dma_semaphore, #tpu.memory_space<semaphore_mem>>) {add = true}
    %dma_wait3A_178 = arith.constant 123 : i32
    %dma_wait3A_179 = arith.constant 3 : i32
    %dma_wait3A_180 = arith.constant 3 : i32
    %dma_wait3A_181 = arith.constant 0 : i32
    %dma_wait3A_182 = arith.constant 0 : i32
    %dma_wait3A_183 = tpu.memref_slice %arg9[%dma_wait3A_179, %dma_wait3A_181, %dma_wait3A_182] : memref<5x80x32xf32, #tpu.memory_space<vmem>> -> memref<1x80x32xf32, #tpu.memory_space<vmem>>
    %dma_wait3A_184 = tpu.memref_squeeze %dma_wait3A_183 : memref<1x80x32xf32, #tpu.memory_space<vmem>> -> memref<80x32xf32, #tpu.memory_space<vmem>>
    %dma_wait3A_185 = arith.constant 0 : i32
    %dma_wait3A_186 = tpu.memref_slice %arg7[%dma_wait3A_178, %dma_wait3A_185] : memref<125x80xi32, #tpu.memory_space<vmem>> -> memref<1x80xi32, #tpu.memory_space<vmem>>
    %dma_wait3A_187 = tpu.memref_squeeze %dma_wait3A_186 : memref<1x80xi32, #tpu.memory_space<vmem>> -> memref<80xi32, #tpu.memory_space<vmem>>
    %dma_wait3A_188 = arith.constant 0 : i32
    %dma_wait3A_189 = arith.constant 0 : i32
    %dma_wait3A_190 = tpu.memref_slice %arg4[%dma_wait3A_188, %dma_wait3A_189] : memref<10240x32xf32, #tpu.memory_space<hbm>> -> memref<10240x32xf32, #tpu.memory_space<hbm>>
    %dma_wait3A_191 = tpu.memref_slice %arg11[%dma_wait3A_180] : memref<5x!tpu.dma_semaphore, #tpu.memory_space<semaphore_mem>> -> memref<1x!tpu.dma_semaphore, #tpu.memory_space<semaphore_mem>>
    %dma_wait3A_192 = tpu.memref_squeeze %dma_wait3A_191 : memref<1x!tpu.dma_semaphore, #tpu.memory_space<semaphore_mem>> -> memref<!tpu.dma_semaphore, #tpu.memory_space<semaphore_mem>>
    tpu.wait_indirect_dma semaphore(%dma_wait3A_192 : memref<!tpu.dma_semaphore, #tpu.memory_space<semaphore_mem>>) src(%dma_wait3A_190 : memref<10240x32xf32, #tpu.memory_space<hbm>>) dst(%dma_wait3A_184 : memref<80x32xf32, #tpu.memory_space<vmem>>)
    %dma_start3A_193 = arith.constant 3 : i32
    %dma_start3A_194 = arith.constant 123 : i32
    %dma_start3A_195 = arith.constant 3 : i32
    %dma_start3A_196 = arith.constant 0 : i32
    %dma_start3A_197 = arith.constant 0 : i32
    %dma_start3A_198 = tpu.memref_slice %arg9[%dma_start3A_193, %dma_start3A_196, %dma_start3A_197] : memref<5x80x32xf32, #tpu.memory_space<vmem>> -> memref<1x80x32xf32, #tpu.memory_space<vmem>>
    %dma_start3A_199 = tpu.memref_squeeze %dma_start3A_198 : memref<1x80x32xf32, #tpu.memory_space<vmem>> -> memref<80x32xf32, #tpu.memory_space<vmem>>
    %dma_start3A_200 = arith.constant 0 : i32
    %dma_start3A_201 = tpu.memref_slice %arg8[%dma_start3A_194, %dma_start3A_200] : memref<125x80xi32, #tpu.memory_space<vmem>> -> memref<1x80xi32, #tpu.memory_space<vmem>>
    %dma_start3A_202 = tpu.memref_squeeze %dma_start3A_201 : memref<1x80xi32, #tpu.memory_space<vmem>> -> memref<80xi32, #tpu.memory_space<vmem>>
    %dma_start3A_203 = arith.constant 0 : i32
    %dma_start3A_204 = arith.constant 0 : i32
    %dma_start3A_205 = tpu.memref_slice %arg6[%dma_start3A_203, %dma_start3A_204] : memref<10240x32xf32, #tpu.memory_space<vmem_shared>> -> memref<10240x32xf32, #tpu.memory_space<vmem_shared>>
    %dma_start3A_206 = tpu.memref_slice %arg12[%dma_start3A_195] : memref<5x!tpu.dma_semaphore, #tpu.memory_space<semaphore_mem>> -> memref<1x!tpu.dma_semaphore, #tpu.memory_space<semaphore_mem>>
    %dma_start3A_207 = tpu.memref_squeeze %dma_start3A_206 : memref<1x!tpu.dma_semaphore, #tpu.memory_space<semaphore_mem>> -> memref<!tpu.dma_semaphore, #tpu.memory_space<semaphore_mem>>
    tpu.enqueue_indirect_dma source(%dma_start3A_199 : memref<80x32xf32, #tpu.memory_space<vmem>>) target(%dma_start3A_205 : memref<10240x32xf32, #tpu.memory_space<vmem_shared>>) offsets(%dma_start3A_202 : memref<80xi32, #tpu.memory_space<vmem>>) semaphore(%dma_start3A_207 : memref<!tpu.dma_semaphore, #tpu.memory_space<semaphore_mem>>) {add = true}
    %dma_wait3A_208 = arith.constant 124 : i32
    %dma_wait3A_209 = arith.constant 4 : i32
    %dma_wait3A_210 = arith.constant 4 : i32
    %dma_wait3A_211 = arith.constant 0 : i32
    %dma_wait3A_212 = arith.constant 0 : i32
    %dma_wait3A_213 = tpu.memref_slice %arg9[%dma_wait3A_209, %dma_wait3A_211, %dma_wait3A_212] : memref<5x80x32xf32, #tpu.memory_space<vmem>> -> memref<1x80x32xf32, #tpu.memory_space<vmem>>
    %dma_wait3A_214 = tpu.memref_squeeze %dma_wait3A_213 : memref<1x80x32xf32, #tpu.memory_space<vmem>> -> memref<80x32xf32, #tpu.memory_space<vmem>>
    %dma_wait3A_215 = arith.constant 0 : i32
    %dma_wait3A_216 = tpu.memref_slice %arg7[%dma_wait3A_208, %dma_wait3A_215] : memref<125x80xi32, #tpu.memory_space<vmem>> -> memref<1x80xi32, #tpu.memory_space<vmem>>
    %dma_wait3A_217 = tpu.memref_squeeze %dma_wait3A_216 : memref<1x80xi32, #tpu.memory_space<vmem>> -> memref<80xi32, #tpu.memory_space<vmem>>
    %dma_wait3A_218 = arith.constant 0 : i32
    %dma_wait3A_219 = arith.constant 0 : i32
    %dma_wait3A_220 = tpu.memref_slice %arg4[%dma_wait3A_218, %dma_wait3A_219] : memref<10240x32xf32, #tpu.memory_space<hbm>> -> memref<10240x32xf32, #tpu.memory_space<hbm>>
    %dma_wait3A_221 = tpu.memref_slice %arg11[%dma_wait3A_210] : memref<5x!tpu.dma_semaphore, #tpu.memory_space<semaphore_mem>> -> memref<1x!tpu.dma_semaphore, #tpu.memory_space<semaphore_mem>>
    %dma_wait3A_222 = tpu.memref_squeeze %dma_wait3A_221 : memref<1x!tpu.dma_semaphore, #tpu.memory_space<semaphore_mem>> -> memref<!tpu.dma_semaphore, #tpu.memory_space<semaphore_mem>>
    tpu.wait_indirect_dma semaphore(%dma_wait3A_222 : memref<!tpu.dma_semaphore, #tpu.memory_space<semaphore_mem>>) src(%dma_wait3A_220 : memref<10240x32xf32, #tpu.memory_space<hbm>>) dst(%dma_wait3A_214 : memref<80x32xf32, #tpu.memory_space<vmem>>)
    %dma_start3A_223 = arith.constant 4 : i32
    %dma_start3A_224 = arith.constant 124 : i32
    %dma_start3A_225 = arith.constant 4 : i32
    %dma_start3A_226 = arith.constant 0 : i32
    %dma_start3A_227 = arith.constant 0 : i32
    %dma_start3A_228 = tpu.memref_slice %arg9[%dma_start3A_223, %dma_start3A_226, %dma_start3A_227] : memref<5x80x32xf32, #tpu.memory_space<vmem>> -> memref<1x80x32xf32, #tpu.memory_space<vmem>>
    %dma_start3A_229 = tpu.memref_squeeze %dma_start3A_228 : memref<1x80x32xf32, #tpu.memory_space<vmem>> -> memref<80x32xf32, #tpu.memory_space<vmem>>
    %dma_start3A_230 = arith.constant 0 : i32
    %dma_start3A_231 = tpu.memref_slice %arg8[%dma_start3A_224, %dma_start3A_230] : memref<125x80xi32, #tpu.memory_space<vmem>> -> memref<1x80xi32, #tpu.memory_space<vmem>>
    %dma_start3A_232 = tpu.memref_squeeze %dma_start3A_231 : memref<1x80xi32, #tpu.memory_space<vmem>> -> memref<80xi32, #tpu.memory_space<vmem>>
    %dma_start3A_233 = arith.constant 0 : i32
    %dma_start3A_234 = arith.constant 0 : i32
    %dma_start3A_235 = tpu.memref_slice %arg6[%dma_start3A_233, %dma_start3A_234] : memref<10240x32xf32, #tpu.memory_space<vmem_shared>> -> memref<10240x32xf32, #tpu.memory_space<vmem_shared>>
    %dma_start3A_236 = tpu.memref_slice %arg12[%dma_start3A_225] : memref<5x!tpu.dma_semaphore, #tpu.memory_space<semaphore_mem>> -> memref<1x!tpu.dma_semaphore, #tpu.memory_space<semaphore_mem>>
    %dma_start3A_237 = tpu.memref_squeeze %dma_start3A_236 : memref<1x!tpu.dma_semaphore, #tpu.memory_space<semaphore_mem>> -> memref<!tpu.dma_semaphore, #tpu.memory_space<semaphore_mem>>
    tpu.enqueue_indirect_dma source(%dma_start3A_229 : memref<80x32xf32, #tpu.memory_space<vmem>>) target(%dma_start3A_235 : memref<10240x32xf32, #tpu.memory_space<vmem_shared>>) offsets(%dma_start3A_232 : memref<80xi32, #tpu.memory_space<vmem>>) semaphore(%dma_start3A_237 : memref<!tpu.dma_semaphore, #tpu.memory_space<semaphore_mem>>) {add = true}
    %dma_wait3A_238 = arith.constant 0 : i32
    %dma_wait3A_239 = arith.constant 120 : i32
    %dma_wait3A_240 = arith.constant 0 : i32
    %dma_wait3A_241 = arith.constant 0 : i32
    %dma_wait3A_242 = arith.constant 0 : i32
    %dma_wait3A_243 = tpu.memref_slice %arg9[%dma_wait3A_238, %dma_wait3A_241, %dma_wait3A_242] : memref<5x80x32xf32, #tpu.memory_space<vmem>> -> memref<1x80x32xf32, #tpu.memory_space<vmem>>
    %dma_wait3A_244 = tpu.memref_squeeze %dma_wait3A_243 : memref<1x80x32xf32, #tpu.memory_space<vmem>> -> memref<80x32xf32, #tpu.memory_space<vmem>>
    %dma_wait3A_245 = arith.constant 0 : i32
    %dma_wait3A_246 = tpu.memref_slice %arg8[%dma_wait3A_239, %dma_wait3A_245] : memref<125x80xi32, #tpu.memory_space<vmem>> -> memref<1x80xi32, #tpu.memory_space<vmem>>
    %dma_wait3A_247 = tpu.memref_squeeze %dma_wait3A_246 : memref<1x80xi32, #tpu.memory_space<vmem>> -> memref<80xi32, #tpu.memory_space<vmem>>
    %dma_wait3A_248 = arith.constant 0 : i32
    %dma_wait3A_249 = arith.constant 0 : i32
    %dma_wait3A_250 = tpu.memref_slice %arg6[%dma_wait3A_248, %dma_wait3A_249] : memref<10240x32xf32, #tpu.memory_space<vmem_shared>> -> memref<10240x32xf32, #tpu.memory_space<vmem_shared>>
    %dma_wait3A_251 = tpu.memref_slice %arg12[%dma_wait3A_240] : memref<5x!tpu.dma_semaphore, #tpu.memory_space<semaphore_mem>> -> memref<1x!tpu.dma_semaphore, #tpu.memory_space<semaphore_mem>>
    %dma_wait3A_252 = tpu.memref_squeeze %dma_wait3A_251 : memref<1x!tpu.dma_semaphore, #tpu.memory_space<semaphore_mem>> -> memref<!tpu.dma_semaphore, #tpu.memory_space<semaphore_mem>>
    tpu.wait_indirect_dma semaphore(%dma_wait3A_252 : memref<!tpu.dma_semaphore, #tpu.memory_space<semaphore_mem>>) src(%dma_wait3A_244 : memref<80x32xf32, #tpu.memory_space<vmem>>) dst(%dma_wait3A_250 : memref<10240x32xf32, #tpu.memory_space<vmem_shared>>)
    %dma_wait3A_253 = arith.constant 1 : i32
    %dma_wait3A_254 = arith.constant 121 : i32
    %dma_wait3A_255 = arith.constant 1 : i32
    %dma_wait3A_256 = arith.constant 0 : i32
    %dma_wait3A_257 = arith.constant 0 : i32
    %dma_wait3A_258 = tpu.memref_slice %arg9[%dma_wait3A_253, %dma_wait3A_256, %dma_wait3A_257] : memref<5x80x32xf32, #tpu.memory_space<vmem>> -> memref<1x80x32xf32, #tpu.memory_space<vmem>>
    %dma_wait3A_259 = tpu.memref_squeeze %dma_wait3A_258 : memref<1x80x32xf32, #tpu.memory_space<vmem>> -> memref<80x32xf32, #tpu.memory_space<vmem>>
    %dma_wait3A_260 = arith.constant 0 : i32
    %dma_wait3A_261 = tpu.memref_slice %arg8[%dma_wait3A_254, %dma_wait3A_260] : memref<125x80xi32, #tpu.memory_space<vmem>> -> memref<1x80xi32, #tpu.memory_space<vmem>>
    %dma_wait3A_262 = tpu.memref_squeeze %dma_wait3A_261 : memref<1x80xi32, #tpu.memory_space<vmem>> -> memref<80xi32, #tpu.memory_space<vmem>>
    %dma_wait3A_263 = arith.constant 0 : i32
    %dma_wait3A_264 = arith.constant 0 : i32
    %dma_wait3A_265 = tpu.memref_slice %arg6[%dma_wait3A_263, %dma_wait3A_264] : memref<10240x32xf32, #tpu.memory_space<vmem_shared>> -> memref<10240x32xf32, #tpu.memory_space<vmem_shared>>
    %dma_wait3A_266 = tpu.memref_slice %arg12[%dma_wait3A_255] : memref<5x!tpu.dma_semaphore, #tpu.memory_space<semaphore_mem>> -> memref<1x!tpu.dma_semaphore, #tpu.memory_space<semaphore_mem>>
    %dma_wait3A_267 = tpu.memref_squeeze %dma_wait3A_266 : memref<1x!tpu.dma_semaphore, #tpu.memory_space<semaphore_mem>> -> memref<!tpu.dma_semaphore, #tpu.memory_space<semaphore_mem>>
    tpu.wait_indirect_dma semaphore(%dma_wait3A_267 : memref<!tpu.dma_semaphore, #tpu.memory_space<semaphore_mem>>) src(%dma_wait3A_259 : memref<80x32xf32, #tpu.memory_space<vmem>>) dst(%dma_wait3A_265 : memref<10240x32xf32, #tpu.memory_space<vmem_shared>>)
    %dma_wait3A_268 = arith.constant 2 : i32
    %dma_wait3A_269 = arith.constant 122 : i32
    %dma_wait3A_270 = arith.constant 2 : i32
    %dma_wait3A_271 = arith.constant 0 : i32
    %dma_wait3A_272 = arith.constant 0 : i32
    %dma_wait3A_273 = tpu.memref_slice %arg9[%dma_wait3A_268, %dma_wait3A_271, %dma_wait3A_272] : memref<5x80x32xf32, #tpu.memory_space<vmem>> -> memref<1x80x32xf32, #tpu.memory_space<vmem>>
    %dma_wait3A_274 = tpu.memref_squeeze %dma_wait3A_273 : memref<1x80x32xf32, #tpu.memory_space<vmem>> -> memref<80x32xf32, #tpu.memory_space<vmem>>
    %dma_wait3A_275 = arith.constant 0 : i32
    %dma_wait3A_276 = tpu.memref_slice %arg8[%dma_wait3A_269, %dma_wait3A_275] : memref<125x80xi32, #tpu.memory_space<vmem>> -> memref<1x80xi32, #tpu.memory_space<vmem>>
    %dma_wait3A_277 = tpu.memref_squeeze %dma_wait3A_276 : memref<1x80xi32, #tpu.memory_space<vmem>> -> memref<80xi32, #tpu.memory_space<vmem>>
    %dma_wait3A_278 = arith.constant 0 : i32
    %dma_wait3A_279 = arith.constant 0 : i32
    %dma_wait3A_280 = tpu.memref_slice %arg6[%dma_wait3A_278, %dma_wait3A_279] : memref<10240x32xf32, #tpu.memory_space<vmem_shared>> -> memref<10240x32xf32, #tpu.memory_space<vmem_shared>>
    %dma_wait3A_281 = tpu.memref_slice %arg12[%dma_wait3A_270] : memref<5x!tpu.dma_semaphore, #tpu.memory_space<semaphore_mem>> -> memref<1x!tpu.dma_semaphore, #tpu.memory_space<semaphore_mem>>
    %dma_wait3A_282 = tpu.memref_squeeze %dma_wait3A_281 : memref<1x!tpu.dma_semaphore, #tpu.memory_space<semaphore_mem>> -> memref<!tpu.dma_semaphore, #tpu.memory_space<semaphore_mem>>
    tpu.wait_indirect_dma semaphore(%dma_wait3A_282 : memref<!tpu.dma_semaphore, #tpu.memory_space<semaphore_mem>>) src(%dma_wait3A_274 : memref<80x32xf32, #tpu.memory_space<vmem>>) dst(%dma_wait3A_280 : memref<10240x32xf32, #tpu.memory_space<vmem_shared>>)
    %dma_wait3A_283 = arith.constant 3 : i32
    %dma_wait3A_284 = arith.constant 123 : i32
    %dma_wait3A_285 = arith.constant 3 : i32
    %dma_wait3A_286 = arith.constant 0 : i32
    %dma_wait3A_287 = arith.constant 0 : i32
    %dma_wait3A_288 = tpu.memref_slice %arg9[%dma_wait3A_283, %dma_wait3A_286, %dma_wait3A_287] : memref<5x80x32xf32, #tpu.memory_space<vmem>> -> memref<1x80x32xf32, #tpu.memory_space<vmem>>
    %dma_wait3A_289 = tpu.memref_squeeze %dma_wait3A_288 : memref<1x80x32xf32, #tpu.memory_space<vmem>> -> memref<80x32xf32, #tpu.memory_space<vmem>>
    %dma_wait3A_290 = arith.constant 0 : i32
    %dma_wait3A_291 = tpu.memref_slice %arg8[%dma_wait3A_284, %dma_wait3A_290] : memref<125x80xi32, #tpu.memory_space<vmem>> -> memref<1x80xi32, #tpu.memory_space<vmem>>
    %dma_wait3A_292 = tpu.memref_squeeze %dma_wait3A_291 : memref<1x80xi32, #tpu.memory_space<vmem>> -> memref<80xi32, #tpu.memory_space<vmem>>
    %dma_wait3A_293 = arith.constant 0 : i32
    %dma_wait3A_294 = arith.constant 0 : i32
    %dma_wait3A_295 = tpu.memref_slice %arg6[%dma_wait3A_293, %dma_wait3A_294] : memref<10240x32xf32, #tpu.memory_space<vmem_shared>> -> memref<10240x32xf32, #tpu.memory_space<vmem_shared>>
    %dma_wait3A_296 = tpu.memref_slice %arg12[%dma_wait3A_285] : memref<5x!tpu.dma_semaphore, #tpu.memory_space<semaphore_mem>> -> memref<1x!tpu.dma_semaphore, #tpu.memory_space<semaphore_mem>>
    %dma_wait3A_297 = tpu.memref_squeeze %dma_wait3A_296 : memref<1x!tpu.dma_semaphore, #tpu.memory_space<semaphore_mem>> -> memref<!tpu.dma_semaphore, #tpu.memory_space<semaphore_mem>>
    tpu.wait_indirect_dma semaphore(%dma_wait3A_297 : memref<!tpu.dma_semaphore, #tpu.memory_space<semaphore_mem>>) src(%dma_wait3A_289 : memref<80x32xf32, #tpu.memory_space<vmem>>) dst(%dma_wait3A_295 : memref<10240x32xf32, #tpu.memory_space<vmem_shared>>)
    %dma_wait3A_298 = arith.constant 4 : i32
    %dma_wait3A_299 = arith.constant 124 : i32
    %dma_wait3A_300 = arith.constant 4 : i32
    %dma_wait3A_301 = arith.constant 0 : i32
    %dma_wait3A_302 = arith.constant 0 : i32
    %dma_wait3A_303 = tpu.memref_slice %arg9[%dma_wait3A_298, %dma_wait3A_301, %dma_wait3A_302] : memref<5x80x32xf32, #tpu.memory_space<vmem>> -> memref<1x80x32xf32, #tpu.memory_space<vmem>>
    %dma_wait3A_304 = tpu.memref_squeeze %dma_wait3A_303 : memref<1x80x32xf32, #tpu.memory_space<vmem>> -> memref<80x32xf32, #tpu.memory_space<vmem>>
    %dma_wait3A_305 = arith.constant 0 : i32
    %dma_wait3A_306 = tpu.memref_slice %arg8[%dma_wait3A_299, %dma_wait3A_305] : memref<125x80xi32, #tpu.memory_space<vmem>> -> memref<1x80xi32, #tpu.memory_space<vmem>>
    %dma_wait3A_307 = tpu.memref_squeeze %dma_wait3A_306 : memref<1x80xi32, #tpu.memory_space<vmem>> -> memref<80xi32, #tpu.memory_space<vmem>>
    %dma_wait3A_308 = arith.constant 0 : i32
    %dma_wait3A_309 = arith.constant 0 : i32
    %dma_wait3A_310 = tpu.memref_slice %arg6[%dma_wait3A_308, %dma_wait3A_309] : memref<10240x32xf32, #tpu.memory_space<vmem_shared>> -> memref<10240x32xf32, #tpu.memory_space<vmem_shared>>
    %dma_wait3A_311 = tpu.memref_slice %arg12[%dma_wait3A_300] : memref<5x!tpu.dma_semaphore, #tpu.memory_space<semaphore_mem>> -> memref<1x!tpu.dma_semaphore, #tpu.memory_space<semaphore_mem>>
    %dma_wait3A_312 = tpu.memref_squeeze %dma_wait3A_311 : memref<1x!tpu.dma_semaphore, #tpu.memory_space<semaphore_mem>> -> memref<!tpu.dma_semaphore, #tpu.memory_space<semaphore_mem>>
    tpu.wait_indirect_dma semaphore(%dma_wait3A_312 : memref<!tpu.dma_semaphore, #tpu.memory_space<semaphore_mem>>) src(%dma_wait3A_304 : memref<80x32xf32, #tpu.memory_space<vmem>>) dst(%dma_wait3A_310 : memref<10240x32xf32, #tpu.memory_space<vmem_shared>>)
    %barrier3A_313 = arith.constant 0 : index
    tpu.barrier barrier_id(%barrier3A_313)
    %mul3A_314 = arith.constant 640 : i32
    %mul3A_315 = arith.muli %arg1, %mul3A_314 : i32
    "tpu.region"() ({
      %run_scoped3A = tpu.sem_alloc : memref<!tpu.dma_semaphore, #tpu.memory_space<semaphore_mem>>
      %dma_start3A_318 = arith.constant 0 : i32
      %dma_start3A_319 = tpu.memref_slice %arg6[%mul3A_315, %dma_start3A_318] : memref<10240x32xf32, #tpu.memory_space<vmem_shared>> -> memref<640x32xf32, #tpu.memory_space<vmem_shared>>
      %dma_start3A_320 = arith.constant 0 : i32
      %dma_start3A_321 = tpu.memref_slice %arg6[%mul3A_315, %dma_start3A_320] : memref<10240x32xf32, #tpu.memory_space<vmem_shared>> -> memref<640x32xf32, #tpu.memory_space<vmem_shared>>
      tpu.enqueue_dma source(%dma_start3A_321 : memref<640x32xf32, #tpu.memory_space<vmem_shared>>) target(%arg10 : memref<640x32xf32, #tpu.memory_space<vmem>>) target_semaphore(%run_scoped3A : memref<!tpu.dma_semaphore, #tpu.memory_space<semaphore_mem>>)
      %dma_wait3A_322 = arith.constant 0 : i32
      %dma_wait3A_323 = tpu.memref_slice %arg6[%mul3A_315, %dma_wait3A_322] : memref<10240x32xf32, #tpu.memory_space<vmem_shared>> -> memref<640x32xf32, #tpu.memory_space<vmem_shared>>
      %dma_wait3A_324 = arith.constant 0 : i32
      %dma_wait3A_325 = tpu.memref_slice %arg6[%mul3A_315, %dma_wait3A_324] : memref<10240x32xf32, #tpu.memory_space<vmem_shared>> -> memref<640x32xf32, #tpu.memory_space<vmem_shared>>
      tpu.wait_dma2 semaphore(%run_scoped3A : memref<!tpu.dma_semaphore, #tpu.memory_space<semaphore_mem>>) src(%dma_wait3A_325 : memref<640x32xf32, #tpu.memory_space<vmem_shared>>) dst(%arg10 : memref<640x32xf32, #tpu.memory_space<vmem>>)
      tpu.yield
    }) : () -> ()
    %mul3A_316 = arith.constant 640 : i32
    %mul3A_317 = arith.muli %arg1, %mul3A_316 : i32
    "tpu.region"() ({
      %run_scoped3A = tpu.sem_alloc : memref<!tpu.dma_semaphore, #tpu.memory_space<semaphore_mem>>
      %dma_start3A_318 = arith.constant 0 : i32
      %dma_start3A_319 = tpu.memref_slice %arg5[%arg0, %mul3A_317, %dma_start3A_318] : memref<2x10240x32xf32, #tpu.memory_space<hbm>> -> memref<1x640x32xf32, #tpu.memory_space<hbm>>
      %dma_start3A_320 = tpu.memref_squeeze %dma_start3A_319 : memref<1x640x32xf32, #tpu.memory_space<hbm>> -> memref<640x32xf32, #tpu.memory_space<hbm>>
      %dma_start3A_321 = arith.constant 0 : i32
      %dma_start3A_322 = tpu.memref_slice %arg5[%arg0, %mul3A_317, %dma_start3A_321] : memref<2x10240x32xf32, #tpu.memory_space<hbm>> -> memref<1x640x32xf32, #tpu.memory_space<hbm>>
      %dma_start3A_323 = tpu.memref_squeeze %dma_start3A_322 : memref<1x640x32xf32, #tpu.memory_space<hbm>> -> memref<640x32xf32, #tpu.memory_space<hbm>>
      tpu.enqueue_dma source(%arg10 : memref<640x32xf32, #tpu.memory_space<vmem>>) target(%dma_start3A_323 : memref<640x32xf32, #tpu.memory_space<hbm>>) target_semaphore(%run_scoped3A : memref<!tpu.dma_semaphore, #tpu.memory_space<semaphore_mem>>)
      %dma_wait3A_324 = arith.constant 0 : i32
      %dma_wait3A_325 = tpu.memref_slice %arg5[%arg0, %mul3A_317, %dma_wait3A_324] : memref<2x10240x32xf32, #tpu.memory_space<hbm>> -> memref<1x640x32xf32, #tpu.memory_space<hbm>>
      %dma_wait3A_326 = tpu.memref_squeeze %dma_wait3A_325 : memref<1x640x32xf32, #tpu.memory_space<hbm>> -> memref<640x32xf32, #tpu.memory_space<hbm>>
      %dma_wait3A_327 = arith.constant 0 : i32
      %dma_wait3A_328 = tpu.memref_slice %arg5[%arg0, %mul3A_317, %dma_wait3A_327] : memref<2x10240x32xf32, #tpu.memory_space<hbm>> -> memref<1x640x32xf32, #tpu.memory_space<hbm>>
      %dma_wait3A_329 = tpu.memref_squeeze %dma_wait3A_328 : memref<1x640x32xf32, #tpu.memory_space<hbm>> -> memref<640x32xf32, #tpu.memory_space<hbm>>
      tpu.wait_dma2 semaphore(%run_scoped3A : memref<!tpu.dma_semaphore, #tpu.memory_space<semaphore_mem>>) src(%arg10 : memref<640x32xf32, #tpu.memory_space<vmem>>) dst(%dma_wait3A_329 : memref<640x32xf32, #tpu.memory_space<hbm>>)
      tpu.yield
    }) : () -> ()
    return
  }
}

module attributes {stable_mosaic.version = 14 : i64} {
  func.func @_tc_pre_body(%arg0: memref<10240x128xf32, #tpu.memory_space<vmem>>, %arg1: memref<128x32xf32, #tpu.memory_space<vmem>>, %arg2: memref<1x32xf32, #tpu.memory_space<vmem>>, %arg3: memref<2x10240xf32, #tpu.memory_space<vmem>>, %arg4: memref<10240x32xf32, #tpu.memory_space<vmem>>, %arg5: memref<10240x32xf32, #tpu.memory_space<vmem>>) attributes {dimension_semantics = [], scalar_prefetch = 0 : i64, scratch_operands = 0 : i64, tpu.core_type = #tpu.core_type<tc>} {
    %get3A = arith.constant 0 : index
    %get3A_0 = arith.constant 0 : index
    %get3A_1 = vector.load %arg0[%get3A, %get3A_0] : memref<10240x128xf32, #tpu.memory_space<vmem>>, vector<10240x128xf32>
    %get3A_2 = arith.constant 0 : index
    %get3A_3 = arith.constant 0 : index
    %get3A_4 = vector.load %arg1[%get3A_2, %get3A_3] : memref<128x32xf32, #tpu.memory_space<vmem>>, vector<128x32xf32>
    %dot_general3A = arith.constant dense<0.000000e+00> : vector<10240x32xf32>
    %dot_general3A_5 = tpu.matmul %get3A_1, %get3A_4, %dot_general3A {dimension_numbers = #tpu.dot_dimension_numbers<[1], [0], [0], [1], [0, 0, 1, 1], [], []>, transpose_lhs_hint = false} : vector<10240x128xf32>, vector<128x32xf32>, vector<10240x32xf32> -> vector<10240x32xf32>
    %get3A_6 = arith.constant 0 : index
    %get3A_7 = arith.constant 0 : index
    %get3A_8 = vector.load %arg3[%get3A_6, %get3A_7] : memref<2x10240xf32, #tpu.memory_space<vmem>>, vector<1x10240xf32>
    %get3A_9 = arith.constant 1 : index
    %get3A_10 = arith.constant 0 : index
    %get3A_11 = vector.load %arg3[%get3A_9, %get3A_10] : memref<2x10240xf32, #tpu.memory_space<vmem>>, vector<1x10240xf32>
    %add3A = arith.addf %get3A_8, %get3A_11 : vector<1x10240xf32>
    %add3A_12 = arith.constant 1.000000e+00 : f32
    %add3A_13 = vector.broadcast %add3A_12 : f32 to vector<1x10240xf32>
    %add3A_14 = arith.addf %add3A, %add3A_13 : vector<1x10240xf32>
    %rsqrt3A = math.rsqrt %add3A_14 : vector<1x10240xf32>
    %transpose3A = tpu.transpose %rsqrt3A, [1, 0] : vector<1x10240xf32> -> vector<10240x1xf32>
    %div3A = arith.constant 1.000000e+00 : f32
    %div3A_15 = vector.broadcast %div3A : f32 to vector<1x10240xf32>
    %div3A_16 = arith.divf %div3A_15, %add3A_14 : vector<1x10240xf32>
    %transpose3A_17 = tpu.transpose %div3A_16, [1, 0] : vector<1x10240xf32> -> vector<10240x1xf32>
    %mul3A = vector.broadcast %transpose3A : vector<10240x1xf32> to vector<10240x32xf32>
    %mul3A_18 = arith.mulf %dot_general3A_5, %mul3A : vector<10240x32xf32>
    %swap3A = arith.constant 0 : index
    %swap3A_19 = arith.constant 0 : index
    %swap3A_20 = vector.load %arg4[%swap3A, %swap3A_19] : memref<10240x32xf32, #tpu.memory_space<vmem>>, vector<10240x32xf32>
    tpu.vector_store %arg4[%swap3A, %swap3A_19], %mul3A_18 {strides = array<i32>} : memref<10240x32xf32, #tpu.memory_space<vmem>>, vector<10240x32xf32>,
    %mul3A_21 = vector.broadcast %transpose3A_17 : vector<10240x1xf32> to vector<10240x32xf32>
    %mul3A_22 = arith.mulf %dot_general3A_5, %mul3A_21 : vector<10240x32xf32>
    %get3A_23 = arith.constant 0 : index
    %get3A_24 = arith.constant 0 : index
    %get3A_25 = vector.load %arg2[%get3A_23, %get3A_24] : memref<1x32xf32, #tpu.memory_space<vmem>>, vector<1x32xf32>
    %add3A_26 = vector.broadcast %get3A_25 : vector<1x32xf32> to vector<10240x32xf32>
    %add3A_27 = arith.addf %mul3A_22, %add3A_26 : vector<10240x32xf32>
    %swap3A_28 = arith.constant 0 : index
    %swap3A_29 = arith.constant 0 : index
    %swap3A_30 = vector.load %arg5[%swap3A_28, %swap3A_29] : memref<10240x32xf32, #tpu.memory_space<vmem>>, vector<10240x32xf32>
    tpu.vector_store %arg5[%swap3A_28, %swap3A_29], %add3A_27 {strides = array<i32>} : memref<10240x32xf32, #tpu.memory_space<vmem>>, vector<10240x32xf32>,
    return
  }
}

module attributes {stable_mosaic.version = 14 : i64} {
  func.func @_tc_mid_body(%arg0: memref<2x10240x32xf32, #tpu.memory_space<vmem>>, %arg1: memref<2x10240xf32, #tpu.memory_space<vmem>>, %arg2: memref<10240x32xf32, #tpu.memory_space<vmem>>, %arg3: memref<32x1xf32, #tpu.memory_space<vmem>>, %arg4: memref<32x32xf32, #tpu.memory_space<vmem>>, %arg5: memref<10240x16xf32, #tpu.memory_space<vmem>>, %arg6: memref<10240x32xf32, #tpu.memory_space<vmem>>, %arg7: memref<1x10240xf32, #tpu.memory_space<vmem>>) attributes {dimension_semantics = [], scalar_prefetch = 0 : i64, scratch_operands = 0 : i64, tpu.core_type = #tpu.core_type<tc>} {
    %get3A = arith.constant 0 : index
    %get3A_0 = arith.constant 0 : index
    %get3A_1 = arith.constant 0 : index
    %get3A_2 = vector.load %arg0[%get3A, %get3A_0, %get3A_1] : memref<2x10240x32xf32, #tpu.memory_space<vmem>>, vector<1x10240x32xf32>
    %get3A_3 = vector.shape_cast %get3A_2 : vector<1x10240x32xf32> to vector<10240x32xf32>
    %get3A_4 = arith.constant 1 : index
    %get3A_5 = arith.constant 0 : index
    %get3A_6 = arith.constant 0 : index
    %get3A_7 = vector.load %arg0[%get3A_4, %get3A_5, %get3A_6] : memref<2x10240x32xf32, #tpu.memory_space<vmem>>, vector<1x10240x32xf32>
    %get3A_8 = vector.shape_cast %get3A_7 : vector<1x10240x32xf32> to vector<10240x32xf32>
    %add3A = arith.addf %get3A_3, %get3A_8 : vector<10240x32xf32>
    %get3A_9 = arith.constant 0 : index
    %get3A_10 = arith.constant 0 : index
    %get3A_11 = vector.load %arg1[%get3A_9, %get3A_10] : memref<2x10240xf32, #tpu.memory_space<vmem>>, vector<1x10240xf32>
    %get3A_12 = arith.constant 1 : index
    %get3A_13 = arith.constant 0 : index
    %get3A_14 = vector.load %arg1[%get3A_12, %get3A_13] : memref<2x10240xf32, #tpu.memory_space<vmem>>, vector<1x10240xf32>
    %add3A_15 = arith.addf %get3A_11, %get3A_14 : vector<1x10240xf32>
    %add3A_16 = arith.constant 1.000000e+00 : f32
    %add3A_17 = vector.broadcast %add3A_16 : f32 to vector<1x10240xf32>
    %add3A_18 = arith.addf %add3A_15, %add3A_17 : vector<1x10240xf32>
    %rsqrt3A = math.rsqrt %add3A_18 : vector<1x10240xf32>
    %transpose3A = tpu.transpose %rsqrt3A, [1, 0] : vector<1x10240xf32> -> vector<10240x1xf32>
    %mul3A = vector.broadcast %transpose3A : vector<10240x1xf32> to vector<10240x32xf32>
    %mul3A_19 = arith.mulf %add3A, %mul3A : vector<10240x32xf32>
    %get3A_20 = arith.constant 0 : index
    %get3A_21 = arith.constant 0 : index
    %get3A_22 = vector.load %arg2[%get3A_20, %get3A_21] : memref<10240x32xf32, #tpu.memory_space<vmem>>, vector<10240x32xf32>
    %add3A_23 = arith.addf %mul3A_19, %get3A_22 : vector<10240x32xf32>
    %max3A = arith.constant 0.000000e+00 : f32
    %max3A_24 = vector.broadcast %max3A : f32 to vector<10240x32xf32>
    %max3A_25 = arith.maximumf %add3A_23, %max3A_24 : vector<10240x32xf32>
    %get3A_26 = arith.constant 0 : index
    %get3A_27 = arith.constant 0 : index
    %get3A_28 = vector.load %arg3[%get3A_26, %get3A_27] : memref<32x1xf32, #tpu.memory_space<vmem>>, vector<32x1xf32>
    %mul3A_29 = arith.mulf %get3A_28, %get3A_28 : vector<32x1xf32>
    %reduce_sum3A = vector.shape_cast %mul3A_29 : vector<32x1xf32> to vector<1x32x1xf32>
    %reduce_sum3A_30 = arith.constant dense<0.000000e+00> : vector<1xf32>
    %reduce_sum3A_31 = vector.multi_reduction <add>, %reduce_sum3A, %reduce_sum3A_30 [1, 2] : vector<1x32x1xf32> to vector<1xf32>
    %reduce_sum3A_32 = vector.shape_cast %reduce_sum3A_31 : vector<1xf32> to vector<1x1x1xf32>
    %reduce_sum3A_33 = vector.extract %reduce_sum3A_32[0, 0, 0] : f32 from vector<1x1x1xf32>
    %rsqrt3A_34 = math.rsqrt %reduce_sum3A_33 : f32
    %transpose3A_35 = tpu.transpose %get3A_28, [1, 0] : vector<32x1xf32> -> vector<1x32xf32>
    %dot_general3A = arith.constant dense<0.000000e+00> : vector<1x10240xf32>
    %dot_general3A_36 = tpu.matmul %transpose3A_35, %max3A_25, %dot_general3A {dimension_numbers = #tpu.dot_dimension_numbers<[1], [1], [0], [0], [0, 0, 1, 0], [], []>, transpose_lhs_hint = false} : vector<1x32xf32>, vector<10240x32xf32>, vector<1x10240xf32> -> vector<1x10240xf32>
    %mul3A_37 = vector.broadcast %rsqrt3A_34 : f32 to vector<1x10240xf32>
    %mul3A_38 = arith.mulf %dot_general3A_36, %mul3A_37 : vector<1x10240xf32>
    %iota3A = tpu.iota {dimensions = array<i32: 1>} : vector<1x10240xi32>
    %lt3A = arith.constant 10000 : i32
    %lt3A_39 = vector.broadcast %lt3A : i32 to vector<1x10240xi32>
    %lt3A_40 = arith.cmpi slt, %iota3A, %lt3A_39 : vector<1x10240xi32>
    %jit3A = arith.constant 0xFF800000 : f32
    %broadcast_in_dim3A = vector.broadcast %jit3A : f32 to vector<1x10240xf32>
    %select_n3A = arith.select %lt3A_40, %mul3A_38, %broadcast_in_dim3A : vector<1x10240xi1>, vector<1x10240xf32>
    %bitcast_convert_type3A = tpu.bitcast %select_n3A : vector<1x10240xf32> -> vector<1x10240xi32>
    %shift_right_arithmetic3A = arith.constant 31 : i32
    %shift_right_arithmetic3A_41 = vector.broadcast %shift_right_arithmetic3A : i32 to vector<1x10240xi32>
    %shift_right_arithmetic3A_42 = arith.shrsi %bitcast_convert_type3A, %shift_right_arithmetic3A_41 : vector<1x10240xi32>
    %and3A = arith.constant 2147483647 : i32
    %and3A_43 = vector.broadcast %and3A : i32 to vector<1x10240xi32>
    %and3A_44 = arith.andi %and3A_43, %shift_right_arithmetic3A_42 : vector<1x10240xi32>
    %xor3A = arith.xori %bitcast_convert_type3A, %and3A_44 : vector<1x10240xi32>
    %scan3A = arith.constant -2147483648 : i32
    %scan3A_45 = arith.constant 0 : i32
    %scan3A_46 = arith.constant 0 : i32
    %scan3A_47 = arith.constant 32 : i32
    %scan3A_48 = arith.addi %scan3A_46, %scan3A_47 : i32
    %scan3A_49 = arith.constant 1 : i32
    %scan3A_50 = scf.for %scan3A_76 = %scan3A_46 to %scan3A_48 step %scan3A_49 iter_args(%scan3A_77 = %scan3A_45) -> (i32)  : i32 {
      %sub3A = arith.constant 31 : i32
      %sub3A_78 = arith.subi %sub3A, %scan3A_76 : i32
      %shift_left3A = arith.constant 1 : i32
      %shift_left3A_79 = arith.shli %shift_left3A, %sub3A_78 : i32
      %or3A = arith.ori %scan3A_77, %shift_left3A_79 : i32
      %xor3A_80 = arith.xori %or3A, %scan3A : i32
      %ge3A_81 = vector.broadcast %xor3A_80 : i32 to vector<1x10240xi32>
      %ge3A_82 = arith.cmpi sge, %xor3A, %ge3A_81 : vector<1x10240xi32>
      %convert_element_type3A_83 = arith.extui %ge3A_82 : vector<1x10240xi1> to vector<1x10240xi32>
      %reduce_sum3A_84 = vector.shape_cast %convert_element_type3A_83 : vector<1x10240xi32> to vector<1x1x10240xi32>
      %reduce_sum3A_85 = arith.constant dense<0> : vector<1xi32>
      %reduce_sum3A_86 = vector.multi_reduction <add>, %reduce_sum3A_84, %reduce_sum3A_85 [1, 2] : vector<1x1x10240xi32> to vector<1xi32>
      %reduce_sum3A_87 = vector.shape_cast %reduce_sum3A_86 : vector<1xi32> to vector<1x1x1xi32>
      %reduce_sum3A_88 = vector.extract %reduce_sum3A_87[0, 0, 0] : i32 from vector<1x1x1xi32>
      %ge3A_89 = arith.constant 5000 : i32
      %ge3A_90 = arith.cmpi sge, %reduce_sum3A_88, %ge3A_89 : i32
      %select_n3A_91 = arith.select %ge3A_90, %or3A, %scan3A_77 : i32
      scf.yield %select_n3A_91 : i32
    }
    %scan3A_51 = arith.constant 32 : i32
    %xor3A_52 = arith.constant -2147483648 : i32
    %xor3A_53 = arith.xori %scan3A_50, %xor3A_52 : i32
    %ge3A = vector.broadcast %xor3A_53 : i32 to vector<1x10240xi32>
    %ge3A_54 = arith.cmpi sge, %xor3A, %ge3A : vector<1x10240xi32>
    %convert_element_type3A = arith.extui %ge3A_54 : vector<1x10240xi1> to vector<1x10240xi32>
    %convert_element_type3A_55 = arith.sitofp %convert_element_type3A : vector<1x10240xi32> to vector<1x10240xf32>
    %tanh3A = math.tanh %select_n3A : vector<1x10240xf32>
    %mul3A_56 = arith.mulf %tanh3A, %convert_element_type3A_55 : vector<1x10240xf32>
    %transpose3A_57 = tpu.transpose %mul3A_56, [1, 0] : vector<1x10240xf32> -> vector<10240x1xf32>
    %transpose3A_58 = tpu.transpose %convert_element_type3A_55, [1, 0] : vector<1x10240xf32> -> vector<10240x1xf32>
    %broadcast_in_dim3A_59 = vector.shape_cast %transpose3A_58 : vector<10240x1xf32> to vector<10240x1xf32>
    %broadcast_in_dim3A_60 = vector.broadcast %broadcast_in_dim3A_59 : vector<10240x1xf32> to vector<10240x16xf32>
    %swap3A = arith.constant 0 : index
    %swap3A_61 = arith.constant 0 : index
    %swap3A_62 = vector.load %arg5[%swap3A, %swap3A_61] : memref<10240x16xf32, #tpu.memory_space<vmem>>, vector<10240x16xf32>
    tpu.vector_store %arg5[%swap3A, %swap3A_61], %broadcast_in_dim3A_60 {strides = array<i32>} : memref<10240x16xf32, #tpu.memory_space<vmem>>, vector<10240x16xf32>,
    %swap3A_63 = arith.constant 0 : index
    %swap3A_64 = arith.constant 0 : index
    %swap3A_65 = vector.load %arg7[%swap3A_63, %swap3A_64] : memref<1x10240xf32, #tpu.memory_space<vmem>>, vector<1x10240xf32>
    tpu.vector_store %arg7[%swap3A_63, %swap3A_64], %convert_element_type3A_55 {strides = array<i32>} : memref<1x10240xf32, #tpu.memory_space<vmem>>, vector<1x10240xf32>,
    %mul3A_66 = vector.broadcast %transpose3A_57 : vector<10240x1xf32> to vector<10240x32xf32>
    %mul3A_67 = arith.mulf %max3A_25, %mul3A_66 : vector<10240x32xf32>
    %get3A_68 = arith.constant 0 : index
    %get3A_69 = arith.constant 0 : index
    %get3A_70 = vector.load %arg4[%get3A_68, %get3A_69] : memref<32x32xf32, #tpu.memory_space<vmem>>, vector<32x32xf32>
    %dot_general3A_71 = arith.constant dense<0.000000e+00> : vector<10240x32xf32>
    %dot_general3A_72 = tpu.matmul %mul3A_67, %get3A_70, %dot_general3A_71 {dimension_numbers = #tpu.dot_dimension_numbers<[1], [0], [0], [1], [0, 0, 1, 1], [], []>, transpose_lhs_hint = false} : vector<10240x32xf32>, vector<32x32xf32>, vector<10240x32xf32> -> vector<10240x32xf32>
    %swap3A_73 = arith.constant 0 : index
    %swap3A_74 = arith.constant 0 : index
    %swap3A_75 = vector.load %arg6[%swap3A_73, %swap3A_74] : memref<10240x32xf32, #tpu.memory_space<vmem>>, vector<10240x32xf32>
    tpu.vector_store %arg6[%swap3A_73, %swap3A_74], %dot_general3A_72 {strides = array<i32>} : memref<10240x32xf32, #tpu.memory_space<vmem>>, vector<10240x32xf32>,
    return
  }
}

module attributes {stable_mosaic.version = 14 : i64} {
  func.func @_tc_g2_body(%arg0: memref<2x10240xf32, #tpu.memory_space<vmem>>, %arg1: memref<10240x32xf32, #tpu.memory_space<vmem>>, %arg2: memref<10240x16xf32, #tpu.memory_space<vmem>>, %arg3: memref<10240x32xf32, #tpu.memory_space<vmem>>) attributes {dimension_semantics = [], scalar_prefetch = 0 : i64, scratch_operands = 0 : i64, tpu.core_type = #tpu.core_type<tc>} {
    %get3A = arith.constant 0 : index
    %get3A_0 = arith.constant 0 : index
    %get3A_1 = vector.load %arg0[%get3A, %get3A_0] : memref<2x10240xf32, #tpu.memory_space<vmem>>, vector<1x10240xf32>
    %get3A_2 = arith.constant 1 : index
    %get3A_3 = arith.constant 0 : index
    %get3A_4 = vector.load %arg0[%get3A_2, %get3A_3] : memref<2x10240xf32, #tpu.memory_space<vmem>>, vector<1x10240xf32>
    %add3A = arith.addf %get3A_1, %get3A_4 : vector<1x10240xf32>
    %add3A_5 = arith.constant 1.000000e+00 : f32
    %add3A_6 = vector.broadcast %add3A_5 : f32 to vector<1x10240xf32>
    %add3A_7 = arith.addf %add3A, %add3A_6 : vector<1x10240xf32>
    %rsqrt3A = math.rsqrt %add3A_7 : vector<1x10240xf32>
    %transpose3A = tpu.transpose %rsqrt3A, [1, 0] : vector<1x10240xf32> -> vector<10240x1xf32>
    %get3A_8 = arith.constant 0 : index
    %get3A_9 = arith.constant 0 : index
    %get3A_10 = vector.load %arg1[%get3A_8, %get3A_9] : memref<10240x32xf32, #tpu.memory_space<vmem>>, vector<10240x32xf32>
    %mul3A = vector.broadcast %transpose3A : vector<10240x1xf32> to vector<10240x32xf32>
    %mul3A_11 = arith.mulf %get3A_10, %mul3A : vector<10240x32xf32>
    %get3A_12 = arith.constant 0 : index
    %get3A_13 = arith.constant 0 : index
    %get3A_14 = vector.load %arg2[%get3A_12, %get3A_13] : memref<10240x16xf32, #tpu.memory_space<vmem>>, vector<10240x1xf32>
    %mul3A_15 = vector.broadcast %get3A_14 : vector<10240x1xf32> to vector<10240x32xf32>
    %mul3A_16 = arith.mulf %mul3A_11, %mul3A_15 : vector<10240x32xf32>
    %swap3A = arith.constant 0 : index
    %swap3A_17 = arith.constant 0 : index
    %swap3A_18 = vector.load %arg3[%swap3A, %swap3A_17] : memref<10240x32xf32, #tpu.memory_space<vmem>>, vector<10240x32xf32>
    tpu.vector_store %arg3[%swap3A, %swap3A_17], %mul3A_16 {strides = array<i32>} : memref<10240x32xf32, #tpu.memory_space<vmem>>, vector<10240x32xf32>,
    return
  }
}

module attributes {stable_mosaic.version = 14 : i64} {
  func.func @_tc_post_body(%arg0: memref<2x10240x32xf32, #tpu.memory_space<vmem>>, %arg1: memref<2x10240xf32, #tpu.memory_space<vmem>>, %arg2: memref<10240x32xf32, #tpu.memory_space<vmem>>, %arg3: memref<10240x16xf32, #tpu.memory_space<vmem>>, %arg4: memref<1x10240xi32, #tpu.memory_space<vmem>>, %arg5: memref<1x32xf32, #tpu.memory_space<vmem>>, %arg6: memref<32x1xf32, #tpu.memory_space<vmem>>, %arg7: memref<1x1xf32, #tpu.memory_space<vmem>>, %arg8: memref<16x1xf32, #tpu.memory_space<vmem>>) attributes {dimension_semantics = [], scalar_prefetch = 0 : i64, scratch_operands = 0 : i64, tpu.core_type = #tpu.core_type<tc>} {
    %get3A = arith.constant 0 : index
    %get3A_0 = arith.constant 0 : index
    %get3A_1 = arith.constant 0 : index
    %get3A_2 = vector.load %arg0[%get3A, %get3A_0, %get3A_1] : memref<2x10240x32xf32, #tpu.memory_space<vmem>>, vector<1x10240x32xf32>
    %get3A_3 = vector.shape_cast %get3A_2 : vector<1x10240x32xf32> to vector<10240x32xf32>
    %get3A_4 = arith.constant 1 : index
    %get3A_5 = arith.constant 0 : index
    %get3A_6 = arith.constant 0 : index
    %get3A_7 = vector.load %arg0[%get3A_4, %get3A_5, %get3A_6] : memref<2x10240x32xf32, #tpu.memory_space<vmem>>, vector<1x10240x32xf32>
    %get3A_8 = vector.shape_cast %get3A_7 : vector<1x10240x32xf32> to vector<10240x32xf32>
    %add3A = arith.addf %get3A_3, %get3A_8 : vector<10240x32xf32>
    %get3A_9 = arith.constant 0 : index
    %get3A_10 = arith.constant 0 : index
    %get3A_11 = vector.load %arg1[%get3A_9, %get3A_10] : memref<2x10240xf32, #tpu.memory_space<vmem>>, vector<1x10240xf32>
    %get3A_12 = arith.constant 1 : index
    %get3A_13 = arith.constant 0 : index
    %get3A_14 = vector.load %arg1[%get3A_12, %get3A_13] : memref<2x10240xf32, #tpu.memory_space<vmem>>, vector<1x10240xf32>
    %add3A_15 = arith.addf %get3A_11, %get3A_14 : vector<1x10240xf32>
    %add3A_16 = arith.constant 1.000000e+00 : f32
    %add3A_17 = vector.broadcast %add3A_16 : f32 to vector<1x10240xf32>
    %add3A_18 = arith.addf %add3A_15, %add3A_17 : vector<1x10240xf32>
    %rsqrt3A = math.rsqrt %add3A_18 : vector<1x10240xf32>
    %transpose3A = tpu.transpose %rsqrt3A, [1, 0] : vector<1x10240xf32> -> vector<10240x1xf32>
    %div3A = arith.constant 1.000000e+00 : f32
    %div3A_19 = vector.broadcast %div3A : f32 to vector<1x10240xf32>
    %div3A_20 = arith.divf %div3A_19, %add3A_18 : vector<1x10240xf32>
    %transpose3A_21 = tpu.transpose %div3A_20, [1, 0] : vector<1x10240xf32> -> vector<10240x1xf32>
    %mul3A = vector.broadcast %transpose3A : vector<10240x1xf32> to vector<10240x32xf32>
    %mul3A_22 = arith.mulf %add3A, %mul3A : vector<10240x32xf32>
    %get3A_23 = arith.constant 0 : index
    %get3A_24 = arith.constant 0 : index
    %get3A_25 = vector.load %arg2[%get3A_23, %get3A_24] : memref<10240x32xf32, #tpu.memory_space<vmem>>, vector<10240x32xf32>
    %mul3A_26 = vector.broadcast %transpose3A_21 : vector<10240x1xf32> to vector<10240x32xf32>
    %mul3A_27 = arith.mulf %get3A_25, %mul3A_26 : vector<10240x32xf32>
    %add3A_28 = arith.addf %mul3A_22, %mul3A_27 : vector<10240x32xf32>
    %get3A_29 = arith.constant 0 : index
    %get3A_30 = arith.constant 0 : index
    %get3A_31 = vector.load %arg5[%get3A_29, %get3A_30] : memref<1x32xf32, #tpu.memory_space<vmem>>, vector<1x32xf32>
    %add3A_32 = vector.broadcast %get3A_31 : vector<1x32xf32> to vector<10240x32xf32>
    %add3A_33 = arith.addf %add3A_28, %add3A_32 : vector<10240x32xf32>
    %max3A = arith.constant 0.000000e+00 : f32
    %max3A_34 = vector.broadcast %max3A : f32 to vector<10240x32xf32>
    %max3A_35 = arith.maximumf %add3A_33, %max3A_34 : vector<10240x32xf32>
    %get3A_36 = arith.constant 0 : index
    %get3A_37 = arith.constant 0 : index
    %get3A_38 = vector.load %arg3[%get3A_36, %get3A_37] : memref<10240x16xf32, #tpu.memory_space<vmem>>, vector<10240x1xf32>
    %mul3A_39 = vector.broadcast %get3A_38 : vector<10240x1xf32> to vector<10240x32xf32>
    %mul3A_40 = arith.mulf %max3A_35, %mul3A_39 : vector<10240x32xf32>
    %iota3A = tpu.iota {dimensions = array<i32: 0>} : vector<16x10240xi32>
    %get3A_41 = arith.constant 0 : index
    %get3A_42 = arith.constant 0 : index
    %get3A_43 = vector.load %arg4[%get3A_41, %get3A_42] : memref<1x10240xi32, #tpu.memory_space<vmem>>, vector<1x10240xi32>
    %eq3A = vector.broadcast %get3A_43 : vector<1x10240xi32> to vector<16x10240xi32>
    %eq3A_44 = arith.cmpi eq, %iota3A, %eq3A : vector<16x10240xi32>
    %convert_element_type3A = arith.extui %eq3A_44 : vector<16x10240xi1> to vector<16x10240xi32>
    %convert_element_type3A_45 = arith.sitofp %convert_element_type3A : vector<16x10240xi32> to vector<16x10240xf32>
    %dot_general3A = arith.constant dense<0.000000e+00> : vector<16x32xf32>
    %dot_general3A_46 = tpu.matmul %convert_element_type3A_45, %mul3A_40, %dot_general3A {dimension_numbers = #tpu.dot_dimension_numbers<[1], [0], [0], [1], [0, 0, 1, 1], [], []>, transpose_lhs_hint = false} : vector<16x10240xf32>, vector<10240x32xf32>, vector<16x32xf32> -> vector<16x32xf32>
    %dot_general3A_47 = arith.constant dense<0.000000e+00> : vector<16x1xf32>
    %dot_general3A_48 = tpu.matmul %convert_element_type3A_45, %get3A_38, %dot_general3A_47 {dimension_numbers = #tpu.dot_dimension_numbers<[1], [0], [0], [1], [0, 0, 1, 1], [], []>, transpose_lhs_hint = false} : vector<16x10240xf32>, vector<10240x1xf32>, vector<16x1xf32> -> vector<16x1xf32>
    %max3A_49 = arith.constant 1.000000e+00 : f32
    %max3A_50 = vector.broadcast %max3A_49 : f32 to vector<16x1xf32>
    %max3A_51 = arith.maximumf %dot_general3A_48, %max3A_50 : vector<16x1xf32>
    %div3A_52 = vector.broadcast %max3A_51 : vector<16x1xf32> to vector<16x32xf32>
    %div3A_53 = arith.divf %dot_general3A_46, %div3A_52 : vector<16x32xf32>
    %get3A_54 = arith.constant 0 : index
    %get3A_55 = arith.constant 0 : index
    %get3A_56 = vector.load %arg6[%get3A_54, %get3A_55] : memref<32x1xf32, #tpu.memory_space<vmem>>, vector<32x1xf32>
    %dot_general3A_57 = arith.constant dense<0.000000e+00> : vector<16x1xf32>
    %dot_general3A_58 = tpu.matmul %div3A_53, %get3A_56, %dot_general3A_57 {dimension_numbers = #tpu.dot_dimension_numbers<[1], [0], [0], [1], [0, 0, 1, 1], [], []>, transpose_lhs_hint = false} : vector<16x32xf32>, vector<32x1xf32>, vector<16x1xf32> -> vector<16x1xf32>
    %get3A_59 = arith.constant 0 : index
    %get3A_60 = arith.constant 0 : index
    %get3A_61 = vector.load %arg7[%get3A_59, %get3A_60] : memref<1x1xf32, #tpu.memory_space<vmem>>, vector<1x1xf32>
    %add3A_62 = vector.broadcast %get3A_61 : vector<1x1xf32> to vector<16x1xf32>
    %add3A_63 = arith.addf %dot_general3A_58, %add3A_62 : vector<16x1xf32>
    %neg3A = arith.constant 0.000000e+00 : f32
    %neg3A_64 = vector.broadcast %neg3A : f32 to vector<16x1xf32>
    %neg3A_65 = arith.subf %neg3A_64, %add3A_63 : vector<16x1xf32>
    %exp3A = math.exp %neg3A_65 : vector<16x1xf32>
    %add3A_66 = arith.constant 1.000000e+00 : f32
    %add3A_67 = vector.broadcast %add3A_66 : f32 to vector<16x1xf32>
    %add3A_68 = arith.addf %add3A_67, %exp3A : vector<16x1xf32>
    %div3A_69 = arith.constant 1.000000e+00 : f32
    %div3A_70 = vector.broadcast %div3A_69 : f32 to vector<16x1xf32>
    %div3A_71 = arith.divf %div3A_70, %add3A_68 : vector<16x1xf32>
    %swap3A = arith.constant 0 : index
    %swap3A_72 = arith.constant 0 : index
    %swap3A_73 = vector.load %arg8[%swap3A, %swap3A_72] : memref<16x1xf32, #tpu.memory_space<vmem>>, vector<16x1xf32>
    tpu.vector_store %arg8[%swap3A, %swap3A_72], %div3A_71 {strides = array<i32>} : memref<16x1xf32, #tpu.memory_space<vmem>>, vector<16x1xf32>,
    return
  }
}

</mosaic_0001>

<sc_bundles>
// kernel: kernel.10.cloned.1.call-start
scs
__scs_entry_jumppad:
0x0: {  	(pc) =	sbr.rel $0x88, $3  }
0x1: {  	(tag) =	ssettag $0x0;
	lr =	simm.s32 $0x1  }
0x2: {  	[smem:$0x3F97] =	sst lr;
	_ =	strace $0xD0000000  }
0x3: {  	_ = 	snop  }
0x4: {  	_ = 	snop  }
0x5: {  	_ = 	snop  }
0x6: {  	_ = 	snop  }
0x7: {  	_ = 	snop  }
__scs_overlays_trampoline_lowered:
0x8: {  	[smem:$0x3FA6] =	sst s0  }
0x9: {  	[smem:$0x3FA7] =	sst s1  }
0xa: {  	[smem:$0x3FA8] =	sst s2  }
0xb: {  	[smem:$0x3FA9] =	sst s3  }
0xc: {  	[smem:$0x3FAA] =	sst s4  }
0xd: {  	[smem:$0x3FAB] =	sst s5  }
0xe: {  	[smem:$0x3FAC] =	sst s6  }
0xf: {  	[smem:$0x3FAD] =	sst s7  }
0x10: {  	[smem:$0x3FAE] =	sst s8  }
0x11: {  	[smem:$0x3FAF] =	sst s9;
	s0 =	simm.s32 @!p0 $0x0  }
0x12: {  	s1 =	sld [smem:$0x3F95];
	s0 =	simm.s32 @p0 $0x1  }
0x13: {  	[smem:$0x3FB0] =	sst s0;
	s0 =	simm.s32 @!p1 $0x0  }
0x14: {  	s2 =	sld [smem:$0x3F94];
	s0 =	simm.s32 @p1 $0x1  }
0x15: {  	[smem:$0x3FB1] =	sst s0;
	s0 =	simm.s32 @!p2 $0x0  }
0x16: {  	s3 =	sld [smem:$0x3FDB];
	s0 =	simm.s32 @p2 $0x1  }
0x17: {  	s4 =	simm.s32 $0x1BF5;
	[smem:$0x3FB3] =	sst s0  }
0x18: {  	s0 =	sld [smem:$0x3F96];
	_ =	swait.ge [sflag:s4], $0x0  }
0x19: {  	s7 =	sld [smem:$0x3F97]  }
0x1a: {  	s8 =	sadd.s32 $0xFFFFE003, lr  }
0x1b: {  	s9 =	sadd.s32 $0xFFFFFEF7, lr;
	s5 =	simm.s32 $0xFFFFFFFF;
	p2 =	slt.u32 s8, $0xFFFFF086  }
0x1c: {  	p1 =	slt.u32 s9, $0xF7A;
	s5 =	simm.s32 @!p2 $0x0  }
0x1d: {  	s5 =	simm.s32 @p1 $0x1;
	p0 =	seq.s32 s7, s2  }
0x1e: {  	s7 =	smul.u32 @!p0 $0xF7A, s2;
	p2 =	seq.s32 @!p0 s5, $0x0  }
0x1f: {  	s9 =	smul.u32 $0xF7A, s1;
	s8 =	simm.s32 @!p0 $0x1BF5;
	p2 =	por !p2, p0  }
0x20: {  	[sflag:s8] =	ssyncset.s32 @!p0 $0xFFFFF086;
	s6 =	sadd.s32 @!p0 s3, s7;
	s7 =	simm.s32 @!p0 $0x108  }
0x21: {  	s3 =	sadd.s32 s3, s9;
	s6 =	sadd.s32 @!p0 $0x88, s6;
	s7 =	simm.s32 @p2 $0x1082  }
0x22: {  	[simem:s7], [sflag:s8] =	dma.local @!p0 [hbm:s6], $0xF7A  }
0x23: {  	s9 =	sor.u32 $0xD0000000, s2;
	s6 =	simm.s32 $0x108;
	_ =	swait.ge @!p0 [sflag:s8], $0x0  }
0x24: {  	s3 =	sadd.s32 $0x88, s3;
	s6 =	simm.s32 @!p1 $0x1082;
	[sflag:s4] =	ssyncset.s32 $0xFFFFF086  }
0x25: {  	[simem:s6], [sflag:s4] =	dma.local [hbm:s3], $0xF7A  }
0x26: {  	[smem:$0x3F97] =	sst s1;
	(tag) =	ssettag s2;
	_ =	strace s9  }
0x27: {  	s1 =	sld [smem:$0x3FA7]  }
0x28: {  	s2 =	sld [smem:$0x3FA8]  }
0x29: {  	s4 =	sld [smem:$0x3FAA]  }
0x2a: {  	p0 =	seq.s32 s5, $0x0;
	s5 =	sld [smem:$0x3FAB]  }
0x2b: {  	s6 =	sld [smem:$0x3FAC]  }
0x2c: {  	s7 =	sld [smem:$0x3FAD]  }
0x2d: {  	s3 =	simm.s32 $0x108;
	s8 =	sld [smem:$0x3FAE]  }
0x2e: {  	s3 =	simm.s32 @!p0 $0x1082;
	s9 =	sld [smem:$0x3FAF]  }
0x2f: {  	lr =	sadd.s32 s0, s3;
	s0 =	sld [smem:$0x3FA6]  }
0x30: {  	s3 =	sld [smem:$0x3FA9]  }
0x31: {  	[smem:$0x3FB2] =	sst s10  }
0x32: {  	s10 =	sld [smem:$0x3FB0];
	_ =	sdelay $0x3  }
0x33: {  	p0 =	seq.s32 s10, $0x1;
	s10 =	sld [smem:$0x3FB2];
	_ =	sdelay $0x3  }
0x34: {  	[smem:$0x3FB2] =	sst s10  }
0x35: {  	s10 =	sld [smem:$0x3FB1];
	_ =	sdelay $0x3  }
0x36: {  	p1 =	seq.s32 s10, $0x1;
	s10 =	sld [smem:$0x3FB2];
	_ =	sdelay $0x3  }
0x37: {  	[smem:$0x3FB2] =	sst s10  }
0x38: {  	s10 =	sld [smem:$0x3FB3]  }
0x39: {  	_ = 	snop;
	(pc) =	sbr.ind lr, $3  }
0x3a: {  	_ = 	snop  }
0x3b: {  	_ = 	snop  }
0x3c: {  	p2 =	seq.s32 s10, $0x1;
	s10 =	sld [smem:$0x3FB2]  }
0x3d: {  	_ =	shalt  }
0x3e: {  	_ =	shalt  }
0x3f: {  	_ =	shalt  }
0x40: {  	_ =	shalt  }
0x41: {  	_ =	shalt  }
0x42: {  	_ =	shalt  }
0x43: {  	_ =	shalt  }
0x44: {  	_ =	shalt  }
0x45: {  	_ =	shalt  }
0x46: {  	_ =	shalt  }
0x47: {  	_ =	shalt  }
0x48: {  	_ =	shalt  }
0x49: {  	_ =	shalt  }
0x4a: {  	_ =	shalt  }
0x4b: {  	_ =	shalt  }
0x4c: {  	_ =	shalt  }
0x4d: {  	_ =	shalt  }
0x4e: {  	_ =	shalt  }
0x4f: {  	_ =	shalt  }
0x50: {  	_ =	shalt  }
0x51: {  	_ =	shalt  }
0x52: {  	_ =	shalt  }
0x53: {  	_ =	shalt  }
0x54: {  	_ =	shalt  }
0x55: {  	_ =	shalt  }
0x56: {  	_ =	shalt  }
0x57: {  	_ =	shalt  }
0x58: {  	_ =	shalt  }
0x59: {  	_ =	shalt  }
0x5a: {  	_ =	shalt  }
0x5b: {  	_ =	shalt  }
0x5c: {  	_ =	shalt  }
0x5d: {  	_ =	shalt  }
0x5e: {  	_ =	shalt  }
0x5f: {  	_ =	shalt  }
0x60: {  	_ =	shalt  }
0x61: {  	_ =	shalt  }
0x62: {  	_ =	shalt  }
0x63: {  	_ =	shalt  }
0x64: {  	_ =	shalt  }
0x65: {  	_ =	shalt  }
0x66: {  	_ =	shalt  }
0x67: {  	_ =	shalt  }
0x68: {  	_ =	shalt  }
0x69: {  	_ =	shalt  }
0x6a: {  	_ =	shalt  }
0x6b: {  	_ =	shalt  }
0x6c: {  	_ =	shalt  }
0x6d: {  	_ =	shalt  }
0x6e: {  	_ =	shalt  }
0x6f: {  	_ =	shalt  }
0x70: {  	_ =	shalt  }
0x71: {  	_ =	shalt  }
0x72: {  	_ =	shalt  }
0x73: {  	_ =	shalt  }
0x74: {  	_ =	shalt  }
0x75: {  	_ =	shalt  }
0x76: {  	_ =	shalt  }
0x77: {  	_ =	shalt  }
0x78: {  	_ =	shalt  }
0x79: {  	_ =	shalt  }
0x7a: {  	_ =	shalt  }
0x7b: {  	_ =	shalt  }
0x7c: {  	_ =	shalt  }
0x7d: {  	_ =	shalt  }
0x7e: {  	_ =	shalt  }
0x7f: {  	_ =	shalt  }
0x80: {  	_ =	shalt  }
0x81: {  	_ =	shalt  }
0x82: {  	_ =	shalt  }
0x83: {  	_ =	shalt  }
0x84: {  	_ =	shalt  }
0x85: {  	_ =	shalt  }
0x86: {  	_ =	shalt  }
0x87: {  	_ =	shalt  }
.Lfunc_end0:
.L_simem_size_0:
called_computation_lowered:
.L_overlay_start_0:
0x88: {  	s2 =	sld [smem:$0x3FD9]  }
0x89: {  	s3 =	sld [smem:$0x3FFE];
	_ =	sdelay $0x1  }
0x8a: {  	s1 =	srdreg.scid  }
0x8b: {  	s0 =	sand.u32 $0x1, s1  }
0x8c: {  	s16 =	sshll.u32 s0, $0xA;
	s2 =	sadd.s32 s3, s2  }
0x8d: {  	s2 =	sadd.s32 s2, s16  }
0x8e: {  	[smem:$0x3FBE] =	sst s2  }
0x8f: {  	_ = 	snop  }
0x90: {  	(tm) =	ssettm $0x1  }
0x91: {  	s17 =	sld [smem:$0x3FFB];
	_ =	sdelay $0x3  }
0x92: {  	_ =	strace s17  }
0x93: {  	s2 =	sld [smem:$0x3FFC];
	_ =	sdelay $0x3  }
0x94: {  	_ =	strace s2  }
0x95: {  	s2 =	sld [smem:$0x3FFD];
	_ =	sdelay $0x3  }
0x96: {  	_ =	strace s2  }
0x97: {  	_ =	strace $0x8FFFFFFF  }
0x98: {  	s18 =	sld [smem:$0x3FDB];
	_ =	sdelay $0x1  }
0x99: {  	s19 =	simm.s32 $_scs_section_size  }
0x9a: {  	s4 =	simm.s32 $_size__tile_overlayer_lowered;
	s5 =	simm.s32 $_tile_overlayer_lowered  }
0x9b: {  	s22 =	simm.s32 $0x1BFF;
	s21 =	sshll.u32 s5, $0x1;
	s2 =	sadd.s32 s19, s18  }
0x9c: {  	s6 =	simm.s32 $0x0;
	s20 =	sshll.u32 s4, $0x1;
	s4 =	sadd.s32 s21, s2  }
0x9d: {  	[timem:s6], [sflag:s22] =	dma.local [hbm:s4], s20  }
0x9e: {  	_ =	swait.ge [sflag:s22], s20  }
0x9f: {  	s3 =	ssub.s32 $0x0, s20;
	[sflag:s22] =	ssyncset.done $0x0  }
0xa0: {  	[sflag:s22] =	ssyncadd.s32 s3;
	_ =	sdelay $0x1  }
0xa1: {  	s23 =	simm.s32 $0x1B8B  }
0xa2: {  	_ =	swait.ge [sflag:s23], $0x1  }
0xa3: {  	[sflag:s23] =	ssyncset.done $0x0  }
0xa4: {  	s25 =	simm.s32 $0x1B8E;
	s24 =	sld [smem:$0x3FFE];
	[sflag:s23] =	ssyncadd.s32 $0xFFFFFFFF  }
0xa5: {  	s26 =	simm.s32 $execute0_lowered;
	[smem:$0x3FD2] =	sst s25  }
0xa6: {  	s4 =	sshll.u32 s26, $0x1;
	_ =	strace $0x80000046;
	[dreg:$0x1] =	wrdreg $0xFFFFFFFF  }
0xa7: {  	s28 =	simm.s32 $_size_execute0_lowered;
	s2 =	sadd.s32 s2, s4;
	[dreg:$0x0] =	wrdreg $0x0  }
0xa8: {  	s4 =	sshll.u32 s28, $0x1;
	[dreg:$0x2] =	wrdreg s2  }
0xa9: {  	[dreg:$0x3] =	wrdreg s4  }
0xaa: {  	[dreg:$0x4] =	wrdreg $0xC0  }
0xab: {  	_ =	task [dreg:s6], $0x5FFFF  }
0xac: {  	[dreg:$0x1] =	wrdreg $0xFFFFFFFF  }
0xad: {  	[dreg:$0x0] =	wrdreg $0x60  }
0xae: {  	[dreg:$0x2] =	wrdreg s24  }
0xaf: {  	[dreg:$0x3] =	wrdreg $0x0  }
0xb0: {  	[dreg:$0x4] =	wrdreg $0x9  }
0xb1: {  	_ =	task.clear_ibuf [dreg:s6], $0x5FFFF;
	_ =	strace $0x90000046  }
0xb2: {  	s29 =	simm.s32 $0x9;
	_ =	strace $0x80000048  }
0xb3: {  	_ =	swait.ge [sflag:s29], $0x1  }
0xb4: {  	[sflag:s29] =	ssyncadd.s32 $0xFFFFFFFF  }
0xb5: {  	_ =	strace $0x90000048  }
0xb6: {  	_ =	sfence  }
0xb7: {  	s30 =	sld [smem:$0x0];
	_ =	sdelay $0x2  }
0xb8: {  	s31 =	sshll.u32 s1, $0xD;
	s1 =	sshrl.u32 s1, $0x2  }
0xb9: {  	s3 =	sand.u32 $0x4000, s31;
	s1 =	sadd.s32 s1, s30  }
0xba: {  	s0 =	sor.u32 s3, s0;
	s1 =	sshll.u32 s1, $0x11  }
0xbb: {  	s0 =	sor.u32 s1, s0  }
0xbc: {  	s0 =	sadd.s32 $0x8F2B, s0  }
0xbd: {  	[sflag:s0] =	ssyncadd.remote.s32 $0x1  }
0xbe: {  	_ =	sfence.sel $0xFFFF  }
0xbf: {  	[dreg:$0x0] =	wrdreg $0xFFFFFFFF;
	(pc) =	sbr.abs _section_cstart, $3  }
0xc0: {  	[dreg:$0x1] =	wrdreg $0xFFFFFFFF  }
0xc1: {  	_ =	task.clear_ibuf [dreg:s6], $0x2FFFF;
	_ =	strace $0x9FFFFFFF  }
0xc2: {  	(tm) =	ssettm $0x7FFFFFFF  }
0xc3: {  	_ =	shalt  }
tec
execute0_lowered:
.L_overlay_start_1:
0x0: {  	(tag) =	ssettag $0x1  }
0x1: {  	s4 =	rddreg [dreg:$0x0]  }
0x2: {  	s2 =	rddreg [dreg:$0x1];
	s3 =	srdreg.scid  }
0x3: {  	s1 =	stileid.u32;
	s0 =	rddreg [dreg:$0x2];
	s10 =	simm.s32 $0x280  }
0x4: {  	s11 =	simm.s32 $0x50;
	s12 =	simm.s32 $0x2990;
	s13 =	simm.s32 $0x1  }
0x5: {  	s14 =	simm.s32 $0x2;
	s15 =	simm.s32 $0x3;
	s16 =	simm.s32 $0x4  }
0x6: {  	s17 =	simm.s32 $0x5;
	s5 =	sand.u32 $0x1, s3;
	s6 =	smul.u32 $0x280, s1  }
0x7: {  	s3 =	simm.s32 $0x0;
	s7 =	sshll.u32 s5, $0x4;
	s8 =	smul.u32 $0x2800, s5  }
0x8: {  	s18 =	simm.s32 $0x0;
	[smem:$0x7FF] =	sst s3;
	s7 =	sor.u32 s1, s7  }
0x9: {  	s5 =	ssub.s32 $0x2, s5;
	s7 =	smul.u32 $0x4E2, s7;
	s8 =	sadd.s32 s6, s8  }
0xa: {  	_ =	strace $0x80000047;
	s9 =	sshrl.u32 s5, $0x1;
	s8 =	sshrl.u32 s8, $0x3  }
0xb: {  	s9 =	ssub.s32 s5, s9;
	s7 =	sadd.s32 s7, s4;
	s8 =	sadd.s32 s8, s4  }
0xc: {  	s4 =	sadd.s32 s6, s2;
	s5 =	sadd.s32 $0x1E00, s7;
	s6 =	sadd.s32 $0x15A00, s8  }
0xd: {  	v0 =	vimm.f32 $0.0e+00;
	v1 =	vimm.f32 $1.000000000e+00;
	s7 =	smax.u32 s9, $0x1;
	s8 =	simm.s32 $0x29E0;
	s9 =	simm.s32 $0x6  }
.LBB2_1:
0xe: {  	[tilespmem:$0x29E0] =	vst v0  }
0xf: {  	[tilespmem:$0x29F0] =	vst v0  }
0x10: {  	[tilespmem:$0x2A00] =	vst v0  }
0x11: {  	[tilespmem:$0x2A10] =	vst v0  }
0x12: {  	[tilespmem:$0x2A20] =	vst v0  }
0x13: {  	[tilespmem:$0x2A30] =	vst v0  }
0x14: {  	[tilespmem:$0x2A40] =	vst v0  }
0x15: {  	[tilespmem:$0x2A50] =	vst v0  }
0x16: {  	[tilespmem:$0x2A60] =	vst v0  }
0x17: {  	[tilespmem:$0x2A70] =	vst v0  }
0x18: {  	[tilespmem:$0x2A80] =	vst v0  }
0x19: {  	[tilespmem:$0x2A90] =	vst v0  }
0x1a: {  	[tilespmem:$0x2AA0] =	vst v0  }
0x1b: {  	[tilespmem:$0x2AB0] =	vst v0  }
0x1c: {  	[tilespmem:$0x2AC0] =	vst v0  }
0x1d: {  	[tilespmem:$0x2AD0] =	vst v0  }
0x1e: {  	[tilespmem:$0x2AE0] =	vst v0  }
0x1f: {  	[tilespmem:$0x2AF0] =	vst v0  }
0x20: {  	[tilespmem:$0x2B00] =	vst v0  }
0x21: {  	[tilespmem:$0x2B10] =	vst v0  }
0x22: {  	[tilespmem:$0x2B20] =	vst v0  }
0x23: {  	[tilespmem:$0x2B30] =	vst v0  }
0x24: {  	[tilespmem:$0x2B40] =	vst v0  }
0x25: {  	[tilespmem:$0x2B50] =	vst v0  }
0x26: {  	[tilespmem:$0x2B60] =	vst v0  }
0x27: {  	[tilespmem:$0x2B70] =	vst v0  }
0x28: {  	[tilespmem:$0x2B80] =	vst v0  }
0x29: {  	[tilespmem:$0x2B90] =	vst v0  }
0x2a: {  	[tilespmem:$0x2BA0] =	vst v0  }
0x2b: {  	[tilespmem:$0x2BB0] =	vst v0  }
0x2c: {  	[tilespmem:$0x2BC0] =	vst v0  }
0x2d: {  	[tilespmem:$0x2BD0] =	vst v0  }
0x2e: {  	[tilespmem:$0x2BE0] =	vst v0  }
0x2f: {  	[tilespmem:$0x2BF0] =	vst v0  }
0x30: {  	[tilespmem:$0x2C00] =	vst v0  }
0x31: {  	[tilespmem:$0x2C10] =	vst v0  }
0x32: {  	[tilespmem:$0x2C20] =	vst v0  }
0x33: {  	[tilespmem:$0x2C30] =	vst v0  }
0x34: {  	[tilespmem:$0x2C40] =	vst v0  }
0x35: {  	[tilespmem:$0x2C50] =	vst v0  }
0x36: {  	[spmem:s4] =	stream.linear.scatter [tilespmem:s8], [sflag:$0x6], $0x280, $0x38;
	[tilespmem:$0x2C60] =	vst v63  }
0x37: {  	_ =	swait.ge [sflag:s9], $0x280  }
0x38: {  	[sflag:s9] =	ssyncset.done $0x0  }
0x39: {  	[sflag:s9] =	ssyncadd.s32 $0xFFFFFD80  }
0x3a: {  	[tilespmem:$0x2990] =	vst v1  }
0x3b: {  	[tilespmem:$0x29A0] =	vst v1  }
0x3c: {  	[tilespmem:$0x29B0] =	vst v1  }
0x3d: {  	[tilespmem:$0x29C0] =	vst v1  }
0x3e: {  	[tilespmem:$0x29D0] =	vst v1  }
0x3f: {  	[bflag:$0x0] =	sbarrier.arrive $0xFFFF  }
0x40: {  	[tilespmem:s10], [sflag:$0x6] =	stream.linear.gather [hbm4b:s5+s3], $0x2710, $0x38;
	[tilespmem:$0x2C60] =	vst v63  }
0x41: {  	_ =	swait.ge [sflag:s9], $0x2710  }
0x42: {  	[sflag:s9] =	ssyncset.done $0x0  }
0x43: {  	s19 =	simm.s32 $0x280;
	[sflag:s9] =	ssyncadd.s32 $0xFFFFD8F0  }
0x44: {  	[spmem:s2] =	stream.indirect.scatter.add.f32 [tilespmem:s12], [sflag:$0x1], $0x1, s19, s11, $0xb8;
	[tilespmem:$0x2C60] =	vst v63  }
0x45: {  	s28 =	simm.s32 $0x2D0  }
0x46: {  	[spmem:s2] =	stream.indirect.scatter.add.f32 [tilespmem:s12], [sflag:$0x2], $0x1, s28, s11, $0xb8;
	[tilespmem:$0x2C60] =	vst v63  }
0x47: {  	s29 =	simm.s32 $0x320  }
0x48: {  	[spmem:s2] =	stream.indirect.scatter.add.f32 [tilespmem:s12], [sflag:$0x3], $0x1, s29, s11, $0xb8;
	[tilespmem:$0x2C60] =	vst v63  }
0x49: {  	s30 =	simm.s32 $0x370  }
0x4a: {  	[spmem:s2] =	stream.indirect.scatter.add.f32 [tilespmem:s12], [sflag:$0x4], $0x1, s30, s11, $0xb8;
	[tilespmem:$0x2C60] =	vst v63  }
0x4b: {  	s31 =	simm.s32 $0x3C0  }
0x4c: {  	[spmem:s2] =	stream.indirect.scatter.add.f32 [tilespmem:s12], [sflag:$0x5], $0x1, s31, s11, $0xb8;
	[tilespmem:$0x2C60] =	vst v63  }
0x4d: {  	_ =	swait.ge [sflag:s13], $0x50  }
0x4e: {  	[sflag:s13] =	ssyncset.done $0x0  }
0x4f: {  	[sflag:s13] =	ssyncadd.s32 $0xFFFFFFB0  }
0x50: {  	_ =	swait.ge [sflag:s14], $0x50  }
0x51: {  	[sflag:s14] =	ssyncset.done $0x0  }
0x52: {  	[sflag:s14] =	ssyncadd.s32 $0xFFFFFFB0  }
0x53: {  	_ =	swait.ge [sflag:s15], $0x50  }
0x54: {  	[sflag:s15] =	ssyncset.done $0x0  }
0x55: {  	[sflag:s15] =	ssyncadd.s32 $0xFFFFFFB0  }
0x56: {  	_ =	swait.ge [sflag:s16], $0x50  }
0x57: {  	[sflag:s16] =	ssyncset.done $0x0  }
0x58: {  	[sflag:s16] =	ssyncadd.s32 $0xFFFFFFB0  }
0x59: {  	_ =	swait.ge [sflag:s17], $0x50  }
0x5a: {  	s20 =	simm.s32 $0xC80;
	s19 =	simm.s32 $0x190;
	[sflag:s17] =	ssyncset.done $0x0  }
.LBB2_2:
0x5b: {  	s21 =	sadd.s32 $0x280, s19  }
0x5c: {  	[sflag:s17] =	ssyncadd.s32 $0xFFFFFFB0;
	s22 =	smov.u32 s20;
	s23 =	sadd.s32 $0x640, s20  }
0x5d: {  	[spmem:s2] =	stream.indirect.scatter.add.f32 [tilespmem:s12], [sflag:$0x1], $0x1, s21, s11, $0xb8;
	[tilespmem:$0x2C60] =	vst v63  }
0x5e: {  	p0 =	sne.s32 s20, $0x9600;
	s20 =	sadd.s32 $0x2D0, s19  }
0x5f: {  	[spmem:s2] =	stream.indirect.scatter.add.f32 [tilespmem:s12], [sflag:$0x2], $0x1, s20, s11, $0xb8;
	[tilespmem:$0x2C60] =	vst v63  }
0x60: {  	s20 =	sadd.s32 $0x320, s19  }
0x61: {  	[spmem:s2] =	stream.indirect.scatter.add.f32 [tilespmem:s12], [sflag:$0x3], $0x1, s20, s11, $0xb8;
	[tilespmem:$0x2C60] =	vst v63  }
0x62: {  	s20 =	sadd.s32 $0x370, s19  }
0x63: {  	[spmem:s2] =	stream.indirect.scatter.add.f32 [tilespmem:s12], [sflag:$0x4], $0x1, s20, s11, $0xb8;
	[tilespmem:$0x2C60] =	vst v63  }
0x64: {  	s19 =	sadd.s32 $0x3C0, s19  }
0x65: {  	[spmem:s2] =	stream.indirect.scatter.add.f32 [tilespmem:s12], [sflag:$0x5], $0x1, s19, s11, $0xb8;
	[tilespmem:$0x2C60] =	vst v63  }
0x66: {  	_ =	swait.ge [sflag:s13], $0x50  }
0x67: {  	[sflag:s13] =	ssyncset.done $0x0  }
0x68: {  	[sflag:s13] =	ssyncadd.s32 $0xFFFFFFB0  }
0x69: {  	_ =	swait.ge [sflag:s14], $0x50  }
0x6a: {  	[sflag:s14] =	ssyncset.done $0x0  }
0x6b: {  	[sflag:s14] =	ssyncadd.s32 $0xFFFFFFB0  }
0x6c: {  	_ =	swait.ge [sflag:s15], $0x50  }
0x6d: {  	[sflag:s15] =	ssyncset.done $0x0  }
0x6e: {  	[sflag:s15] =	ssyncadd.s32 $0xFFFFFFB0  }
.Ltmp0:
0x6f: {  	_ =	swait.ge [sflag:s16], $0x50;
	(pc) =	sbr.rel @p0 .LBB2_2-.Ltmp0, $4  }
0x70: {  	[sflag:s16] =	ssyncset.done $0x0  }
0x71: {  	[sflag:s16] =	ssyncadd.s32 $0xFFFFFFB0  }
0x72: {  	_ =	swait.ge [sflag:s17], $0x50  }
0x73: {  	s20 =	smov.u32 s23;
	s19 =	sshra.s32 s22, $0x2;
	[sflag:s17] =	ssyncset.done $0x0  }
0x74: {  	s20 =	sadd.s32 $0x280, s19;
	[sflag:s17] =	ssyncadd.s32 $0xFFFFFFB0  }
0x75: {  	[spmem:s2] =	stream.indirect.scatter.add.f32 [tilespmem:s12], [sflag:$0x1], $0x1, s20, s11, $0xb8;
	[tilespmem:$0x2C60] =	vst v63  }
0x76: {  	s28 =	sadd.s32 $0x2D0, s19  }
0x77: {  	[spmem:s2] =	stream.indirect.scatter.add.f32 [tilespmem:s12], [sflag:$0x2], $0x1, s28, s11, $0xb8;
	[tilespmem:$0x2C60] =	vst v63  }
0x78: {  	s29 =	sadd.s32 $0x320, s19  }
0x79: {  	[spmem:s2] =	stream.indirect.scatter.add.f32 [tilespmem:s12], [sflag:$0x3], $0x1, s29, s11, $0xb8;
	[tilespmem:$0x2C60] =	vst v63  }
0x7a: {  	s30 =	sadd.s32 $0x370, s19  }
0x7b: {  	[spmem:s2] =	stream.indirect.scatter.add.f32 [tilespmem:s12], [sflag:$0x4], $0x1, s30, s11, $0xb8;
	[tilespmem:$0x2C60] =	vst v63  }
0x7c: {  	s31 =	sadd.s32 $0x3C0, s19  }
0x7d: {  	[spmem:s2] =	stream.indirect.scatter.add.f32 [tilespmem:s12], [sflag:$0x5], $0x1, s31, s11, $0xb8;
	[tilespmem:$0x2C60] =	vst v63  }
0x7e: {  	_ =	swait.ge [sflag:s13], $0x50  }
0x7f: {  	[sflag:s13] =	ssyncset.done $0x0  }
0x80: {  	[sflag:s13] =	ssyncadd.s32 $0xFFFFFFB0  }
0x81: {  	_ =	swait.ge [sflag:s14], $0x50  }
0x82: {  	[sflag:s14] =	ssyncset.done $0x0  }
0x83: {  	[sflag:s14] =	ssyncadd.s32 $0xFFFFFFB0  }
0x84: {  	_ =	swait.ge [sflag:s15], $0x50  }
0x85: {  	[sflag:s15] =	ssyncset.done $0x0  }
0x86: {  	[sflag:s15] =	ssyncadd.s32 $0xFFFFFFB0  }
0x87: {  	_ =	swait.ge [sflag:s16], $0x50  }
0x88: {  	[sflag:s16] =	ssyncset.done $0x0  }
0x89: {  	[sflag:s16] =	ssyncadd.s32 $0xFFFFFFB0  }
0x8a: {  	_ =	swait.ge [sflag:s17], $0x50  }
0x8b: {  	[sflag:s17] =	ssyncset.done $0x0  }
0x8c: {  	[sflag:s17] =	ssyncadd.s32 $0xFFFFFFB0  }
0x8d: {  	[bflag:$0x0] =	sbarrier.arrive $0xFFFF  }
0x8e: {  	[tilespmem:s8], [sflag:$0x6] =	stream.linear.gather [spmem:s4], $0x280, $0x38;
	[tilespmem:$0x2C60] =	vst v63  }
0x8f: {  	s18 =	sadd.s32 $0x1, s18;
	_ =	swait.ge [sflag:s9], $0x280  }
0x90: {  	p0 =	sne.s32 s18, s7;
	[sflag:s9] =	ssyncset.done $0x0  }
.Ltmp1:
0x91: {  	[sflag:s9] =	ssyncadd.s32 $0xFFFFFD80;
	(pc) =	sbr.rel @p0 .LBB2_1-.Ltmp1, $4  }
0x92: {  	[hbm4b:s6+s3] =	stream.linear.scatter [tilespmem:s8], [sflag:$0x6], $0x280, $0x38;
	[tilespmem:$0x2C60] =	vst v63  }
0x93: {  	_ =	swait.ge [sflag:s9], $0x280  }
0x94: {  	[sflag:s9] =	ssyncset.done $0x0  }
0x95: {  	[sflag:s9] =	ssyncadd.s32 $0xFFFFFD80  }
0x96: {  	_ =	sfence.sel $0x180000  }
0x97: {  	[bflag:$0x0] =	sbarrier.arrive $0xFFFF  }
0x98: {  	p0 =	sne.s32 s1, $0x0;
	_ =	strace $0x90000047  }
0x99: {  	s0 =	sadd.s32 @!p0 $0x100000, s0;
	[bflag:$0x2] =	sbarrier.arrive $0xFFFF  }
0x9a: {  	[sflag:s0] =	ssyncadd.tile.s32 @!p0 $0x1;
	_ =	shalt  }
.Lfunc_end2:
_tile_overlayer_lowered:
.L_overlay_start_2:
0x9b: {  	(tag) =	ssettag $0x2  }
0x9c: {  	s0 =	rddreg [dreg:$0x0];
	s2 =	stileid.u32  }
0x9d: {  	s1 =	rddreg [dreg:$0x1];
	p0 =	sne.s32 s2, $0x0  }
0x9e: {  	s3 =	rddreg [dreg:$0x2];
	[bflag:$0x3] =	sbarrier.arrive $0xFFFF;
	s2 =	simm.s32 @!p0 $0x1C06  }
0x9f: {  	[timem:s3], [sflag:s2] =	dma.local @!p0 [hbm:s0], s1  }
0xa0: {  	s0 =	simm.s32 @!p0 $0x6  }
0xa1: {  	_ =	swait.ge @!p0 [sflag:s0], s1  }
0xa2: {  	s1 =	ssub.s32 @!p0 $0x0, s1;
	[sflag:s0] =	ssyncset.done @!p0 $0x0  }
0xa3: {  	[sflag:s0] =	ssyncadd.s32 @!p0 s1  }
0xa4: {  	[bflag:$0x3] =	sbarrier.arrive $0xFFFF  }
0xa5: {  	_ =	shalt  }

// kernel: kernel.13.cloned.1.call-start
scs
__scs_entry_jumppad:
0x0: {  	(pc) =	sbr.rel $0x88, $3  }
0x1: {  	(tag) =	ssettag $0x0;
	lr =	simm.s32 $0x1  }
0x2: {  	[smem:$0x3F97] =	sst lr;
	_ =	strace $0xD0000000  }
0x3: {  	_ = 	snop  }
0x4: {  	_ = 	snop  }
0x5: {  	_ = 	snop  }
0x6: {  	_ = 	snop  }
0x7: {  	_ = 	snop  }
__scs_overlays_trampoline_lowered:
0x8: {  	[smem:$0x3FA6] =	sst s0  }
0x9: {  	[smem:$0x3FA7] =	sst s1  }
0xa: {  	[smem:$0x3FA8] =	sst s2  }
0xb: {  	[smem:$0x3FA9] =	sst s3  }
0xc: {  	[smem:$0x3FAA] =	sst s4  }
0xd: {  	[smem:$0x3FAB] =	sst s5  }
0xe: {  	[smem:$0x3FAC] =	sst s6  }
0xf: {  	[smem:$0x3FAD] =	sst s7  }
0x10: {  	[smem:$0x3FAE] =	sst s8  }
0x11: {  	[smem:$0x3FAF] =	sst s9;
	s0 =	simm.s32 @!p0 $0x0  }
0x12: {  	s1 =	sld [smem:$0x3F95];
	s0 =	simm.s32 @p0 $0x1  }
0x13: {  	[smem:$0x3FB0] =	sst s0;
	s0 =	simm.s32 @!p1 $0x0  }
0x14: {  	s2 =	sld [smem:$0x3F94];
	s0 =	simm.s32 @p1 $0x1  }
0x15: {  	[smem:$0x3FB1] =	sst s0;
	s0 =	simm.s32 @!p2 $0x0  }
0x16: {  	s3 =	sld [smem:$0x3FDB];
	s0 =	simm.s32 @p2 $0x1  }
0x17: {  	s4 =	simm.s32 $0x1BF5;
	[smem:$0x3FB3] =	sst s0  }
0x18: {  	s0 =	sld [smem:$0x3F96];
	_ =	swait.ge [sflag:s4], $0x0  }
0x19: {  	s7 =	sld [smem:$0x3F97]  }
0x1a: {  	s8 =	sadd.s32 $0xFFFFE003, lr  }
0x1b: {  	s9 =	sadd.s32 $0xFFFFFEF7, lr;
	s5 =	simm.s32 $0xFFFFFFFF;
	p2 =	slt.u32 s8, $0xFFFFF086  }
0x1c: {  	p1 =	slt.u32 s9, $0xF7A;
	s5 =	simm.s32 @!p2 $0x0  }
0x1d: {  	s5 =	simm.s32 @p1 $0x1;
	p0 =	seq.s32 s7, s2  }
0x1e: {  	s7 =	smul.u32 @!p0 $0xF7A, s2;
	p2 =	seq.s32 @!p0 s5, $0x0  }
0x1f: {  	s9 =	smul.u32 $0xF7A, s1;
	s8 =	simm.s32 @!p0 $0x1BF5;
	p2 =	por !p2, p0  }
0x20: {  	[sflag:s8] =	ssyncset.s32 @!p0 $0xFFFFF086;
	s6 =	sadd.s32 @!p0 s3, s7;
	s7 =	simm.s32 @!p0 $0x108  }
0x21: {  	s3 =	sadd.s32 s3, s9;
	s6 =	sadd.s32 @!p0 $0x88, s6;
	s7 =	simm.s32 @p2 $0x1082  }
0x22: {  	[simem:s7], [sflag:s8] =	dma.local @!p0 [hbm:s6], $0xF7A  }
0x23: {  	s9 =	sor.u32 $0xD0000000, s2;
	s6 =	simm.s32 $0x108;
	_ =	swait.ge @!p0 [sflag:s8], $0x0  }
0x24: {  	s3 =	sadd.s32 $0x88, s3;
	s6 =	simm.s32 @!p1 $0x1082;
	[sflag:s4] =	ssyncset.s32 $0xFFFFF086  }
0x25: {  	[simem:s6], [sflag:s4] =	dma.local [hbm:s3], $0xF7A  }
0x26: {  	[smem:$0x3F97] =	sst s1;
	(tag) =	ssettag s2;
	_ =	strace s9  }
0x27: {  	s1 =	sld [smem:$0x3FA7]  }
0x28: {  	s2 =	sld [smem:$0x3FA8]  }
0x29: {  	s4 =	sld [smem:$0x3FAA]  }
0x2a: {  	p0 =	seq.s32 s5, $0x0;
	s5 =	sld [smem:$0x3FAB]  }
0x2b: {  	s6 =	sld [smem:$0x3FAC]  }
0x2c: {  	s7 =	sld [smem:$0x3FAD]  }
0x2d: {  	s3 =	simm.s32 $0x108;
	s8 =	sld [smem:$0x3FAE]  }
0x2e: {  	s3 =	simm.s32 @!p0 $0x1082;
	s9 =	sld [smem:$0x3FAF]  }
0x2f: {  	lr =	sadd.s32 s0, s3;
	s0 =	sld [smem:$0x3FA6]  }
0x30: {  	s3 =	sld [smem:$0x3FA9]  }
0x31: {  	[smem:$0x3FB2] =	sst s10  }
0x32: {  	s10 =	sld [smem:$0x3FB0];
	_ =	sdelay $0x3  }
0x33: {  	p0 =	seq.s32 s10, $0x1;
	s10 =	sld [smem:$0x3FB2];
	_ =	sdelay $0x3  }
0x34: {  	[smem:$0x3FB2] =	sst s10  }
0x35: {  	s10 =	sld [smem:$0x3FB1];
	_ =	sdelay $0x3  }
0x36: {  	p1 =	seq.s32 s10, $0x1;
	s10 =	sld [smem:$0x3FB2];
	_ =	sdelay $0x3  }
0x37: {  	[smem:$0x3FB2] =	sst s10  }
0x38: {  	s10 =	sld [smem:$0x3FB3]  }
0x39: {  	_ = 	snop;
	(pc) =	sbr.ind lr, $3  }
0x3a: {  	_ = 	snop  }
0x3b: {  	_ = 	snop  }
0x3c: {  	p2 =	seq.s32 s10, $0x1;
	s10 =	sld [smem:$0x3FB2]  }
0x3d: {  	_ =	shalt  }
0x3e: {  	_ =	shalt  }
0x3f: {  	_ =	shalt  }
0x40: {  	_ =	shalt  }
0x41: {  	_ =	shalt  }
0x42: {  	_ =	shalt  }
0x43: {  	_ =	shalt  }
0x44: {  	_ =	shalt  }
0x45: {  	_ =	shalt  }
0x46: {  	_ =	shalt  }
0x47: {  	_ =	shalt  }
0x48: {  	_ =	shalt  }
0x49: {  	_ =	shalt  }
0x4a: {  	_ =	shalt  }
0x4b: {  	_ =	shalt  }
0x4c: {  	_ =	shalt  }
0x4d: {  	_ =	shalt  }
0x4e: {  	_ =	shalt  }
0x4f: {  	_ =	shalt  }
0x50: {  	_ =	shalt  }
0x51: {  	_ =	shalt  }
0x52: {  	_ =	shalt  }
0x53: {  	_ =	shalt  }
0x54: {  	_ =	shalt  }
0x55: {  	_ =	shalt  }
0x56: {  	_ =	shalt  }
0x57: {  	_ =	shalt  }
0x58: {  	_ =	shalt  }
0x59: {  	_ =	shalt  }
0x5a: {  	_ =	shalt  }
0x5b: {  	_ =	shalt  }
0x5c: {  	_ =	shalt  }
0x5d: {  	_ =	shalt  }
0x5e: {  	_ =	shalt  }
0x5f: {  	_ =	shalt  }
0x60: {  	_ =	shalt  }
0x61: {  	_ =	shalt  }
0x62: {  	_ =	shalt  }
0x63: {  	_ =	shalt  }
0x64: {  	_ =	shalt  }
0x65: {  	_ =	shalt  }
0x66: {  	_ =	shalt  }
0x67: {  	_ =	shalt  }
0x68: {  	_ =	shalt  }
0x69: {  	_ =	shalt  }
0x6a: {  	_ =	shalt  }
0x6b: {  	_ =	shalt  }
0x6c: {  	_ =	shalt  }
0x6d: {  	_ =	shalt  }
0x6e: {  	_ =	shalt  }
0x6f: {  	_ =	shalt  }
0x70: {  	_ =	shalt  }
0x71: {  	_ =	shalt  }
0x72: {  	_ =	shalt  }
0x73: {  	_ =	shalt  }
0x74: {  	_ =	shalt  }
0x75: {  	_ =	shalt  }
0x76: {  	_ =	shalt  }
0x77: {  	_ =	shalt  }
0x78: {  	_ =	shalt  }
0x79: {  	_ =	shalt  }
0x7a: {  	_ =	shalt  }
0x7b: {  	_ =	shalt  }
0x7c: {  	_ =	shalt  }
0x7d: {  	_ =	shalt  }
0x7e: {  	_ =	shalt  }
0x7f: {  	_ =	shalt  }
0x80: {  	_ =	shalt  }
0x81: {  	_ =	shalt  }
0x82: {  	_ =	shalt  }
0x83: {  	_ =	shalt  }
0x84: {  	_ =	shalt  }
0x85: {  	_ =	shalt  }
0x86: {  	_ =	shalt  }
0x87: {  	_ =	shalt  }
.Lfunc_end0:
.L_simem_size_0:
called_computation.1_lowered:
.L_overlay_start_0:
0x88: {  	s2 =	sld [smem:$0x3FD9]  }
0x89: {  	s3 =	sld [smem:$0x3FFE];
	_ =	sdelay $0x1  }
0x8a: {  	s1 =	srdreg.scid  }
0x8b: {  	s0 =	sand.u32 $0x1, s1  }
0x8c: {  	s16 =	sshll.u32 s0, $0xA;
	s2 =	sadd.s32 s3, s2  }
0x8d: {  	s2 =	sadd.s32 s2, s16  }
0x8e: {  	[smem:$0x3FBE] =	sst s2  }
0x8f: {  	_ = 	snop  }
0x90: {  	(tm) =	ssettm $0x1  }
0x91: {  	s17 =	sld [smem:$0x3FFB];
	_ =	sdelay $0x3  }
0x92: {  	_ =	strace s17  }
0x93: {  	s2 =	sld [smem:$0x3FFC];
	_ =	sdelay $0x3  }
0x94: {  	_ =	strace s2  }
0x95: {  	s2 =	sld [smem:$0x3FFD];
	_ =	sdelay $0x3  }
0x96: {  	_ =	strace s2  }
0x97: {  	_ =	strace $0x8FFFFFFF  }
0x98: {  	s18 =	sld [smem:$0x3FDB];
	_ =	sdelay $0x1  }
0x99: {  	s19 =	simm.s32 $_scs_section_size  }
0x9a: {  	s4 =	simm.s32 $_size__tile_overlayer_lowered;
	s5 =	simm.s32 $_tile_overlayer_lowered  }
0x9b: {  	s22 =	simm.s32 $0x1BFF;
	s21 =	sshll.u32 s5, $0x1;
	s2 =	sadd.s32 s19, s18  }
0x9c: {  	s6 =	simm.s32 $0x0;
	s20 =	sshll.u32 s4, $0x1;
	s4 =	sadd.s32 s21, s2  }
0x9d: {  	[timem:s6], [sflag:s22] =	dma.local [hbm:s4], s20  }
0x9e: {  	_ =	swait.ge [sflag:s22], s20  }
0x9f: {  	s3 =	ssub.s32 $0x0, s20;
	[sflag:s22] =	ssyncset.done $0x0  }
0xa0: {  	[sflag:s22] =	ssyncadd.s32 s3;
	_ =	sdelay $0x1  }
0xa1: {  	s23 =	simm.s32 $0x1B8B  }
0xa2: {  	_ =	swait.ge [sflag:s23], $0x1  }
0xa3: {  	[sflag:s23] =	ssyncset.done $0x0  }
0xa4: {  	s25 =	simm.s32 $0x1B8E;
	s24 =	sld [smem:$0x3FFE];
	[sflag:s23] =	ssyncadd.s32 $0xFFFFFFFF  }
0xa5: {  	s26 =	simm.s32 $execute0_lowered;
	[smem:$0x3FD2] =	sst s25  }
0xa6: {  	s4 =	sshll.u32 s26, $0x1;
	_ =	strace $0x80000049;
	[dreg:$0x1] =	wrdreg $0xFFFFFFFF  }
0xa7: {  	s28 =	simm.s32 $_size_execute0_lowered;
	s2 =	sadd.s32 s2, s4;
	[dreg:$0x0] =	wrdreg $0x0  }
0xa8: {  	s4 =	sshll.u32 s28, $0x1;
	[dreg:$0x2] =	wrdreg s2  }
0xa9: {  	[dreg:$0x3] =	wrdreg s4  }
0xaa: {  	[dreg:$0x4] =	wrdreg $0xC0  }
0xab: {  	_ =	task [dreg:s6], $0x5FFFF  }
0xac: {  	[dreg:$0x1] =	wrdreg $0xFFFFFFFF  }
0xad: {  	[dreg:$0x0] =	wrdreg $0x60  }
0xae: {  	[dreg:$0x2] =	wrdreg s24  }
0xaf: {  	[dreg:$0x3] =	wrdreg $0x0  }
0xb0: {  	[dreg:$0x4] =	wrdreg $0x9  }
0xb1: {  	_ =	task.clear_ibuf [dreg:s6], $0x5FFFF;
	_ =	strace $0x90000049  }
0xb2: {  	s29 =	simm.s32 $0x9;
	_ =	strace $0x8000004B  }
0xb3: {  	_ =	swait.ge [sflag:s29], $0x1  }
0xb4: {  	[sflag:s29] =	ssyncadd.s32 $0xFFFFFFFF  }
0xb5: {  	_ =	strace $0x9000004B  }
0xb6: {  	_ =	sfence  }
0xb7: {  	s30 =	sld [smem:$0x0];
	_ =	sdelay $0x2  }
0xb8: {  	s31 =	sshll.u32 s1, $0xD;
	s1 =	sshrl.u32 s1, $0x2  }
0xb9: {  	s3 =	sand.u32 $0x4000, s31;
	s1 =	sadd.s32 s1, s30  }
0xba: {  	s0 =	sor.u32 s3, s0;
	s1 =	sshll.u32 s1, $0x11  }
0xbb: {  	s0 =	sor.u32 s1, s0  }
0xbc: {  	s0 =	sadd.s32 $0x8F2B, s0  }
0xbd: {  	[sflag:s0] =	ssyncadd.remote.s32 $0x1  }
0xbe: {  	_ =	sfence.sel $0xFFFF  }
0xbf: {  	[dreg:$0x0] =	wrdreg $0xFFFFFFFF;
	(pc) =	sbr.abs _section_cstart, $3  }
0xc0: {  	[dreg:$0x1] =	wrdreg $0xFFFFFFFF  }
0xc1: {  	_ =	task.clear_ibuf [dreg:s6], $0x2FFFF;
	_ =	strace $0x9FFFFFFF  }
0xc2: {  	(tm) =	ssettm $0x7FFFFFFF  }
0xc3: {  	_ =	shalt  }
tec
execute0_lowered:
.L_overlay_start_1:
0x0: {  	(tag) =	ssettag $0x1  }
0x1: {  	s0 =	rddreg [dreg:$0x0];
	s1 =	srdreg.scid  }
0x2: {  	s2 =	rddreg [dreg:$0x1];
	s4 =	stileid.u32;
	s6 =	simm.s32 $0x0  }
0x3: {  	s10 =	simm.s32 $0xD020;
	s11 =	simm.s32 $0xB;
	s12 =	simm.s32 $0x5000  }
0x4: {  	s14 =	simm.s32 $0x50;
	s15 =	simm.s32 $0x9E20;
	s17 =	simm.s32 $0xA820  }
0x5: {  	s19 =	simm.s32 $0xB220;
	s21 =	simm.s32 $0xBC20;
	s23 =	simm.s32 $0xC620  }
0x6: {  	s28 =	simm.s32 $0x4;
	s29 =	simm.s32 $0x5;
	s30 =	simm.s32 $0x6  }
0x7: {  	s31 =	simm.s32 $0x7;
	s22 =	simm.s32 $0x9DD0;
	s13 =	simm.s32 $0x0  }
0x8: {  	s1 =	sand.u32 $0x1, s1;
	s5 =	smul.u32 $0x5000, s4;
	[smem:$0x7FF] =	sst s6  }
0x9: {  	s3 =	sshll.u32 s1, $0x4;
	s24 =	smul.u32 $0x50000, s1;
	s1 =	ssub.s32 $0x2, s1  }
0xa: {  	_ =	strace $0x8000004A;
	s3 =	sor.u32 s4, s3;
	s26 =	sshrl.u32 s1, $0x1  }
0xb: {  	s3 =	smul.u32 $0x4E2, s3;
	s4 =	sadd.s32 s5, s24;
	s1 =	ssub.s32 s1, s26  }
0xc: {  	s5 =	sadd.s32 s5, s2;
	s24 =	simm.s32 $0x1;
	s26 =	simm.s32 $0x3  }
0xd: {  	s25 =	sshrl.u32 s4, $0x3;
	s4 =	sadd.s32 $0x15A00, s0;
	s9 =	smax.u32 s1, $0x1  }
0xe: {  	s1 =	simm.s32 $0x9;
	s3 =	sadd.s32 s3, s0;
	s0 =	sadd.s32 s25, s0  }
0xf: {  	s25 =	simm.s32 $0x2;
	s6 =	sadd.s32 $0xBC00, s3;
	s7 =	sadd.s32 $0x1E00, s3  }
0x10: {  	v0 =	vimm.f32 $0.0e+00;
	s8 =	sadd.s32 $0x1FA00, s0;
	s0 =	simm.s32 $0x8;
	s3 =	simm.s32 $0xA  }
.LBB2_1:
0x11: {  	s16 =	simm.s32 $0x80;
	s18 =	simm.s32 $0x0  }
.LBB2_2:
0x12: {  	p0 =	sne.s32 s16, $0x13F80;
	[tilespmem:s18+$0xD020] =	vst v0;
	s20 =	smov.u32 s16;
	s16 =	sadd.s32 $0x80, s16  }
.Ltmp0:
0x13: {  	[tilespmem:s18+$0xD030] =	vst v0;
	(pc) =	sbr.rel @p0 .LBB2_2-.Ltmp0, $2  }
0x14: {  	_ =	sdelay $0x2  }
0x15: {  	s18 =	sshra.s32 s20, $0x2  }
0x16: {  	[tilespmem:s18+$0xD020] =	vst v0  }
0x17: {  	[tilespmem:s18+$0xD030] =	vst v0  }
0x18: {  	[spmem:s5] =	stream.linear.scatter [tilespmem:s10], [sflag:$0xB], $0x5000, $0x38;
	[tilespmem:$0x12020] =	vst v63  }
0x19: {  	_ =	swait.ge [sflag:s11], $0x5000  }
0x1a: {  	[sflag:s11] =	ssyncset.done $0x0  }
0x1b: {  	[sflag:s11] =	ssyncadd.s32 $0xFFFFB000  }
0x1c: {  	s16 =	simm.s32 $0x0;
	[bflag:$0x0] =	sbarrier.arrive $0xFFFF  }
0x1d: {  	[tilespmem:s12], [sflag:$0xB] =	stream.linear.gather [hbm4b:s6+s16], $0x2710, $0x38;
	[tilespmem:$0x12020] =	vst v63  }
0x1e: {  	_ =	swait.ge [sflag:s11], $0x2710  }
0x1f: {  	[sflag:s11] =	ssyncset.done $0x0  }
0x20: {  	s20 =	simm.s32 $0x7710;
	[sflag:s11] =	ssyncadd.s32 $0xFFFFD8F0  }
0x21: {  	[tilespmem:s20], [sflag:$0xB] =	stream.linear.gather [hbm4b:s7+s16], $0x2710, $0x38;
	[tilespmem:$0x12020] =	vst v63  }
0x22: {  	_ =	swait.ge [sflag:s11], $0x2710  }
0x23: {  	[sflag:s11] =	ssyncset.done $0x0  }
0x24: {  	[sflag:s11] =	ssyncadd.s32 $0xFFFFD8F0  }
0x25: {  	[tilespmem:s15], [sflag:$0x1] =	stream.indirect.gather [hbm4b:s4+s14], $0x20, s12, s14, $0xb8;
	[tilespmem:$0x12020] =	vst v63  }
0x26: {  	s20 =	simm.s32 $0x5050  }
0x27: {  	[tilespmem:s17], [sflag:$0x2] =	stream.indirect.gather [hbm4b:s4+s14], $0x20, s20, s14, $0xb8;
	[tilespmem:$0x12020] =	vst v63  }
0x28: {  	s18 =	simm.s32 $0x50A0  }
0x29: {  	[tilespmem:s19], [sflag:$0x3] =	stream.indirect.gather [hbm4b:s4+s14], $0x20, s18, s14, $0xb8;
	[tilespmem:$0x12020] =	vst v63  }
0x2a: {  	s20 =	simm.s32 $0x50F0  }
0x2b: {  	[tilespmem:s21], [sflag:$0x4] =	stream.indirect.gather [hbm4b:s4+s14], $0x20, s20, s14, $0xb8;
	[tilespmem:$0x12020] =	vst v63  }
0x2c: {  	s18 =	simm.s32 $0x5140  }
0x2d: {  	[tilespmem:s23], [sflag:$0x5] =	stream.indirect.gather [hbm4b:s4+s14], $0x20, s18, s14, $0xb8;
	[tilespmem:$0x12020] =	vst v63  }
0x2e: {  	_ =	swait.ge [sflag:s24], $0xA00  }
0x2f: {  	[sflag:s24] =	ssyncset.done $0x0  }
0x30: {  	s20 =	simm.s32 $0x7710;
	[sflag:s24] =	ssyncadd.s32 $0xFFFFF600  }
0x31: {  	[spmem:s2] =	stream.indirect.scatter.add.f32 [tilespmem:s15], [sflag:$0x6], $0x20, s20, s14, $0xb8;
	[tilespmem:$0x12020] =	vst v63  }
0x32: {  	_ =	swait.ge [sflag:s25], $0xA00  }
0x33: {  	[sflag:s25] =	ssyncset.done $0x0  }
0x34: {  	s18 =	simm.s32 $0x7760;
	[sflag:s25] =	ssyncadd.s32 $0xFFFFF600  }
0x35: {  	[spmem:s2] =	stream.indirect.scatter.add.f32 [tilespmem:s17], [sflag:$0x7], $0x20, s18, s14, $0xb8;
	[tilespmem:$0x12020] =	vst v63  }
0x36: {  	_ =	swait.ge [sflag:s26], $0xA00  }
0x37: {  	[sflag:s26] =	ssyncset.done $0x0  }
0x38: {  	s20 =	simm.s32 $0x77B0;
	[sflag:s26] =	ssyncadd.s32 $0xFFFFF600  }
0x39: {  	[spmem:s2] =	stream.indirect.scatter.add.f32 [tilespmem:s19], [sflag:$0x8], $0x20, s20, s14, $0xb8;
	[tilespmem:$0x12020] =	vst v63  }
0x3a: {  	_ =	swait.ge [sflag:s28], $0xA00  }
0x3b: {  	[sflag:s28] =	ssyncset.done $0x0  }
0x3c: {  	s18 =	simm.s32 $0x7800;
	[sflag:s28] =	ssyncadd.s32 $0xFFFFF600  }
0x3d: {  	[spmem:s2] =	stream.indirect.scatter.add.f32 [tilespmem:s21], [sflag:$0x9], $0x20, s18, s14, $0xb8;
	[tilespmem:$0x12020] =	vst v63  }
0x3e: {  	_ =	swait.ge [sflag:s29], $0xA00  }
0x3f: {  	[sflag:s29] =	ssyncset.done $0x0  }
0x40: {  	s20 =	simm.s32 $0x7850;
	[sflag:s29] =	ssyncadd.s32 $0xFFFFF600  }
0x41: {  	[spmem:s2] =	stream.indirect.scatter.add.f32 [tilespmem:s23], [sflag:$0xA], $0x20, s20, s14, $0xb8;
	[tilespmem:$0x12020] =	vst v63  }
0x42: {  	_ =	swait.ge [sflag:s30], $0xA00  }
0x43: {  	[sflag:s30] =	ssyncset.done $0x0  }
0x44: {  	s18 =	simm.s32 $0x5190;
	[sflag:s30] =	ssyncadd.s32 $0xFFFFF600  }
0x45: {  	[tilespmem:s15], [sflag:$0x1] =	stream.indirect.gather [hbm4b:s4+s14], $0x20, s18, s14, $0xb8;
	[tilespmem:$0x12020] =	vst v63  }
0x46: {  	_ =	swait.ge [sflag:s31], $0xA00  }
0x47: {  	[sflag:s31] =	ssyncset.done $0x0  }
0x48: {  	s20 =	simm.s32 $0x51E0;
	[sflag:s31] =	ssyncadd.s32 $0xFFFFF600  }
0x49: {  	[tilespmem:s17], [sflag:$0x2] =	stream.indirect.gather [hbm4b:s4+s14], $0x20, s20, s14, $0xb8;
	[tilespmem:$0x12020] =	vst v63  }
0x4a: {  	_ =	swait.ge [sflag:s0], $0xA00  }
0x4b: {  	[sflag:s0] =	ssyncset.done $0x0  }
0x4c: {  	s18 =	simm.s32 $0x5230;
	[sflag:s0] =	ssyncadd.s32 $0xFFFFF600  }
0x4d: {  	[tilespmem:s19], [sflag:$0x3] =	stream.indirect.gather [hbm4b:s4+s14], $0x20, s18, s14, $0xb8;
	[tilespmem:$0x12020] =	vst v63  }
0x4e: {  	_ =	swait.ge [sflag:s1], $0xA00  }
0x4f: {  	[sflag:s1] =	ssyncset.done $0x0  }
0x50: {  	s20 =	simm.s32 $0x5280;
	[sflag:s1] =	ssyncadd.s32 $0xFFFFF600  }
0x51: {  	[tilespmem:s21], [sflag:$0x4] =	stream.indirect.gather [hbm4b:s4+s14], $0x20, s20, s14, $0xb8;
	[tilespmem:$0x12020] =	vst v63  }
0x52: {  	_ =	swait.ge [sflag:s3], $0xA00  }
0x53: {  	[sflag:s3] =	ssyncset.done $0x0  }
0x54: {  	s16 =	simm.s32 $0x640;
	s18 =	simm.s32 $0x52D0;
	[sflag:s3] =	ssyncadd.s32 $0xFFFFF600  }
.LBB2_4:
0x55: {  	[tilespmem:s23], [sflag:$0x5] =	stream.indirect.gather [hbm4b:s4+s14], $0x20, s18, s14, $0xb8;
	[tilespmem:$0x12020] =	vst v63  }
0x56: {  	s18 =	smov.u32 s16  }
0x57: {  	p0 =	sne.s32 s16, $0x8FC0;
	s16 =	sadd.s32 $0x640, s16;
	_ =	swait.ge [sflag:s24], $0xA00  }
0x58: {  	s18 =	sshra.s32 s18, $0x2;
	[sflag:s24] =	ssyncset.done $0x0  }
0x59: {  	s20 =	sadd.s32 $0x7710, s18;
	[sflag:s24] =	ssyncadd.s32 $0xFFFFF600  }
0x5a: {  	[spmem:s2] =	stream.indirect.scatter.add.f32 [tilespmem:s15], [sflag:$0x6], $0x20, s20, s14, $0xb8;
	[tilespmem:$0x12020] =	vst v63  }
0x5b: {  	_ =	swait.ge [sflag:s25], $0xA00  }
0x5c: {  	[sflag:s25] =	ssyncset.done $0x0  }
0x5d: {  	s20 =	sadd.s32 $0x7760, s18;
	[sflag:s25] =	ssyncadd.s32 $0xFFFFF600  }
0x5e: {  	[spmem:s2] =	stream.indirect.scatter.add.f32 [tilespmem:s17], [sflag:$0x7], $0x20, s20, s14, $0xb8;
	[tilespmem:$0x12020] =	vst v63  }
0x5f: {  	_ =	swait.ge [sflag:s26], $0xA00  }
0x60: {  	[sflag:s26] =	ssyncset.done $0x0  }
0x61: {  	s20 =	sadd.s32 $0x77B0, s18;
	[sflag:s26] =	ssyncadd.s32 $0xFFFFF600  }
0x62: {  	[spmem:s2] =	stream.indirect.scatter.add.f32 [tilespmem:s19], [sflag:$0x8], $0x20, s20, s14, $0xb8;
	[tilespmem:$0x12020] =	vst v63  }
0x63: {  	_ =	swait.ge [sflag:s28], $0xA00  }
0x64: {  	[sflag:s28] =	ssyncset.done $0x0  }
0x65: {  	s20 =	sadd.s32 $0x7800, s18;
	[sflag:s28] =	ssyncadd.s32 $0xFFFFF600  }
0x66: {  	[spmem:s2] =	stream.indirect.scatter.add.f32 [tilespmem:s21], [sflag:$0x9], $0x20, s20, s14, $0xb8;
	[tilespmem:$0x12020] =	vst v63  }
0x67: {  	_ =	swait.ge [sflag:s29], $0xA00  }
0x68: {  	[sflag:s29] =	ssyncset.done $0x0  }
0x69: {  	s20 =	sadd.s32 $0x7850, s18;
	[sflag:s29] =	ssyncadd.s32 $0xFFFFF600  }
0x6a: {  	[spmem:s2] =	stream.indirect.scatter.add.f32 [tilespmem:s23], [sflag:$0xA], $0x20, s20, s14, $0xb8;
	[tilespmem:$0x12020] =	vst v63  }
0x6b: {  	_ =	swait.ge [sflag:s30], $0xA00  }
0x6c: {  	[sflag:s30] =	ssyncset.done $0x0  }
0x6d: {  	s20 =	sadd.s32 $0x5190, s18;
	[sflag:s30] =	ssyncadd.s32 $0xFFFFF600  }
0x6e: {  	[tilespmem:s15], [sflag:$0x1] =	stream.indirect.gather [hbm4b:s4+s14], $0x20, s20, s14, $0xb8;
	[tilespmem:$0x12020] =	vst v63  }
0x6f: {  	_ =	swait.ge [sflag:s31], $0xA00  }
0x70: {  	[sflag:s31] =	ssyncset.done $0x0  }
0x71: {  	s20 =	sadd.s32 $0x51E0, s18;
	[sflag:s31] =	ssyncadd.s32 $0xFFFFF600  }
0x72: {  	[tilespmem:s17], [sflag:$0x2] =	stream.indirect.gather [hbm4b:s4+s14], $0x20, s20, s14, $0xb8;
	[tilespmem:$0x12020] =	vst v63  }
0x73: {  	_ =	swait.ge [sflag:s0], $0xA00  }
0x74: {  	[sflag:s0] =	ssyncset.done $0x0  }
0x75: {  	s20 =	sadd.s32 $0x5230, s18;
	[sflag:s0] =	ssyncadd.s32 $0xFFFFF600  }
0x76: {  	[tilespmem:s19], [sflag:$0x3] =	stream.indirect.gather [hbm4b:s4+s14], $0x20, s20, s14, $0xb8;
	[tilespmem:$0x12020] =	vst v63  }
0x77: {  	_ =	swait.ge [sflag:s1], $0xA00  }
0x78: {  	[sflag:s1] =	ssyncset.done $0x0  }
.Ltmp1:
0x79: {  	s20 =	sadd.s32 $0x5280, s18;
	[sflag:s1] =	ssyncadd.s32 $0xFFFFF600;
	(pc) =	sbr.rel @p0 .LBB2_4-.Ltmp1, $4  }
0x7a: {  	[tilespmem:s21], [sflag:$0x4] =	stream.indirect.gather [hbm4b:s4+s14], $0x20, s20, s14, $0xb8;
	[tilespmem:$0x12020] =	vst v63  }
0x7b: {  	_ =	swait.ge [sflag:s3], $0xA00  }
0x7c: {  	[sflag:s3] =	ssyncset.done $0x0  }
0x7d: {  	s18 =	sadd.s32 $0x52D0, s18;
	[sflag:s3] =	ssyncadd.s32 $0xFFFFF600  }
0x7e: {  	[tilespmem:s23], [sflag:$0x5] =	stream.indirect.gather [hbm4b:s4+s14], $0x20, s18, s14, $0xb8;
	[tilespmem:$0x12020] =	vst v63  }
0x7f: {  	_ =	swait.ge [sflag:s24], $0xA00  }
0x80: {  	[sflag:s24] =	ssyncset.done $0x0  }
0x81: {  	s16 =	simm.s32 $0x9C90;
	[sflag:s24] =	ssyncadd.s32 $0xFFFFF600  }
0x82: {  	[spmem:s2] =	stream.indirect.scatter.add.f32 [tilespmem:s15], [sflag:$0x6], $0x20, s16, s14, $0xb8;
	[tilespmem:$0x12020] =	vst v63  }
0x83: {  	_ =	swait.ge [sflag:s25], $0xA00  }
0x84: {  	[sflag:s25] =	ssyncset.done $0x0  }
0x85: {  	s18 =	simm.s32 $0x9CE0;
	[sflag:s25] =	ssyncadd.s32 $0xFFFFF600  }
0x86: {  	[spmem:s2] =	stream.indirect.scatter.add.f32 [tilespmem:s17], [sflag:$0x7], $0x20, s18, s14, $0xb8;
	[tilespmem:$0x12020] =	vst v63  }
0x87: {  	_ =	swait.ge [sflag:s26], $0xA00  }
0x88: {  	[sflag:s26] =	ssyncset.done $0x0  }
0x89: {  	s20 =	simm.s32 $0x9D30;
	[sflag:s26] =	ssyncadd.s32 $0xFFFFF600  }
0x8a: {  	[spmem:s2] =	stream.indirect.scatter.add.f32 [tilespmem:s19], [sflag:$0x8], $0x20, s20, s14, $0xb8;
	[tilespmem:$0x12020] =	vst v63  }
0x8b: {  	_ =	swait.ge [sflag:s28], $0xA00  }
0x8c: {  	[sflag:s28] =	ssyncset.done $0x0  }
0x8d: {  	s18 =	simm.s32 $0x9D80;
	[sflag:s28] =	ssyncadd.s32 $0xFFFFF600  }
0x8e: {  	[spmem:s2] =	stream.indirect.scatter.add.f32 [tilespmem:s21], [sflag:$0x9], $0x20, s18, s14, $0xb8;
	[tilespmem:$0x12020] =	vst v63  }
0x8f: {  	_ =	swait.ge [sflag:s29], $0xA00  }
0x90: {  	[sflag:s29] =	ssyncset.done $0x0  }
0x91: {  	[sflag:s29] =	ssyncadd.s32 $0xFFFFF600  }
0x92: {  	[spmem:s2] =	stream.indirect.scatter.add.f32 [tilespmem:s23], [sflag:$0xA], $0x20, s22, s14, $0xb8;
	[tilespmem:$0x12020] =	vst v63  }
0x93: {  	_ =	swait.ge [sflag:s30], $0xA00  }
0x94: {  	[sflag:s30] =	ssyncset.done $0x0  }
0x95: {  	[sflag:s30] =	ssyncadd.s32 $0xFFFFF600  }
0x96: {  	_ =	swait.ge [sflag:s31], $0xA00  }
0x97: {  	[sflag:s31] =	ssyncset.done $0x0  }
0x98: {  	[sflag:s31] =	ssyncadd.s32 $0xFFFFF600  }
0x99: {  	_ =	swait.ge [sflag:s0], $0xA00  }
0x9a: {  	[sflag:s0] =	ssyncset.done $0x0  }
0x9b: {  	[sflag:s0] =	ssyncadd.s32 $0xFFFFF600  }
0x9c: {  	_ =	swait.ge [sflag:s1], $0xA00  }
0x9d: {  	[sflag:s1] =	ssyncset.done $0x0  }
0x9e: {  	[sflag:s1] =	ssyncadd.s32 $0xFFFFF600  }
0x9f: {  	_ =	swait.ge [sflag:s3], $0xA00  }
0xa0: {  	[sflag:s3] =	ssyncset.done $0x0  }
0xa1: {  	[sflag:s3] =	ssyncadd.s32 $0xFFFFF600  }
0xa2: {  	[bflag:$0x0] =	sbarrier.arrive $0xFFFF  }
0xa3: {  	[tilespmem:s10], [sflag:$0xB] =	stream.linear.gather [spmem:s5], $0x5000, $0x38;
	[tilespmem:$0x12020] =	vst v63  }
0xa4: {  	s13 =	sadd.s32 $0x1, s13;
	_ =	swait.ge [sflag:s11], $0x5000  }
0xa5: {  	p0 =	sne.s32 s13, s9;
	[sflag:s11] =	ssyncset.done $0x0  }
.Ltmp2:
0xa6: {  	s20 =	simm.s32 $0x0;
	[sflag:s11] =	ssyncadd.s32 $0xFFFFB000;
	(pc) =	sbr.rel @p0 .LBB2_1-.Ltmp2, $4  }
0xa7: {  	[hbm4b:s8+s20] =	stream.linear.scatter [tilespmem:s10], [sflag:$0xB], $0x5000, $0x38;
	[tilespmem:$0x12020] =	vst v63  }
0xa8: {  	_ =	swait.ge [sflag:s11], $0x5000  }
0xa9: {  	[sflag:s11] =	ssyncset.done $0x0  }
0xaa: {  	[sflag:s11] =	ssyncadd.s32 $0xFFFFB000  }
0xab: {  	_ =	sfence.sel $0x180000  }
0xac: {  	[bflag:$0x0] =	sbarrier.arrive $0xFFFF  }
0xad: {  	_ =	strace $0x9000004A  }
0xae: {  	s0 =	stileid.u32;
	[bflag:$0x2] =	sbarrier.arrive $0xFFFF  }
0xaf: {  	p0 =	sne.s32 s0, $0x0;
	s0 =	rddreg [dreg:$0x2]  }
0xb0: {  	s0 =	sadd.s32 @!p0 $0x100000, s0  }
0xb1: {  	[sflag:s0] =	ssyncadd.tile.s32 @!p0 $0x1;
	_ =	shalt  }
.Lfunc_end2:
_tile_overlayer_lowered:
.L_overlay_start_2:
0xb2: {  	(tag) =	ssettag $0x2  }
0xb3: {  	s0 =	rddreg [dreg:$0x0];
	s2 =	stileid.u32  }
0xb4: {  	s1 =	rddreg [dreg:$0x1];
	p0 =	sne.s32 s2, $0x0  }
0xb5: {  	s3 =	rddreg [dreg:$0x2];
	[bflag:$0x3] =	sbarrier.arrive $0xFFFF;
	s2 =	simm.s32 @!p0 $0x1C0B  }
0xb6: {  	[timem:s3], [sflag:s2] =	dma.local @!p0 [hbm:s0], s1  }
0xb7: {  	s0 =	simm.s32 @!p0 $0xB  }
0xb8: {  	_ =	swait.ge @!p0 [sflag:s0], s1  }
0xb9: {  	s1 =	ssub.s32 @!p0 $0x0, s1;
	[sflag:s0] =	ssyncset.done @!p0 $0x0  }
0xba: {  	[sflag:s0] =	ssyncadd.s32 @!p0 s1  }
0xbb: {  	[bflag:$0x3] =	sbarrier.arrive $0xFFFF  }
0xbc: {  	_ =	shalt  }

// kernel: kernel.16.cloned.1.call-start
scs
__scs_entry_jumppad:
0x0: {  	(pc) =	sbr.rel $0x88, $3  }
0x1: {  	(tag) =	ssettag $0x0;
	lr =	simm.s32 $0x1  }
0x2: {  	[smem:$0x3F97] =	sst lr;
	_ =	strace $0xD0000000  }
0x3: {  	_ = 	snop  }
0x4: {  	_ = 	snop  }
0x5: {  	_ = 	snop  }
0x6: {  	_ = 	snop  }
0x7: {  	_ = 	snop  }
__scs_overlays_trampoline_lowered:
0x8: {  	[smem:$0x3FA6] =	sst s0  }
0x9: {  	[smem:$0x3FA7] =	sst s1  }
0xa: {  	[smem:$0x3FA8] =	sst s2  }
0xb: {  	[smem:$0x3FA9] =	sst s3  }
0xc: {  	[smem:$0x3FAA] =	sst s4  }
0xd: {  	[smem:$0x3FAB] =	sst s5  }
0xe: {  	[smem:$0x3FAC] =	sst s6  }
0xf: {  	[smem:$0x3FAD] =	sst s7  }
0x10: {  	[smem:$0x3FAE] =	sst s8  }
0x11: {  	[smem:$0x3FAF] =	sst s9;
	s0 =	simm.s32 @!p0 $0x0  }
0x12: {  	s1 =	sld [smem:$0x3F95];
	s0 =	simm.s32 @p0 $0x1  }
0x13: {  	[smem:$0x3FB0] =	sst s0;
	s0 =	simm.s32 @!p1 $0x0  }
0x14: {  	s2 =	sld [smem:$0x3F94];
	s0 =	simm.s32 @p1 $0x1  }
0x15: {  	[smem:$0x3FB1] =	sst s0;
	s0 =	simm.s32 @!p2 $0x0  }
0x16: {  	s3 =	sld [smem:$0x3FDB];
	s0 =	simm.s32 @p2 $0x1  }
0x17: {  	s4 =	simm.s32 $0x1BF5;
	[smem:$0x3FB3] =	sst s0  }
0x18: {  	s0 =	sld [smem:$0x3F96];
	_ =	swait.ge [sflag:s4], $0x0  }
0x19: {  	s7 =	sld [smem:$0x3F97]  }
0x1a: {  	s8 =	sadd.s32 $0xFFFFE003, lr  }
0x1b: {  	s9 =	sadd.s32 $0xFFFFFEF7, lr;
	s5 =	simm.s32 $0xFFFFFFFF;
	p2 =	slt.u32 s8, $0xFFFFF086  }
0x1c: {  	p1 =	slt.u32 s9, $0xF7A;
	s5 =	simm.s32 @!p2 $0x0  }
0x1d: {  	s5 =	simm.s32 @p1 $0x1;
	p0 =	seq.s32 s7, s2  }
0x1e: {  	s7 =	smul.u32 @!p0 $0xF7A, s2;
	p2 =	seq.s32 @!p0 s5, $0x0  }
0x1f: {  	s9 =	smul.u32 $0xF7A, s1;
	s8 =	simm.s32 @!p0 $0x1BF5;
	p2 =	por !p2, p0  }
0x20: {  	[sflag:s8] =	ssyncset.s32 @!p0 $0xFFFFF086;
	s6 =	sadd.s32 @!p0 s3, s7;
	s7 =	simm.s32 @!p0 $0x108  }
0x21: {  	s3 =	sadd.s32 s3, s9;
	s6 =	sadd.s32 @!p0 $0x88, s6;
	s7 =	simm.s32 @p2 $0x1082  }
0x22: {  	[simem:s7], [sflag:s8] =	dma.local @!p0 [hbm:s6], $0xF7A  }
0x23: {  	s9 =	sor.u32 $0xD0000000, s2;
	s6 =	simm.s32 $0x108;
	_ =	swait.ge @!p0 [sflag:s8], $0x0  }
0x24: {  	s3 =	sadd.s32 $0x88, s3;
	s6 =	simm.s32 @!p1 $0x1082;
	[sflag:s4] =	ssyncset.s32 $0xFFFFF086  }
0x25: {  	[simem:s6], [sflag:s4] =	dma.local [hbm:s3], $0xF7A  }
0x26: {  	[smem:$0x3F97] =	sst s1;
	(tag) =	ssettag s2;
	_ =	strace s9  }
0x27: {  	s1 =	sld [smem:$0x3FA7]  }
0x28: {  	s2 =	sld [smem:$0x3FA8]  }
0x29: {  	s4 =	sld [smem:$0x3FAA]  }
0x2a: {  	p0 =	seq.s32 s5, $0x0;
	s5 =	sld [smem:$0x3FAB]  }
0x2b: {  	s6 =	sld [smem:$0x3FAC]  }
0x2c: {  	s7 =	sld [smem:$0x3FAD]  }
0x2d: {  	s3 =	simm.s32 $0x108;
	s8 =	sld [smem:$0x3FAE]  }
0x2e: {  	s3 =	simm.s32 @!p0 $0x1082;
	s9 =	sld [smem:$0x3FAF]  }
0x2f: {  	lr =	sadd.s32 s0, s3;
	s0 =	sld [smem:$0x3FA6]  }
0x30: {  	s3 =	sld [smem:$0x3FA9]  }
0x31: {  	[smem:$0x3FB2] =	sst s10  }
0x32: {  	s10 =	sld [smem:$0x3FB0];
	_ =	sdelay $0x3  }
0x33: {  	p0 =	seq.s32 s10, $0x1;
	s10 =	sld [smem:$0x3FB2];
	_ =	sdelay $0x3  }
0x34: {  	[smem:$0x3FB2] =	sst s10  }
0x35: {  	s10 =	sld [smem:$0x3FB1];
	_ =	sdelay $0x3  }
0x36: {  	p1 =	seq.s32 s10, $0x1;
	s10 =	sld [smem:$0x3FB2];
	_ =	sdelay $0x3  }
0x37: {  	[smem:$0x3FB2] =	sst s10  }
0x38: {  	s10 =	sld [smem:$0x3FB3]  }
0x39: {  	_ = 	snop;
	(pc) =	sbr.ind lr, $3  }
0x3a: {  	_ = 	snop  }
0x3b: {  	_ = 	snop  }
0x3c: {  	p2 =	seq.s32 s10, $0x1;
	s10 =	sld [smem:$0x3FB2]  }
0x3d: {  	_ =	shalt  }
0x3e: {  	_ =	shalt  }
0x3f: {  	_ =	shalt  }
0x40: {  	_ =	shalt  }
0x41: {  	_ =	shalt  }
0x42: {  	_ =	shalt  }
0x43: {  	_ =	shalt  }
0x44: {  	_ =	shalt  }
0x45: {  	_ =	shalt  }
0x46: {  	_ =	shalt  }
0x47: {  	_ =	shalt  }
0x48: {  	_ =	shalt  }
0x49: {  	_ =	shalt  }
0x4a: {  	_ =	shalt  }
0x4b: {  	_ =	shalt  }
0x4c: {  	_ =	shalt  }
0x4d: {  	_ =	shalt  }
0x4e: {  	_ =	shalt  }
0x4f: {  	_ =	shalt  }
0x50: {  	_ =	shalt  }
0x51: {  	_ =	shalt  }
0x52: {  	_ =	shalt  }
0x53: {  	_ =	shalt  }
0x54: {  	_ =	shalt  }
0x55: {  	_ =	shalt  }
0x56: {  	_ =	shalt  }
0x57: {  	_ =	shalt  }
0x58: {  	_ =	shalt  }
0x59: {  	_ =	shalt  }
0x5a: {  	_ =	shalt  }
0x5b: {  	_ =	shalt  }
0x5c: {  	_ =	shalt  }
0x5d: {  	_ =	shalt  }
0x5e: {  	_ =	shalt  }
0x5f: {  	_ =	shalt  }
0x60: {  	_ =	shalt  }
0x61: {  	_ =	shalt  }
0x62: {  	_ =	shalt  }
0x63: {  	_ =	shalt  }
0x64: {  	_ =	shalt  }
0x65: {  	_ =	shalt  }
0x66: {  	_ =	shalt  }
0x67: {  	_ =	shalt  }
0x68: {  	_ =	shalt  }
0x69: {  	_ =	shalt  }
0x6a: {  	_ =	shalt  }
0x6b: {  	_ =	shalt  }
0x6c: {  	_ =	shalt  }
0x6d: {  	_ =	shalt  }
0x6e: {  	_ =	shalt  }
0x6f: {  	_ =	shalt  }
0x70: {  	_ =	shalt  }
0x71: {  	_ =	shalt  }
0x72: {  	_ =	shalt  }
0x73: {  	_ =	shalt  }
0x74: {  	_ =	shalt  }
0x75: {  	_ =	shalt  }
0x76: {  	_ =	shalt  }
0x77: {  	_ =	shalt  }
0x78: {  	_ =	shalt  }
0x79: {  	_ =	shalt  }
0x7a: {  	_ =	shalt  }
0x7b: {  	_ =	shalt  }
0x7c: {  	_ =	shalt  }
0x7d: {  	_ =	shalt  }
0x7e: {  	_ =	shalt  }
0x7f: {  	_ =	shalt  }
0x80: {  	_ =	shalt  }
0x81: {  	_ =	shalt  }
0x82: {  	_ =	shalt  }
0x83: {  	_ =	shalt  }
0x84: {  	_ =	shalt  }
0x85: {  	_ =	shalt  }
0x86: {  	_ =	shalt  }
0x87: {  	_ =	shalt  }
.Lfunc_end0:
.L_simem_size_0:
called_computation.2_lowered:
.L_overlay_start_0:
0x88: {  	s2 =	sld [smem:$0x3FD9]  }
0x89: {  	s3 =	sld [smem:$0x3FFE];
	_ =	sdelay $0x1  }
0x8a: {  	s1 =	srdreg.scid  }
0x8b: {  	s0 =	sand.u32 $0x1, s1  }
0x8c: {  	s16 =	sshll.u32 s0, $0xA;
	s2 =	sadd.s32 s3, s2  }
0x8d: {  	s2 =	sadd.s32 s2, s16  }
0x8e: {  	[smem:$0x3FBE] =	sst s2  }
0x8f: {  	_ = 	snop  }
0x90: {  	(tm) =	ssettm $0x1  }
0x91: {  	s17 =	sld [smem:$0x3FFB];
	_ =	sdelay $0x3  }
0x92: {  	_ =	strace s17  }
0x93: {  	s2 =	sld [smem:$0x3FFC];
	_ =	sdelay $0x3  }
0x94: {  	_ =	strace s2  }
0x95: {  	s2 =	sld [smem:$0x3FFD];
	_ =	sdelay $0x3  }
0x96: {  	_ =	strace s2  }
0x97: {  	_ =	strace $0x8FFFFFFF  }
0x98: {  	s18 =	sld [smem:$0x3FDB];
	_ =	sdelay $0x1  }
0x99: {  	s19 =	simm.s32 $_scs_section_size  }
0x9a: {  	s4 =	simm.s32 $_size__tile_overlayer_lowered;
	s5 =	simm.s32 $_tile_overlayer_lowered  }
0x9b: {  	s22 =	simm.s32 $0x1BFF;
	s21 =	sshll.u32 s5, $0x1;
	s2 =	sadd.s32 s19, s18  }
0x9c: {  	s6 =	simm.s32 $0x0;
	s20 =	sshll.u32 s4, $0x1;
	s4 =	sadd.s32 s21, s2  }
0x9d: {  	[timem:s6], [sflag:s22] =	dma.local [hbm:s4], s20  }
0x9e: {  	_ =	swait.ge [sflag:s22], s20  }
0x9f: {  	s3 =	ssub.s32 $0x0, s20;
	[sflag:s22] =	ssyncset.done $0x0  }
0xa0: {  	[sflag:s22] =	ssyncadd.s32 s3;
	_ =	sdelay $0x1  }
0xa1: {  	s23 =	simm.s32 $0x1B8B  }
0xa2: {  	_ =	swait.ge [sflag:s23], $0x1  }
0xa3: {  	[sflag:s23] =	ssyncset.done $0x0  }
0xa4: {  	s25 =	simm.s32 $0x1B8E;
	s24 =	sld [smem:$0x3FFE];
	[sflag:s23] =	ssyncadd.s32 $0xFFFFFFFF  }
0xa5: {  	s26 =	simm.s32 $execute0_lowered;
	[smem:$0x3FD2] =	sst s25  }
0xa6: {  	s4 =	sshll.u32 s26, $0x1;
	_ =	strace $0x8000004C;
	[dreg:$0x1] =	wrdreg $0xFFFFFFFF  }
0xa7: {  	s28 =	simm.s32 $_size_execute0_lowered;
	s2 =	sadd.s32 s2, s4;
	[dreg:$0x0] =	wrdreg $0x0  }
0xa8: {  	s4 =	sshll.u32 s28, $0x1;
	[dreg:$0x2] =	wrdreg s2  }
0xa9: {  	[dreg:$0x3] =	wrdreg s4  }
0xaa: {  	[dreg:$0x4] =	wrdreg $0xC0  }
0xab: {  	_ =	task [dreg:s6], $0x5FFFF  }
0xac: {  	[dreg:$0x1] =	wrdreg $0xFFFFFFFF  }
0xad: {  	[dreg:$0x0] =	wrdreg $0x60  }
0xae: {  	[dreg:$0x2] =	wrdreg s24  }
0xaf: {  	[dreg:$0x3] =	wrdreg $0x0  }
0xb0: {  	[dreg:$0x4] =	wrdreg $0x9  }
0xb1: {  	_ =	task.clear_ibuf [dreg:s6], $0x5FFFF;
	_ =	strace $0x9000004C  }
0xb2: {  	s29 =	simm.s32 $0x9;
	_ =	strace $0x8000004E  }
0xb3: {  	_ =	swait.ge [sflag:s29], $0x1  }
0xb4: {  	[sflag:s29] =	ssyncadd.s32 $0xFFFFFFFF  }
0xb5: {  	_ =	strace $0x9000004E  }
0xb6: {  	_ =	sfence  }
0xb7: {  	s30 =	sld [smem:$0x0];
	_ =	sdelay $0x2  }
0xb8: {  	s31 =	sshll.u32 s1, $0xD;
	s1 =	sshrl.u32 s1, $0x2  }
0xb9: {  	s3 =	sand.u32 $0x4000, s31;
	s1 =	sadd.s32 s1, s30  }
0xba: {  	s0 =	sor.u32 s3, s0;
	s1 =	sshll.u32 s1, $0x11  }
0xbb: {  	s0 =	sor.u32 s1, s0  }
0xbc: {  	s0 =	sadd.s32 $0x8F2B, s0  }
0xbd: {  	[sflag:s0] =	ssyncadd.remote.s32 $0x1  }
0xbe: {  	_ =	sfence.sel $0xFFFF  }
0xbf: {  	[dreg:$0x0] =	wrdreg $0xFFFFFFFF;
	(pc) =	sbr.abs _section_cstart, $3  }
0xc0: {  	[dreg:$0x1] =	wrdreg $0xFFFFFFFF  }
0xc1: {  	_ =	task.clear_ibuf [dreg:s6], $0x2FFFF;
	_ =	strace $0x9FFFFFFF  }
0xc2: {  	(tm) =	ssettm $0x7FFFFFFF  }
0xc3: {  	_ =	shalt  }
tec
execute0_lowered:
.L_overlay_start_1:
0x0: {  	(tag) =	ssettag $0x1  }
0x1: {  	s5 =	rddreg [dreg:$0x0]  }
0x2: {  	s0 =	srdreg.scid;
	s2 =	rddreg [dreg:$0x1]  }
0x3: {  	s1 =	stileid.u32;
	s3 =	simm.s32 $0x0;
	s12 =	simm.s32 $0x280  }
0x4: {  	s13 =	simm.s32 $0x2A80;
	s14 =	simm.s32 $0x5190;
	s15 =	simm.s32 $0x50  }
0x5: {  	s16 =	simm.s32 $0x1;
	s17 =	simm.s32 $0x2;
	s18 =	simm.s32 $0x3  }
0x6: {  	s19 =	simm.s32 $0x4;
	s20 =	simm.s32 $0x5;
	s21 =	simm.s32 $0x0  }
0x7: {  	s4 =	sand.u32 $0x1, s0;
	s0 =	rddreg [dreg:$0x2];
	s7 =	smul.u32 $0x280, s1  }
0x8: {  	[smem:$0x7FF] =	sst s3;
	s6 =	sshll.u32 s4, $0x4;
	s8 =	smul.u32 $0x2800, s4  }
0x9: {  	_ =	strace $0x8000004D;
	s30 =	ssub.s32 $0x2, s4;
	s6 =	sor.u32 s1, s6  }
0xa: {  	s31 =	sshrl.u32 s30, $0x1;
	s6 =	smul.u32 $0x4E2, s6;
	s8 =	sadd.s32 s7, s8  }
0xb: {  	s4 =	sadd.s32 $0x15A00, s5;
	s11 =	ssub.s32 s30, s31;
	s29 =	sshrl.u32 s8, $0x3  }
0xc: {  	s9 =	sadd.s32 s6, s5;
	s10 =	sadd.s32 s29, s5;
	s5 =	sadd.s32 s7, s2  }
0xd: {  	s6 =	sadd.s32 $0xBC00, s9;
	s7 =	sadd.s32 $0x1E00, s9;
	s8 =	sadd.s32 $0x16000, s10  }
0xe: {  	v0 =	vimm.f32 $0.0e+00;
	s9 =	smax.u32 s11, $0x1;
	s10 =	simm.s32 $0x9FB0;
	s11 =	simm.s32 $0x6  }
.LBB2_1:
0xf: {  	[tilespmem:$0x9FB0] =	vst v0  }
0x10: {  	[tilespmem:$0x9FC0] =	vst v0  }
0x11: {  	[tilespmem:$0x9FD0] =	vst v0  }
0x12: {  	[tilespmem:$0x9FE0] =	vst v0  }
0x13: {  	[tilespmem:$0x9FF0] =	vst v0  }
0x14: {  	[tilespmem:$0xA000] =	vst v0  }
0x15: {  	[tilespmem:$0xA010] =	vst v0  }
0x16: {  	[tilespmem:$0xA020] =	vst v0  }
0x17: {  	[tilespmem:$0xA030] =	vst v0  }
0x18: {  	[tilespmem:$0xA040] =	vst v0  }
0x19: {  	[tilespmem:$0xA050] =	vst v0  }
0x1a: {  	[tilespmem:$0xA060] =	vst v0  }
0x1b: {  	[tilespmem:$0xA070] =	vst v0  }
0x1c: {  	[tilespmem:$0xA080] =	vst v0  }
0x1d: {  	[tilespmem:$0xA090] =	vst v0  }
0x1e: {  	[tilespmem:$0xA0A0] =	vst v0  }
0x1f: {  	[tilespmem:$0xA0B0] =	vst v0  }
0x20: {  	[tilespmem:$0xA0C0] =	vst v0  }
0x21: {  	[tilespmem:$0xA0D0] =	vst v0  }
0x22: {  	[tilespmem:$0xA0E0] =	vst v0  }
0x23: {  	[tilespmem:$0xA0F0] =	vst v0  }
0x24: {  	[tilespmem:$0xA100] =	vst v0  }
0x25: {  	[tilespmem:$0xA110] =	vst v0  }
0x26: {  	[tilespmem:$0xA120] =	vst v0  }
0x27: {  	[tilespmem:$0xA130] =	vst v0  }
0x28: {  	[tilespmem:$0xA140] =	vst v0  }
0x29: {  	[tilespmem:$0xA150] =	vst v0  }
0x2a: {  	[tilespmem:$0xA160] =	vst v0  }
0x2b: {  	[tilespmem:$0xA170] =	vst v0  }
0x2c: {  	[tilespmem:$0xA180] =	vst v0  }
0x2d: {  	[tilespmem:$0xA190] =	vst v0  }
0x2e: {  	[tilespmem:$0xA1A0] =	vst v0  }
0x2f: {  	[tilespmem:$0xA1B0] =	vst v0  }
0x30: {  	[tilespmem:$0xA1C0] =	vst v0  }
0x31: {  	[tilespmem:$0xA1D0] =	vst v0  }
0x32: {  	[tilespmem:$0xA1E0] =	vst v0  }
0x33: {  	[tilespmem:$0xA1F0] =	vst v0  }
0x34: {  	[tilespmem:$0xA200] =	vst v0  }
0x35: {  	[tilespmem:$0xA210] =	vst v0  }
0x36: {  	[tilespmem:$0xA220] =	vst v0  }
0x37: {  	[spmem:s5] =	stream.linear.scatter [tilespmem:s10], [sflag:$0x6], $0x280, $0x38;
	[tilespmem:$0xA230] =	vst v63  }
0x38: {  	_ =	swait.ge [sflag:s11], $0x280  }
0x39: {  	[sflag:s11] =	ssyncset.done $0x0  }
0x3a: {  	[sflag:s11] =	ssyncadd.s32 $0xFFFFFD80  }
0x3b: {  	[tilespmem:s12], [sflag:$0x6] =	stream.linear.gather [hbm4b:s4+s3], $0x2800, $0x38;
	[tilespmem:$0xA230] =	vst v63  }
0x3c: {  	_ =	swait.ge [sflag:s11], $0x2800  }
0x3d: {  	[sflag:s11] =	ssyncset.done $0x0  }
0x3e: {  	[sflag:s11] =	ssyncadd.s32 $0xFFFFD800  }
0x3f: {  	[bflag:$0x0] =	sbarrier.arrive $0xFFFF  }
0x40: {  	[tilespmem:s13], [sflag:$0x6] =	stream.linear.gather [hbm4b:s6+s3], $0x2710, $0x38;
	[tilespmem:$0xA230] =	vst v63  }
0x41: {  	_ =	swait.ge [sflag:s11], $0x2710  }
0x42: {  	[sflag:s11] =	ssyncset.done $0x0  }
0x43: {  	[sflag:s11] =	ssyncadd.s32 $0xFFFFD8F0  }
0x44: {  	[tilespmem:s14], [sflag:$0x6] =	stream.linear.gather [hbm4b:s7+s3], $0x2710, $0x38;
	[tilespmem:$0xA230] =	vst v63  }
0x45: {  	_ =	swait.ge [sflag:s11], $0x2710  }
0x46: {  	[sflag:s11] =	ssyncset.done $0x0  }
0x47: {  	s22 =	simm.s32 $0x0;
	[sflag:s11] =	ssyncadd.s32 $0xFFFFD8F0  }
0x48: {  	v1 =	vld [tilespmem:s22+$0x2A80];
	_ =	sdelay $0x6  }
0x49: {  	v2 =	vld [tilespmem:s22+$0x2A90]  }
0x4a: {  	v1 =	vld.idx.msk [tilespmem:v1+s12+$0x0], $0xffff;
	_ =	sdelay $0x4  }
0x4b: {  	[tilespmem:s22+$0x78A0] =	vst v1;
	v1 =	vld [tilespmem:s22+$0x2AA0];
	_ =	sdelay $0x1  }
0x4c: {  	v2 =	vld.idx.msk [tilespmem:v2+s12+$0x0], $0xffff;
	_ =	sdelay $0x4  }
0x4d: {  	[tilespmem:s22+$0x78B0] =	vst v2;
	v2 =	vld [tilespmem:s22+$0x2AB0]  }
0x4e: {  	v1 =	vld.idx.msk [tilespmem:v1+s12+$0x0], $0xffff;
	_ =	sdelay $0x4  }
0x4f: {  	[tilespmem:s22+$0x78C0] =	vst v1;
	v1 =	vld [tilespmem:s22+$0x2AC0];
	_ =	sdelay $0x1  }
0x50: {  	v2 =	vld.idx.msk [tilespmem:v2+s12+$0x0], $0xffff;
	_ =	sdelay $0x3  }
0x51: {  	s24 =	simm.s32 $0x50;
	s23 =	simm.s32 $0x280  }
.LBB2_2:
0x52: {  	p0 =	sne.s32 s23, $0x9B00;
	v3 =	vld [tilespmem:s24+$0x2A80];
	[tilespmem:s22+$0x78D0] =	vst v2  }
0x53: {  	v1 =	vld.idx.msk [tilespmem:v1+s12+$0x0], $0xffff;
	_ =	sdelay $0x5  }
0x54: {  	v2 =	vld [tilespmem:s24+$0x2A90];
	[tilespmem:s22+$0x78E0] =	vst v1;
	s22 =	smov.u32 s24  }
0x55: {  	v1 =	vld.idx.msk [tilespmem:v3+s12+$0x0], $0xffff;
	_ =	sdelay $0x5  }
0x56: {  	[tilespmem:s22+$0x78A0] =	vst v1;
	v1 =	vld [tilespmem:s22+$0x2AA0]  }
0x57: {  	v2 =	vld.idx.msk [tilespmem:v2+s12+$0x0], $0xffff;
	_ =	sdelay $0x5  }
0x58: {  	[tilespmem:s22+$0x78B0] =	vst v2;
	v2 =	vld [tilespmem:s22+$0x2AB0]  }
0x59: {  	v1 =	vld.idx.msk [tilespmem:v1+s12+$0x0], $0xffff;
	_ =	sdelay $0x5  }
0x5a: {  	[tilespmem:s22+$0x78C0] =	vst v1;
	v1 =	vld [tilespmem:s22+$0x2AC0]  }
0x5b: {  	v2 =	vld.idx.msk [tilespmem:v2+s12+$0x0], $0xffff  }
.Ltmp0:
0x5c: {  	(pc) =	sbr.rel @p0 .LBB2_2-.Ltmp0, $2  }
0x5d: {  	_ =	sdelay $0x2  }
0x5e: {  	s24 =	sshra.s32 s23, $0x2;
	s23 =	sadd.s32 $0x140, s23  }
0x5f: {  	_ =	sdelay $0x1  }
0x60: {  	v3 =	vld [tilespmem:s24+$0x2A80]  }
0x61: {  	[tilespmem:s22+$0x78D0] =	vst v2  }
0x62: {  	v1 =	vld.idx.msk [tilespmem:v1+s12+$0x0], $0xffff;
	_ =	sdelay $0x4  }
0x63: {  	v2 =	vld [tilespmem:s24+$0x2A90];
	[tilespmem:s22+$0x78E0] =	vst v1  }
0x64: {  	v1 =	vld.idx.msk [tilespmem:v3+s12+$0x0], $0xffff;
	_ =	sdelay $0x4  }
0x65: {  	[tilespmem:s24+$0x78A0] =	vst v1;
	v1 =	vld [tilespmem:s24+$0x2AA0];
	_ =	sdelay $0x1  }
0x66: {  	v2 =	vld.idx.msk [tilespmem:v2+s12+$0x0], $0xffff;
	_ =	sdelay $0x4  }
0x67: {  	[tilespmem:s24+$0x78B0] =	vst v2;
	v2 =	vld [tilespmem:s24+$0x2AB0]  }
0x68: {  	v1 =	vld.idx.msk [tilespmem:v1+s12+$0x0], $0xffff;
	_ =	sdelay $0x4  }
0x69: {  	[tilespmem:s24+$0x78C0] =	vst v1;
	v1 =	vld [tilespmem:s24+$0x2AC0];
	_ =	sdelay $0x1  }
0x6a: {  	v2 =	vld.idx.msk [tilespmem:v2+s12+$0x0], $0xffff;
	_ =	sdelay $0x4  }
0x6b: {  	[tilespmem:s24+$0x78D0] =	vst v2  }
0x6c: {  	v1 =	vld.idx.msk [tilespmem:v1+s12+$0x0], $0xffff;
	_ =	sdelay $0x4  }
0x6d: {  	s31 =	simm.s32 $0x78A0;
	s23 =	simm.s32 $0x5190;
	[tilespmem:s24+$0x78E0] =	vst v1  }
0x6e: {  	[spmem:s2] =	stream.indirect.scatter.add.f32 [tilespmem:s31], [sflag:$0x1], $0x1, s23, s15, $0xb8;
	[tilespmem:$0xA230] =	vst v63  }
0x6f: {  	s24 =	simm.s32 $0x51E0;
	s23 =	simm.s32 $0x78F0  }
0x70: {  	[spmem:s2] =	stream.indirect.scatter.add.f32 [tilespmem:s23], [sflag:$0x2], $0x1, s24, s15, $0xb8;
	[tilespmem:$0xA230] =	vst v63  }
0x71: {  	s25 =	simm.s32 $0x7940;
	s26 =	simm.s32 $0x5230  }
0x72: {  	[spmem:s2] =	stream.indirect.scatter.add.f32 [tilespmem:s25], [sflag:$0x3], $0x1, s26, s15, $0xb8;
	[tilespmem:$0xA230] =	vst v63  }
0x73: {  	s28 =	simm.s32 $0x7990;
	s29 =	simm.s32 $0x5280  }
0x74: {  	[spmem:s2] =	stream.indirect.scatter.add.f32 [tilespmem:s28], [sflag:$0x4], $0x1, s29, s15, $0xb8;
	[tilespmem:$0xA230] =	vst v63  }
0x75: {  	s30 =	simm.s32 $0x79E0;
	s31 =	simm.s32 $0x52D0  }
0x76: {  	[spmem:s2] =	stream.indirect.scatter.add.f32 [tilespmem:s30], [sflag:$0x5], $0x1, s31, s15, $0xb8;
	[tilespmem:$0xA230] =	vst v63  }
0x77: {  	_ =	swait.ge [sflag:s16], $0x50  }
0x78: {  	[sflag:s16] =	ssyncset.done $0x0  }
0x79: {  	[sflag:s16] =	ssyncadd.s32 $0xFFFFFFB0  }
0x7a: {  	_ =	swait.ge [sflag:s17], $0x50  }
0x7b: {  	[sflag:s17] =	ssyncset.done $0x0  }
0x7c: {  	[sflag:s17] =	ssyncadd.s32 $0xFFFFFFB0  }
0x7d: {  	_ =	swait.ge [sflag:s18], $0x50  }
0x7e: {  	[sflag:s18] =	ssyncset.done $0x0  }
0x7f: {  	[sflag:s18] =	ssyncadd.s32 $0xFFFFFFB0  }
0x80: {  	_ =	swait.ge [sflag:s19], $0x50  }
0x81: {  	[sflag:s19] =	ssyncset.done $0x0  }
0x82: {  	[sflag:s19] =	ssyncadd.s32 $0xFFFFFFB0  }
0x83: {  	_ =	swait.ge [sflag:s20], $0x50  }
0x84: {  	s22 =	simm.s32 $0x190;
	s23 =	simm.s32 $0xC80;
	[sflag:s20] =	ssyncset.done $0x0  }
.LBB2_4:
0x85: {  	s24 =	sadd.s32 $0x78A0, s22  }
0x86: {  	s25 =	sadd.s32 $0x5190, s22;
	[sflag:s20] =	ssyncadd.s32 $0xFFFFFFB0;
	s26 =	smov.u32 s23  }
0x87: {  	[spmem:s2] =	stream.indirect.scatter.add.f32 [tilespmem:s24], [sflag:$0x1], $0x1, s25, s15, $0xb8;
	[tilespmem:$0xA230] =	vst v63  }
0x88: {  	s28 =	sadd.s32 $0x51E0, s22;
	s24 =	sadd.s32 $0x640, s23;
	s25 =	sadd.s32 $0x78F0, s22  }
0x89: {  	[spmem:s2] =	stream.indirect.scatter.add.f32 [tilespmem:s25], [sflag:$0x2], $0x1, s28, s15, $0xb8;
	[tilespmem:$0xA230] =	vst v63  }
0x8a: {  	p0 =	sne.s32 s23, $0x9600;
	s23 =	sadd.s32 $0x7940, s22;
	s25 =	sadd.s32 $0x5230, s22  }
0x8b: {  	[spmem:s2] =	stream.indirect.scatter.add.f32 [tilespmem:s23], [sflag:$0x3], $0x1, s25, s15, $0xb8;
	[tilespmem:$0xA230] =	vst v63  }
0x8c: {  	s23 =	sadd.s32 $0x7990, s22;
	s25 =	sadd.s32 $0x5280, s22  }
0x8d: {  	[spmem:s2] =	stream.indirect.scatter.add.f32 [tilespmem:s23], [sflag:$0x4], $0x1, s25, s15, $0xb8;
	[tilespmem:$0xA230] =	vst v63  }
0x8e: {  	s23 =	sadd.s32 $0x79E0, s22;
	s22 =	sadd.s32 $0x52D0, s22  }
0x8f: {  	[spmem:s2] =	stream.indirect.scatter.add.f32 [tilespmem:s23], [sflag:$0x5], $0x1, s22, s15, $0xb8;
	[tilespmem:$0xA230] =	vst v63  }
0x90: {  	_ =	swait.ge [sflag:s16], $0x50  }
0x91: {  	[sflag:s16] =	ssyncset.done $0x0  }
0x92: {  	[sflag:s16] =	ssyncadd.s32 $0xFFFFFFB0  }
0x93: {  	_ =	swait.ge [sflag:s17], $0x50  }
0x94: {  	[sflag:s17] =	ssyncset.done $0x0  }
0x95: {  	[sflag:s17] =	ssyncadd.s32 $0xFFFFFFB0  }
0x96: {  	_ =	swait.ge [sflag:s18], $0x50  }
0x97: {  	[sflag:s18] =	ssyncset.done $0x0  }
0x98: {  	[sflag:s18] =	ssyncadd.s32 $0xFFFFFFB0  }
.Ltmp1:
0x99: {  	_ =	swait.ge [sflag:s19], $0x50;
	(pc) =	sbr.rel @p0 .LBB2_4-.Ltmp1, $4  }
0x9a: {  	[sflag:s19] =	ssyncset.done $0x0  }
0x9b: {  	[sflag:s19] =	ssyncadd.s32 $0xFFFFFFB0  }
0x9c: {  	_ =	swait.ge [sflag:s20], $0x50  }
0x9d: {  	s22 =	sshra.s32 s26, $0x2;
	s23 =	smov.u32 s24;
	[sflag:s20] =	ssyncset.done $0x0  }
0x9e: {  	s23 =	sadd.s32 $0x78A0, s22;
	s24 =	sadd.s32 $0x5190, s22;
	[sflag:s20] =	ssyncadd.s32 $0xFFFFFFB0  }
0x9f: {  	[spmem:s2] =	stream.indirect.scatter.add.f32 [tilespmem:s23], [sflag:$0x1], $0x1, s24, s15, $0xb8;
	[tilespmem:$0xA230] =	vst v63  }
0xa0: {  	s30 =	sadd.s32 $0x78F0, s22;
	s31 =	sadd.s32 $0x51E0, s22  }
0xa1: {  	[spmem:s2] =	stream.indirect.scatter.add.f32 [tilespmem:s30], [sflag:$0x2], $0x1, s31, s15, $0xb8;
	[tilespmem:$0xA230] =	vst v63  }
0xa2: {  	s25 =	sadd.s32 $0x7940, s22;
	s26 =	sadd.s32 $0x5230, s22  }
0xa3: {  	[spmem:s2] =	stream.indirect.scatter.add.f32 [tilespmem:s25], [sflag:$0x3], $0x1, s26, s15, $0xb8;
	[tilespmem:$0xA230] =	vst v63  }
0xa4: {  	s28 =	sadd.s32 $0x7990, s22;
	s29 =	sadd.s32 $0x5280, s22  }
0xa5: {  	[spmem:s2] =	stream.indirect.scatter.add.f32 [tilespmem:s28], [sflag:$0x4], $0x1, s29, s15, $0xb8;
	[tilespmem:$0xA230] =	vst v63  }
0xa6: {  	s30 =	sadd.s32 $0x79E0, s22;
	s31 =	sadd.s32 $0x52D0, s22  }
0xa7: {  	[spmem:s2] =	stream.indirect.scatter.add.f32 [tilespmem:s30], [sflag:$0x5], $0x1, s31, s15, $0xb8;
	[tilespmem:$0xA230] =	vst v63  }
0xa8: {  	_ =	swait.ge [sflag:s16], $0x50  }
0xa9: {  	[sflag:s16] =	ssyncset.done $0x0  }
0xaa: {  	[sflag:s16] =	ssyncadd.s32 $0xFFFFFFB0  }
0xab: {  	_ =	swait.ge [sflag:s17], $0x50  }
0xac: {  	[sflag:s17] =	ssyncset.done $0x0  }
0xad: {  	[sflag:s17] =	ssyncadd.s32 $0xFFFFFFB0  }
0xae: {  	_ =	swait.ge [sflag:s18], $0x50  }
0xaf: {  	[sflag:s18] =	ssyncset.done $0x0  }
0xb0: {  	[sflag:s18] =	ssyncadd.s32 $0xFFFFFFB0  }
0xb1: {  	_ =	swait.ge [sflag:s19], $0x50  }
0xb2: {  	[sflag:s19] =	ssyncset.done $0x0  }
0xb3: {  	[sflag:s19] =	ssyncadd.s32 $0xFFFFFFB0  }
0xb4: {  	_ =	swait.ge [sflag:s20], $0x50  }
0xb5: {  	[sflag:s20] =	ssyncset.done $0x0  }
0xb6: {  	[sflag:s20] =	ssyncadd.s32 $0xFFFFFFB0  }
0xb7: {  	[bflag:$0x0] =	sbarrier.arrive $0xFFFF  }
0xb8: {  	[tilespmem:s10], [sflag:$0x6] =	stream.linear.gather [spmem:s5], $0x280, $0x38;
	[tilespmem:$0xA230] =	vst v63  }
0xb9: {  	s21 =	sadd.s32 $0x1, s21;
	_ =	swait.ge [sflag:s11], $0x280  }
0xba: {  	p0 =	sne.s32 s21, s9;
	[sflag:s11] =	ssyncset.done $0x0  }
.Ltmp2:
0xbb: {  	[sflag:s11] =	ssyncadd.s32 $0xFFFFFD80;
	(pc) =	sbr.rel @p0 .LBB2_1-.Ltmp2, $4  }
0xbc: {  	[hbm4b:s8+s3] =	stream.linear.scatter [tilespmem:s10], [sflag:$0x6], $0x280, $0x38;
	[tilespmem:$0xA230] =	vst v63  }
0xbd: {  	_ =	swait.ge [sflag:s11], $0x280  }
0xbe: {  	[sflag:s11] =	ssyncset.done $0x0  }
0xbf: {  	[sflag:s11] =	ssyncadd.s32 $0xFFFFFD80  }
0xc0: {  	_ =	sfence.sel $0x180000  }
0xc1: {  	[bflag:$0x0] =	sbarrier.arrive $0xFFFF  }
0xc2: {  	p0 =	sne.s32 s1, $0x0;
	_ =	strace $0x9000004D  }
0xc3: {  	s0 =	sadd.s32 @!p0 $0x100000, s0;
	[bflag:$0x2] =	sbarrier.arrive $0xFFFF  }
0xc4: {  	[sflag:s0] =	ssyncadd.tile.s32 @!p0 $0x1;
	_ =	shalt  }
.Lfunc_end2:
_tile_overlayer_lowered:
.L_overlay_start_2:
0xc5: {  	(tag) =	ssettag $0x2  }
0xc6: {  	s0 =	rddreg [dreg:$0x0];
	s2 =	stileid.u32  }
0xc7: {  	s1 =	rddreg [dreg:$0x1];
	p0 =	sne.s32 s2, $0x0  }
0xc8: {  	s3 =	rddreg [dreg:$0x2];
	[bflag:$0x3] =	sbarrier.arrive $0xFFFF;
	s2 =	simm.s32 @!p0 $0x1C06  }
0xc9: {  	[timem:s3], [sflag:s2] =	dma.local @!p0 [hbm:s0], s1  }
0xca: {  	s0 =	simm.s32 @!p0 $0x6  }
0xcb: {  	_ =	swait.ge @!p0 [sflag:s0], s1  }
0xcc: {  	s1 =	ssub.s32 @!p0 $0x0, s1;
	[sflag:s0] =	ssyncset.done @!p0 $0x0  }
0xcd: {  	[sflag:s0] =	ssyncadd.s32 @!p0 s1  }
0xce: {  	[bflag:$0x3] =	sbarrier.arrive $0xFFFF  }
0xcf: {  	_ =	shalt  }

// kernel: kernel.19.cloned.1.call-start
scs
__scs_entry_jumppad:
0x0: {  	(pc) =	sbr.rel $0x88, $3  }
0x1: {  	(tag) =	ssettag $0x0;
	lr =	simm.s32 $0x1  }
0x2: {  	[smem:$0x3F97] =	sst lr;
	_ =	strace $0xD0000000  }
0x3: {  	_ = 	snop  }
0x4: {  	_ = 	snop  }
0x5: {  	_ = 	snop  }
0x6: {  	_ = 	snop  }
0x7: {  	_ = 	snop  }
__scs_overlays_trampoline_lowered:
0x8: {  	[smem:$0x3FA6] =	sst s0  }
0x9: {  	[smem:$0x3FA7] =	sst s1  }
0xa: {  	[smem:$0x3FA8] =	sst s2  }
0xb: {  	[smem:$0x3FA9] =	sst s3  }
0xc: {  	[smem:$0x3FAA] =	sst s4  }
0xd: {  	[smem:$0x3FAB] =	sst s5  }
0xe: {  	[smem:$0x3FAC] =	sst s6  }
0xf: {  	[smem:$0x3FAD] =	sst s7  }
0x10: {  	[smem:$0x3FAE] =	sst s8  }
0x11: {  	[smem:$0x3FAF] =	sst s9;
	s0 =	simm.s32 @!p0 $0x0  }
0x12: {  	s1 =	sld [smem:$0x3F95];
	s0 =	simm.s32 @p0 $0x1  }
0x13: {  	[smem:$0x3FB0] =	sst s0;
	s0 =	simm.s32 @!p1 $0x0  }
0x14: {  	s2 =	sld [smem:$0x3F94];
	s0 =	simm.s32 @p1 $0x1  }
0x15: {  	[smem:$0x3FB1] =	sst s0;
	s0 =	simm.s32 @!p2 $0x0  }
0x16: {  	s3 =	sld [smem:$0x3FDB];
	s0 =	simm.s32 @p2 $0x1  }
0x17: {  	s4 =	simm.s32 $0x1BF5;
	[smem:$0x3FB3] =	sst s0  }
0x18: {  	s0 =	sld [smem:$0x3F96];
	_ =	swait.ge [sflag:s4], $0x0  }
0x19: {  	s7 =	sld [smem:$0x3F97]  }
0x1a: {  	s8 =	sadd.s32 $0xFFFFE003, lr  }
0x1b: {  	s9 =	sadd.s32 $0xFFFFFEF7, lr;
	s5 =	simm.s32 $0xFFFFFFFF;
	p2 =	slt.u32 s8, $0xFFFFF086  }
0x1c: {  	p1 =	slt.u32 s9, $0xF7A;
	s5 =	simm.s32 @!p2 $0x0  }
0x1d: {  	s5 =	simm.s32 @p1 $0x1;
	p0 =	seq.s32 s7, s2  }
0x1e: {  	s7 =	smul.u32 @!p0 $0xF7A, s2;
	p2 =	seq.s32 @!p0 s5, $0x0  }
0x1f: {  	s9 =	smul.u32 $0xF7A, s1;
	s8 =	simm.s32 @!p0 $0x1BF5;
	p2 =	por !p2, p0  }
0x20: {  	[sflag:s8] =	ssyncset.s32 @!p0 $0xFFFFF086;
	s6 =	sadd.s32 @!p0 s3, s7;
	s7 =	simm.s32 @!p0 $0x108  }
0x21: {  	s3 =	sadd.s32 s3, s9;
	s6 =	sadd.s32 @!p0 $0x88, s6;
	s7 =	simm.s32 @p2 $0x1082  }
0x22: {  	[simem:s7], [sflag:s8] =	dma.local @!p0 [hbm:s6], $0xF7A  }
0x23: {  	s9 =	sor.u32 $0xD0000000, s2;
	s6 =	simm.s32 $0x108;
	_ =	swait.ge @!p0 [sflag:s8], $0x0  }
0x24: {  	s3 =	sadd.s32 $0x88, s3;
	s6 =	simm.s32 @!p1 $0x1082;
	[sflag:s4] =	ssyncset.s32 $0xFFFFF086  }
0x25: {  	[simem:s6], [sflag:s4] =	dma.local [hbm:s3], $0xF7A  }
0x26: {  	[smem:$0x3F97] =	sst s1;
	(tag) =	ssettag s2;
	_ =	strace s9  }
0x27: {  	s1 =	sld [smem:$0x3FA7]  }
0x28: {  	s2 =	sld [smem:$0x3FA8]  }
0x29: {  	s4 =	sld [smem:$0x3FAA]  }
0x2a: {  	p0 =	seq.s32 s5, $0x0;
	s5 =	sld [smem:$0x3FAB]  }
0x2b: {  	s6 =	sld [smem:$0x3FAC]  }
0x2c: {  	s7 =	sld [smem:$0x3FAD]  }
0x2d: {  	s3 =	simm.s32 $0x108;
	s8 =	sld [smem:$0x3FAE]  }
0x2e: {  	s3 =	simm.s32 @!p0 $0x1082;
	s9 =	sld [smem:$0x3FAF]  }
0x2f: {  	lr =	sadd.s32 s0, s3;
	s0 =	sld [smem:$0x3FA6]  }
0x30: {  	s3 =	sld [smem:$0x3FA9]  }
0x31: {  	[smem:$0x3FB2] =	sst s10  }
0x32: {  	s10 =	sld [smem:$0x3FB0];
	_ =	sdelay $0x3  }
0x33: {  	p0 =	seq.s32 s10, $0x1;
	s10 =	sld [smem:$0x3FB2];
	_ =	sdelay $0x3  }
0x34: {  	[smem:$0x3FB2] =	sst s10  }
0x35: {  	s10 =	sld [smem:$0x3FB1];
	_ =	sdelay $0x3  }
0x36: {  	p1 =	seq.s32 s10, $0x1;
	s10 =	sld [smem:$0x3FB2];
	_ =	sdelay $0x3  }
0x37: {  	[smem:$0x3FB2] =	sst s10  }
0x38: {  	s10 =	sld [smem:$0x3FB3]  }
0x39: {  	_ = 	snop;
	(pc) =	sbr.ind lr, $3  }
0x3a: {  	_ = 	snop  }
0x3b: {  	_ = 	snop  }
0x3c: {  	p2 =	seq.s32 s10, $0x1;
	s10 =	sld [smem:$0x3FB2]  }
0x3d: {  	_ =	shalt  }
0x3e: {  	_ =	shalt  }
0x3f: {  	_ =	shalt  }
0x40: {  	_ =	shalt  }
0x41: {  	_ =	shalt  }
0x42: {  	_ =	shalt  }
0x43: {  	_ =	shalt  }
0x44: {  	_ =	shalt  }
0x45: {  	_ =	shalt  }
0x46: {  	_ =	shalt  }
0x47: {  	_ =	shalt  }
0x48: {  	_ =	shalt  }
0x49: {  	_ =	shalt  }
0x4a: {  	_ =	shalt  }
0x4b: {  	_ =	shalt  }
0x4c: {  	_ =	shalt  }
0x4d: {  	_ =	shalt  }
0x4e: {  	_ =	shalt  }
0x4f: {  	_ =	shalt  }
0x50: {  	_ =	shalt  }
0x51: {  	_ =	shalt  }
0x52: {  	_ =	shalt  }
0x53: {  	_ =	shalt  }
0x54: {  	_ =	shalt  }
0x55: {  	_ =	shalt  }
0x56: {  	_ =	shalt  }
0x57: {  	_ =	shalt  }
0x58: {  	_ =	shalt  }
0x59: {  	_ =	shalt  }
0x5a: {  	_ =	shalt  }
0x5b: {  	_ =	shalt  }
0x5c: {  	_ =	shalt  }
0x5d: {  	_ =	shalt  }
0x5e: {  	_ =	shalt  }
0x5f: {  	_ =	shalt  }
0x60: {  	_ =	shalt  }
0x61: {  	_ =	shalt  }
0x62: {  	_ =	shalt  }
0x63: {  	_ =	shalt  }
0x64: {  	_ =	shalt  }
0x65: {  	_ =	shalt  }
0x66: {  	_ =	shalt  }
0x67: {  	_ =	shalt  }
0x68: {  	_ =	shalt  }
0x69: {  	_ =	shalt  }
0x6a: {  	_ =	shalt  }
0x6b: {  	_ =	shalt  }
0x6c: {  	_ =	shalt  }
0x6d: {  	_ =	shalt  }
0x6e: {  	_ =	shalt  }
0x6f: {  	_ =	shalt  }
0x70: {  	_ =	shalt  }
0x71: {  	_ =	shalt  }
0x72: {  	_ =	shalt  }
0x73: {  	_ =	shalt  }
0x74: {  	_ =	shalt  }
0x75: {  	_ =	shalt  }
0x76: {  	_ =	shalt  }
0x77: {  	_ =	shalt  }
0x78: {  	_ =	shalt  }
0x79: {  	_ =	shalt  }
0x7a: {  	_ =	shalt  }
0x7b: {  	_ =	shalt  }
0x7c: {  	_ =	shalt  }
0x7d: {  	_ =	shalt  }
0x7e: {  	_ =	shalt  }
0x7f: {  	_ =	shalt  }
0x80: {  	_ =	shalt  }
0x81: {  	_ =	shalt  }
0x82: {  	_ =	shalt  }
0x83: {  	_ =	shalt  }
0x84: {  	_ =	shalt  }
0x85: {  	_ =	shalt  }
0x86: {  	_ =	shalt  }
0x87: {  	_ =	shalt  }
.Lfunc_end0:
.L_simem_size_0:
called_computation.3_lowered:
.L_overlay_start_0:
0x88: {  	s2 =	sld [smem:$0x3FD9]  }
0x89: {  	s3 =	sld [smem:$0x3FFE];
	_ =	sdelay $0x1  }
0x8a: {  	s1 =	srdreg.scid  }
0x8b: {  	s0 =	sand.u32 $0x1, s1  }
0x8c: {  	s16 =	sshll.u32 s0, $0xA;
	s2 =	sadd.s32 s3, s2  }
0x8d: {  	s2 =	sadd.s32 s2, s16  }
0x8e: {  	[smem:$0x3FBE] =	sst s2  }
0x8f: {  	_ = 	snop  }
0x90: {  	(tm) =	ssettm $0x1  }
0x91: {  	s17 =	sld [smem:$0x3FFB];
	_ =	sdelay $0x3  }
0x92: {  	_ =	strace s17  }
0x93: {  	s2 =	sld [smem:$0x3FFC];
	_ =	sdelay $0x3  }
0x94: {  	_ =	strace s2  }
0x95: {  	s2 =	sld [smem:$0x3FFD];
	_ =	sdelay $0x3  }
0x96: {  	_ =	strace s2  }
0x97: {  	_ =	strace $0x8FFFFFFF  }
0x98: {  	s18 =	sld [smem:$0x3FDB];
	_ =	sdelay $0x1  }
0x99: {  	s19 =	simm.s32 $_scs_section_size  }
0x9a: {  	s4 =	simm.s32 $_size__tile_overlayer_lowered;
	s5 =	simm.s32 $_tile_overlayer_lowered  }
0x9b: {  	s22 =	simm.s32 $0x1BFF;
	s21 =	sshll.u32 s5, $0x1;
	s2 =	sadd.s32 s19, s18  }
0x9c: {  	s6 =	simm.s32 $0x0;
	s20 =	sshll.u32 s4, $0x1;
	s4 =	sadd.s32 s21, s2  }
0x9d: {  	[timem:s6], [sflag:s22] =	dma.local [hbm:s4], s20  }
0x9e: {  	_ =	swait.ge [sflag:s22], s20  }
0x9f: {  	s3 =	ssub.s32 $0x0, s20;
	[sflag:s22] =	ssyncset.done $0x0  }
0xa0: {  	[sflag:s22] =	ssyncadd.s32 s3;
	_ =	sdelay $0x1  }
0xa1: {  	s23 =	simm.s32 $0x1B8B  }
0xa2: {  	_ =	swait.ge [sflag:s23], $0x1  }
0xa3: {  	[sflag:s23] =	ssyncset.done $0x0  }
0xa4: {  	s25 =	simm.s32 $0x1B8E;
	s24 =	sld [smem:$0x3FFE];
	[sflag:s23] =	ssyncadd.s32 $0xFFFFFFFF  }
0xa5: {  	s26 =	simm.s32 $execute0_lowered;
	[smem:$0x3FD2] =	sst s25  }
0xa6: {  	s4 =	sshll.u32 s26, $0x1;
	_ =	strace $0x8000004F;
	[dreg:$0x1] =	wrdreg $0xFFFFFFFF  }
0xa7: {  	s28 =	simm.s32 $_size_execute0_lowered;
	s2 =	sadd.s32 s2, s4;
	[dreg:$0x0] =	wrdreg $0x0  }
0xa8: {  	s4 =	sshll.u32 s28, $0x1;
	[dreg:$0x2] =	wrdreg s2  }
0xa9: {  	[dreg:$0x3] =	wrdreg s4  }
0xaa: {  	[dreg:$0x4] =	wrdreg $0xC0  }
0xab: {  	_ =	task [dreg:s6], $0x5FFFF  }
0xac: {  	[dreg:$0x1] =	wrdreg $0xFFFFFFFF  }
0xad: {  	[dreg:$0x0] =	wrdreg $0x60  }
0xae: {  	[dreg:$0x2] =	wrdreg s24  }
0xaf: {  	[dreg:$0x3] =	wrdreg $0x0  }
0xb0: {  	[dreg:$0x4] =	wrdreg $0x9  }
0xb1: {  	_ =	task.clear_ibuf [dreg:s6], $0x5FFFF;
	_ =	strace $0x9000004F  }
0xb2: {  	s29 =	simm.s32 $0x9;
	_ =	strace $0x80000051  }
0xb3: {  	_ =	swait.ge [sflag:s29], $0x1  }
0xb4: {  	[sflag:s29] =	ssyncadd.s32 $0xFFFFFFFF  }
0xb5: {  	_ =	strace $0x90000051  }
0xb6: {  	_ =	sfence  }
0xb7: {  	s30 =	sld [smem:$0x0];
	_ =	sdelay $0x2  }
0xb8: {  	s31 =	sshll.u32 s1, $0xD;
	s1 =	sshrl.u32 s1, $0x2  }
0xb9: {  	s3 =	sand.u32 $0x4000, s31;
	s1 =	sadd.s32 s1, s30  }
0xba: {  	s0 =	sor.u32 s3, s0;
	s1 =	sshll.u32 s1, $0x11  }
0xbb: {  	s0 =	sor.u32 s1, s0  }
0xbc: {  	s0 =	sadd.s32 $0x8F2B, s0  }
0xbd: {  	[sflag:s0] =	ssyncadd.remote.s32 $0x1  }
0xbe: {  	_ =	sfence.sel $0xFFFF  }
0xbf: {  	[dreg:$0x0] =	wrdreg $0xFFFFFFFF;
	(pc) =	sbr.abs _section_cstart, $3  }
0xc0: {  	[dreg:$0x1] =	wrdreg $0xFFFFFFFF  }
0xc1: {  	_ =	task.clear_ibuf [dreg:s6], $0x2FFFF;
	_ =	strace $0x9FFFFFFF  }
0xc2: {  	(tm) =	ssettm $0x7FFFFFFF  }
0xc3: {  	_ =	shalt  }
tec
execute0_lowered:
.L_overlay_start_1:
0x0: {  	(tag) =	ssettag $0x1  }
0x1: {  	s0 =	rddreg [dreg:$0x0];
	s1 =	srdreg.scid  }
0x2: {  	s2 =	rddreg [dreg:$0x1];
	s4 =	stileid.u32;
	s6 =	simm.s32 $0x0  }
0x3: {  	s10 =	simm.s32 $0xD020;
	s11 =	simm.s32 $0xB;
	s12 =	simm.s32 $0x5000  }
0x4: {  	s14 =	simm.s32 $0x50;
	s15 =	simm.s32 $0x9E20;
	s17 =	simm.s32 $0xA820  }
0x5: {  	s19 =	simm.s32 $0xB220;
	s21 =	simm.s32 $0xBC20;
	s23 =	simm.s32 $0xC620  }
0x6: {  	s28 =	simm.s32 $0x4;
	s29 =	simm.s32 $0x5;
	s30 =	simm.s32 $0x6  }
0x7: {  	s31 =	simm.s32 $0x7;
	s22 =	simm.s32 $0x9DD0;
	s13 =	simm.s32 $0x0  }
0x8: {  	s1 =	sand.u32 $0x1, s1;
	s5 =	smul.u32 $0x5000, s4;
	[smem:$0x7FF] =	sst s6  }
0x9: {  	s3 =	sshll.u32 s1, $0x4;
	s24 =	smul.u32 $0x50000, s1;
	s1 =	ssub.s32 $0x2, s1  }
0xa: {  	_ =	strace $0x80000050;
	s3 =	sor.u32 s4, s3;
	s26 =	sshrl.u32 s1, $0x1  }
0xb: {  	s3 =	smul.u32 $0x4E2, s3;
	s4 =	sadd.s32 s5, s24;
	s1 =	ssub.s32 s1, s26  }
0xc: {  	s5 =	sadd.s32 s5, s2;
	s24 =	simm.s32 $0x1;
	s26 =	simm.s32 $0x3  }
0xd: {  	s25 =	sshrl.u32 s4, $0x3;
	s4 =	sadd.s32 $0x15A00, s0;
	s9 =	smax.u32 s1, $0x1  }
0xe: {  	s1 =	simm.s32 $0x9;
	s3 =	sadd.s32 s3, s0;
	s0 =	sadd.s32 s25, s0  }
0xf: {  	s25 =	simm.s32 $0x2;
	s6 =	sadd.s32 $0xBC00, s3;
	s7 =	sadd.s32 $0x1E00, s3  }
0x10: {  	v0 =	vimm.f32 $0.0e+00;
	s8 =	sadd.s32 $0x1FA00, s0;
	s0 =	simm.s32 $0x8;
	s3 =	simm.s32 $0xA  }
.LBB2_1:
0x11: {  	s16 =	simm.s32 $0x80;
	s18 =	simm.s32 $0x0  }
.LBB2_2:
0x12: {  	p0 =	sne.s32 s16, $0x13F80;
	[tilespmem:s18+$0xD020] =	vst v0;
	s20 =	smov.u32 s16;
	s16 =	sadd.s32 $0x80, s16  }
.Ltmp0:
0x13: {  	[tilespmem:s18+$0xD030] =	vst v0;
	(pc) =	sbr.rel @p0 .LBB2_2-.Ltmp0, $2  }
0x14: {  	_ =	sdelay $0x2  }
0x15: {  	s18 =	sshra.s32 s20, $0x2  }
0x16: {  	[tilespmem:s18+$0xD020] =	vst v0  }
0x17: {  	[tilespmem:s18+$0xD030] =	vst v0  }
0x18: {  	[spmem:s5] =	stream.linear.scatter [tilespmem:s10], [sflag:$0xB], $0x5000, $0x38;
	[tilespmem:$0x12020] =	vst v63  }
0x19: {  	_ =	swait.ge [sflag:s11], $0x5000  }
0x1a: {  	[sflag:s11] =	ssyncset.done $0x0  }
0x1b: {  	[sflag:s11] =	ssyncadd.s32 $0xFFFFB000  }
0x1c: {  	s16 =	simm.s32 $0x0;
	[bflag:$0x0] =	sbarrier.arrive $0xFFFF  }
0x1d: {  	[tilespmem:s12], [sflag:$0xB] =	stream.linear.gather [hbm4b:s6+s16], $0x2710, $0x38;
	[tilespmem:$0x12020] =	vst v63  }
0x1e: {  	_ =	swait.ge [sflag:s11], $0x2710  }
0x1f: {  	[sflag:s11] =	ssyncset.done $0x0  }
0x20: {  	s20 =	simm.s32 $0x7710;
	[sflag:s11] =	ssyncadd.s32 $0xFFFFD8F0  }
0x21: {  	[tilespmem:s20], [sflag:$0xB] =	stream.linear.gather [hbm4b:s7+s16], $0x2710, $0x38;
	[tilespmem:$0x12020] =	vst v63  }
0x22: {  	_ =	swait.ge [sflag:s11], $0x2710  }
0x23: {  	[sflag:s11] =	ssyncset.done $0x0  }
0x24: {  	[sflag:s11] =	ssyncadd.s32 $0xFFFFD8F0  }
0x25: {  	[tilespmem:s15], [sflag:$0x1] =	stream.indirect.gather [hbm4b:s4+s14], $0x20, s12, s14, $0xb8;
	[tilespmem:$0x12020] =	vst v63  }
0x26: {  	s20 =	simm.s32 $0x5050  }
0x27: {  	[tilespmem:s17], [sflag:$0x2] =	stream.indirect.gather [hbm4b:s4+s14], $0x20, s20, s14, $0xb8;
	[tilespmem:$0x12020] =	vst v63  }
0x28: {  	s18 =	simm.s32 $0x50A0  }
0x29: {  	[tilespmem:s19], [sflag:$0x3] =	stream.indirect.gather [hbm4b:s4+s14], $0x20, s18, s14, $0xb8;
	[tilespmem:$0x12020] =	vst v63  }
0x2a: {  	s20 =	simm.s32 $0x50F0  }
0x2b: {  	[tilespmem:s21], [sflag:$0x4] =	stream.indirect.gather [hbm4b:s4+s14], $0x20, s20, s14, $0xb8;
	[tilespmem:$0x12020] =	vst v63  }
0x2c: {  	s18 =	simm.s32 $0x5140  }
0x2d: {  	[tilespmem:s23], [sflag:$0x5] =	stream.indirect.gather [hbm4b:s4+s14], $0x20, s18, s14, $0xb8;
	[tilespmem:$0x12020] =	vst v63  }
0x2e: {  	_ =	swait.ge [sflag:s24], $0xA00  }
0x2f: {  	[sflag:s24] =	ssyncset.done $0x0  }
0x30: {  	s20 =	simm.s32 $0x7710;
	[sflag:s24] =	ssyncadd.s32 $0xFFFFF600  }
0x31: {  	[spmem:s2] =	stream.indirect.scatter.add.f32 [tilespmem:s15], [sflag:$0x6], $0x20, s20, s14, $0xb8;
	[tilespmem:$0x12020] =	vst v63  }
0x32: {  	_ =	swait.ge [sflag:s25], $0xA00  }
0x33: {  	[sflag:s25] =	ssyncset.done $0x0  }
0x34: {  	s18 =	simm.s32 $0x7760;
	[sflag:s25] =	ssyncadd.s32 $0xFFFFF600  }
0x35: {  	[spmem:s2] =	stream.indirect.scatter.add.f32 [tilespmem:s17], [sflag:$0x7], $0x20, s18, s14, $0xb8;
	[tilespmem:$0x12020] =	vst v63  }
0x36: {  	_ =	swait.ge [sflag:s26], $0xA00  }
0x37: {  	[sflag:s26] =	ssyncset.done $0x0  }
0x38: {  	s20 =	simm.s32 $0x77B0;
	[sflag:s26] =	ssyncadd.s32 $0xFFFFF600  }
0x39: {  	[spmem:s2] =	stream.indirect.scatter.add.f32 [tilespmem:s19], [sflag:$0x8], $0x20, s20, s14, $0xb8;
	[tilespmem:$0x12020] =	vst v63  }
0x3a: {  	_ =	swait.ge [sflag:s28], $0xA00  }
0x3b: {  	[sflag:s28] =	ssyncset.done $0x0  }
0x3c: {  	s18 =	simm.s32 $0x7800;
	[sflag:s28] =	ssyncadd.s32 $0xFFFFF600  }
0x3d: {  	[spmem:s2] =	stream.indirect.scatter.add.f32 [tilespmem:s21], [sflag:$0x9], $0x20, s18, s14, $0xb8;
	[tilespmem:$0x12020] =	vst v63  }
0x3e: {  	_ =	swait.ge [sflag:s29], $0xA00  }
0x3f: {  	[sflag:s29] =	ssyncset.done $0x0  }
0x40: {  	s20 =	simm.s32 $0x7850;
	[sflag:s29] =	ssyncadd.s32 $0xFFFFF600  }
0x41: {  	[spmem:s2] =	stream.indirect.scatter.add.f32 [tilespmem:s23], [sflag:$0xA], $0x20, s20, s14, $0xb8;
	[tilespmem:$0x12020] =	vst v63  }
0x42: {  	_ =	swait.ge [sflag:s30], $0xA00  }
0x43: {  	[sflag:s30] =	ssyncset.done $0x0  }
0x44: {  	s18 =	simm.s32 $0x5190;
	[sflag:s30] =	ssyncadd.s32 $0xFFFFF600  }
0x45: {  	[tilespmem:s15], [sflag:$0x1] =	stream.indirect.gather [hbm4b:s4+s14], $0x20, s18, s14, $0xb8;
	[tilespmem:$0x12020] =	vst v63  }
0x46: {  	_ =	swait.ge [sflag:s31], $0xA00  }
0x47: {  	[sflag:s31] =	ssyncset.done $0x0  }
0x48: {  	s20 =	simm.s32 $0x51E0;
	[sflag:s31] =	ssyncadd.s32 $0xFFFFF600  }
0x49: {  	[tilespmem:s17], [sflag:$0x2] =	stream.indirect.gather [hbm4b:s4+s14], $0x20, s20, s14, $0xb8;
	[tilespmem:$0x12020] =	vst v63  }
0x4a: {  	_ =	swait.ge [sflag:s0], $0xA00  }
0x4b: {  	[sflag:s0] =	ssyncset.done $0x0  }
0x4c: {  	s18 =	simm.s32 $0x5230;
	[sflag:s0] =	ssyncadd.s32 $0xFFFFF600  }
0x4d: {  	[tilespmem:s19], [sflag:$0x3] =	stream.indirect.gather [hbm4b:s4+s14], $0x20, s18, s14, $0xb8;
	[tilespmem:$0x12020] =	vst v63  }
0x4e: {  	_ =	swait.ge [sflag:s1], $0xA00  }
0x4f: {  	[sflag:s1] =	ssyncset.done $0x0  }
0x50: {  	s20 =	simm.s32 $0x5280;
	[sflag:s1] =	ssyncadd.s32 $0xFFFFF600  }
0x51: {  	[tilespmem:s21], [sflag:$0x4] =	stream.indirect.gather [hbm4b:s4+s14], $0x20, s20, s14, $0xb8;
	[tilespmem:$0x12020] =	vst v63  }
0x52: {  	_ =	swait.ge [sflag:s3], $0xA00  }
0x53: {  	[sflag:s3] =	ssyncset.done $0x0  }
0x54: {  	s16 =	simm.s32 $0x640;
	s18 =	simm.s32 $0x52D0;
	[sflag:s3] =	ssyncadd.s32 $0xFFFFF600  }
.LBB2_4:
0x55: {  	[tilespmem:s23], [sflag:$0x5] =	stream.indirect.gather [hbm4b:s4+s14], $0x20, s18, s14, $0xb8;
	[tilespmem:$0x12020] =	vst v63  }
0x56: {  	s18 =	smov.u32 s16  }
0x57: {  	p0 =	sne.s32 s16, $0x8FC0;
	s16 =	sadd.s32 $0x640, s16;
	_ =	swait.ge [sflag:s24], $0xA00  }
0x58: {  	s18 =	sshra.s32 s18, $0x2;
	[sflag:s24] =	ssyncset.done $0x0  }
0x59: {  	s20 =	sadd.s32 $0x7710, s18;
	[sflag:s24] =	ssyncadd.s32 $0xFFFFF600  }
0x5a: {  	[spmem:s2] =	stream.indirect.scatter.add.f32 [tilespmem:s15], [sflag:$0x6], $0x20, s20, s14, $0xb8;
	[tilespmem:$0x12020] =	vst v63  }
0x5b: {  	_ =	swait.ge [sflag:s25], $0xA00  }
0x5c: {  	[sflag:s25] =	ssyncset.done $0x0  }
0x5d: {  	s20 =	sadd.s32 $0x7760, s18;
	[sflag:s25] =	ssyncadd.s32 $0xFFFFF600  }
0x5e: {  	[spmem:s2] =	stream.indirect.scatter.add.f32 [tilespmem:s17], [sflag:$0x7], $0x20, s20, s14, $0xb8;
	[tilespmem:$0x12020] =	vst v63  }
0x5f: {  	_ =	swait.ge [sflag:s26], $0xA00  }
0x60: {  	[sflag:s26] =	ssyncset.done $0x0  }
0x61: {  	s20 =	sadd.s32 $0x77B0, s18;
	[sflag:s26] =	ssyncadd.s32 $0xFFFFF600  }
0x62: {  	[spmem:s2] =	stream.indirect.scatter.add.f32 [tilespmem:s19], [sflag:$0x8], $0x20, s20, s14, $0xb8;
	[tilespmem:$0x12020] =	vst v63  }
0x63: {  	_ =	swait.ge [sflag:s28], $0xA00  }
0x64: {  	[sflag:s28] =	ssyncset.done $0x0  }
0x65: {  	s20 =	sadd.s32 $0x7800, s18;
	[sflag:s28] =	ssyncadd.s32 $0xFFFFF600  }
0x66: {  	[spmem:s2] =	stream.indirect.scatter.add.f32 [tilespmem:s21], [sflag:$0x9], $0x20, s20, s14, $0xb8;
	[tilespmem:$0x12020] =	vst v63  }
0x67: {  	_ =	swait.ge [sflag:s29], $0xA00  }
0x68: {  	[sflag:s29] =	ssyncset.done $0x0  }
0x69: {  	s20 =	sadd.s32 $0x7850, s18;
	[sflag:s29] =	ssyncadd.s32 $0xFFFFF600  }
0x6a: {  	[spmem:s2] =	stream.indirect.scatter.add.f32 [tilespmem:s23], [sflag:$0xA], $0x20, s20, s14, $0xb8;
	[tilespmem:$0x12020] =	vst v63  }
0x6b: {  	_ =	swait.ge [sflag:s30], $0xA00  }
0x6c: {  	[sflag:s30] =	ssyncset.done $0x0  }
0x6d: {  	s20 =	sadd.s32 $0x5190, s18;
	[sflag:s30] =	ssyncadd.s32 $0xFFFFF600  }
0x6e: {  	[tilespmem:s15], [sflag:$0x1] =	stream.indirect.gather [hbm4b:s4+s14], $0x20, s20, s14, $0xb8;
	[tilespmem:$0x12020] =	vst v63  }
0x6f: {  	_ =	swait.ge [sflag:s31], $0xA00  }
0x70: {  	[sflag:s31] =	ssyncset.done $0x0  }
0x71: {  	s20 =	sadd.s32 $0x51E0, s18;
	[sflag:s31] =	ssyncadd.s32 $0xFFFFF600  }
0x72: {  	[tilespmem:s17], [sflag:$0x2] =	stream.indirect.gather [hbm4b:s4+s14], $0x20, s20, s14, $0xb8;
	[tilespmem:$0x12020] =	vst v63  }
0x73: {  	_ =	swait.ge [sflag:s0], $0xA00  }
0x74: {  	[sflag:s0] =	ssyncset.done $0x0  }
0x75: {  	s20 =	sadd.s32 $0x5230, s18;
	[sflag:s0] =	ssyncadd.s32 $0xFFFFF600  }
0x76: {  	[tilespmem:s19], [sflag:$0x3] =	stream.indirect.gather [hbm4b:s4+s14], $0x20, s20, s14, $0xb8;
	[tilespmem:$0x12020] =	vst v63  }
0x77: {  	_ =	swait.ge [sflag:s1], $0xA00  }
0x78: {  	[sflag:s1] =	ssyncset.done $0x0  }
.Ltmp1:
0x79: {  	s20 =	sadd.s32 $0x5280, s18;
	[sflag:s1] =	ssyncadd.s32 $0xFFFFF600;
	(pc) =	sbr.rel @p0 .LBB2_4-.Ltmp1, $4  }
0x7a: {  	[tilespmem:s21], [sflag:$0x4] =	stream.indirect.gather [hbm4b:s4+s14], $0x20, s20, s14, $0xb8;
	[tilespmem:$0x12020] =	vst v63  }
0x7b: {  	_ =	swait.ge [sflag:s3], $0xA00  }
0x7c: {  	[sflag:s3] =	ssyncset.done $0x0  }
0x7d: {  	s18 =	sadd.s32 $0x52D0, s18;
	[sflag:s3] =	ssyncadd.s32 $0xFFFFF600  }
0x7e: {  	[tilespmem:s23], [sflag:$0x5] =	stream.indirect.gather [hbm4b:s4+s14], $0x20, s18, s14, $0xb8;
	[tilespmem:$0x12020] =	vst v63  }
0x7f: {  	_ =	swait.ge [sflag:s24], $0xA00  }
0x80: {  	[sflag:s24] =	ssyncset.done $0x0  }
0x81: {  	s16 =	simm.s32 $0x9C90;
	[sflag:s24] =	ssyncadd.s32 $0xFFFFF600  }
0x82: {  	[spmem:s2] =	stream.indirect.scatter.add.f32 [tilespmem:s15], [sflag:$0x6], $0x20, s16, s14, $0xb8;
	[tilespmem:$0x12020] =	vst v63  }
0x83: {  	_ =	swait.ge [sflag:s25], $0xA00  }
0x84: {  	[sflag:s25] =	ssyncset.done $0x0  }
0x85: {  	s18 =	simm.s32 $0x9CE0;
	[sflag:s25] =	ssyncadd.s32 $0xFFFFF600  }
0x86: {  	[spmem:s2] =	stream.indirect.scatter.add.f32 [tilespmem:s17], [sflag:$0x7], $0x20, s18, s14, $0xb8;
	[tilespmem:$0x12020] =	vst v63  }
0x87: {  	_ =	swait.ge [sflag:s26], $0xA00  }
0x88: {  	[sflag:s26] =	ssyncset.done $0x0  }
0x89: {  	s20 =	simm.s32 $0x9D30;
	[sflag:s26] =	ssyncadd.s32 $0xFFFFF600  }
0x8a: {  	[spmem:s2] =	stream.indirect.scatter.add.f32 [tilespmem:s19], [sflag:$0x8], $0x20, s20, s14, $0xb8;
	[tilespmem:$0x12020] =	vst v63  }
0x8b: {  	_ =	swait.ge [sflag:s28], $0xA00  }
0x8c: {  	[sflag:s28] =	ssyncset.done $0x0  }
0x8d: {  	s18 =	simm.s32 $0x9D80;
	[sflag:s28] =	ssyncadd.s32 $0xFFFFF600  }
0x8e: {  	[spmem:s2] =	stream.indirect.scatter.add.f32 [tilespmem:s21], [sflag:$0x9], $0x20, s18, s14, $0xb8;
	[tilespmem:$0x12020] =	vst v63  }
0x8f: {  	_ =	swait.ge [sflag:s29], $0xA00  }
0x90: {  	[sflag:s29] =	ssyncset.done $0x0  }
0x91: {  	[sflag:s29] =	ssyncadd.s32 $0xFFFFF600  }
0x92: {  	[spmem:s2] =	stream.indirect.scatter.add.f32 [tilespmem:s23], [sflag:$0xA], $0x20, s22, s14, $0xb8;
	[tilespmem:$0x12020] =	vst v63  }
0x93: {  	_ =	swait.ge [sflag:s30], $0xA00  }
0x94: {  	[sflag:s30] =	ssyncset.done $0x0  }
0x95: {  	[sflag:s30] =	ssyncadd.s32 $0xFFFFF600  }
0x96: {  	_ =	swait.ge [sflag:s31], $0xA00  }
0x97: {  	[sflag:s31] =	ssyncset.done $0x0  }
0x98: {  	[sflag:s31] =	ssyncadd.s32 $0xFFFFF600  }
0x99: {  	_ =	swait.ge [sflag:s0], $0xA00  }
0x9a: {  	[sflag:s0] =	ssyncset.done $0x0  }
0x9b: {  	[sflag:s0] =	ssyncadd.s32 $0xFFFFF600  }
0x9c: {  	_ =	swait.ge [sflag:s1], $0xA00  }
0x9d: {  	[sflag:s1] =	ssyncset.done $0x0  }
0x9e: {  	[sflag:s1] =	ssyncadd.s32 $0xFFFFF600  }
0x9f: {  	_ =	swait.ge [sflag:s3], $0xA00  }
0xa0: {  	[sflag:s3] =	ssyncset.done $0x0  }
0xa1: {  	[sflag:s3] =	ssyncadd.s32 $0xFFFFF600  }
0xa2: {  	[bflag:$0x0] =	sbarrier.arrive $0xFFFF  }
0xa3: {  	[tilespmem:s10], [sflag:$0xB] =	stream.linear.gather [spmem:s5], $0x5000, $0x38;
	[tilespmem:$0x12020] =	vst v63  }
0xa4: {  	s13 =	sadd.s32 $0x1, s13;
	_ =	swait.ge [sflag:s11], $0x5000  }
0xa5: {  	p0 =	sne.s32 s13, s9;
	[sflag:s11] =	ssyncset.done $0x0  }
.Ltmp2:
0xa6: {  	s20 =	simm.s32 $0x0;
	[sflag:s11] =	ssyncadd.s32 $0xFFFFB000;
	(pc) =	sbr.rel @p0 .LBB2_1-.Ltmp2, $4  }
0xa7: {  	[hbm4b:s8+s20] =	stream.linear.scatter [tilespmem:s10], [sflag:$0xB], $0x5000, $0x38;
	[tilespmem:$0x12020] =	vst v63  }
0xa8: {  	_ =	swait.ge [sflag:s11], $0x5000  }
0xa9: {  	[sflag:s11] =	ssyncset.done $0x0  }
0xaa: {  	[sflag:s11] =	ssyncadd.s32 $0xFFFFB000  }
0xab: {  	_ =	sfence.sel $0x180000  }
0xac: {  	[bflag:$0x0] =	sbarrier.arrive $0xFFFF  }
0xad: {  	_ =	strace $0x90000050  }
0xae: {  	s0 =	stileid.u32;
	[bflag:$0x2] =	sbarrier.arrive $0xFFFF  }
0xaf: {  	p0 =	sne.s32 s0, $0x0;
	s0 =	rddreg [dreg:$0x2]  }
0xb0: {  	s0 =	sadd.s32 @!p0 $0x100000, s0  }
0xb1: {  	[sflag:s0] =	ssyncadd.tile.s32 @!p0 $0x1;
	_ =	shalt  }
.Lfunc_end2:
_tile_overlayer_lowered:
.L_overlay_start_2:
0xb2: {  	(tag) =	ssettag $0x2  }
0xb3: {  	s0 =	rddreg [dreg:$0x0];
	s2 =	stileid.u32  }
0xb4: {  	s1 =	rddreg [dreg:$0x1];
	p0 =	sne.s32 s2, $0x0  }
0xb5: {  	s3 =	rddreg [dreg:$0x2];
	[bflag:$0x3] =	sbarrier.arrive $0xFFFF;
	s2 =	simm.s32 @!p0 $0x1C0B  }
0xb6: {  	[timem:s3], [sflag:s2] =	dma.local @!p0 [hbm:s0], s1  }
0xb7: {  	s0 =	simm.s32 @!p0 $0xB  }
0xb8: {  	_ =	swait.ge @!p0 [sflag:s0], s1  }
0xb9: {  	s1 =	ssub.s32 @!p0 $0x0, s1;
	[sflag:s0] =	ssyncset.done @!p0 $0x0  }
0xba: {  	[sflag:s0] =	ssyncadd.s32 @!p0 s1  }
0xbb: {  	[bflag:$0x3] =	sbarrier.arrive $0xFFFF  }
0xbc: {  	_ =	shalt  }

</sc_bundles>
